<compile_context>
chip_gen: v7x
topology: tpu7x:2x2x1
jax: 0.10.2.dev20260603
libtpu: 0.0.44.dev20260713+nightly
codegen_flags: <defaults>
</compile_context>

<pallas_src>
import functools
import math

import jax
import jax.numpy as jnp
import numpy as np
from jax import lax
from jax.experimental import pallas as pl
from jax.experimental.pallas import tpu as pltpu
from jax.experimental.pallas import tpu_sc as plsc

_N_BINS = 18
_EPS = 1e-9
_T = 1024
_LANES = 16
_CHUNKS = _T // _LANES
_N_ROWS = 9
_ROW_WORDS = _N_ROWS * _N_BINS
_LANE_STRIDE = 256
_TASK_WORDS = _LANES * _LANE_STRIDE
_SC_TASKS = 64
_SC_TPW = _SC_TASKS // 32
_UNROLL = 4
_CUTS = np.linspace(-np.pi, np.pi, _N_BINS + 1).astype(np.float32)


def _sc_hist_kernel(x_hbm, lut_hbm, out_hbm,
                    pha_v, amp_v, hist_v, lo_v, hi_v, sem):
    nc = 2
    wid = lax.axis_index("s") * nc + lax.axis_index("c")
    base_task = wid * _SC_TPW
    sbc = base_task // 8
    f_off = base_task - sbc * 8

    pltpu.sync_copy(lut_hbm.at[pl.ds(0, 24)], lo_v)
    pltpu.sync_copy(lut_hbm.at[pl.ds(24, 24)], hi_v)
    pltpu.sync_copy(x_hbm.at[pl.ds(sbc * 16 + 8, 8)], amp_v)
    pltpu.sync_copy(x_hbm.at[pl.ds(sbc * 16 + f_off, _SC_TPW)], pha_v)

    lane_off = lax.iota(jnp.int32, _LANES) * _LANE_STRIDE
    scale = jnp.float32(_N_BINS / (2.0 * math.pi))
    pi32 = jnp.float32(math.pi)
    ones = jnp.full((_LANES,), 1.0, dtype=jnp.float32)
    zeros = jnp.zeros((_LANES,), dtype=jnp.float32)

    copies = []
    for tt in range(_SC_TPW):
        t_off = tt * _TASK_WORDS

        @plsc.parallel_loop(0, _LANES, unroll=2)
        def _zero_body(i, t_off=t_off):
            off = t_off + i * _LANE_STRIDE
            for k in range(11):
                hist_v[pl.ds(off + k * _LANES, _LANES)] = zeros

        base_v = lane_off + t_off

        def _one_chunk(i, tt=tt, base_v=base_v):
            ph = pha_v[tt, pl.ds(i * _LANES, _LANES)]
            raw = (ph + pi32) * scale
            raw = jnp.minimum(jnp.maximum(raw, 0.0), 17.0)
            idx0 = raw.astype(jnp.int32)
            c_lo = plsc.load_gather(lo_v, [idx0])
            c_hi = plsc.load_gather(hi_v, [idx0])
            dec = (ph <= c_lo).astype(jnp.int32)
            inc = (ph > c_hi).astype(jnp.int32)
            base = base_v + (idx0 - dec + inc)
            for fa in range(8):
                av = amp_v[fa, pl.ds(i * _LANES, _LANES)]
                plsc.addupdate_scatter(hist_v, [base + fa * _N_BINS], av)
            plsc.addupdate_scatter(hist_v, [base + 8 * _N_BINS], ones)

        @plsc.parallel_loop(0, _CHUNKS, unroll=_UNROLL)
        def _chunk_body(j):
            _one_chunk(j)

        copies.append(pltpu.async_copy(
            hist_v.at[pl.ds(t_off, _TASK_WORDS)],
            out_hbm.at[base_task + tt], sem))
    for cp in copies:
        cp.wait()


def _sc_hist(x_t, lut):
    mesh = plsc.VectorSubcoreMesh(core_axis_name="c", subcore_axis_name="s")
    f = functools.partial(
        pl.kernel,
        mesh=mesh,
        out_type=jax.ShapeDtypeStruct((_SC_TASKS, _TASK_WORDS), jnp.float32),
        scratch_types=[
            pltpu.VMEM((_SC_TPW, _T), jnp.float32),
            pltpu.VMEM((8, _T), jnp.float32),
            pltpu.VMEM((_SC_TPW * _TASK_WORDS,), jnp.float32),
            pltpu.VMEM((24,), jnp.float32),
            pltpu.VMEM((24,), jnp.float32),
            pltpu.SemaphoreType.DMA,
        ],
        compiler_params=pltpu.CompilerParams(needs_layout_passes=False),
    )(_sc_hist_kernel)
    return f(x_t, lut)


def _tc_half_kernel(x_ref, o_ref):
    x = x_ref[...]
    iota18 = lax.broadcasted_iota(jnp.int32, (_N_BINS, _T), 0).astype(
        jnp.float32)
    ones_row = jnp.ones((1, _T), jnp.float32)
    for sb in range(8):
        ph8 = x[sb * 16:sb * 16 + 8, :]
        am9 = jnp.concatenate([x[sb * 16 + 8:sb * 16 + 16, :], ones_row],
                              axis=0)
        bsum = jnp.zeros((8, _T), jnp.float32)
        for i in range(1, _N_BINS):
            bsum = bsum + jnp.where(ph8 > _CUTS[i], 1.0, 0.0)
        for fp in range(8):
            row = jnp.broadcast_to(bsum[fp:fp + 1, :], (_N_BINS, _T))
            mask = jnp.where(row == iota18, 1.0, 0.0)
            sums = lax.dot_general(
                am9, mask, (((1,), (1,)), ((), ())),
                precision=lax.Precision.HIGHEST,
                preferred_element_type=jnp.float32)
            mi = _mi_from_sums(sums[:8, :], sums[8:9, :])
            o_ref[sb * 8 + fp, :] = mi[:, 0]


def _mi_from_sums(s_fa, counts):
    log_n = jnp.float32(np.log(float(_N_BINS)))
    mean = s_fa / (counts + _EPS)
    tot = jnp.sum(mean, axis=-1, keepdims=True)
    probs = mean / (tot + _EPS)
    kl = jnp.sum(probs * jnp.log(probs + _EPS), axis=-1, keepdims=True)
    return (log_n + kl) / log_n


def _tc_half(x_t):
    return pl.pallas_call(
        _tc_half_kernel,
        grid=(1,),
        in_specs=[pl.BlockSpec((128, _T), lambda i: (1, 0))],
        out_specs=pl.BlockSpec((64, 8), lambda i: (0, 0)),
        out_shape=jax.ShapeDtypeStruct((64, 8), jnp.float32),
    )(x_t)


def _tc_finish_kernel(hsc_ref, mitc_ref, o_ref):
    h = hsc_ref[...]
    acc = h[:, 0:_ROW_WORDS]
    for l in range(1, _LANES):
        off = l * _LANE_STRIDE
        acc = acc + h[:, off:off + _ROW_WORDS]
    counts = acc[:, 8 * _N_BINS:9 * _N_BINS]
    cols = [_mi_from_sums(acc[:, fa * _N_BINS:(fa + 1) * _N_BINS], counts)
            for fa in range(8)]
    mi_sc = jnp.concatenate(cols, axis=-1)
    mi = 0.5 * (mi_sc + mitc_ref[...])
    o_ref[...] = jnp.nan_to_num(mi, nan=0.0)


def _tc_finish(h_sc, h_tc):
    return pl.pallas_call(
        _tc_finish_kernel,
        out_shape=jax.ShapeDtypeStruct((64, 8), jnp.float32),
    )(h_sc, h_tc)


def kernel(pha, amp):
    pha = pha.astype(jnp.float32)
    amp = amp.astype(jnp.float32)
    x_t = jnp.concatenate(
        [pha.transpose(3, 0, 1, 2, 4), amp.transpose(3, 0, 1, 2, 4)],
        axis=3).reshape(256, _T)
    lo_t = np.full((24,), -np.inf, np.float32)
    lo_t[:18] = _CUTS[:18]
    lo_t[0] = -np.inf
    hi_t = np.full((24,), np.inf, np.float32)
    hi_t[:18] = _CUTS[1:19]
    hi_t[17] = np.inf
    lut = jnp.asarray(np.concatenate([lo_t, hi_t]))
    h_sc = _sc_hist(x_t, lut)
    h_tc = _tc_half(x_t)
    mi = _tc_finish(h_sc, h_tc)
    return mi.reshape(2, 4, 8, 8)

# --- scband reference (transcript-rebuilt; emitter-appended) ---
"""Pipeline reference for scband-modulation-index-15805479649464 (READ-ONLY COPY).

The authoritative reference and input builder live on the scoring server;
editing this copy changes nothing except your own understanding.
"""

import jax, jax.numpy as jnp
import numpy as np

N_BINS = 18
EPS = 1e-09


def setup_inputs(seed: int = 0) -> dict:
    key = jax.random.key(seed)
    k1, k2 = jax.random.split(key)
    pha = jax.random.normal(k1, (2, 4, 8, 2, 1024), dtype=jnp.float32)
    amp = jax.random.uniform(k2, (2, 4, 8, 2, 1024), dtype=jnp.float32)
    return {"pha": pha, "amp": amp}


def _phase_to_masks(pha, cutoffs, n_bins):
    # torch.bucketize(right=False) == searchsorted side='left'
    bin_indices = jnp.searchsorted(cutoffs, pha, side='left')
    bin_indices = jnp.clip(bin_indices - 1, 0, n_bins - 1)
    one_hot_masks = bin_indices[..., None] == jnp.arange(n_bins, dtype=bin_indices.dtype)
    return one_hot_masks  # bool [..., n_bins]


def reference(pha, amp):
    n_bins = N_BINS
    epsilon = EPS
    cutoffs = jnp.linspace(-np.pi, np.pi, n_bins + 1).astype(jnp.float32)
    pha = pha.astype(jnp.float32)
    amp = amp.astype(jnp.float32)
    # masks: [B, C, Fp, S, T, n_bins]
    pha_masks = _phase_to_masks(pha, cutoffs, n_bins)
    # amp: [B, C, Fa, S, T] -> unsqueeze(2) -> [B, C, 1, Fa, S, T] -> unsqueeze(-1)
    amp_expanded = amp[:, :, None, :, :, :, None]
    # masks -> unsqueeze(3): [B, C, Fp, 1, S, T, n_bins]
    pha_masks_expanded = pha_masks[:, :, :, None, :, :, :]
    pha_masks_float = pha_masks_expanded.astype(jnp.float32)
    amp_float = amp_expanded.astype(jnp.float32)
    # sum over time axis (dim=5), keepdim
    amp_sums_in_bins = jnp.sum(pha_masks_float * amp_float, axis=5, keepdims=True)
    counts_in_bins = jnp.sum(pha_masks_float, axis=5, keepdims=True)
    amp_means_per_bin = amp_sums_in_bins / (counts_in_bins + epsilon)
    amp_probs = amp_means_per_bin / (jnp.sum(amp_means_per_bin, axis=-1, keepdims=True) + epsilon)
    log_n_bins = jnp.log(jnp.asarray(n_bins, dtype=jnp.float32))
    kl_div_part = jnp.sum(amp_probs * jnp.log(amp_probs + epsilon), axis=-1)
    MI = (log_n_bins + kl_div_part) / log_n_bins
    MI = jnp.squeeze(MI, axis=5)
    MI = jnp.mean(MI, axis=4)
    MI = jnp.nan_to_num(MI, nan=0.0)
    return MI.astype(jnp.float32)


if False:  # reference __main__ guard neutralized (emitter)
    out = reference(**setup_inputs())
    print(out.shape, out.dtype)

if __name__ == "__main__":
    import jax
    _d = setup_inputs()
    print(jax.jit(kernel)(*tuple(_d.values())))

</pallas_src>

<mosaic_0001>
#map = affine_map<(d0, d1) -> (0, 0)>
#map1 = affine_map<(d0, d1) -> (0)>
module attributes {stable_mosaic.version = 14 : i64} {
  func.func @_sc_hist_kernel(%arg0: i32, %arg1: i32, %arg2: memref<256x1024xf32, #tpu.memory_space<hbm>>, %arg3: memref<48xf32, #tpu.memory_space<hbm>>, %arg4: memref<64x4096xf32, #tpu.memory_space<hbm>>, %arg5: memref<2x1024xf32, #tpu.memory_space<vmem>>, %arg6: memref<8x1024xf32, #tpu.memory_space<vmem>>, %arg7: memref<8192xf32, #tpu.memory_space<vmem>>, %arg8: memref<24xf32, #tpu.memory_space<vmem>>, %arg9: memref<24xf32, #tpu.memory_space<vmem>>, %arg10: memref<!tpu.dma_semaphore, #tpu.memory_space<semaphore_mem>>) attributes {dimension_semantics = [#tpu.dimension_semantics<core_parallel>, #tpu.dimension_semantics<subcore_parallel>], iteration_bounds = array<i64: 2, 16>, scalar_prefetch = 0 : i64, scratch_operands = 6 : i64, tpu.core_type = #tpu.core_type<sc_vector_subcore>, window_params = [{transform_indices = #map}, {transform_indices = #map1}, {transform_indices = #map}]} {
    %mul3A = arith.constant 2 : i32
    %mul3A_0 = arith.muli %arg1, %mul3A : i32
    %add3A = arith.addi %mul3A_0, %arg0 : i32
    %mul3A_1 = arith.constant 2 : i32
    %mul3A_2 = arith.muli %add3A, %mul3A_1 : i32
    %jit3A = arith.constant 8 : i32
    %div3A = arith.divsi %mul3A_2, %jit3A : i32
    %sign3A = arith.constant 0 : i32
    %sign3A_3 = arith.cmpi sgt, %mul3A_2, %sign3A : i32
    %sign3A_4 = arith.extui %sign3A_3 : i1 to i32
    %sign3A_5 = arith.constant 0 : i32
    %sign3A_6 = arith.cmpi slt, %mul3A_2, %sign3A_5 : i32
    %sign3A_7 = arith.extui %sign3A_6 : i1 to i32
    %sign3A_8 = arith.subi %sign3A_4, %sign3A_7 : i32
    %sign3A_9 = arith.constant 0 : i32
    %sign3A_10 = arith.cmpi sgt, %jit3A, %sign3A_9 : i32
    %sign3A_11 = arith.extui %sign3A_10 : i1 to i32
    %sign3A_12 = arith.constant 0 : i32
    %sign3A_13 = arith.cmpi slt, %jit3A, %sign3A_12 : i32
    %sign3A_14 = arith.extui %sign3A_13 : i1 to i32
    %sign3A_15 = arith.subi %sign3A_11, %sign3A_14 : i32
    %ne3A = arith.cmpi ne, %sign3A_8, %sign3A_15 : i32
    %rem3A = arith.remsi %mul3A_2, %jit3A : i32
    %ne3A_16 = arith.constant 0 : i32
    %ne3A_17 = arith.cmpi ne, %rem3A, %ne3A_16 : i32
    %and3A = arith.andi %ne3A, %ne3A_17 : i1
    %sub3A = arith.constant 1 : i32
    %sub3A_18 = arith.subi %div3A, %sub3A : i32
    %select_n3A = arith.select %and3A, %sub3A_18, %div3A : i32
    %mul3A_19 = arith.constant 8 : i32
    %mul3A_20 = arith.muli %select_n3A, %mul3A_19 : i32
    %sub3A_21 = arith.subi %mul3A_2, %mul3A_20 : i32
    "tpu.region"() ({
      %run_scoped3A = tpu.sem_alloc : memref<!tpu.dma_semaphore, #tpu.memory_space<semaphore_mem>>
      %dma_start3A_98 = arith.constant 0 : i32
      %dma_start3A_99 = tpu.memref_slice %arg3[%dma_start3A_98] : memref<48xf32, #tpu.memory_space<hbm>> -> memref<24xf32, #tpu.memory_space<hbm>>
      %dma_start3A_100 = arith.constant 0 : i32
      %dma_start3A_101 = tpu.memref_slice %arg3[%dma_start3A_100] : memref<48xf32, #tpu.memory_space<hbm>> -> memref<24xf32, #tpu.memory_space<hbm>>
      tpu.enqueue_dma source(%dma_start3A_101 : memref<24xf32, #tpu.memory_space<hbm>>) target(%arg8 : memref<24xf32, #tpu.memory_space<vmem>>) target_semaphore(%run_scoped3A : memref<!tpu.dma_semaphore, #tpu.memory_space<semaphore_mem>>)
      %dma_wait3A_102 = arith.constant 0 : i32
      %dma_wait3A_103 = tpu.memref_slice %arg3[%dma_wait3A_102] : memref<48xf32, #tpu.memory_space<hbm>> -> memref<24xf32, #tpu.memory_space<hbm>>
      %dma_wait3A_104 = arith.constant 0 : i32
      %dma_wait3A_105 = tpu.memref_slice %arg3[%dma_wait3A_104] : memref<48xf32, #tpu.memory_space<hbm>> -> memref<24xf32, #tpu.memory_space<hbm>>
      tpu.wait_dma2 semaphore(%run_scoped3A : memref<!tpu.dma_semaphore, #tpu.memory_space<semaphore_mem>>) src(%dma_wait3A_105 : memref<24xf32, #tpu.memory_space<hbm>>) dst(%arg8 : memref<24xf32, #tpu.memory_space<vmem>>)
      tpu.yield
    }) : () -> ()
    "tpu.region"() ({
      %run_scoped3A = tpu.sem_alloc : memref<!tpu.dma_semaphore, #tpu.memory_space<semaphore_mem>>
      %dma_start3A_98 = arith.constant 24 : i32
      %dma_start3A_99 = tpu.memref_slice %arg3[%dma_start3A_98] : memref<48xf32, #tpu.memory_space<hbm>> -> memref<24xf32, #tpu.memory_space<hbm>>
      %dma_start3A_100 = arith.constant 24 : i32
      %dma_start3A_101 = tpu.memref_slice %arg3[%dma_start3A_100] : memref<48xf32, #tpu.memory_space<hbm>> -> memref<24xf32, #tpu.memory_space<hbm>>
      tpu.enqueue_dma source(%dma_start3A_101 : memref<24xf32, #tpu.memory_space<hbm>>) target(%arg9 : memref<24xf32, #tpu.memory_space<vmem>>) target_semaphore(%run_scoped3A : memref<!tpu.dma_semaphore, #tpu.memory_space<semaphore_mem>>)
      %dma_wait3A_102 = arith.constant 24 : i32
      %dma_wait3A_103 = tpu.memref_slice %arg3[%dma_wait3A_102] : memref<48xf32, #tpu.memory_space<hbm>> -> memref<24xf32, #tpu.memory_space<hbm>>
      %dma_wait3A_104 = arith.constant 24 : i32
      %dma_wait3A_105 = tpu.memref_slice %arg3[%dma_wait3A_104] : memref<48xf32, #tpu.memory_space<hbm>> -> memref<24xf32, #tpu.memory_space<hbm>>
      tpu.wait_dma2 semaphore(%run_scoped3A : memref<!tpu.dma_semaphore, #tpu.memory_space<semaphore_mem>>) src(%dma_wait3A_105 : memref<24xf32, #tpu.memory_space<hbm>>) dst(%arg9 : memref<24xf32, #tpu.memory_space<vmem>>)
      tpu.yield
    }) : () -> ()
    %mul3A_22 = arith.constant 16 : i32
    %mul3A_23 = arith.muli %select_n3A, %mul3A_22 : i32
    %add3A_24 = arith.constant 8 : i32
    %add3A_25 = arith.addi %mul3A_23, %add3A_24 : i32
    "tpu.region"() ({
      %run_scoped3A = tpu.sem_alloc : memref<!tpu.dma_semaphore, #tpu.memory_space<semaphore_mem>>
      %dma_start3A_98 = arith.constant 0 : i32
      %dma_start3A_99 = tpu.memref_slice %arg2[%add3A_25, %dma_start3A_98] : memref<256x1024xf32, #tpu.memory_space<hbm>> -> memref<8x1024xf32, #tpu.memory_space<hbm>>
      %dma_start3A_100 = arith.constant 0 : i32
      %dma_start3A_101 = tpu.memref_slice %arg2[%add3A_25, %dma_start3A_100] : memref<256x1024xf32, #tpu.memory_space<hbm>> -> memref<8x1024xf32, #tpu.memory_space<hbm>>
      tpu.enqueue_dma source(%dma_start3A_101 : memref<8x1024xf32, #tpu.memory_space<hbm>>) target(%arg6 : memref<8x1024xf32, #tpu.memory_space<vmem>>) target_semaphore(%run_scoped3A : memref<!tpu.dma_semaphore, #tpu.memory_space<semaphore_mem>>)
      %dma_wait3A_102 = arith.constant 0 : i32
      %dma_wait3A_103 = tpu.memref_slice %arg2[%add3A_25, %dma_wait3A_102] : memref<256x1024xf32, #tpu.memory_space<hbm>> -> memref<8x1024xf32, #tpu.memory_space<hbm>>
      %dma_wait3A_104 = arith.constant 0 : i32
      %dma_wait3A_105 = tpu.memref_slice %arg2[%add3A_25, %dma_wait3A_104] : memref<256x1024xf32, #tpu.memory_space<hbm>> -> memref<8x1024xf32, #tpu.memory_space<hbm>>
      tpu.wait_dma2 semaphore(%run_scoped3A : memref<!tpu.dma_semaphore, #tpu.memory_space<semaphore_mem>>) src(%dma_wait3A_105 : memref<8x1024xf32, #tpu.memory_space<hbm>>) dst(%arg6 : memref<8x1024xf32, #tpu.memory_space<vmem>>)
      tpu.yield
    }) : () -> ()
    %mul3A_26 = arith.constant 16 : i32
    %mul3A_27 = arith.muli %select_n3A, %mul3A_26 : i32
    %add3A_28 = arith.addi %mul3A_27, %sub3A_21 : i32
    "tpu.region"() ({
      %run_scoped3A = tpu.sem_alloc : memref<!tpu.dma_semaphore, #tpu.memory_space<semaphore_mem>>
      %dma_start3A_98 = arith.constant 0 : i32
      %dma_start3A_99 = tpu.memref_slice %arg2[%add3A_28, %dma_start3A_98] : memref<256x1024xf32, #tpu.memory_space<hbm>> -> memref<2x1024xf32, #tpu.memory_space<hbm>>
      %dma_start3A_100 = arith.constant 0 : i32
      %dma_start3A_101 = tpu.memref_slice %arg2[%add3A_28, %dma_start3A_100] : memref<256x1024xf32, #tpu.memory_space<hbm>> -> memref<2x1024xf32, #tpu.memory_space<hbm>>
      tpu.enqueue_dma source(%dma_start3A_101 : memref<2x1024xf32, #tpu.memory_space<hbm>>) target(%arg5 : memref<2x1024xf32, #tpu.memory_space<vmem>>) target_semaphore(%run_scoped3A : memref<!tpu.dma_semaphore, #tpu.memory_space<semaphore_mem>>)
      %dma_wait3A_102 = arith.constant 0 : i32
      %dma_wait3A_103 = tpu.memref_slice %arg2[%add3A_28, %dma_wait3A_102] : memref<256x1024xf32, #tpu.memory_space<hbm>> -> memref<2x1024xf32, #tpu.memory_space<hbm>>
      %dma_wait3A_104 = arith.constant 0 : i32
      %dma_wait3A_105 = tpu.memref_slice %arg2[%add3A_28, %dma_wait3A_104] : memref<256x1024xf32, #tpu.memory_space<hbm>> -> memref<2x1024xf32, #tpu.memory_space<hbm>>
      tpu.wait_dma2 semaphore(%run_scoped3A : memref<!tpu.dma_semaphore, #tpu.memory_space<semaphore_mem>>) src(%dma_wait3A_105 : memref<2x1024xf32, #tpu.memory_space<hbm>>) dst(%arg5 : memref<2x1024xf32, #tpu.memory_space<vmem>>)
      tpu.yield
    }) : () -> ()
    %iota3A = tpu.iota {dimensions = array<i32: 0>} : vector<16xi32>
    %mul3A_29 = arith.constant 256 : i32
    %mul3A_30 = vector.broadcast %mul3A_29 : i32 to vector<16xi32>
    %mul3A_31 = arith.muli %iota3A, %mul3A_30 : vector<16xi32>
    %broadcast_in_dim3A = arith.constant 1.000000e+00 : f32
    %broadcast_in_dim3A_32 = vector.broadcast %broadcast_in_dim3A : f32 to vector<16xf32>
    %broadcast_in_dim3A_33 = arith.constant 0.000000e+00 : f32
    %broadcast_in_dim3A_34 = vector.broadcast %broadcast_in_dim3A_33 : f32 to vector<16xf32>
    %parallel_loop3A = arith.constant 0 : i32
    %parallel_loop3A_35 = arith.constant 16 : i32
    %parallel_loop3A_36 = arith.constant 1 : i32
    scf.for %parallel_loop3A_98 = %parallel_loop3A to %parallel_loop3A_35 step %parallel_loop3A_36  : i32 {
      %parallel_loop3A_99 = arith.constant 256 : i32
      %parallel_loop3A_100 = arith.muli %parallel_loop3A_98, %parallel_loop3A_99 : i32
      %parallel_loop3A_101 = arith.constant 0 : i32
      %parallel_loop3A_102 = arith.addi %parallel_loop3A_101, %parallel_loop3A_100 : i32
      %parallel_loop3A_103 = arith.constant 0 : i32
      %parallel_loop3A_104 = arith.addi %parallel_loop3A_102, %parallel_loop3A_103 : i32
      %parallel_loop3A_105 = arith.index_cast %parallel_loop3A_104 : i32 to index
      %parallel_loop3A_106 = tpu.vector_load %arg7[%parallel_loop3A_105] {strides = array<i32>} : memref<8192xf32, #tpu.memory_space<vmem>>, vector<16xf32>,
      tpu.vector_store %arg7[%parallel_loop3A_105], %broadcast_in_dim3A_34 {strides = array<i32>} : memref<8192xf32, #tpu.memory_space<vmem>>, vector<16xf32>,
      %parallel_loop3A_107 = arith.constant 16 : i32
      %parallel_loop3A_108 = arith.addi %parallel_loop3A_102, %parallel_loop3A_107 : i32
      %parallel_loop3A_109 = arith.index_cast %parallel_loop3A_108 : i32 to index
      %parallel_loop3A_110 = tpu.vector_load %arg7[%parallel_loop3A_109] {strides = array<i32>} : memref<8192xf32, #tpu.memory_space<vmem>>, vector<16xf32>,
      tpu.vector_store %arg7[%parallel_loop3A_109], %broadcast_in_dim3A_34 {strides = array<i32>} : memref<8192xf32, #tpu.memory_space<vmem>>, vector<16xf32>,
      %parallel_loop3A_111 = arith.constant 32 : i32
      %parallel_loop3A_112 = arith.addi %parallel_loop3A_102, %parallel_loop3A_111 : i32
      %parallel_loop3A_113 = arith.index_cast %parallel_loop3A_112 : i32 to index
      %parallel_loop3A_114 = tpu.vector_load %arg7[%parallel_loop3A_113] {strides = array<i32>} : memref<8192xf32, #tpu.memory_space<vmem>>, vector<16xf32>,
      tpu.vector_store %arg7[%parallel_loop3A_113], %broadcast_in_dim3A_34 {strides = array<i32>} : memref<8192xf32, #tpu.memory_space<vmem>>, vector<16xf32>,
      %parallel_loop3A_115 = arith.constant 48 : i32
      %parallel_loop3A_116 = arith.addi %parallel_loop3A_102, %parallel_loop3A_115 : i32
      %parallel_loop3A_117 = arith.index_cast %parallel_loop3A_116 : i32 to index
      %parallel_loop3A_118 = tpu.vector_load %arg7[%parallel_loop3A_117] {strides = array<i32>} : memref<8192xf32, #tpu.memory_space<vmem>>, vector<16xf32>,
      tpu.vector_store %arg7[%parallel_loop3A_117], %broadcast_in_dim3A_34 {strides = array<i32>} : memref<8192xf32, #tpu.memory_space<vmem>>, vector<16xf32>,
      %parallel_loop3A_119 = arith.constant 64 : i32
      %parallel_loop3A_120 = arith.addi %parallel_loop3A_102, %parallel_loop3A_119 : i32
      %parallel_loop3A_121 = arith.index_cast %parallel_loop3A_120 : i32 to index
      %parallel_loop3A_122 = tpu.vector_load %arg7[%parallel_loop3A_121] {strides = array<i32>} : memref<8192xf32, #tpu.memory_space<vmem>>, vector<16xf32>,
      tpu.vector_store %arg7[%parallel_loop3A_121], %broadcast_in_dim3A_34 {strides = array<i32>} : memref<8192xf32, #tpu.memory_space<vmem>>, vector<16xf32>,
      %parallel_loop3A_123 = arith.constant 80 : i32
      %parallel_loop3A_124 = arith.addi %parallel_loop3A_102, %parallel_loop3A_123 : i32
      %parallel_loop3A_125 = arith.index_cast %parallel_loop3A_124 : i32 to index
      %parallel_loop3A_126 = tpu.vector_load %arg7[%parallel_loop3A_125] {strides = array<i32>} : memref<8192xf32, #tpu.memory_space<vmem>>, vector<16xf32>,
      tpu.vector_store %arg7[%parallel_loop3A_125], %broadcast_in_dim3A_34 {strides = array<i32>} : memref<8192xf32, #tpu.memory_space<vmem>>, vector<16xf32>,
      %parallel_loop3A_127 = arith.constant 96 : i32
      %parallel_loop3A_128 = arith.addi %parallel_loop3A_102, %parallel_loop3A_127 : i32
      %parallel_loop3A_129 = arith.index_cast %parallel_loop3A_128 : i32 to index
      %parallel_loop3A_130 = tpu.vector_load %arg7[%parallel_loop3A_129] {strides = array<i32>} : memref<8192xf32, #tpu.memory_space<vmem>>, vector<16xf32>,
      tpu.vector_store %arg7[%parallel_loop3A_129], %broadcast_in_dim3A_34 {strides = array<i32>} : memref<8192xf32, #tpu.memory_space<vmem>>, vector<16xf32>,
      %parallel_loop3A_131 = arith.constant 112 : i32
      %parallel_loop3A_132 = arith.addi %parallel_loop3A_102, %parallel_loop3A_131 : i32
      %parallel_loop3A_133 = arith.index_cast %parallel_loop3A_132 : i32 to index
      %parallel_loop3A_134 = tpu.vector_load %arg7[%parallel_loop3A_133] {strides = array<i32>} : memref<8192xf32, #tpu.memory_space<vmem>>, vector<16xf32>,
      tpu.vector_store %arg7[%parallel_loop3A_133], %broadcast_in_dim3A_34 {strides = array<i32>} : memref<8192xf32, #tpu.memory_space<vmem>>, vector<16xf32>,
      %parallel_loop3A_135 = arith.constant 128 : i32
      %parallel_loop3A_136 = arith.addi %parallel_loop3A_102, %parallel_loop3A_135 : i32
      %parallel_loop3A_137 = arith.index_cast %parallel_loop3A_136 : i32 to index
      %parallel_loop3A_138 = tpu.vector_load %arg7[%parallel_loop3A_137] {strides = array<i32>} : memref<8192xf32, #tpu.memory_space<vmem>>, vector<16xf32>,
      tpu.vector_store %arg7[%parallel_loop3A_137], %broadcast_in_dim3A_34 {strides = array<i32>} : memref<8192xf32, #tpu.memory_space<vmem>>, vector<16xf32>,
      %parallel_loop3A_139 = arith.constant 144 : i32
      %parallel_loop3A_140 = arith.addi %parallel_loop3A_102, %parallel_loop3A_139 : i32
      %parallel_loop3A_141 = arith.index_cast %parallel_loop3A_140 : i32 to index
      %parallel_loop3A_142 = tpu.vector_load %arg7[%parallel_loop3A_141] {strides = array<i32>} : memref<8192xf32, #tpu.memory_space<vmem>>, vector<16xf32>,
      tpu.vector_store %arg7[%parallel_loop3A_141], %broadcast_in_dim3A_34 {strides = array<i32>} : memref<8192xf32, #tpu.memory_space<vmem>>, vector<16xf32>,
      %parallel_loop3A_143 = arith.constant 160 : i32
      %parallel_loop3A_144 = arith.addi %parallel_loop3A_102, %parallel_loop3A_143 : i32
      %parallel_loop3A_145 = arith.index_cast %parallel_loop3A_144 : i32 to index
      %parallel_loop3A_146 = tpu.vector_load %arg7[%parallel_loop3A_145] {strides = array<i32>} : memref<8192xf32, #tpu.memory_space<vmem>>, vector<16xf32>,
      tpu.vector_store %arg7[%parallel_loop3A_145], %broadcast_in_dim3A_34 {strides = array<i32>} : memref<8192xf32, #tpu.memory_space<vmem>>, vector<16xf32>,
    } {sc.loop_unroll_factor = 2 : i64, sc.parallel_access}
    %add3A_37 = arith.constant 0 : i32
    %add3A_38 = vector.broadcast %add3A_37 : i32 to vector<16xi32>
    %add3A_39 = arith.addi %mul3A_31, %add3A_38 : vector<16xi32>
    %parallel_loop3A_40 = arith.constant 0 : i32
    %parallel_loop3A_41 = arith.constant 64 : i32
    %parallel_loop3A_42 = arith.constant 1 : i32
    %parallel_loop3A_43 = arith.constant 3.14159274 : f32
    %parallel_loop3A_44 = arith.constant 2.86478901 : f32
    scf.for %parallel_loop3A_98 = %parallel_loop3A_40 to %parallel_loop3A_41 step %parallel_loop3A_42  : i32 {
      %parallel_loop3A_99 = arith.constant 16 : i32
      %parallel_loop3A_100 = arith.muli %parallel_loop3A_98, %parallel_loop3A_99 : i32
      %parallel_loop3A_101 = arith.constant 0 : i32
      %parallel_loop3A_102 = arith.index_cast %parallel_loop3A_101 : i32 to index
      %parallel_loop3A_103 = arith.index_cast %parallel_loop3A_100 : i32 to index
      %parallel_loop3A_104 = tpu.vector_load %arg5[%parallel_loop3A_102, %parallel_loop3A_103] {strides = array<i32>} : memref<2x1024xf32, #tpu.memory_space<vmem>>, vector<16xf32>,
      %parallel_loop3A_105 = vector.broadcast %parallel_loop3A_43 : f32 to vector<16xf32>
      %parallel_loop3A_106 = arith.addf %parallel_loop3A_104, %parallel_loop3A_105 : vector<16xf32>
      %parallel_loop3A_107 = vector.broadcast %parallel_loop3A_44 : f32 to vector<16xf32>
      %parallel_loop3A_108 = arith.mulf %parallel_loop3A_106, %parallel_loop3A_107 : vector<16xf32>
      %parallel_loop3A_109 = arith.constant 0.000000e+00 : f32
      %parallel_loop3A_110 = vector.broadcast %parallel_loop3A_109 : f32 to vector<16xf32>
      %parallel_loop3A_111 = arith.maximumf %parallel_loop3A_108, %parallel_loop3A_110 : vector<16xf32>
      %parallel_loop3A_112 = arith.constant 1.700000e+01 : f32
      %parallel_loop3A_113 = vector.broadcast %parallel_loop3A_112 : f32 to vector<16xf32>
      %parallel_loop3A_114 = arith.minimumf %parallel_loop3A_111, %parallel_loop3A_113 : vector<16xf32>
      %parallel_loop3A_115 = arith.fptosi %parallel_loop3A_114 : vector<16xf32> to vector<16xi32>
      %parallel_loop3A_116 = tpu.vector_load_idx %arg8[%parallel_loop3A_115] : memref<24xf32, #tpu.memory_space<vmem>>[vector<16xi32>], vector<16xf32>,
      %parallel_loop3A_117 = tpu.vector_load_idx %arg9[%parallel_loop3A_115] : memref<24xf32, #tpu.memory_space<vmem>>[vector<16xi32>], vector<16xf32>,
      %parallel_loop3A_118 = arith.cmpf ole, %parallel_loop3A_104, %parallel_loop3A_116 : vector<16xf32>
      %parallel_loop3A_119 = arith.extui %parallel_loop3A_118 : vector<16xi1> to vector<16xi32>
      %parallel_loop3A_120 = arith.cmpf ogt, %parallel_loop3A_104, %parallel_loop3A_117 : vector<16xf32>
      %parallel_loop3A_121 = arith.extui %parallel_loop3A_120 : vector<16xi1> to vector<16xi32>
      %parallel_loop3A_122 = arith.subi %parallel_loop3A_115, %parallel_loop3A_119 : vector<16xi32>
      %parallel_loop3A_123 = arith.addi %parallel_loop3A_122, %parallel_loop3A_121 : vector<16xi32>
      %parallel_loop3A_124 = arith.addi %add3A_39, %parallel_loop3A_123 : vector<16xi32>
      %parallel_loop3A_125 = arith.constant 16 : i32
      %parallel_loop3A_126 = arith.muli %parallel_loop3A_98, %parallel_loop3A_125 : i32
      %parallel_loop3A_127 = arith.constant 0 : i32
      %parallel_loop3A_128 = arith.index_cast %parallel_loop3A_127 : i32 to index
      %parallel_loop3A_129 = arith.index_cast %parallel_loop3A_126 : i32 to index
      %parallel_loop3A_130 = tpu.vector_load %arg6[%parallel_loop3A_128, %parallel_loop3A_129] {strides = array<i32>} : memref<8x1024xf32, #tpu.memory_space<vmem>>, vector<16xf32>,
      %parallel_loop3A_131 = arith.constant 0 : i32
      %parallel_loop3A_132 = vector.broadcast %parallel_loop3A_131 : i32 to vector<16xi32>
      %parallel_loop3A_133 = arith.addi %parallel_loop3A_124, %parallel_loop3A_132 : vector<16xi32>
      tpu.vector_store_idx %arg7[%parallel_loop3A_133], %parallel_loop3A_130 {add = true} : memref<8192xf32, #tpu.memory_space<vmem>>[vector<16xi32>], vector<16xf32>,
      %parallel_loop3A_134 = arith.constant 16 : i32
      %parallel_loop3A_135 = arith.muli %parallel_loop3A_98, %parallel_loop3A_134 : i32
      %parallel_loop3A_136 = arith.constant 1 : i32
      %parallel_loop3A_137 = arith.index_cast %parallel_loop3A_136 : i32 to index
      %parallel_loop3A_138 = arith.index_cast %parallel_loop3A_135 : i32 to index
      %parallel_loop3A_139 = tpu.vector_load %arg6[%parallel_loop3A_137, %parallel_loop3A_138] {strides = array<i32>} : memref<8x1024xf32, #tpu.memory_space<vmem>>, vector<16xf32>,
      %parallel_loop3A_140 = arith.constant 18 : i32
      %parallel_loop3A_141 = vector.broadcast %parallel_loop3A_140 : i32 to vector<16xi32>
      %parallel_loop3A_142 = arith.addi %parallel_loop3A_124, %parallel_loop3A_141 : vector<16xi32>
      tpu.vector_store_idx %arg7[%parallel_loop3A_142], %parallel_loop3A_139 {add = true} : memref<8192xf32, #tpu.memory_space<vmem>>[vector<16xi32>], vector<16xf32>,
      %parallel_loop3A_143 = arith.constant 16 : i32
      %parallel_loop3A_144 = arith.muli %parallel_loop3A_98, %parallel_loop3A_143 : i32
      %parallel_loop3A_145 = arith.constant 2 : i32
      %parallel_loop3A_146 = arith.index_cast %parallel_loop3A_145 : i32 to index
      %parallel_loop3A_147 = arith.index_cast %parallel_loop3A_144 : i32 to index
      %parallel_loop3A_148 = tpu.vector_load %arg6[%parallel_loop3A_146, %parallel_loop3A_147] {strides = array<i32>} : memref<8x1024xf32, #tpu.memory_space<vmem>>, vector<16xf32>,
      %parallel_loop3A_149 = arith.constant 36 : i32
      %parallel_loop3A_150 = vector.broadcast %parallel_loop3A_149 : i32 to vector<16xi32>
      %parallel_loop3A_151 = arith.addi %parallel_loop3A_124, %parallel_loop3A_150 : vector<16xi32>
      tpu.vector_store_idx %arg7[%parallel_loop3A_151], %parallel_loop3A_148 {add = true} : memref<8192xf32, #tpu.memory_space<vmem>>[vector<16xi32>], vector<16xf32>,
      %parallel_loop3A_152 = arith.constant 16 : i32
      %parallel_loop3A_153 = arith.muli %parallel_loop3A_98, %parallel_loop3A_152 : i32
      %parallel_loop3A_154 = arith.constant 3 : i32
      %parallel_loop3A_155 = arith.index_cast %parallel_loop3A_154 : i32 to index
      %parallel_loop3A_156 = arith.index_cast %parallel_loop3A_153 : i32 to index
      %parallel_loop3A_157 = tpu.vector_load %arg6[%parallel_loop3A_155, %parallel_loop3A_156] {strides = array<i32>} : memref<8x1024xf32, #tpu.memory_space<vmem>>, vector<16xf32>,
      %parallel_loop3A_158 = arith.constant 54 : i32
      %parallel_loop3A_159 = vector.broadcast %parallel_loop3A_158 : i32 to vector<16xi32>
      %parallel_loop3A_160 = arith.addi %parallel_loop3A_124, %parallel_loop3A_159 : vector<16xi32>
      tpu.vector_store_idx %arg7[%parallel_loop3A_160], %parallel_loop3A_157 {add = true} : memref<8192xf32, #tpu.memory_space<vmem>>[vector<16xi32>], vector<16xf32>,
      %parallel_loop3A_161 = arith.constant 16 : i32
      %parallel_loop3A_162 = arith.muli %parallel_loop3A_98, %parallel_loop3A_161 : i32
      %parallel_loop3A_163 = arith.constant 4 : i32
      %parallel_loop3A_164 = arith.index_cast %parallel_loop3A_163 : i32 to index
      %parallel_loop3A_165 = arith.index_cast %parallel_loop3A_162 : i32 to index
      %parallel_loop3A_166 = tpu.vector_load %arg6[%parallel_loop3A_164, %parallel_loop3A_165] {strides = array<i32>} : memref<8x1024xf32, #tpu.memory_space<vmem>>, vector<16xf32>,
      %parallel_loop3A_167 = arith.constant 72 : i32
      %parallel_loop3A_168 = vector.broadcast %parallel_loop3A_167 : i32 to vector<16xi32>
      %parallel_loop3A_169 = arith.addi %parallel_loop3A_124, %parallel_loop3A_168 : vector<16xi32>
      tpu.vector_store_idx %arg7[%parallel_loop3A_169], %parallel_loop3A_166 {add = true} : memref<8192xf32, #tpu.memory_space<vmem>>[vector<16xi32>], vector<16xf32>,
      %parallel_loop3A_170 = arith.constant 16 : i32
      %parallel_loop3A_171 = arith.muli %parallel_loop3A_98, %parallel_loop3A_170 : i32
      %parallel_loop3A_172 = arith.constant 5 : i32
      %parallel_loop3A_173 = arith.index_cast %parallel_loop3A_172 : i32 to index
      %parallel_loop3A_174 = arith.index_cast %parallel_loop3A_171 : i32 to index
      %parallel_loop3A_175 = tpu.vector_load %arg6[%parallel_loop3A_173, %parallel_loop3A_174] {strides = array<i32>} : memref<8x1024xf32, #tpu.memory_space<vmem>>, vector<16xf32>,
      %parallel_loop3A_176 = arith.constant 90 : i32
      %parallel_loop3A_177 = vector.broadcast %parallel_loop3A_176 : i32 to vector<16xi32>
      %parallel_loop3A_178 = arith.addi %parallel_loop3A_124, %parallel_loop3A_177 : vector<16xi32>
      tpu.vector_store_idx %arg7[%parallel_loop3A_178], %parallel_loop3A_175 {add = true} : memref<8192xf32, #tpu.memory_space<vmem>>[vector<16xi32>], vector<16xf32>,
      %parallel_loop3A_179 = arith.constant 16 : i32
      %parallel_loop3A_180 = arith.muli %parallel_loop3A_98, %parallel_loop3A_179 : i32
      %parallel_loop3A_181 = arith.constant 6 : i32
      %parallel_loop3A_182 = arith.index_cast %parallel_loop3A_181 : i32 to index
      %parallel_loop3A_183 = arith.index_cast %parallel_loop3A_180 : i32 to index
      %parallel_loop3A_184 = tpu.vector_load %arg6[%parallel_loop3A_182, %parallel_loop3A_183] {strides = array<i32>} : memref<8x1024xf32, #tpu.memory_space<vmem>>, vector<16xf32>,
      %parallel_loop3A_185 = arith.constant 108 : i32
      %parallel_loop3A_186 = vector.broadcast %parallel_loop3A_185 : i32 to vector<16xi32>
      %parallel_loop3A_187 = arith.addi %parallel_loop3A_124, %parallel_loop3A_186 : vector<16xi32>
      tpu.vector_store_idx %arg7[%parallel_loop3A_187], %parallel_loop3A_184 {add = true} : memref<8192xf32, #tpu.memory_space<vmem>>[vector<16xi32>], vector<16xf32>,
      %parallel_loop3A_188 = arith.constant 16 : i32
      %parallel_loop3A_189 = arith.muli %parallel_loop3A_98, %parallel_loop3A_188 : i32
      %parallel_loop3A_190 = arith.constant 7 : i32
      %parallel_loop3A_191 = arith.index_cast %parallel_loop3A_190 : i32 to index
      %parallel_loop3A_192 = arith.index_cast %parallel_loop3A_189 : i32 to index
      %parallel_loop3A_193 = tpu.vector_load %arg6[%parallel_loop3A_191, %parallel_loop3A_192] {strides = array<i32>} : memref<8x1024xf32, #tpu.memory_space<vmem>>, vector<16xf32>,
      %parallel_loop3A_194 = arith.constant 126 : i32
      %parallel_loop3A_195 = vector.broadcast %parallel_loop3A_194 : i32 to vector<16xi32>
      %parallel_loop3A_196 = arith.addi %parallel_loop3A_124, %parallel_loop3A_195 : vector<16xi32>
      tpu.vector_store_idx %arg7[%parallel_loop3A_196], %parallel_loop3A_193 {add = true} : memref<8192xf32, #tpu.memory_space<vmem>>[vector<16xi32>], vector<16xf32>,
      %parallel_loop3A_197 = arith.constant 144 : i32
      %parallel_loop3A_198 = vector.broadcast %parallel_loop3A_197 : i32 to vector<16xi32>
      %parallel_loop3A_199 = arith.addi %parallel_loop3A_124, %parallel_loop3A_198 : vector<16xi32>
      tpu.vector_store_idx %arg7[%parallel_loop3A_199], %broadcast_in_dim3A_32 {add = true} : memref<8192xf32, #tpu.memory_space<vmem>>[vector<16xi32>], vector<16xf32>,
    } {sc.loop_unroll_factor = 4 : i64, sc.parallel_access}
    %add3A_45 = arith.constant 0 : i32
    %add3A_46 = arith.addi %mul3A_2, %add3A_45 : i32
    %dma_start3A = arith.constant 0 : i32
    %dma_start3A_47 = tpu.memref_slice %arg7[%dma_start3A] : memref<8192xf32, #tpu.memory_space<vmem>> -> memref<4096xf32, #tpu.memory_space<vmem>>
    %dma_start3A_48 = arith.constant 0 : i32
    %dma_start3A_49 = tpu.memref_slice %arg4[%add3A_46, %dma_start3A_48] : memref<64x4096xf32, #tpu.memory_space<hbm>> -> memref<1x4096xf32, #tpu.memory_space<hbm>>
    %dma_start3A_50 = tpu.memref_squeeze %dma_start3A_49 : memref<1x4096xf32, #tpu.memory_space<hbm>> -> memref<4096xf32, #tpu.memory_space<hbm>>
    %dma_start3A_51 = arith.constant 0 : i32
    %dma_start3A_52 = tpu.memref_slice %arg4[%add3A_46, %dma_start3A_51] : memref<64x4096xf32, #tpu.memory_space<hbm>> -> memref<1x4096xf32, #tpu.memory_space<hbm>>
    %dma_start3A_53 = tpu.memref_squeeze %dma_start3A_52 : memref<1x4096xf32, #tpu.memory_space<hbm>> -> memref<4096xf32, #tpu.memory_space<hbm>>
    %dma_start3A_54 = arith.constant 0 : i32
    %dma_start3A_55 = tpu.memref_slice %arg7[%dma_start3A_54] : memref<8192xf32, #tpu.memory_space<vmem>> -> memref<4096xf32, #tpu.memory_space<vmem>>
    tpu.enqueue_dma source(%dma_start3A_55 : memref<4096xf32, #tpu.memory_space<vmem>>) target(%dma_start3A_53 : memref<4096xf32, #tpu.memory_space<hbm>>) target_semaphore(%arg10 : memref<!tpu.dma_semaphore, #tpu.memory_space<semaphore_mem>>)
    %parallel_loop3A_56 = arith.constant 0 : i32
    %parallel_loop3A_57 = arith.constant 16 : i32
    %parallel_loop3A_58 = arith.constant 1 : i32
    scf.for %parallel_loop3A_98 = %parallel_loop3A_56 to %parallel_loop3A_57 step %parallel_loop3A_58  : i32 {
      %parallel_loop3A_99 = arith.constant 256 : i32
      %parallel_loop3A_100 = arith.muli %parallel_loop3A_98, %parallel_loop3A_99 : i32
      %parallel_loop3A_101 = arith.constant 4096 : i32
      %parallel_loop3A_102 = arith.addi %parallel_loop3A_101, %parallel_loop3A_100 : i32
      %parallel_loop3A_103 = arith.constant 0 : i32
      %parallel_loop3A_104 = arith.addi %parallel_loop3A_102, %parallel_loop3A_103 : i32
      %parallel_loop3A_105 = arith.index_cast %parallel_loop3A_104 : i32 to index
      %parallel_loop3A_106 = tpu.vector_load %arg7[%parallel_loop3A_105] {strides = array<i32>} : memref<8192xf32, #tpu.memory_space<vmem>>, vector<16xf32>,
      tpu.vector_store %arg7[%parallel_loop3A_105], %broadcast_in_dim3A_34 {strides = array<i32>} : memref<8192xf32, #tpu.memory_space<vmem>>, vector<16xf32>,
      %parallel_loop3A_107 = arith.constant 16 : i32
      %parallel_loop3A_108 = arith.addi %parallel_loop3A_102, %parallel_loop3A_107 : i32
      %parallel_loop3A_109 = arith.index_cast %parallel_loop3A_108 : i32 to index
      %parallel_loop3A_110 = tpu.vector_load %arg7[%parallel_loop3A_109] {strides = array<i32>} : memref<8192xf32, #tpu.memory_space<vmem>>, vector<16xf32>,
      tpu.vector_store %arg7[%parallel_loop3A_109], %broadcast_in_dim3A_34 {strides = array<i32>} : memref<8192xf32, #tpu.memory_space<vmem>>, vector<16xf32>,
      %parallel_loop3A_111 = arith.constant 32 : i32
      %parallel_loop3A_112 = arith.addi %parallel_loop3A_102, %parallel_loop3A_111 : i32
      %parallel_loop3A_113 = arith.index_cast %parallel_loop3A_112 : i32 to index
      %parallel_loop3A_114 = tpu.vector_load %arg7[%parallel_loop3A_113] {strides = array<i32>} : memref<8192xf32, #tpu.memory_space<vmem>>, vector<16xf32>,
      tpu.vector_store %arg7[%parallel_loop3A_113], %broadcast_in_dim3A_34 {strides = array<i32>} : memref<8192xf32, #tpu.memory_space<vmem>>, vector<16xf32>,
      %parallel_loop3A_115 = arith.constant 48 : i32
      %parallel_loop3A_116 = arith.addi %parallel_loop3A_102, %parallel_loop3A_115 : i32
      %parallel_loop3A_117 = arith.index_cast %parallel_loop3A_116 : i32 to index
      %parallel_loop3A_118 = tpu.vector_load %arg7[%parallel_loop3A_117] {strides = array<i32>} : memref<8192xf32, #tpu.memory_space<vmem>>, vector<16xf32>,
      tpu.vector_store %arg7[%parallel_loop3A_117], %broadcast_in_dim3A_34 {strides = array<i32>} : memref<8192xf32, #tpu.memory_space<vmem>>, vector<16xf32>,
      %parallel_loop3A_119 = arith.constant 64 : i32
      %parallel_loop3A_120 = arith.addi %parallel_loop3A_102, %parallel_loop3A_119 : i32
      %parallel_loop3A_121 = arith.index_cast %parallel_loop3A_120 : i32 to index
      %parallel_loop3A_122 = tpu.vector_load %arg7[%parallel_loop3A_121] {strides = array<i32>} : memref<8192xf32, #tpu.memory_space<vmem>>, vector<16xf32>,
      tpu.vector_store %arg7[%parallel_loop3A_121], %broadcast_in_dim3A_34 {strides = array<i32>} : memref<8192xf32, #tpu.memory_space<vmem>>, vector<16xf32>,
      %parallel_loop3A_123 = arith.constant 80 : i32
      %parallel_loop3A_124 = arith.addi %parallel_loop3A_102, %parallel_loop3A_123 : i32
      %parallel_loop3A_125 = arith.index_cast %parallel_loop3A_124 : i32 to index
      %parallel_loop3A_126 = tpu.vector_load %arg7[%parallel_loop3A_125] {strides = array<i32>} : memref<8192xf32, #tpu.memory_space<vmem>>, vector<16xf32>,
      tpu.vector_store %arg7[%parallel_loop3A_125], %broadcast_in_dim3A_34 {strides = array<i32>} : memref<8192xf32, #tpu.memory_space<vmem>>, vector<16xf32>,
      %parallel_loop3A_127 = arith.constant 96 : i32
      %parallel_loop3A_128 = arith.addi %parallel_loop3A_102, %parallel_loop3A_127 : i32
      %parallel_loop3A_129 = arith.index_cast %parallel_loop3A_128 : i32 to index
      %parallel_loop3A_130 = tpu.vector_load %arg7[%parallel_loop3A_129] {strides = array<i32>} : memref<8192xf32, #tpu.memory_space<vmem>>, vector<16xf32>,
      tpu.vector_store %arg7[%parallel_loop3A_129], %broadcast_in_dim3A_34 {strides = array<i32>} : memref<8192xf32, #tpu.memory_space<vmem>>, vector<16xf32>,
      %parallel_loop3A_131 = arith.constant 112 : i32
      %parallel_loop3A_132 = arith.addi %parallel_loop3A_102, %parallel_loop3A_131 : i32
      %parallel_loop3A_133 = arith.index_cast %parallel_loop3A_132 : i32 to index
      %parallel_loop3A_134 = tpu.vector_load %arg7[%parallel_loop3A_133] {strides = array<i32>} : memref<8192xf32, #tpu.memory_space<vmem>>, vector<16xf32>,
      tpu.vector_store %arg7[%parallel_loop3A_133], %broadcast_in_dim3A_34 {strides = array<i32>} : memref<8192xf32, #tpu.memory_space<vmem>>, vector<16xf32>,
      %parallel_loop3A_135 = arith.constant 128 : i32
      %parallel_loop3A_136 = arith.addi %parallel_loop3A_102, %parallel_loop3A_135 : i32
      %parallel_loop3A_137 = arith.index_cast %parallel_loop3A_136 : i32 to index
      %parallel_loop3A_138 = tpu.vector_load %arg7[%parallel_loop3A_137] {strides = array<i32>} : memref<8192xf32, #tpu.memory_space<vmem>>, vector<16xf32>,
      tpu.vector_store %arg7[%parallel_loop3A_137], %broadcast_in_dim3A_34 {strides = array<i32>} : memref<8192xf32, #tpu.memory_space<vmem>>, vector<16xf32>,
      %parallel_loop3A_139 = arith.constant 144 : i32
      %parallel_loop3A_140 = arith.addi %parallel_loop3A_102, %parallel_loop3A_139 : i32
      %parallel_loop3A_141 = arith.index_cast %parallel_loop3A_140 : i32 to index
      %parallel_loop3A_142 = tpu.vector_load %arg7[%parallel_loop3A_141] {strides = array<i32>} : memref<8192xf32, #tpu.memory_space<vmem>>, vector<16xf32>,
      tpu.vector_store %arg7[%parallel_loop3A_141], %broadcast_in_dim3A_34 {strides = array<i32>} : memref<8192xf32, #tpu.memory_space<vmem>>, vector<16xf32>,
      %parallel_loop3A_143 = arith.constant 160 : i32
      %parallel_loop3A_144 = arith.addi %parallel_loop3A_102, %parallel_loop3A_143 : i32
      %parallel_loop3A_145 = arith.index_cast %parallel_loop3A_144 : i32 to index
      %parallel_loop3A_146 = tpu.vector_load %arg7[%parallel_loop3A_145] {strides = array<i32>} : memref<8192xf32, #tpu.memory_space<vmem>>, vector<16xf32>,
      tpu.vector_store %arg7[%parallel_loop3A_145], %broadcast_in_dim3A_34 {strides = array<i32>} : memref<8192xf32, #tpu.memory_space<vmem>>, vector<16xf32>,
    } {sc.loop_unroll_factor = 2 : i64, sc.parallel_access}
    %add3A_59 = arith.constant 4096 : i32
    %add3A_60 = vector.broadcast %add3A_59 : i32 to vector<16xi32>
    %add3A_61 = arith.addi %mul3A_31, %add3A_60 : vector<16xi32>
    %parallel_loop3A_62 = arith.constant 0 : i32
    %parallel_loop3A_63 = arith.constant 64 : i32
    %parallel_loop3A_64 = arith.constant 1 : i32
    %parallel_loop3A_65 = arith.constant 3.14159274 : f32
    %parallel_loop3A_66 = arith.constant 2.86478901 : f32
    scf.for %parallel_loop3A_98 = %parallel_loop3A_62 to %parallel_loop3A_63 step %parallel_loop3A_64  : i32 {
      %parallel_loop3A_99 = arith.constant 16 : i32
      %parallel_loop3A_100 = arith.muli %parallel_loop3A_98, %parallel_loop3A_99 : i32
      %parallel_loop3A_101 = arith.constant 1 : i32
      %parallel_loop3A_102 = arith.index_cast %parallel_loop3A_101 : i32 to index
      %parallel_loop3A_103 = arith.index_cast %parallel_loop3A_100 : i32 to index
      %parallel_loop3A_104 = tpu.vector_load %arg5[%parallel_loop3A_102, %parallel_loop3A_103] {strides = array<i32>} : memref<2x1024xf32, #tpu.memory_space<vmem>>, vector<16xf32>,
      %parallel_loop3A_105 = vector.broadcast %parallel_loop3A_65 : f32 to vector<16xf32>
      %parallel_loop3A_106 = arith.addf %parallel_loop3A_104, %parallel_loop3A_105 : vector<16xf32>
      %parallel_loop3A_107 = vector.broadcast %parallel_loop3A_66 : f32 to vector<16xf32>
      %parallel_loop3A_108 = arith.mulf %parallel_loop3A_106, %parallel_loop3A_107 : vector<16xf32>
      %parallel_loop3A_109 = arith.constant 0.000000e+00 : f32
      %parallel_loop3A_110 = vector.broadcast %parallel_loop3A_109 : f32 to vector<16xf32>
      %parallel_loop3A_111 = arith.maximumf %parallel_loop3A_108, %parallel_loop3A_110 : vector<16xf32>
      %parallel_loop3A_112 = arith.constant 1.700000e+01 : f32
      %parallel_loop3A_113 = vector.broadcast %parallel_loop3A_112 : f32 to vector<16xf32>
      %parallel_loop3A_114 = arith.minimumf %parallel_loop3A_111, %parallel_loop3A_113 : vector<16xf32>
      %parallel_loop3A_115 = arith.fptosi %parallel_loop3A_114 : vector<16xf32> to vector<16xi32>
      %parallel_loop3A_116 = tpu.vector_load_idx %arg8[%parallel_loop3A_115] : memref<24xf32, #tpu.memory_space<vmem>>[vector<16xi32>], vector<16xf32>,
      %parallel_loop3A_117 = tpu.vector_load_idx %arg9[%parallel_loop3A_115] : memref<24xf32, #tpu.memory_space<vmem>>[vector<16xi32>], vector<16xf32>,
      %parallel_loop3A_118 = arith.cmpf ole, %parallel_loop3A_104, %parallel_loop3A_116 : vector<16xf32>
      %parallel_loop3A_119 = arith.extui %parallel_loop3A_118 : vector<16xi1> to vector<16xi32>
      %parallel_loop3A_120 = arith.cmpf ogt, %parallel_loop3A_104, %parallel_loop3A_117 : vector<16xf32>
      %parallel_loop3A_121 = arith.extui %parallel_loop3A_120 : vector<16xi1> to vector<16xi32>
      %parallel_loop3A_122 = arith.subi %parallel_loop3A_115, %parallel_loop3A_119 : vector<16xi32>
      %parallel_loop3A_123 = arith.addi %parallel_loop3A_122, %parallel_loop3A_121 : vector<16xi32>
      %parallel_loop3A_124 = arith.addi %add3A_61, %parallel_loop3A_123 : vector<16xi32>
      %parallel_loop3A_125 = arith.constant 16 : i32
      %parallel_loop3A_126 = arith.muli %parallel_loop3A_98, %parallel_loop3A_125 : i32
      %parallel_loop3A_127 = arith.constant 0 : i32
      %parallel_loop3A_128 = arith.index_cast %parallel_loop3A_127 : i32 to index
      %parallel_loop3A_129 = arith.index_cast %parallel_loop3A_126 : i32 to index
      %parallel_loop3A_130 = tpu.vector_load %arg6[%parallel_loop3A_128, %parallel_loop3A_129] {strides = array<i32>} : memref<8x1024xf32, #tpu.memory_space<vmem>>, vector<16xf32>,
      %parallel_loop3A_131 = arith.constant 0 : i32
      %parallel_loop3A_132 = vector.broadcast %parallel_loop3A_131 : i32 to vector<16xi32>
      %parallel_loop3A_133 = arith.addi %parallel_loop3A_124, %parallel_loop3A_132 : vector<16xi32>
      tpu.vector_store_idx %arg7[%parallel_loop3A_133], %parallel_loop3A_130 {add = true} : memref<8192xf32, #tpu.memory_space<vmem>>[vector<16xi32>], vector<16xf32>,
      %parallel_loop3A_134 = arith.constant 16 : i32
      %parallel_loop3A_135 = arith.muli %parallel_loop3A_98, %parallel_loop3A_134 : i32
      %parallel_loop3A_136 = arith.constant 1 : i32
      %parallel_loop3A_137 = arith.index_cast %parallel_loop3A_136 : i32 to index
      %parallel_loop3A_138 = arith.index_cast %parallel_loop3A_135 : i32 to index
      %parallel_loop3A_139 = tpu.vector_load %arg6[%parallel_loop3A_137, %parallel_loop3A_138] {strides = array<i32>} : memref<8x1024xf32, #tpu.memory_space<vmem>>, vector<16xf32>,
      %parallel_loop3A_140 = arith.constant 18 : i32
      %parallel_loop3A_141 = vector.broadcast %parallel_loop3A_140 : i32 to vector<16xi32>
      %parallel_loop3A_142 = arith.addi %parallel_loop3A_124, %parallel_loop3A_141 : vector<16xi32>
      tpu.vector_store_idx %arg7[%parallel_loop3A_142], %parallel_loop3A_139 {add = true} : memref<8192xf32, #tpu.memory_space<vmem>>[vector<16xi32>], vector<16xf32>,
      %parallel_loop3A_143 = arith.constant 16 : i32
      %parallel_loop3A_144 = arith.muli %parallel_loop3A_98, %parallel_loop3A_143 : i32
      %parallel_loop3A_145 = arith.constant 2 : i32
      %parallel_loop3A_146 = arith.index_cast %parallel_loop3A_145 : i32 to index
      %parallel_loop3A_147 = arith.index_cast %parallel_loop3A_144 : i32 to index
      %parallel_loop3A_148 = tpu.vector_load %arg6[%parallel_loop3A_146, %parallel_loop3A_147] {strides = array<i32>} : memref<8x1024xf32, #tpu.memory_space<vmem>>, vector<16xf32>,
      %parallel_loop3A_149 = arith.constant 36 : i32
      %parallel_loop3A_150 = vector.broadcast %parallel_loop3A_149 : i32 to vector<16xi32>
      %parallel_loop3A_151 = arith.addi %parallel_loop3A_124, %parallel_loop3A_150 : vector<16xi32>
      tpu.vector_store_idx %arg7[%parallel_loop3A_151], %parallel_loop3A_148 {add = true} : memref<8192xf32, #tpu.memory_space<vmem>>[vector<16xi32>], vector<16xf32>,
      %parallel_loop3A_152 = arith.constant 16 : i32
      %parallel_loop3A_153 = arith.muli %parallel_loop3A_98, %parallel_loop3A_152 : i32
      %parallel_loop3A_154 = arith.constant 3 : i32
      %parallel_loop3A_155 = arith.index_cast %parallel_loop3A_154 : i32 to index
      %parallel_loop3A_156 = arith.index_cast %parallel_loop3A_153 : i32 to index
      %parallel_loop3A_157 = tpu.vector_load %arg6[%parallel_loop3A_155, %parallel_loop3A_156] {strides = array<i32>} : memref<8x1024xf32, #tpu.memory_space<vmem>>, vector<16xf32>,
      %parallel_loop3A_158 = arith.constant 54 : i32
      %parallel_loop3A_159 = vector.broadcast %parallel_loop3A_158 : i32 to vector<16xi32>
      %parallel_loop3A_160 = arith.addi %parallel_loop3A_124, %parallel_loop3A_159 : vector<16xi32>
      tpu.vector_store_idx %arg7[%parallel_loop3A_160], %parallel_loop3A_157 {add = true} : memref<8192xf32, #tpu.memory_space<vmem>>[vector<16xi32>], vector<16xf32>,
      %parallel_loop3A_161 = arith.constant 16 : i32
      %parallel_loop3A_162 = arith.muli %parallel_loop3A_98, %parallel_loop3A_161 : i32
      %parallel_loop3A_163 = arith.constant 4 : i32
      %parallel_loop3A_164 = arith.index_cast %parallel_loop3A_163 : i32 to index
      %parallel_loop3A_165 = arith.index_cast %parallel_loop3A_162 : i32 to index
      %parallel_loop3A_166 = tpu.vector_load %arg6[%parallel_loop3A_164, %parallel_loop3A_165] {strides = array<i32>} : memref<8x1024xf32, #tpu.memory_space<vmem>>, vector<16xf32>,
      %parallel_loop3A_167 = arith.constant 72 : i32
      %parallel_loop3A_168 = vector.broadcast %parallel_loop3A_167 : i32 to vector<16xi32>
      %parallel_loop3A_169 = arith.addi %parallel_loop3A_124, %parallel_loop3A_168 : vector<16xi32>
      tpu.vector_store_idx %arg7[%parallel_loop3A_169], %parallel_loop3A_166 {add = true} : memref<8192xf32, #tpu.memory_space<vmem>>[vector<16xi32>], vector<16xf32>,
      %parallel_loop3A_170 = arith.constant 16 : i32
      %parallel_loop3A_171 = arith.muli %parallel_loop3A_98, %parallel_loop3A_170 : i32
      %parallel_loop3A_172 = arith.constant 5 : i32
      %parallel_loop3A_173 = arith.index_cast %parallel_loop3A_172 : i32 to index
      %parallel_loop3A_174 = arith.index_cast %parallel_loop3A_171 : i32 to index
      %parallel_loop3A_175 = tpu.vector_load %arg6[%parallel_loop3A_173, %parallel_loop3A_174] {strides = array<i32>} : memref<8x1024xf32, #tpu.memory_space<vmem>>, vector<16xf32>,
      %parallel_loop3A_176 = arith.constant 90 : i32
      %parallel_loop3A_177 = vector.broadcast %parallel_loop3A_176 : i32 to vector<16xi32>
      %parallel_loop3A_178 = arith.addi %parallel_loop3A_124, %parallel_loop3A_177 : vector<16xi32>
      tpu.vector_store_idx %arg7[%parallel_loop3A_178], %parallel_loop3A_175 {add = true} : memref<8192xf32, #tpu.memory_space<vmem>>[vector<16xi32>], vector<16xf32>,
      %parallel_loop3A_179 = arith.constant 16 : i32
      %parallel_loop3A_180 = arith.muli %parallel_loop3A_98, %parallel_loop3A_179 : i32
      %parallel_loop3A_181 = arith.constant 6 : i32
      %parallel_loop3A_182 = arith.index_cast %parallel_loop3A_181 : i32 to index
      %parallel_loop3A_183 = arith.index_cast %parallel_loop3A_180 : i32 to index
      %parallel_loop3A_184 = tpu.vector_load %arg6[%parallel_loop3A_182, %parallel_loop3A_183] {strides = array<i32>} : memref<8x1024xf32, #tpu.memory_space<vmem>>, vector<16xf32>,
      %parallel_loop3A_185 = arith.constant 108 : i32
      %parallel_loop3A_186 = vector.broadcast %parallel_loop3A_185 : i32 to vector<16xi32>
      %parallel_loop3A_187 = arith.addi %parallel_loop3A_124, %parallel_loop3A_186 : vector<16xi32>
      tpu.vector_store_idx %arg7[%parallel_loop3A_187], %parallel_loop3A_184 {add = true} : memref<8192xf32, #tpu.memory_space<vmem>>[vector<16xi32>], vector<16xf32>,
      %parallel_loop3A_188 = arith.constant 16 : i32
      %parallel_loop3A_189 = arith.muli %parallel_loop3A_98, %parallel_loop3A_188 : i32
      %parallel_loop3A_190 = arith.constant 7 : i32
      %parallel_loop3A_191 = arith.index_cast %parallel_loop3A_190 : i32 to index
      %parallel_loop3A_192 = arith.index_cast %parallel_loop3A_189 : i32 to index
      %parallel_loop3A_193 = tpu.vector_load %arg6[%parallel_loop3A_191, %parallel_loop3A_192] {strides = array<i32>} : memref<8x1024xf32, #tpu.memory_space<vmem>>, vector<16xf32>,
      %parallel_loop3A_194 = arith.constant 126 : i32
      %parallel_loop3A_195 = vector.broadcast %parallel_loop3A_194 : i32 to vector<16xi32>
      %parallel_loop3A_196 = arith.addi %parallel_loop3A_124, %parallel_loop3A_195 : vector<16xi32>
      tpu.vector_store_idx %arg7[%parallel_loop3A_196], %parallel_loop3A_193 {add = true} : memref<8192xf32, #tpu.memory_space<vmem>>[vector<16xi32>], vector<16xf32>,
      %parallel_loop3A_197 = arith.constant 144 : i32
      %parallel_loop3A_198 = vector.broadcast %parallel_loop3A_197 : i32 to vector<16xi32>
      %parallel_loop3A_199 = arith.addi %parallel_loop3A_124, %parallel_loop3A_198 : vector<16xi32>
      tpu.vector_store_idx %arg7[%parallel_loop3A_199], %broadcast_in_dim3A_32 {add = true} : memref<8192xf32, #tpu.memory_space<vmem>>[vector<16xi32>], vector<16xf32>,
    } {sc.loop_unroll_factor = 4 : i64, sc.parallel_access}
    %add3A_67 = arith.constant 1 : i32
    %add3A_68 = arith.addi %mul3A_2, %add3A_67 : i32
    %dma_start3A_69 = arith.constant 4096 : i32
    %dma_start3A_70 = tpu.memref_slice %arg7[%dma_start3A_69] : memref<8192xf32, #tpu.memory_space<vmem>> -> memref<4096xf32, #tpu.memory_space<vmem>>
    %dma_start3A_71 = arith.constant 0 : i32
    %dma_start3A_72 = tpu.memref_slice %arg4[%add3A_68, %dma_start3A_71] : memref<64x4096xf32, #tpu.memory_space<hbm>> -> memref<1x4096xf32, #tpu.memory_space<hbm>>
    %dma_start3A_73 = tpu.memref_squeeze %dma_start3A_72 : memref<1x4096xf32, #tpu.memory_space<hbm>> -> memref<4096xf32, #tpu.memory_space<hbm>>
    %dma_start3A_74 = arith.constant 0 : i32
    %dma_start3A_75 = tpu.memref_slice %arg4[%add3A_68, %dma_start3A_74] : memref<64x4096xf32, #tpu.memory_space<hbm>> -> memref<1x4096xf32, #tpu.memory_space<hbm>>
    %dma_start3A_76 = tpu.memref_squeeze %dma_start3A_75 : memref<1x4096xf32, #tpu.memory_space<hbm>> -> memref<4096xf32, #tpu.memory_space<hbm>>
    %dma_start3A_77 = arith.constant 4096 : i32
    %dma_start3A_78 = tpu.memref_slice %arg7[%dma_start3A_77] : memref<8192xf32, #tpu.memory_space<vmem>> -> memref<4096xf32, #tpu.memory_space<vmem>>
    tpu.enqueue_dma source(%dma_start3A_78 : memref<4096xf32, #tpu.memory_space<vmem>>) target(%dma_start3A_76 : memref<4096xf32, #tpu.memory_space<hbm>>) target_semaphore(%arg10 : memref<!tpu.dma_semaphore, #tpu.memory_space<semaphore_mem>>)
    %dma_wait3A = arith.constant 0 : i32
    %dma_wait3A_79 = tpu.memref_slice %arg7[%dma_wait3A] : memref<8192xf32, #tpu.memory_space<vmem>> -> memref<4096xf32, #tpu.memory_space<vmem>>
    %dma_wait3A_80 = arith.constant 0 : i32
    %dma_wait3A_81 = tpu.memref_slice %arg4[%add3A_46, %dma_wait3A_80] : memref<64x4096xf32, #tpu.memory_space<hbm>> -> memref<1x4096xf32, #tpu.memory_space<hbm>>
    %dma_wait3A_82 = tpu.memref_squeeze %dma_wait3A_81 : memref<1x4096xf32, #tpu.memory_space<hbm>> -> memref<4096xf32, #tpu.memory_space<hbm>>
    %dma_wait3A_83 = arith.constant 0 : i32
    %dma_wait3A_84 = tpu.memref_slice %arg4[%add3A_46, %dma_wait3A_83] : memref<64x4096xf32, #tpu.memory_space<hbm>> -> memref<1x4096xf32, #tpu.memory_space<hbm>>
    %dma_wait3A_85 = tpu.memref_squeeze %dma_wait3A_84 : memref<1x4096xf32, #tpu.memory_space<hbm>> -> memref<4096xf32, #tpu.memory_space<hbm>>
    %dma_wait3A_86 = arith.constant 0 : i32
    %dma_wait3A_87 = tpu.memref_slice %arg7[%dma_wait3A_86] : memref<8192xf32, #tpu.memory_space<vmem>> -> memref<4096xf32, #tpu.memory_space<vmem>>
    tpu.wait_dma2 semaphore(%arg10 : memref<!tpu.dma_semaphore, #tpu.memory_space<semaphore_mem>>) src(%dma_wait3A_87 : memref<4096xf32, #tpu.memory_space<vmem>>) dst(%dma_wait3A_85 : memref<4096xf32, #tpu.memory_space<hbm>>)
    %dma_wait3A_88 = arith.constant 4096 : i32
    %dma_wait3A_89 = tpu.memref_slice %arg7[%dma_wait3A_88] : memref<8192xf32, #tpu.memory_space<vmem>> -> memref<4096xf32, #tpu.memory_space<vmem>>
    %dma_wait3A_90 = arith.constant 0 : i32
    %dma_wait3A_91 = tpu.memref_slice %arg4[%add3A_68, %dma_wait3A_90] : memref<64x4096xf32, #tpu.memory_space<hbm>> -> memref<1x4096xf32, #tpu.memory_space<hbm>>
    %dma_wait3A_92 = tpu.memref_squeeze %dma_wait3A_91 : memref<1x4096xf32, #tpu.memory_space<hbm>> -> memref<4096xf32, #tpu.memory_space<hbm>>
    %dma_wait3A_93 = arith.constant 0 : i32
    %dma_wait3A_94 = tpu.memref_slice %arg4[%add3A_68, %dma_wait3A_93] : memref<64x4096xf32, #tpu.memory_space<hbm>> -> memref<1x4096xf32, #tpu.memory_space<hbm>>
    %dma_wait3A_95 = tpu.memref_squeeze %dma_wait3A_94 : memref<1x4096xf32, #tpu.memory_space<hbm>> -> memref<4096xf32, #tpu.memory_space<hbm>>
    %dma_wait3A_96 = arith.constant 4096 : i32
    %dma_wait3A_97 = tpu.memref_slice %arg7[%dma_wait3A_96] : memref<8192xf32, #tpu.memory_space<vmem>> -> memref<4096xf32, #tpu.memory_space<vmem>>
    tpu.wait_dma2 semaphore(%arg10 : memref<!tpu.dma_semaphore, #tpu.memory_space<semaphore_mem>>) src(%dma_wait3A_97 : memref<4096xf32, #tpu.memory_space<vmem>>) dst(%dma_wait3A_95 : memref<4096xf32, #tpu.memory_space<hbm>>)
    return
  }
}

module attributes {stable_mosaic.version = 14 : i64} {
  func.func @_tc_finish_kernel(%arg0: memref<64x4096xf32, #tpu.memory_space<vmem>>, %arg1: memref<64x8xf32, #tpu.memory_space<vmem>>, %arg2: memref<64x8xf32, #tpu.memory_space<vmem>>) attributes {dimension_semantics = [], scalar_prefetch = 0 : i64, scratch_operands = 0 : i64, tpu.core_type = #tpu.core_type<tc>} {
    %get3A = arith.constant 0 : index
    %get3A_0 = arith.constant 0 : index
    %get3A_1 = vector.load %arg0[%get3A, %get3A_0] : memref<64x4096xf32, #tpu.memory_space<vmem>>, vector<64x4096xf32>
    %slice3A = vector.extract_strided_slice %get3A_1 {offsets = [0, 0], sizes = [64, 162], strides = [1, 1]} : vector<64x4096xf32> to vector<64x162xf32>
    %slice3A_2 = vector.extract_strided_slice %get3A_1 {offsets = [0, 256], sizes = [64, 162], strides = [1, 1]} : vector<64x4096xf32> to vector<64x162xf32>
    %add3A = arith.addf %slice3A, %slice3A_2 : vector<64x162xf32>
    %slice3A_3 = vector.extract_strided_slice %get3A_1 {offsets = [0, 512], sizes = [64, 162], strides = [1, 1]} : vector<64x4096xf32> to vector<64x162xf32>
    %add3A_4 = arith.addf %add3A, %slice3A_3 : vector<64x162xf32>
    %slice3A_5 = vector.extract_strided_slice %get3A_1 {offsets = [0, 768], sizes = [64, 162], strides = [1, 1]} : vector<64x4096xf32> to vector<64x162xf32>
    %add3A_6 = arith.addf %add3A_4, %slice3A_5 : vector<64x162xf32>
    %slice3A_7 = vector.extract_strided_slice %get3A_1 {offsets = [0, 1024], sizes = [64, 162], strides = [1, 1]} : vector<64x4096xf32> to vector<64x162xf32>
    %add3A_8 = arith.addf %add3A_6, %slice3A_7 : vector<64x162xf32>
    %slice3A_9 = vector.extract_strided_slice %get3A_1 {offsets = [0, 1280], sizes = [64, 162], strides = [1, 1]} : vector<64x4096xf32> to vector<64x162xf32>
    %add3A_10 = arith.addf %add3A_8, %slice3A_9 : vector<64x162xf32>
    %slice3A_11 = vector.extract_strided_slice %get3A_1 {offsets = [0, 1536], sizes = [64, 162], strides = [1, 1]} : vector<64x4096xf32> to vector<64x162xf32>
    %add3A_12 = arith.addf %add3A_10, %slice3A_11 : vector<64x162xf32>
    %slice3A_13 = vector.extract_strided_slice %get3A_1 {offsets = [0, 1792], sizes = [64, 162], strides = [1, 1]} : vector<64x4096xf32> to vector<64x162xf32>
    %add3A_14 = arith.addf %add3A_12, %slice3A_13 : vector<64x162xf32>
    %slice3A_15 = vector.extract_strided_slice %get3A_1 {offsets = [0, 2048], sizes = [64, 162], strides = [1, 1]} : vector<64x4096xf32> to vector<64x162xf32>
    %add3A_16 = arith.addf %add3A_14, %slice3A_15 : vector<64x162xf32>
    %slice3A_17 = vector.extract_strided_slice %get3A_1 {offsets = [0, 2304], sizes = [64, 162], strides = [1, 1]} : vector<64x4096xf32> to vector<64x162xf32>
    %add3A_18 = arith.addf %add3A_16, %slice3A_17 : vector<64x162xf32>
    %slice3A_19 = vector.extract_strided_slice %get3A_1 {offsets = [0, 2560], sizes = [64, 162], strides = [1, 1]} : vector<64x4096xf32> to vector<64x162xf32>
    %add3A_20 = arith.addf %add3A_18, %slice3A_19 : vector<64x162xf32>
    %slice3A_21 = vector.extract_strided_slice %get3A_1 {offsets = [0, 2816], sizes = [64, 162], strides = [1, 1]} : vector<64x4096xf32> to vector<64x162xf32>
    %add3A_22 = arith.addf %add3A_20, %slice3A_21 : vector<64x162xf32>
    %slice3A_23 = vector.extract_strided_slice %get3A_1 {offsets = [0, 3072], sizes = [64, 162], strides = [1, 1]} : vector<64x4096xf32> to vector<64x162xf32>
    %add3A_24 = arith.addf %add3A_22, %slice3A_23 : vector<64x162xf32>
    %slice3A_25 = vector.extract_strided_slice %get3A_1 {offsets = [0, 3328], sizes = [64, 162], strides = [1, 1]} : vector<64x4096xf32> to vector<64x162xf32>
    %add3A_26 = arith.addf %add3A_24, %slice3A_25 : vector<64x162xf32>
    %slice3A_27 = vector.extract_strided_slice %get3A_1 {offsets = [0, 3584], sizes = [64, 162], strides = [1, 1]} : vector<64x4096xf32> to vector<64x162xf32>
    %add3A_28 = arith.addf %add3A_26, %slice3A_27 : vector<64x162xf32>
    %slice3A_29 = vector.extract_strided_slice %get3A_1 {offsets = [0, 3840], sizes = [64, 162], strides = [1, 1]} : vector<64x4096xf32> to vector<64x162xf32>
    %add3A_30 = arith.addf %add3A_28, %slice3A_29 : vector<64x162xf32>
    %slice3A_31 = vector.extract_strided_slice %add3A_30 {offsets = [0, 144], sizes = [64, 18], strides = [1, 1]} : vector<64x162xf32> to vector<64x18xf32>
    %slice3A_32 = vector.extract_strided_slice %add3A_30 {offsets = [0, 0], sizes = [64, 18], strides = [1, 1]} : vector<64x162xf32> to vector<64x18xf32>
    %add3A_33 = arith.constant 9.99999971E-10 : f32
    %add3A_34 = vector.broadcast %add3A_33 : f32 to vector<64x18xf32>
    %add3A_35 = arith.addf %slice3A_31, %add3A_34 : vector<64x18xf32>
    %div3A = arith.divf %slice3A_32, %add3A_35 : vector<64x18xf32>
    %reduce_sum3A = arith.constant dense<0.000000e+00> : vector<64xf32>
    %reduce_sum3A_36 = vector.multi_reduction <add>, %div3A, %reduce_sum3A [1] : vector<64x18xf32> to vector<64xf32>
    %broadcast_in_dim3A = vector.shape_cast %reduce_sum3A_36 : vector<64xf32> to vector<64x1xf32>
    %add3A_37 = arith.constant 9.99999971E-10 : f32
    %add3A_38 = vector.broadcast %add3A_37 : f32 to vector<64x1xf32>
    %add3A_39 = arith.addf %broadcast_in_dim3A, %add3A_38 : vector<64x1xf32>
    %div3A_40 = vector.broadcast %add3A_39 : vector<64x1xf32> to vector<64x18xf32>
    %div3A_41 = arith.divf %div3A, %div3A_40 : vector<64x18xf32>
    %add3A_42 = arith.constant 9.99999971E-10 : f32
    %add3A_43 = vector.broadcast %add3A_42 : f32 to vector<64x18xf32>
    %add3A_44 = arith.addf %div3A_41, %add3A_43 : vector<64x18xf32>
    %log3A = math.log %add3A_44 : vector<64x18xf32>
    %mul3A = arith.mulf %div3A_41, %log3A : vector<64x18xf32>
    %reduce_sum3A_45 = arith.constant dense<0.000000e+00> : vector<64xf32>
    %reduce_sum3A_46 = vector.multi_reduction <add>, %mul3A, %reduce_sum3A_45 [1] : vector<64x18xf32> to vector<64xf32>
    %broadcast_in_dim3A_47 = vector.shape_cast %reduce_sum3A_46 : vector<64xf32> to vector<64x1xf32>
    %add3A_48 = arith.constant 2.8903718 : f32
    %add3A_49 = vector.broadcast %add3A_48 : f32 to vector<64x1xf32>
    %add3A_50 = arith.addf %add3A_49, %broadcast_in_dim3A_47 : vector<64x1xf32>
    %div3A_51 = arith.constant 2.8903718 : f32
    %div3A_52 = vector.broadcast %div3A_51 : f32 to vector<64x1xf32>
    %div3A_53 = arith.divf %add3A_50, %div3A_52 : vector<64x1xf32>
    %slice3A_54 = vector.extract_strided_slice %add3A_30 {offsets = [0, 18], sizes = [64, 18], strides = [1, 1]} : vector<64x162xf32> to vector<64x18xf32>
    %add3A_55 = arith.constant 9.99999971E-10 : f32
    %add3A_56 = vector.broadcast %add3A_55 : f32 to vector<64x18xf32>
    %add3A_57 = arith.addf %slice3A_31, %add3A_56 : vector<64x18xf32>
    %div3A_58 = arith.divf %slice3A_54, %add3A_57 : vector<64x18xf32>
    %reduce_sum3A_59 = arith.constant dense<0.000000e+00> : vector<64xf32>
    %reduce_sum3A_60 = vector.multi_reduction <add>, %div3A_58, %reduce_sum3A_59 [1] : vector<64x18xf32> to vector<64xf32>
    %broadcast_in_dim3A_61 = vector.shape_cast %reduce_sum3A_60 : vector<64xf32> to vector<64x1xf32>
    %add3A_62 = arith.constant 9.99999971E-10 : f32
    %add3A_63 = vector.broadcast %add3A_62 : f32 to vector<64x1xf32>
    %add3A_64 = arith.addf %broadcast_in_dim3A_61, %add3A_63 : vector<64x1xf32>
    %div3A_65 = vector.broadcast %add3A_64 : vector<64x1xf32> to vector<64x18xf32>
    %div3A_66 = arith.divf %div3A_58, %div3A_65 : vector<64x18xf32>
    %add3A_67 = arith.constant 9.99999971E-10 : f32
    %add3A_68 = vector.broadcast %add3A_67 : f32 to vector<64x18xf32>
    %add3A_69 = arith.addf %div3A_66, %add3A_68 : vector<64x18xf32>
    %log3A_70 = math.log %add3A_69 : vector<64x18xf32>
    %mul3A_71 = arith.mulf %div3A_66, %log3A_70 : vector<64x18xf32>
    %reduce_sum3A_72 = arith.constant dense<0.000000e+00> : vector<64xf32>
    %reduce_sum3A_73 = vector.multi_reduction <add>, %mul3A_71, %reduce_sum3A_72 [1] : vector<64x18xf32> to vector<64xf32>
    %broadcast_in_dim3A_74 = vector.shape_cast %reduce_sum3A_73 : vector<64xf32> to vector<64x1xf32>
    %add3A_75 = arith.constant 2.8903718 : f32
    %add3A_76 = vector.broadcast %add3A_75 : f32 to vector<64x1xf32>
    %add3A_77 = arith.addf %add3A_76, %broadcast_in_dim3A_74 : vector<64x1xf32>
    %div3A_78 = arith.constant 2.8903718 : f32
    %div3A_79 = vector.broadcast %div3A_78 : f32 to vector<64x1xf32>
    %div3A_80 = arith.divf %add3A_77, %div3A_79 : vector<64x1xf32>
    %slice3A_81 = vector.extract_strided_slice %add3A_30 {offsets = [0, 36], sizes = [64, 18], strides = [1, 1]} : vector<64x162xf32> to vector<64x18xf32>
    %add3A_82 = arith.constant 9.99999971E-10 : f32
    %add3A_83 = vector.broadcast %add3A_82 : f32 to vector<64x18xf32>
    %add3A_84 = arith.addf %slice3A_31, %add3A_83 : vector<64x18xf32>
    %div3A_85 = arith.divf %slice3A_81, %add3A_84 : vector<64x18xf32>
    %reduce_sum3A_86 = arith.constant dense<0.000000e+00> : vector<64xf32>
    %reduce_sum3A_87 = vector.multi_reduction <add>, %div3A_85, %reduce_sum3A_86 [1] : vector<64x18xf32> to vector<64xf32>
    %broadcast_in_dim3A_88 = vector.shape_cast %reduce_sum3A_87 : vector<64xf32> to vector<64x1xf32>
    %add3A_89 = arith.constant 9.99999971E-10 : f32
    %add3A_90 = vector.broadcast %add3A_89 : f32 to vector<64x1xf32>
    %add3A_91 = arith.addf %broadcast_in_dim3A_88, %add3A_90 : vector<64x1xf32>
    %div3A_92 = vector.broadcast %add3A_91 : vector<64x1xf32> to vector<64x18xf32>
    %div3A_93 = arith.divf %div3A_85, %div3A_92 : vector<64x18xf32>
    %add3A_94 = arith.constant 9.99999971E-10 : f32
    %add3A_95 = vector.broadcast %add3A_94 : f32 to vector<64x18xf32>
    %add3A_96 = arith.addf %div3A_93, %add3A_95 : vector<64x18xf32>
    %log3A_97 = math.log %add3A_96 : vector<64x18xf32>
    %mul3A_98 = arith.mulf %div3A_93, %log3A_97 : vector<64x18xf32>
    %reduce_sum3A_99 = arith.constant dense<0.000000e+00> : vector<64xf32>
    %reduce_sum3A_100 = vector.multi_reduction <add>, %mul3A_98, %reduce_sum3A_99 [1] : vector<64x18xf32> to vector<64xf32>
    %broadcast_in_dim3A_101 = vector.shape_cast %reduce_sum3A_100 : vector<64xf32> to vector<64x1xf32>
    %add3A_102 = arith.constant 2.8903718 : f32
    %add3A_103 = vector.broadcast %add3A_102 : f32 to vector<64x1xf32>
    %add3A_104 = arith.addf %add3A_103, %broadcast_in_dim3A_101 : vector<64x1xf32>
    %div3A_105 = arith.constant 2.8903718 : f32
    %div3A_106 = vector.broadcast %div3A_105 : f32 to vector<64x1xf32>
    %div3A_107 = arith.divf %add3A_104, %div3A_106 : vector<64x1xf32>
    %slice3A_108 = vector.extract_strided_slice %add3A_30 {offsets = [0, 54], sizes = [64, 18], strides = [1, 1]} : vector<64x162xf32> to vector<64x18xf32>
    %add3A_109 = arith.constant 9.99999971E-10 : f32
    %add3A_110 = vector.broadcast %add3A_109 : f32 to vector<64x18xf32>
    %add3A_111 = arith.addf %slice3A_31, %add3A_110 : vector<64x18xf32>
    %div3A_112 = arith.divf %slice3A_108, %add3A_111 : vector<64x18xf32>
    %reduce_sum3A_113 = arith.constant dense<0.000000e+00> : vector<64xf32>
    %reduce_sum3A_114 = vector.multi_reduction <add>, %div3A_112, %reduce_sum3A_113 [1] : vector<64x18xf32> to vector<64xf32>
    %broadcast_in_dim3A_115 = vector.shape_cast %reduce_sum3A_114 : vector<64xf32> to vector<64x1xf32>
    %add3A_116 = arith.constant 9.99999971E-10 : f32
    %add3A_117 = vector.broadcast %add3A_116 : f32 to vector<64x1xf32>
    %add3A_118 = arith.addf %broadcast_in_dim3A_115, %add3A_117 : vector<64x1xf32>
    %div3A_119 = vector.broadcast %add3A_118 : vector<64x1xf32> to vector<64x18xf32>
    %div3A_120 = arith.divf %div3A_112, %div3A_119 : vector<64x18xf32>
    %add3A_121 = arith.constant 9.99999971E-10 : f32
    %add3A_122 = vector.broadcast %add3A_121 : f32 to vector<64x18xf32>
    %add3A_123 = arith.addf %div3A_120, %add3A_122 : vector<64x18xf32>
    %log3A_124 = math.log %add3A_123 : vector<64x18xf32>
    %mul3A_125 = arith.mulf %div3A_120, %log3A_124 : vector<64x18xf32>
    %reduce_sum3A_126 = arith.constant dense<0.000000e+00> : vector<64xf32>
    %reduce_sum3A_127 = vector.multi_reduction <add>, %mul3A_125, %reduce_sum3A_126 [1] : vector<64x18xf32> to vector<64xf32>
    %broadcast_in_dim3A_128 = vector.shape_cast %reduce_sum3A_127 : vector<64xf32> to vector<64x1xf32>
    %add3A_129 = arith.constant 2.8903718 : f32
    %add3A_130 = vector.broadcast %add3A_129 : f32 to vector<64x1xf32>
    %add3A_131 = arith.addf %add3A_130, %broadcast_in_dim3A_128 : vector<64x1xf32>
    %div3A_132 = arith.constant 2.8903718 : f32
    %div3A_133 = vector.broadcast %div3A_132 : f32 to vector<64x1xf32>
    %div3A_134 = arith.divf %add3A_131, %div3A_133 : vector<64x1xf32>
    %slice3A_135 = vector.extract_strided_slice %add3A_30 {offsets = [0, 72], sizes = [64, 18], strides = [1, 1]} : vector<64x162xf32> to vector<64x18xf32>
    %add3A_136 = arith.constant 9.99999971E-10 : f32
    %add3A_137 = vector.broadcast %add3A_136 : f32 to vector<64x18xf32>
    %add3A_138 = arith.addf %slice3A_31, %add3A_137 : vector<64x18xf32>
    %div3A_139 = arith.divf %slice3A_135, %add3A_138 : vector<64x18xf32>
    %reduce_sum3A_140 = arith.constant dense<0.000000e+00> : vector<64xf32>
    %reduce_sum3A_141 = vector.multi_reduction <add>, %div3A_139, %reduce_sum3A_140 [1] : vector<64x18xf32> to vector<64xf32>
    %broadcast_in_dim3A_142 = vector.shape_cast %reduce_sum3A_141 : vector<64xf32> to vector<64x1xf32>
    %add3A_143 = arith.constant 9.99999971E-10 : f32
    %add3A_144 = vector.broadcast %add3A_143 : f32 to vector<64x1xf32>
    %add3A_145 = arith.addf %broadcast_in_dim3A_142, %add3A_144 : vector<64x1xf32>
    %div3A_146 = vector.broadcast %add3A_145 : vector<64x1xf32> to vector<64x18xf32>
    %div3A_147 = arith.divf %div3A_139, %div3A_146 : vector<64x18xf32>
    %add3A_148 = arith.constant 9.99999971E-10 : f32
    %add3A_149 = vector.broadcast %add3A_148 : f32 to vector<64x18xf32>
    %add3A_150 = arith.addf %div3A_147, %add3A_149 : vector<64x18xf32>
    %log3A_151 = math.log %add3A_150 : vector<64x18xf32>
    %mul3A_152 = arith.mulf %div3A_147, %log3A_151 : vector<64x18xf32>
    %reduce_sum3A_153 = arith.constant dense<0.000000e+00> : vector<64xf32>
    %reduce_sum3A_154 = vector.multi_reduction <add>, %mul3A_152, %reduce_sum3A_153 [1] : vector<64x18xf32> to vector<64xf32>
    %broadcast_in_dim3A_155 = vector.shape_cast %reduce_sum3A_154 : vector<64xf32> to vector<64x1xf32>
    %add3A_156 = arith.constant 2.8903718 : f32
    %add3A_157 = vector.broadcast %add3A_156 : f32 to vector<64x1xf32>
    %add3A_158 = arith.addf %add3A_157, %broadcast_in_dim3A_155 : vector<64x1xf32>
    %div3A_159 = arith.constant 2.8903718 : f32
    %div3A_160 = vector.broadcast %div3A_159 : f32 to vector<64x1xf32>
    %div3A_161 = arith.divf %add3A_158, %div3A_160 : vector<64x1xf32>
    %slice3A_162 = vector.extract_strided_slice %add3A_30 {offsets = [0, 90], sizes = [64, 18], strides = [1, 1]} : vector<64x162xf32> to vector<64x18xf32>
    %add3A_163 = arith.constant 9.99999971E-10 : f32
    %add3A_164 = vector.broadcast %add3A_163 : f32 to vector<64x18xf32>
    %add3A_165 = arith.addf %slice3A_31, %add3A_164 : vector<64x18xf32>
    %div3A_166 = arith.divf %slice3A_162, %add3A_165 : vector<64x18xf32>
    %reduce_sum3A_167 = arith.constant dense<0.000000e+00> : vector<64xf32>
    %reduce_sum3A_168 = vector.multi_reduction <add>, %div3A_166, %reduce_sum3A_167 [1] : vector<64x18xf32> to vector<64xf32>
    %broadcast_in_dim3A_169 = vector.shape_cast %reduce_sum3A_168 : vector<64xf32> to vector<64x1xf32>
    %add3A_170 = arith.constant 9.99999971E-10 : f32
    %add3A_171 = vector.broadcast %add3A_170 : f32 to vector<64x1xf32>
    %add3A_172 = arith.addf %broadcast_in_dim3A_169, %add3A_171 : vector<64x1xf32>
    %div3A_173 = vector.broadcast %add3A_172 : vector<64x1xf32> to vector<64x18xf32>
    %div3A_174 = arith.divf %div3A_166, %div3A_173 : vector<64x18xf32>
    %add3A_175 = arith.constant 9.99999971E-10 : f32
    %add3A_176 = vector.broadcast %add3A_175 : f32 to vector<64x18xf32>
    %add3A_177 = arith.addf %div3A_174, %add3A_176 : vector<64x18xf32>
    %log3A_178 = math.log %add3A_177 : vector<64x18xf32>
    %mul3A_179 = arith.mulf %div3A_174, %log3A_178 : vector<64x18xf32>
    %reduce_sum3A_180 = arith.constant dense<0.000000e+00> : vector<64xf32>
    %reduce_sum3A_181 = vector.multi_reduction <add>, %mul3A_179, %reduce_sum3A_180 [1] : vector<64x18xf32> to vector<64xf32>
    %broadcast_in_dim3A_182 = vector.shape_cast %reduce_sum3A_181 : vector<64xf32> to vector<64x1xf32>
    %add3A_183 = arith.constant 2.8903718 : f32
    %add3A_184 = vector.broadcast %add3A_183 : f32 to vector<64x1xf32>
    %add3A_185 = arith.addf %add3A_184, %broadcast_in_dim3A_182 : vector<64x1xf32>
    %div3A_186 = arith.constant 2.8903718 : f32
    %div3A_187 = vector.broadcast %div3A_186 : f32 to vector<64x1xf32>
    %div3A_188 = arith.divf %add3A_185, %div3A_187 : vector<64x1xf32>
    %slice3A_189 = vector.extract_strided_slice %add3A_30 {offsets = [0, 108], sizes = [64, 18], strides = [1, 1]} : vector<64x162xf32> to vector<64x18xf32>
    %add3A_190 = arith.constant 9.99999971E-10 : f32
    %add3A_191 = vector.broadcast %add3A_190 : f32 to vector<64x18xf32>
    %add3A_192 = arith.addf %slice3A_31, %add3A_191 : vector<64x18xf32>
    %div3A_193 = arith.divf %slice3A_189, %add3A_192 : vector<64x18xf32>
    %reduce_sum3A_194 = arith.constant dense<0.000000e+00> : vector<64xf32>
    %reduce_sum3A_195 = vector.multi_reduction <add>, %div3A_193, %reduce_sum3A_194 [1] : vector<64x18xf32> to vector<64xf32>
    %broadcast_in_dim3A_196 = vector.shape_cast %reduce_sum3A_195 : vector<64xf32> to vector<64x1xf32>
    %add3A_197 = arith.constant 9.99999971E-10 : f32
    %add3A_198 = vector.broadcast %add3A_197 : f32 to vector<64x1xf32>
    %add3A_199 = arith.addf %broadcast_in_dim3A_196, %add3A_198 : vector<64x1xf32>
    %div3A_200 = vector.broadcast %add3A_199 : vector<64x1xf32> to vector<64x18xf32>
    %div3A_201 = arith.divf %div3A_193, %div3A_200 : vector<64x18xf32>
    %add3A_202 = arith.constant 9.99999971E-10 : f32
    %add3A_203 = vector.broadcast %add3A_202 : f32 to vector<64x18xf32>
    %add3A_204 = arith.addf %div3A_201, %add3A_203 : vector<64x18xf32>
    %log3A_205 = math.log %add3A_204 : vector<64x18xf32>
    %mul3A_206 = arith.mulf %div3A_201, %log3A_205 : vector<64x18xf32>
    %reduce_sum3A_207 = arith.constant dense<0.000000e+00> : vector<64xf32>
    %reduce_sum3A_208 = vector.multi_reduction <add>, %mul3A_206, %reduce_sum3A_207 [1] : vector<64x18xf32> to vector<64xf32>
    %broadcast_in_dim3A_209 = vector.shape_cast %reduce_sum3A_208 : vector<64xf32> to vector<64x1xf32>
    %add3A_210 = arith.constant 2.8903718 : f32
    %add3A_211 = vector.broadcast %add3A_210 : f32 to vector<64x1xf32>
    %add3A_212 = arith.addf %add3A_211, %broadcast_in_dim3A_209 : vector<64x1xf32>
    %div3A_213 = arith.constant 2.8903718 : f32
    %div3A_214 = vector.broadcast %div3A_213 : f32 to vector<64x1xf32>
    %div3A_215 = arith.divf %add3A_212, %div3A_214 : vector<64x1xf32>
    %slice3A_216 = vector.extract_strided_slice %add3A_30 {offsets = [0, 126], sizes = [64, 18], strides = [1, 1]} : vector<64x162xf32> to vector<64x18xf32>
    %add3A_217 = arith.constant 9.99999971E-10 : f32
    %add3A_218 = vector.broadcast %add3A_217 : f32 to vector<64x18xf32>
    %add3A_219 = arith.addf %slice3A_31, %add3A_218 : vector<64x18xf32>
    %div3A_220 = arith.divf %slice3A_216, %add3A_219 : vector<64x18xf32>
    %reduce_sum3A_221 = arith.constant dense<0.000000e+00> : vector<64xf32>
    %reduce_sum3A_222 = vector.multi_reduction <add>, %div3A_220, %reduce_sum3A_221 [1] : vector<64x18xf32> to vector<64xf32>
    %broadcast_in_dim3A_223 = vector.shape_cast %reduce_sum3A_222 : vector<64xf32> to vector<64x1xf32>
    %add3A_224 = arith.constant 9.99999971E-10 : f32
    %add3A_225 = vector.broadcast %add3A_224 : f32 to vector<64x1xf32>
    %add3A_226 = arith.addf %broadcast_in_dim3A_223, %add3A_225 : vector<64x1xf32>
    %div3A_227 = vector.broadcast %add3A_226 : vector<64x1xf32> to vector<64x18xf32>
    %div3A_228 = arith.divf %div3A_220, %div3A_227 : vector<64x18xf32>
    %add3A_229 = arith.constant 9.99999971E-10 : f32
    %add3A_230 = vector.broadcast %add3A_229 : f32 to vector<64x18xf32>
    %add3A_231 = arith.addf %div3A_228, %add3A_230 : vector<64x18xf32>
    %log3A_232 = math.log %add3A_231 : vector<64x18xf32>
    %mul3A_233 = arith.mulf %div3A_228, %log3A_232 : vector<64x18xf32>
    %reduce_sum3A_234 = arith.constant dense<0.000000e+00> : vector<64xf32>
    %reduce_sum3A_235 = vector.multi_reduction <add>, %mul3A_233, %reduce_sum3A_234 [1] : vector<64x18xf32> to vector<64xf32>
    %broadcast_in_dim3A_236 = vector.shape_cast %reduce_sum3A_235 : vector<64xf32> to vector<64x1xf32>
    %add3A_237 = arith.constant 2.8903718 : f32
    %add3A_238 = vector.broadcast %add3A_237 : f32 to vector<64x1xf32>
    %add3A_239 = arith.addf %add3A_238, %broadcast_in_dim3A_236 : vector<64x1xf32>
    %div3A_240 = arith.constant 2.8903718 : f32
    %div3A_241 = vector.broadcast %div3A_240 : f32 to vector<64x1xf32>
    %div3A_242 = arith.divf %add3A_239, %div3A_241 : vector<64x1xf32>
    %concatenate3A = tpu.concatenate %div3A_53, %div3A_80, %div3A_107, %div3A_134, %div3A_161, %div3A_188, %div3A_215, %div3A_242 in 1 : vector<64x1xf32>, vector<64x1xf32>, vector<64x1xf32>, vector<64x1xf32>, vector<64x1xf32>, vector<64x1xf32>, vector<64x1xf32>, vector<64x1xf32> -> vector<64x8xf32>
    %get3A_243 = arith.constant 0 : index
    %get3A_244 = arith.constant 0 : index
    %get3A_245 = vector.load %arg1[%get3A_243, %get3A_244] : memref<64x8xf32, #tpu.memory_space<vmem>>, vector<64x8xf32>
    %add3A_246 = arith.addf %concatenate3A, %get3A_245 : vector<64x8xf32>
    %mul3A_247 = arith.constant 5.000000e-01 : f32
    %mul3A_248 = vector.broadcast %mul3A_247 : f32 to vector<64x8xf32>
    %mul3A_249 = arith.mulf %mul3A_248, %add3A_246 : vector<64x8xf32>
    %jit3A = arith.constant 0.000000e+00 : f32
    %ne3A = arith.cmpf one, %mul3A_249, %mul3A_249 : vector<64x8xf32>
    %broadcast_in_dim3A_250 = vector.broadcast %jit3A : f32 to vector<64x8xf32>
    %select_n3A = arith.select %ne3A, %broadcast_in_dim3A_250, %mul3A_249 : vector<64x8xi1>, vector<64x8xf32>
    %eq3A = arith.constant 0x7F800000 : f32
    %eq3A_251 = vector.broadcast %eq3A : f32 to vector<64x8xf32>
    %eq3A_252 = arith.cmpf oeq, %select_n3A, %eq3A_251 : vector<64x8xf32>
    %jit3A_253 = arith.constant 3.40282347E+38 : f32
    %broadcast_in_dim3A_254 = vector.broadcast %jit3A_253 : f32 to vector<64x8xf32>
    %select_n3A_255 = arith.select %eq3A_252, %broadcast_in_dim3A_254, %select_n3A : vector<64x8xi1>, vector<64x8xf32>
    %eq3A_256 = arith.constant 0xFF800000 : f32
    %eq3A_257 = vector.broadcast %eq3A_256 : f32 to vector<64x8xf32>
    %eq3A_258 = arith.cmpf oeq, %select_n3A_255, %eq3A_257 : vector<64x8xf32>
    %jit3A_259 = arith.constant -3.40282347E+38 : f32
    %broadcast_in_dim3A_260 = vector.broadcast %jit3A_259 : f32 to vector<64x8xf32>
    %select_n3A_261 = arith.select %eq3A_258, %broadcast_in_dim3A_260, %select_n3A_255 : vector<64x8xi1>, vector<64x8xf32>
    %swap3A = arith.constant 0 : index
    %swap3A_262 = arith.constant 0 : index
    %swap3A_263 = vector.load %arg2[%swap3A, %swap3A_262] : memref<64x8xf32, #tpu.memory_space<vmem>>, vector<64x8xf32>
    tpu.vector_store %arg2[%swap3A, %swap3A_262], %select_n3A_261 {strides = array<i32>} : memref<64x8xf32, #tpu.memory_space<vmem>>, vector<64x8xf32>,
    return
  }
}

module attributes {stable_mosaic.version = 14 : i64} {
  func.func @_tc_half_kernel(%arg0: i32, %arg1: memref<128x1024xf32, #tpu.memory_space<vmem>>, %arg2: memref<64x8xf32, #tpu.memory_space<vmem>>) attributes {dimension_semantics = [#tpu.dimension_semantics<arbitrary>], iteration_bounds = array<i64: 1>, scalar_prefetch = 0 : i64, scratch_operands = 0 : i64, tpu.core_type = #tpu.core_type<tc>, window_params = [{transform_indices = @transform_0, window_bounds = array<i64: 128, 1024>}, {pipeline_mode = #tpu.pipeline_mode<synchronous>, transform_indices = @transform_1, window_bounds = array<i64: 64, 8>}]} {
    %get3A = arith.constant 0 : index
    %get3A_0 = arith.constant 0 : index
    %get3A_1 = vector.load %arg1[%get3A, %get3A_0] : memref<128x1024xf32, #tpu.memory_space<vmem>>, vector<128x1024xf32>
    %iota3A = tpu.iota {dimensions = array<i32: 0>} : vector<18x1024xi32>
    %convert_element_type3A = arith.sitofp %iota3A : vector<18x1024xi32> to vector<18x1024xf32>
    %broadcast_in_dim3A = arith.constant 1.000000e+00 : f32
    %broadcast_in_dim3A_2 = vector.broadcast %broadcast_in_dim3A : f32 to vector<1x1024xf32>
    %slice3A = vector.extract_strided_slice %get3A_1 {offsets = [0, 0], sizes = [8, 1024], strides = [1, 1]} : vector<128x1024xf32> to vector<8x1024xf32>
    %slice3A_3 = vector.extract_strided_slice %get3A_1 {offsets = [8, 0], sizes = [8, 1024], strides = [1, 1]} : vector<128x1024xf32> to vector<8x1024xf32>
    %concatenate3A = tpu.concatenate %slice3A_3, %broadcast_in_dim3A_2 in 0 : vector<8x1024xf32>, vector<1x1024xf32> -> vector<9x1024xf32>
    %broadcast_in_dim3A_4 = arith.constant 0.000000e+00 : f32
    %broadcast_in_dim3A_5 = vector.broadcast %broadcast_in_dim3A_4 : f32 to vector<8x1024xf32>
    %gt3A = arith.constant -2.79252672 : f32
    %gt3A_6 = vector.broadcast %gt3A : f32 to vector<8x1024xf32>
    %gt3A_7 = arith.cmpf ogt, %slice3A, %gt3A_6 : vector<8x1024xf32>
    %jit3A = arith.constant 1.000000e+00 : f32
    %jit3A_8 = arith.constant 0.000000e+00 : f32
    %broadcast_in_dim3A_9 = vector.broadcast %jit3A : f32 to vector<8x1024xf32>
    %broadcast_in_dim3A_10 = vector.broadcast %jit3A_8 : f32 to vector<8x1024xf32>
    %select_n3A = arith.select %gt3A_7, %broadcast_in_dim3A_9, %broadcast_in_dim3A_10 : vector<8x1024xi1>, vector<8x1024xf32>
    %add3A = arith.addf %broadcast_in_dim3A_5, %select_n3A : vector<8x1024xf32>
    %gt3A_11 = arith.constant -2.44346094 : f32
    %gt3A_12 = vector.broadcast %gt3A_11 : f32 to vector<8x1024xf32>
    %gt3A_13 = arith.cmpf ogt, %slice3A, %gt3A_12 : vector<8x1024xf32>
    %jit3A_14 = arith.constant 1.000000e+00 : f32
    %jit3A_15 = arith.constant 0.000000e+00 : f32
    %broadcast_in_dim3A_16 = vector.broadcast %jit3A_14 : f32 to vector<8x1024xf32>
    %broadcast_in_dim3A_17 = vector.broadcast %jit3A_15 : f32 to vector<8x1024xf32>
    %select_n3A_18 = arith.select %gt3A_13, %broadcast_in_dim3A_16, %broadcast_in_dim3A_17 : vector<8x1024xi1>, vector<8x1024xf32>
    %add3A_19 = arith.addf %add3A, %select_n3A_18 : vector<8x1024xf32>
    %gt3A_20 = arith.constant -2.09439516 : f32
    %gt3A_21 = vector.broadcast %gt3A_20 : f32 to vector<8x1024xf32>
    %gt3A_22 = arith.cmpf ogt, %slice3A, %gt3A_21 : vector<8x1024xf32>
    %jit3A_23 = arith.constant 1.000000e+00 : f32
    %jit3A_24 = arith.constant 0.000000e+00 : f32
    %broadcast_in_dim3A_25 = vector.broadcast %jit3A_23 : f32 to vector<8x1024xf32>
    %broadcast_in_dim3A_26 = vector.broadcast %jit3A_24 : f32 to vector<8x1024xf32>
    %select_n3A_27 = arith.select %gt3A_22, %broadcast_in_dim3A_25, %broadcast_in_dim3A_26 : vector<8x1024xi1>, vector<8x1024xf32>
    %add3A_28 = arith.addf %add3A_19, %select_n3A_27 : vector<8x1024xf32>
    %gt3A_29 = arith.constant -1.74532926 : f32
    %gt3A_30 = vector.broadcast %gt3A_29 : f32 to vector<8x1024xf32>
    %gt3A_31 = arith.cmpf ogt, %slice3A, %gt3A_30 : vector<8x1024xf32>
    %jit3A_32 = arith.constant 1.000000e+00 : f32
    %jit3A_33 = arith.constant 0.000000e+00 : f32
    %broadcast_in_dim3A_34 = vector.broadcast %jit3A_32 : f32 to vector<8x1024xf32>
    %broadcast_in_dim3A_35 = vector.broadcast %jit3A_33 : f32 to vector<8x1024xf32>
    %select_n3A_36 = arith.select %gt3A_31, %broadcast_in_dim3A_34, %broadcast_in_dim3A_35 : vector<8x1024xi1>, vector<8x1024xf32>
    %add3A_37 = arith.addf %add3A_28, %select_n3A_36 : vector<8x1024xf32>
    %gt3A_38 = arith.constant -1.39626336 : f32
    %gt3A_39 = vector.broadcast %gt3A_38 : f32 to vector<8x1024xf32>
    %gt3A_40 = arith.cmpf ogt, %slice3A, %gt3A_39 : vector<8x1024xf32>
    %jit3A_41 = arith.constant 1.000000e+00 : f32
    %jit3A_42 = arith.constant 0.000000e+00 : f32
    %broadcast_in_dim3A_43 = vector.broadcast %jit3A_41 : f32 to vector<8x1024xf32>
    %broadcast_in_dim3A_44 = vector.broadcast %jit3A_42 : f32 to vector<8x1024xf32>
    %select_n3A_45 = arith.select %gt3A_40, %broadcast_in_dim3A_43, %broadcast_in_dim3A_44 : vector<8x1024xi1>, vector<8x1024xf32>
    %add3A_46 = arith.addf %add3A_37, %select_n3A_45 : vector<8x1024xf32>
    %gt3A_47 = arith.constant -1.04719758 : f32
    %gt3A_48 = vector.broadcast %gt3A_47 : f32 to vector<8x1024xf32>
    %gt3A_49 = arith.cmpf ogt, %slice3A, %gt3A_48 : vector<8x1024xf32>
    %jit3A_50 = arith.constant 1.000000e+00 : f32
    %jit3A_51 = arith.constant 0.000000e+00 : f32
    %broadcast_in_dim3A_52 = vector.broadcast %jit3A_50 : f32 to vector<8x1024xf32>
    %broadcast_in_dim3A_53 = vector.broadcast %jit3A_51 : f32 to vector<8x1024xf32>
    %select_n3A_54 = arith.select %gt3A_49, %broadcast_in_dim3A_52, %broadcast_in_dim3A_53 : vector<8x1024xi1>, vector<8x1024xf32>
    %add3A_55 = arith.addf %add3A_46, %select_n3A_54 : vector<8x1024xf32>
    %gt3A_56 = arith.constant -0.69813168 : f32
    %gt3A_57 = vector.broadcast %gt3A_56 : f32 to vector<8x1024xf32>
    %gt3A_58 = arith.cmpf ogt, %slice3A, %gt3A_57 : vector<8x1024xf32>
    %jit3A_59 = arith.constant 1.000000e+00 : f32
    %jit3A_60 = arith.constant 0.000000e+00 : f32
    %broadcast_in_dim3A_61 = vector.broadcast %jit3A_59 : f32 to vector<8x1024xf32>
    %broadcast_in_dim3A_62 = vector.broadcast %jit3A_60 : f32 to vector<8x1024xf32>
    %select_n3A_63 = arith.select %gt3A_58, %broadcast_in_dim3A_61, %broadcast_in_dim3A_62 : vector<8x1024xi1>, vector<8x1024xf32>
    %add3A_64 = arith.addf %add3A_55, %select_n3A_63 : vector<8x1024xf32>
    %gt3A_65 = arith.constant -0.34906584 : f32
    %gt3A_66 = vector.broadcast %gt3A_65 : f32 to vector<8x1024xf32>
    %gt3A_67 = arith.cmpf ogt, %slice3A, %gt3A_66 : vector<8x1024xf32>
    %jit3A_68 = arith.constant 1.000000e+00 : f32
    %jit3A_69 = arith.constant 0.000000e+00 : f32
    %broadcast_in_dim3A_70 = vector.broadcast %jit3A_68 : f32 to vector<8x1024xf32>
    %broadcast_in_dim3A_71 = vector.broadcast %jit3A_69 : f32 to vector<8x1024xf32>
    %select_n3A_72 = arith.select %gt3A_67, %broadcast_in_dim3A_70, %broadcast_in_dim3A_71 : vector<8x1024xi1>, vector<8x1024xf32>
    %add3A_73 = arith.addf %add3A_64, %select_n3A_72 : vector<8x1024xf32>
    %gt3A_74 = arith.constant 0.000000e+00 : f32
    %gt3A_75 = vector.broadcast %gt3A_74 : f32 to vector<8x1024xf32>
    %gt3A_76 = arith.cmpf ogt, %slice3A, %gt3A_75 : vector<8x1024xf32>
    %jit3A_77 = arith.constant 1.000000e+00 : f32
    %jit3A_78 = arith.constant 0.000000e+00 : f32
    %broadcast_in_dim3A_79 = vector.broadcast %jit3A_77 : f32 to vector<8x1024xf32>
    %broadcast_in_dim3A_80 = vector.broadcast %jit3A_78 : f32 to vector<8x1024xf32>
    %select_n3A_81 = arith.select %gt3A_76, %broadcast_in_dim3A_79, %broadcast_in_dim3A_80 : vector<8x1024xi1>, vector<8x1024xf32>
    %add3A_82 = arith.addf %add3A_73, %select_n3A_81 : vector<8x1024xf32>
    %gt3A_83 = arith.constant 0.34906584 : f32
    %gt3A_84 = vector.broadcast %gt3A_83 : f32 to vector<8x1024xf32>
    %gt3A_85 = arith.cmpf ogt, %slice3A, %gt3A_84 : vector<8x1024xf32>
    %jit3A_86 = arith.constant 1.000000e+00 : f32
    %jit3A_87 = arith.constant 0.000000e+00 : f32
    %broadcast_in_dim3A_88 = vector.broadcast %jit3A_86 : f32 to vector<8x1024xf32>
    %broadcast_in_dim3A_89 = vector.broadcast %jit3A_87 : f32 to vector<8x1024xf32>
    %select_n3A_90 = arith.select %gt3A_85, %broadcast_in_dim3A_88, %broadcast_in_dim3A_89 : vector<8x1024xi1>, vector<8x1024xf32>
    %add3A_91 = arith.addf %add3A_82, %select_n3A_90 : vector<8x1024xf32>
    %gt3A_92 = arith.constant 0.69813168 : f32
    %gt3A_93 = vector.broadcast %gt3A_92 : f32 to vector<8x1024xf32>
    %gt3A_94 = arith.cmpf ogt, %slice3A, %gt3A_93 : vector<8x1024xf32>
    %jit3A_95 = arith.constant 1.000000e+00 : f32
    %jit3A_96 = arith.constant 0.000000e+00 : f32
    %broadcast_in_dim3A_97 = vector.broadcast %jit3A_95 : f32 to vector<8x1024xf32>
    %broadcast_in_dim3A_98 = vector.broadcast %jit3A_96 : f32 to vector<8x1024xf32>
    %select_n3A_99 = arith.select %gt3A_94, %broadcast_in_dim3A_97, %broadcast_in_dim3A_98 : vector<8x1024xi1>, vector<8x1024xf32>
    %add3A_100 = arith.addf %add3A_91, %select_n3A_99 : vector<8x1024xf32>
    %gt3A_101 = arith.constant 1.04719758 : f32
    %gt3A_102 = vector.broadcast %gt3A_101 : f32 to vector<8x1024xf32>
    %gt3A_103 = arith.cmpf ogt, %slice3A, %gt3A_102 : vector<8x1024xf32>
    %jit3A_104 = arith.constant 1.000000e+00 : f32
    %jit3A_105 = arith.constant 0.000000e+00 : f32
    %broadcast_in_dim3A_106 = vector.broadcast %jit3A_104 : f32 to vector<8x1024xf32>
    %broadcast_in_dim3A_107 = vector.broadcast %jit3A_105 : f32 to vector<8x1024xf32>
    %select_n3A_108 = arith.select %gt3A_103, %broadcast_in_dim3A_106, %broadcast_in_dim3A_107 : vector<8x1024xi1>, vector<8x1024xf32>
    %add3A_109 = arith.addf %add3A_100, %select_n3A_108 : vector<8x1024xf32>
    %gt3A_110 = arith.constant 1.39626336 : f32
    %gt3A_111 = vector.broadcast %gt3A_110 : f32 to vector<8x1024xf32>
    %gt3A_112 = arith.cmpf ogt, %slice3A, %gt3A_111 : vector<8x1024xf32>
    %jit3A_113 = arith.constant 1.000000e+00 : f32
    %jit3A_114 = arith.constant 0.000000e+00 : f32
    %broadcast_in_dim3A_115 = vector.broadcast %jit3A_113 : f32 to vector<8x1024xf32>
    %broadcast_in_dim3A_116 = vector.broadcast %jit3A_114 : f32 to vector<8x1024xf32>
    %select_n3A_117 = arith.select %gt3A_112, %broadcast_in_dim3A_115, %broadcast_in_dim3A_116 : vector<8x1024xi1>, vector<8x1024xf32>
    %add3A_118 = arith.addf %add3A_109, %select_n3A_117 : vector<8x1024xf32>
    %gt3A_119 = arith.constant 1.74532926 : f32
    %gt3A_120 = vector.broadcast %gt3A_119 : f32 to vector<8x1024xf32>
    %gt3A_121 = arith.cmpf ogt, %slice3A, %gt3A_120 : vector<8x1024xf32>
    %jit3A_122 = arith.constant 1.000000e+00 : f32
    %jit3A_123 = arith.constant 0.000000e+00 : f32
    %broadcast_in_dim3A_124 = vector.broadcast %jit3A_122 : f32 to vector<8x1024xf32>
    %broadcast_in_dim3A_125 = vector.broadcast %jit3A_123 : f32 to vector<8x1024xf32>
    %select_n3A_126 = arith.select %gt3A_121, %broadcast_in_dim3A_124, %broadcast_in_dim3A_125 : vector<8x1024xi1>, vector<8x1024xf32>
    %add3A_127 = arith.addf %add3A_118, %select_n3A_126 : vector<8x1024xf32>
    %gt3A_128 = arith.constant 2.09439516 : f32
    %gt3A_129 = vector.broadcast %gt3A_128 : f32 to vector<8x1024xf32>
    %gt3A_130 = arith.cmpf ogt, %slice3A, %gt3A_129 : vector<8x1024xf32>
    %jit3A_131 = arith.constant 1.000000e+00 : f32
    %jit3A_132 = arith.constant 0.000000e+00 : f32
    %broadcast_in_dim3A_133 = vector.broadcast %jit3A_131 : f32 to vector<8x1024xf32>
    %broadcast_in_dim3A_134 = vector.broadcast %jit3A_132 : f32 to vector<8x1024xf32>
    %select_n3A_135 = arith.select %gt3A_130, %broadcast_in_dim3A_133, %broadcast_in_dim3A_134 : vector<8x1024xi1>, vector<8x1024xf32>
    %add3A_136 = arith.addf %add3A_127, %select_n3A_135 : vector<8x1024xf32>
    %gt3A_137 = arith.constant 2.44346094 : f32
    %gt3A_138 = vector.broadcast %gt3A_137 : f32 to vector<8x1024xf32>
    %gt3A_139 = arith.cmpf ogt, %slice3A, %gt3A_138 : vector<8x1024xf32>
    %jit3A_140 = arith.constant 1.000000e+00 : f32
    %jit3A_141 = arith.constant 0.000000e+00 : f32
    %broadcast_in_dim3A_142 = vector.broadcast %jit3A_140 : f32 to vector<8x1024xf32>
    %broadcast_in_dim3A_143 = vector.broadcast %jit3A_141 : f32 to vector<8x1024xf32>
    %select_n3A_144 = arith.select %gt3A_139, %broadcast_in_dim3A_142, %broadcast_in_dim3A_143 : vector<8x1024xi1>, vector<8x1024xf32>
    %add3A_145 = arith.addf %add3A_136, %select_n3A_144 : vector<8x1024xf32>
    %gt3A_146 = arith.constant 2.79252672 : f32
    %gt3A_147 = vector.broadcast %gt3A_146 : f32 to vector<8x1024xf32>
    %gt3A_148 = arith.cmpf ogt, %slice3A, %gt3A_147 : vector<8x1024xf32>
    %jit3A_149 = arith.constant 1.000000e+00 : f32
    %jit3A_150 = arith.constant 0.000000e+00 : f32
    %broadcast_in_dim3A_151 = vector.broadcast %jit3A_149 : f32 to vector<8x1024xf32>
    %broadcast_in_dim3A_152 = vector.broadcast %jit3A_150 : f32 to vector<8x1024xf32>
    %select_n3A_153 = arith.select %gt3A_148, %broadcast_in_dim3A_151, %broadcast_in_dim3A_152 : vector<8x1024xi1>, vector<8x1024xf32>
    %add3A_154 = arith.addf %add3A_145, %select_n3A_153 : vector<8x1024xf32>
    %slice3A_155 = vector.extract_strided_slice %add3A_154 {offsets = [0, 0], sizes = [1, 1024], strides = [1, 1]} : vector<8x1024xf32> to vector<1x1024xf32>
    %broadcast_in_dim3A_156 = vector.shape_cast %slice3A_155 : vector<1x1024xf32> to vector<1x1024xf32>
    %broadcast_in_dim3A_157 = vector.broadcast %broadcast_in_dim3A_156 : vector<1x1024xf32> to vector<18x1024xf32>
    %eq3A = arith.cmpf oeq, %broadcast_in_dim3A_157, %convert_element_type3A : vector<18x1024xf32>
    %jit3A_158 = arith.constant 1.000000e+00 : f32
    %jit3A_159 = arith.constant 0.000000e+00 : f32
    %broadcast_in_dim3A_160 = vector.broadcast %jit3A_158 : f32 to vector<18x1024xf32>
    %broadcast_in_dim3A_161 = vector.broadcast %jit3A_159 : f32 to vector<18x1024xf32>
    %select_n3A_162 = arith.select %eq3A, %broadcast_in_dim3A_160, %broadcast_in_dim3A_161 : vector<18x1024xi1>, vector<18x1024xf32>
    %dot_general3A = arith.constant dense<0.000000e+00> : vector<9x18xf32>
    %dot_general3A_163 = tpu.matmul %concatenate3A, %select_n3A_162, %dot_general3A {dimension_numbers = #tpu.dot_dimension_numbers<[1], [1], [0], [0], [0, 0, 1, 0], [], []>, precision = #tpu.contract_precision<fp32>, transpose_lhs_hint = false} : vector<9x1024xf32>, vector<18x1024xf32>, vector<9x18xf32> -> vector<9x18xf32>
    %slice3A_164 = vector.extract_strided_slice %dot_general3A_163 {offsets = [0, 0], sizes = [8, 18], strides = [1, 1]} : vector<9x18xf32> to vector<8x18xf32>
    %slice3A_165 = vector.extract_strided_slice %dot_general3A_163 {offsets = [8, 0], sizes = [1, 18], strides = [1, 1]} : vector<9x18xf32> to vector<1x18xf32>
    %add3A_166 = arith.constant 9.99999971E-10 : f32
    %add3A_167 = vector.broadcast %add3A_166 : f32 to vector<1x18xf32>
    %add3A_168 = arith.addf %slice3A_165, %add3A_167 : vector<1x18xf32>
    %div3A = vector.broadcast %add3A_168 : vector<1x18xf32> to vector<8x18xf32>
    %div3A_169 = arith.divf %slice3A_164, %div3A : vector<8x18xf32>
    %reduce_sum3A = arith.constant dense<0.000000e+00> : vector<8xf32>
    %reduce_sum3A_170 = vector.multi_reduction <add>, %div3A_169, %reduce_sum3A [1] : vector<8x18xf32> to vector<8xf32>
    %broadcast_in_dim3A_171 = vector.shape_cast %reduce_sum3A_170 : vector<8xf32> to vector<8x1xf32>
    %add3A_172 = arith.constant 9.99999971E-10 : f32
    %add3A_173 = vector.broadcast %add3A_172 : f32 to vector<8x1xf32>
    %add3A_174 = arith.addf %broadcast_in_dim3A_171, %add3A_173 : vector<8x1xf32>
    %div3A_175 = vector.broadcast %add3A_174 : vector<8x1xf32> to vector<8x18xf32>
    %div3A_176 = arith.divf %div3A_169, %div3A_175 : vector<8x18xf32>
    %add3A_177 = arith.constant 9.99999971E-10 : f32
    %add3A_178 = vector.broadcast %add3A_177 : f32 to vector<8x18xf32>
    %add3A_179 = arith.addf %div3A_176, %add3A_178 : vector<8x18xf32>
    %log3A = math.log %add3A_179 : vector<8x18xf32>
    %mul3A = arith.mulf %div3A_176, %log3A : vector<8x18xf32>
    %reduce_sum3A_180 = arith.constant dense<0.000000e+00> : vector<8xf32>
    %reduce_sum3A_181 = vector.multi_reduction <add>, %mul3A, %reduce_sum3A_180 [1] : vector<8x18xf32> to vector<8xf32>
    %broadcast_in_dim3A_182 = vector.shape_cast %reduce_sum3A_181 : vector<8xf32> to vector<8x1xf32>
    %add3A_183 = arith.constant 2.8903718 : f32
    %add3A_184 = vector.broadcast %add3A_183 : f32 to vector<8x1xf32>
    %add3A_185 = arith.addf %add3A_184, %broadcast_in_dim3A_182 : vector<8x1xf32>
    %div3A_186 = arith.constant 2.8903718 : f32
    %div3A_187 = vector.broadcast %div3A_186 : f32 to vector<8x1xf32>
    %div3A_188 = arith.divf %add3A_185, %div3A_187 : vector<8x1xf32>
    %squeeze3A = vector.shape_cast %div3A_188 : vector<8x1xf32> to vector<8xf32>
    %swap3A = arith.constant 0 : index
    %swap3A_189 = arith.constant 0 : index
    %swap3A_190 = vector.load %arg2[%swap3A, %swap3A_189] : memref<64x8xf32, #tpu.memory_space<vmem>>, vector<1x8xf32>
    %swap3A_191 = vector.shape_cast %swap3A_190 : vector<1x8xf32> to vector<8xf32>
    %swap3A_192 = vector.shape_cast %squeeze3A : vector<8xf32> to vector<1x8xf32>
    tpu.vector_store %arg2[%swap3A, %swap3A_189], %swap3A_192 {strides = array<i32>} : memref<64x8xf32, #tpu.memory_space<vmem>>, vector<1x8xf32>,
    %slice3A_193 = vector.extract_strided_slice %add3A_154 {offsets = [1, 0], sizes = [1, 1024], strides = [1, 1]} : vector<8x1024xf32> to vector<1x1024xf32>
    %broadcast_in_dim3A_194 = vector.shape_cast %slice3A_193 : vector<1x1024xf32> to vector<1x1024xf32>
    %broadcast_in_dim3A_195 = vector.broadcast %broadcast_in_dim3A_194 : vector<1x1024xf32> to vector<18x1024xf32>
    %eq3A_196 = arith.cmpf oeq, %broadcast_in_dim3A_195, %convert_element_type3A : vector<18x1024xf32>
    %jit3A_197 = arith.constant 1.000000e+00 : f32
    %jit3A_198 = arith.constant 0.000000e+00 : f32
    %broadcast_in_dim3A_199 = vector.broadcast %jit3A_197 : f32 to vector<18x1024xf32>
    %broadcast_in_dim3A_200 = vector.broadcast %jit3A_198 : f32 to vector<18x1024xf32>
    %select_n3A_201 = arith.select %eq3A_196, %broadcast_in_dim3A_199, %broadcast_in_dim3A_200 : vector<18x1024xi1>, vector<18x1024xf32>
    %dot_general3A_202 = arith.constant dense<0.000000e+00> : vector<9x18xf32>
    %dot_general3A_203 = tpu.matmul %concatenate3A, %select_n3A_201, %dot_general3A_202 {dimension_numbers = #tpu.dot_dimension_numbers<[1], [1], [0], [0], [0, 0, 1, 0], [], []>, precision = #tpu.contract_precision<fp32>, transpose_lhs_hint = false} : vector<9x1024xf32>, vector<18x1024xf32>, vector<9x18xf32> -> vector<9x18xf32>
    %slice3A_204 = vector.extract_strided_slice %dot_general3A_203 {offsets = [0, 0], sizes = [8, 18], strides = [1, 1]} : vector<9x18xf32> to vector<8x18xf32>
    %slice3A_205 = vector.extract_strided_slice %dot_general3A_203 {offsets = [8, 0], sizes = [1, 18], strides = [1, 1]} : vector<9x18xf32> to vector<1x18xf32>
    %add3A_206 = arith.constant 9.99999971E-10 : f32
    %add3A_207 = vector.broadcast %add3A_206 : f32 to vector<1x18xf32>
    %add3A_208 = arith.addf %slice3A_205, %add3A_207 : vector<1x18xf32>
    %div3A_209 = vector.broadcast %add3A_208 : vector<1x18xf32> to vector<8x18xf32>
    %div3A_210 = arith.divf %slice3A_204, %div3A_209 : vector<8x18xf32>
    %reduce_sum3A_211 = arith.constant dense<0.000000e+00> : vector<8xf32>
    %reduce_sum3A_212 = vector.multi_reduction <add>, %div3A_210, %reduce_sum3A_211 [1] : vector<8x18xf32> to vector<8xf32>
    %broadcast_in_dim3A_213 = vector.shape_cast %reduce_sum3A_212 : vector<8xf32> to vector<8x1xf32>
    %add3A_214 = arith.constant 9.99999971E-10 : f32
    %add3A_215 = vector.broadcast %add3A_214 : f32 to vector<8x1xf32>
    %add3A_216 = arith.addf %broadcast_in_dim3A_213, %add3A_215 : vector<8x1xf32>
    %div3A_217 = vector.broadcast %add3A_216 : vector<8x1xf32> to vector<8x18xf32>
    %div3A_218 = arith.divf %div3A_210, %div3A_217 : vector<8x18xf32>
    %add3A_219 = arith.constant 9.99999971E-10 : f32
    %add3A_220 = vector.broadcast %add3A_219 : f32 to vector<8x18xf32>
    %add3A_221 = arith.addf %div3A_218, %add3A_220 : vector<8x18xf32>
    %log3A_222 = math.log %add3A_221 : vector<8x18xf32>
    %mul3A_223 = arith.mulf %div3A_218, %log3A_222 : vector<8x18xf32>
    %reduce_sum3A_224 = arith.constant dense<0.000000e+00> : vector<8xf32>
    %reduce_sum3A_225 = vector.multi_reduction <add>, %mul3A_223, %reduce_sum3A_224 [1] : vector<8x18xf32> to vector<8xf32>
    %broadcast_in_dim3A_226 = vector.shape_cast %reduce_sum3A_225 : vector<8xf32> to vector<8x1xf32>
    %add3A_227 = arith.constant 2.8903718 : f32
    %add3A_228 = vector.broadcast %add3A_227 : f32 to vector<8x1xf32>
    %add3A_229 = arith.addf %add3A_228, %broadcast_in_dim3A_226 : vector<8x1xf32>
    %div3A_230 = arith.constant 2.8903718 : f32
    %div3A_231 = vector.broadcast %div3A_230 : f32 to vector<8x1xf32>
    %div3A_232 = arith.divf %add3A_229, %div3A_231 : vector<8x1xf32>
    %squeeze3A_233 = vector.shape_cast %div3A_232 : vector<8x1xf32> to vector<8xf32>
    %swap3A_234 = arith.constant 1 : index
    %swap3A_235 = arith.constant 0 : index
    %swap3A_236 = vector.load %arg2[%swap3A_234, %swap3A_235] : memref<64x8xf32, #tpu.memory_space<vmem>>, vector<1x8xf32>
    %swap3A_237 = vector.shape_cast %swap3A_236 : vector<1x8xf32> to vector<8xf32>
    %swap3A_238 = vector.shape_cast %squeeze3A_233 : vector<8xf32> to vector<1x8xf32>
    tpu.vector_store %arg2[%swap3A_234, %swap3A_235], %swap3A_238 {strides = array<i32>} : memref<64x8xf32, #tpu.memory_space<vmem>>, vector<1x8xf32>,
    %slice3A_239 = vector.extract_strided_slice %add3A_154 {offsets = [2, 0], sizes = [1, 1024], strides = [1, 1]} : vector<8x1024xf32> to vector<1x1024xf32>
    %broadcast_in_dim3A_240 = vector.shape_cast %slice3A_239 : vector<1x1024xf32> to vector<1x1024xf32>
    %broadcast_in_dim3A_241 = vector.broadcast %broadcast_in_dim3A_240 : vector<1x1024xf32> to vector<18x1024xf32>
    %eq3A_242 = arith.cmpf oeq, %broadcast_in_dim3A_241, %convert_element_type3A : vector<18x1024xf32>
    %jit3A_243 = arith.constant 1.000000e+00 : f32
    %jit3A_244 = arith.constant 0.000000e+00 : f32
    %broadcast_in_dim3A_245 = vector.broadcast %jit3A_243 : f32 to vector<18x1024xf32>
    %broadcast_in_dim3A_246 = vector.broadcast %jit3A_244 : f32 to vector<18x1024xf32>
    %select_n3A_247 = arith.select %eq3A_242, %broadcast_in_dim3A_245, %broadcast_in_dim3A_246 : vector<18x1024xi1>, vector<18x1024xf32>
    %dot_general3A_248 = arith.constant dense<0.000000e+00> : vector<9x18xf32>
    %dot_general3A_249 = tpu.matmul %concatenate3A, %select_n3A_247, %dot_general3A_248 {dimension_numbers = #tpu.dot_dimension_numbers<[1], [1], [0], [0], [0, 0, 1, 0], [], []>, precision = #tpu.contract_precision<fp32>, transpose_lhs_hint = false} : vector<9x1024xf32>, vector<18x1024xf32>, vector<9x18xf32> -> vector<9x18xf32>
    %slice3A_250 = vector.extract_strided_slice %dot_general3A_249 {offsets = [0, 0], sizes = [8, 18], strides = [1, 1]} : vector<9x18xf32> to vector<8x18xf32>
    %slice3A_251 = vector.extract_strided_slice %dot_general3A_249 {offsets = [8, 0], sizes = [1, 18], strides = [1, 1]} : vector<9x18xf32> to vector<1x18xf32>
    %add3A_252 = arith.constant 9.99999971E-10 : f32
    %add3A_253 = vector.broadcast %add3A_252 : f32 to vector<1x18xf32>
    %add3A_254 = arith.addf %slice3A_251, %add3A_253 : vector<1x18xf32>
    %div3A_255 = vector.broadcast %add3A_254 : vector<1x18xf32> to vector<8x18xf32>
    %div3A_256 = arith.divf %slice3A_250, %div3A_255 : vector<8x18xf32>
    %reduce_sum3A_257 = arith.constant dense<0.000000e+00> : vector<8xf32>
    %reduce_sum3A_258 = vector.multi_reduction <add>, %div3A_256, %reduce_sum3A_257 [1] : vector<8x18xf32> to vector<8xf32>
    %broadcast_in_dim3A_259 = vector.shape_cast %reduce_sum3A_258 : vector<8xf32> to vector<8x1xf32>
    %add3A_260 = arith.constant 9.99999971E-10 : f32
    %add3A_261 = vector.broadcast %add3A_260 : f32 to vector<8x1xf32>
    %add3A_262 = arith.addf %broadcast_in_dim3A_259, %add3A_261 : vector<8x1xf32>
    %div3A_263 = vector.broadcast %add3A_262 : vector<8x1xf32> to vector<8x18xf32>
    %div3A_264 = arith.divf %div3A_256, %div3A_263 : vector<8x18xf32>
    %add3A_265 = arith.constant 9.99999971E-10 : f32
    %add3A_266 = vector.broadcast %add3A_265 : f32 to vector<8x18xf32>
    %add3A_267 = arith.addf %div3A_264, %add3A_266 : vector<8x18xf32>
    %log3A_268 = math.log %add3A_267 : vector<8x18xf32>
    %mul3A_269 = arith.mulf %div3A_264, %log3A_268 : vector<8x18xf32>
    %reduce_sum3A_270 = arith.constant dense<0.000000e+00> : vector<8xf32>
    %reduce_sum3A_271 = vector.multi_reduction <add>, %mul3A_269, %reduce_sum3A_270 [1] : vector<8x18xf32> to vector<8xf32>
    %broadcast_in_dim3A_272 = vector.shape_cast %reduce_sum3A_271 : vector<8xf32> to vector<8x1xf32>
    %add3A_273 = arith.constant 2.8903718 : f32
    %add3A_274 = vector.broadcast %add3A_273 : f32 to vector<8x1xf32>
    %add3A_275 = arith.addf %add3A_274, %broadcast_in_dim3A_272 : vector<8x1xf32>
    %div3A_276 = arith.constant 2.8903718 : f32
    %div3A_277 = vector.broadcast %div3A_276 : f32 to vector<8x1xf32>
    %div3A_278 = arith.divf %add3A_275, %div3A_277 : vector<8x1xf32>
    %squeeze3A_279 = vector.shape_cast %div3A_278 : vector<8x1xf32> to vector<8xf32>
    %swap3A_280 = arith.constant 2 : index
    %swap3A_281 = arith.constant 0 : index
    %swap3A_282 = vector.load %arg2[%swap3A_280, %swap3A_281] : memref<64x8xf32, #tpu.memory_space<vmem>>, vector<1x8xf32>
    %swap3A_283 = vector.shape_cast %swap3A_282 : vector<1x8xf32> to vector<8xf32>
    %swap3A_284 = vector.shape_cast %squeeze3A_279 : vector<8xf32> to vector<1x8xf32>
    tpu.vector_store %arg2[%swap3A_280, %swap3A_281], %swap3A_284 {strides = array<i32>} : memref<64x8xf32, #tpu.memory_space<vmem>>, vector<1x8xf32>,
    %slice3A_285 = vector.extract_strided_slice %add3A_154 {offsets = [3, 0], sizes = [1, 1024], strides = [1, 1]} : vector<8x1024xf32> to vector<1x1024xf32>
    %broadcast_in_dim3A_286 = vector.shape_cast %slice3A_285 : vector<1x1024xf32> to vector<1x1024xf32>
    %broadcast_in_dim3A_287 = vector.broadcast %broadcast_in_dim3A_286 : vector<1x1024xf32> to vector<18x1024xf32>
    %eq3A_288 = arith.cmpf oeq, %broadcast_in_dim3A_287, %convert_element_type3A : vector<18x1024xf32>
    %jit3A_289 = arith.constant 1.000000e+00 : f32
    %jit3A_290 = arith.constant 0.000000e+00 : f32
    %broadcast_in_dim3A_291 = vector.broadcast %jit3A_289 : f32 to vector<18x1024xf32>
    %broadcast_in_dim3A_292 = vector.broadcast %jit3A_290 : f32 to vector<18x1024xf32>
    %select_n3A_293 = arith.select %eq3A_288, %broadcast_in_dim3A_291, %broadcast_in_dim3A_292 : vector<18x1024xi1>, vector<18x1024xf32>
    %dot_general3A_294 = arith.constant dense<0.000000e+00> : vector<9x18xf32>
    %dot_general3A_295 = tpu.matmul %concatenate3A, %select_n3A_293, %dot_general3A_294 {dimension_numbers = #tpu.dot_dimension_numbers<[1], [1], [0], [0], [0, 0, 1, 0], [], []>, precision = #tpu.contract_precision<fp32>, transpose_lhs_hint = false} : vector<9x1024xf32>, vector<18x1024xf32>, vector<9x18xf32> -> vector<9x18xf32>
    %slice3A_296 = vector.extract_strided_slice %dot_general3A_295 {offsets = [0, 0], sizes = [8, 18], strides = [1, 1]} : vector<9x18xf32> to vector<8x18xf32>
    %slice3A_297 = vector.extract_strided_slice %dot_general3A_295 {offsets = [8, 0], sizes = [1, 18], strides = [1, 1]} : vector<9x18xf32> to vector<1x18xf32>
    %add3A_298 = arith.constant 9.99999971E-10 : f32
    %add3A_299 = vector.broadcast %add3A_298 : f32 to vector<1x18xf32>
    %add3A_300 = arith.addf %slice3A_297, %add3A_299 : vector<1x18xf32>
    %div3A_301 = vector.broadcast %add3A_300 : vector<1x18xf32> to vector<8x18xf32>
    %div3A_302 = arith.divf %slice3A_296, %div3A_301 : vector<8x18xf32>
    %reduce_sum3A_303 = arith.constant dense<0.000000e+00> : vector<8xf32>
    %reduce_sum3A_304 = vector.multi_reduction <add>, %div3A_302, %reduce_sum3A_303 [1] : vector<8x18xf32> to vector<8xf32>
    %broadcast_in_dim3A_305 = vector.shape_cast %reduce_sum3A_304 : vector<8xf32> to vector<8x1xf32>
    %add3A_306 = arith.constant 9.99999971E-10 : f32
    %add3A_307 = vector.broadcast %add3A_306 : f32 to vector<8x1xf32>
    %add3A_308 = arith.addf %broadcast_in_dim3A_305, %add3A_307 : vector<8x1xf32>
    %div3A_309 = vector.broadcast %add3A_308 : vector<8x1xf32> to vector<8x18xf32>
    %div3A_310 = arith.divf %div3A_302, %div3A_309 : vector<8x18xf32>
    %add3A_311 = arith.constant 9.99999971E-10 : f32
    %add3A_312 = vector.broadcast %add3A_311 : f32 to vector<8x18xf32>
    %add3A_313 = arith.addf %div3A_310, %add3A_312 : vector<8x18xf32>
    %log3A_314 = math.log %add3A_313 : vector<8x18xf32>
    %mul3A_315 = arith.mulf %div3A_310, %log3A_314 : vector<8x18xf32>
    %reduce_sum3A_316 = arith.constant dense<0.000000e+00> : vector<8xf32>
    %reduce_sum3A_317 = vector.multi_reduction <add>, %mul3A_315, %reduce_sum3A_316 [1] : vector<8x18xf32> to vector<8xf32>
    %broadcast_in_dim3A_318 = vector.shape_cast %reduce_sum3A_317 : vector<8xf32> to vector<8x1xf32>
    %add3A_319 = arith.constant 2.8903718 : f32
    %add3A_320 = vector.broadcast %add3A_319 : f32 to vector<8x1xf32>
    %add3A_321 = arith.addf %add3A_320, %broadcast_in_dim3A_318 : vector<8x1xf32>
    %div3A_322 = arith.constant 2.8903718 : f32
    %div3A_323 = vector.broadcast %div3A_322 : f32 to vector<8x1xf32>
    %div3A_324 = arith.divf %add3A_321, %div3A_323 : vector<8x1xf32>
    %squeeze3A_325 = vector.shape_cast %div3A_324 : vector<8x1xf32> to vector<8xf32>
    %swap3A_326 = arith.constant 3 : index
    %swap3A_327 = arith.constant 0 : index
    %swap3A_328 = vector.load %arg2[%swap3A_326, %swap3A_327] : memref<64x8xf32, #tpu.memory_space<vmem>>, vector<1x8xf32>
    %swap3A_329 = vector.shape_cast %swap3A_328 : vector<1x8xf32> to vector<8xf32>
    %swap3A_330 = vector.shape_cast %squeeze3A_325 : vector<8xf32> to vector<1x8xf32>
    tpu.vector_store %arg2[%swap3A_326, %swap3A_327], %swap3A_330 {strides = array<i32>} : memref<64x8xf32, #tpu.memory_space<vmem>>, vector<1x8xf32>,
    %slice3A_331 = vector.extract_strided_slice %add3A_154 {offsets = [4, 0], sizes = [1, 1024], strides = [1, 1]} : vector<8x1024xf32> to vector<1x1024xf32>
    %broadcast_in_dim3A_332 = vector.shape_cast %slice3A_331 : vector<1x1024xf32> to vector<1x1024xf32>
    %broadcast_in_dim3A_333 = vector.broadcast %broadcast_in_dim3A_332 : vector<1x1024xf32> to vector<18x1024xf32>
    %eq3A_334 = arith.cmpf oeq, %broadcast_in_dim3A_333, %convert_element_type3A : vector<18x1024xf32>
    %jit3A_335 = arith.constant 1.000000e+00 : f32
    %jit3A_336 = arith.constant 0.000000e+00 : f32
    %broadcast_in_dim3A_337 = vector.broadcast %jit3A_335 : f32 to vector<18x1024xf32>
    %broadcast_in_dim3A_338 = vector.broadcast %jit3A_336 : f32 to vector<18x1024xf32>
    %select_n3A_339 = arith.select %eq3A_334, %broadcast_in_dim3A_337, %broadcast_in_dim3A_338 : vector<18x1024xi1>, vector<18x1024xf32>
    %dot_general3A_340 = arith.constant dense<0.000000e+00> : vector<9x18xf32>
    %dot_general3A_341 = tpu.matmul %concatenate3A, %select_n3A_339, %dot_general3A_340 {dimension_numbers = #tpu.dot_dimension_numbers<[1], [1], [0], [0], [0, 0, 1, 0], [], []>, precision = #tpu.contract_precision<fp32>, transpose_lhs_hint = false} : vector<9x1024xf32>, vector<18x1024xf32>, vector<9x18xf32> -> vector<9x18xf32>
    %slice3A_342 = vector.extract_strided_slice %dot_general3A_341 {offsets = [0, 0], sizes = [8, 18], strides = [1, 1]} : vector<9x18xf32> to vector<8x18xf32>
    %slice3A_343 = vector.extract_strided_slice %dot_general3A_341 {offsets = [8, 0], sizes = [1, 18], strides = [1, 1]} : vector<9x18xf32> to vector<1x18xf32>
    %add3A_344 = arith.constant 9.99999971E-10 : f32
    %add3A_345 = vector.broadcast %add3A_344 : f32 to vector<1x18xf32>
    %add3A_346 = arith.addf %slice3A_343, %add3A_345 : vector<1x18xf32>
    %div3A_347 = vector.broadcast %add3A_346 : vector<1x18xf32> to vector<8x18xf32>
    %div3A_348 = arith.divf %slice3A_342, %div3A_347 : vector<8x18xf32>
    %reduce_sum3A_349 = arith.constant dense<0.000000e+00> : vector<8xf32>
    %reduce_sum3A_350 = vector.multi_reduction <add>, %div3A_348, %reduce_sum3A_349 [1] : vector<8x18xf32> to vector<8xf32>
    %broadcast_in_dim3A_351 = vector.shape_cast %reduce_sum3A_350 : vector<8xf32> to vector<8x1xf32>
    %add3A_352 = arith.constant 9.99999971E-10 : f32
    %add3A_353 = vector.broadcast %add3A_352 : f32 to vector<8x1xf32>
    %add3A_354 = arith.addf %broadcast_in_dim3A_351, %add3A_353 : vector<8x1xf32>
    %div3A_355 = vector.broadcast %add3A_354 : vector<8x1xf32> to vector<8x18xf32>
    %div3A_356 = arith.divf %div3A_348, %div3A_355 : vector<8x18xf32>
    %add3A_357 = arith.constant 9.99999971E-10 : f32
    %add3A_358 = vector.broadcast %add3A_357 : f32 to vector<8x18xf32>
    %add3A_359 = arith.addf %div3A_356, %add3A_358 : vector<8x18xf32>
    %log3A_360 = math.log %add3A_359 : vector<8x18xf32>
    %mul3A_361 = arith.mulf %div3A_356, %log3A_360 : vector<8x18xf32>
    %reduce_sum3A_362 = arith.constant dense<0.000000e+00> : vector<8xf32>
    %reduce_sum3A_363 = vector.multi_reduction <add>, %mul3A_361, %reduce_sum3A_362 [1] : vector<8x18xf32> to vector<8xf32>
    %broadcast_in_dim3A_364 = vector.shape_cast %reduce_sum3A_363 : vector<8xf32> to vector<8x1xf32>
    %add3A_365 = arith.constant 2.8903718 : f32
    %add3A_366 = vector.broadcast %add3A_365 : f32 to vector<8x1xf32>
    %add3A_367 = arith.addf %add3A_366, %broadcast_in_dim3A_364 : vector<8x1xf32>
    %div3A_368 = arith.constant 2.8903718 : f32
    %div3A_369 = vector.broadcast %div3A_368 : f32 to vector<8x1xf32>
    %div3A_370 = arith.divf %add3A_367, %div3A_369 : vector<8x1xf32>
    %squeeze3A_371 = vector.shape_cast %div3A_370 : vector<8x1xf32> to vector<8xf32>
    %swap3A_372 = arith.constant 4 : index
    %swap3A_373 = arith.constant 0 : index
    %swap3A_374 = vector.load %arg2[%swap3A_372, %swap3A_373] : memref<64x8xf32, #tpu.memory_space<vmem>>, vector<1x8xf32>
    %swap3A_375 = vector.shape_cast %swap3A_374 : vector<1x8xf32> to vector<8xf32>
    %swap3A_376 = vector.shape_cast %squeeze3A_371 : vector<8xf32> to vector<1x8xf32>
    tpu.vector_store %arg2[%swap3A_372, %swap3A_373], %swap3A_376 {strides = array<i32>} : memref<64x8xf32, #tpu.memory_space<vmem>>, vector<1x8xf32>,
    %slice3A_377 = vector.extract_strided_slice %add3A_154 {offsets = [5, 0], sizes = [1, 1024], strides = [1, 1]} : vector<8x1024xf32> to vector<1x1024xf32>
    %broadcast_in_dim3A_378 = vector.shape_cast %slice3A_377 : vector<1x1024xf32> to vector<1x1024xf32>
    %broadcast_in_dim3A_379 = vector.broadcast %broadcast_in_dim3A_378 : vector<1x1024xf32> to vector<18x1024xf32>
    %eq3A_380 = arith.cmpf oeq, %broadcast_in_dim3A_379, %convert_element_type3A : vector<18x1024xf32>
    %jit3A_381 = arith.constant 1.000000e+00 : f32
    %jit3A_382 = arith.constant 0.000000e+00 : f32
    %broadcast_in_dim3A_383 = vector.broadcast %jit3A_381 : f32 to vector<18x1024xf32>
    %broadcast_in_dim3A_384 = vector.broadcast %jit3A_382 : f32 to vector<18x1024xf32>
    %select_n3A_385 = arith.select %eq3A_380, %broadcast_in_dim3A_383, %broadcast_in_dim3A_384 : vector<18x1024xi1>, vector<18x1024xf32>
    %dot_general3A_386 = arith.constant dense<0.000000e+00> : vector<9x18xf32>
    %dot_general3A_387 = tpu.matmul %concatenate3A, %select_n3A_385, %dot_general3A_386 {dimension_numbers = #tpu.dot_dimension_numbers<[1], [1], [0], [0], [0, 0, 1, 0], [], []>, precision = #tpu.contract_precision<fp32>, transpose_lhs_hint = false} : vector<9x1024xf32>, vector<18x1024xf32>, vector<9x18xf32> -> vector<9x18xf32>
    %slice3A_388 = vector.extract_strided_slice %dot_general3A_387 {offsets = [0, 0], sizes = [8, 18], strides = [1, 1]} : vector<9x18xf32> to vector<8x18xf32>
    %slice3A_389 = vector.extract_strided_slice %dot_general3A_387 {offsets = [8, 0], sizes = [1, 18], strides = [1, 1]} : vector<9x18xf32> to vector<1x18xf32>
    %add3A_390 = arith.constant 9.99999971E-10 : f32
    %add3A_391 = vector.broadcast %add3A_390 : f32 to vector<1x18xf32>
    %add3A_392 = arith.addf %slice3A_389, %add3A_391 : vector<1x18xf32>
    %div3A_393 = vector.broadcast %add3A_392 : vector<1x18xf32> to vector<8x18xf32>
    %div3A_394 = arith.divf %slice3A_388, %div3A_393 : vector<8x18xf32>
    %reduce_sum3A_395 = arith.constant dense<0.000000e+00> : vector<8xf32>
    %reduce_sum3A_396 = vector.multi_reduction <add>, %div3A_394, %reduce_sum3A_395 [1] : vector<8x18xf32> to vector<8xf32>
    %broadcast_in_dim3A_397 = vector.shape_cast %reduce_sum3A_396 : vector<8xf32> to vector<8x1xf32>
    %add3A_398 = arith.constant 9.99999971E-10 : f32
    %add3A_399 = vector.broadcast %add3A_398 : f32 to vector<8x1xf32>
    %add3A_400 = arith.addf %broadcast_in_dim3A_397, %add3A_399 : vector<8x1xf32>
    %div3A_401 = vector.broadcast %add3A_400 : vector<8x1xf32> to vector<8x18xf32>
    %div3A_402 = arith.divf %div3A_394, %div3A_401 : vector<8x18xf32>
    %add3A_403 = arith.constant 9.99999971E-10 : f32
    %add3A_404 = vector.broadcast %add3A_403 : f32 to vector<8x18xf32>
    %add3A_405 = arith.addf %div3A_402, %add3A_404 : vector<8x18xf32>
    %log3A_406 = math.log %add3A_405 : vector<8x18xf32>
    %mul3A_407 = arith.mulf %div3A_402, %log3A_406 : vector<8x18xf32>
    %reduce_sum3A_408 = arith.constant dense<0.000000e+00> : vector<8xf32>
    %reduce_sum3A_409 = vector.multi_reduction <add>, %mul3A_407, %reduce_sum3A_408 [1] : vector<8x18xf32> to vector<8xf32>
    %broadcast_in_dim3A_410 = vector.shape_cast %reduce_sum3A_409 : vector<8xf32> to vector<8x1xf32>
    %add3A_411 = arith.constant 2.8903718 : f32
    %add3A_412 = vector.broadcast %add3A_411 : f32 to vector<8x1xf32>
    %add3A_413 = arith.addf %add3A_412, %broadcast_in_dim3A_410 : vector<8x1xf32>
    %div3A_414 = arith.constant 2.8903718 : f32
    %div3A_415 = vector.broadcast %div3A_414 : f32 to vector<8x1xf32>
    %div3A_416 = arith.divf %add3A_413, %div3A_415 : vector<8x1xf32>
    %squeeze3A_417 = vector.shape_cast %div3A_416 : vector<8x1xf32> to vector<8xf32>
    %swap3A_418 = arith.constant 5 : index
    %swap3A_419 = arith.constant 0 : index
    %swap3A_420 = vector.load %arg2[%swap3A_418, %swap3A_419] : memref<64x8xf32, #tpu.memory_space<vmem>>, vector<1x8xf32>
    %swap3A_421 = vector.shape_cast %swap3A_420 : vector<1x8xf32> to vector<8xf32>
    %swap3A_422 = vector.shape_cast %squeeze3A_417 : vector<8xf32> to vector<1x8xf32>
    tpu.vector_store %arg2[%swap3A_418, %swap3A_419], %swap3A_422 {strides = array<i32>} : memref<64x8xf32, #tpu.memory_space<vmem>>, vector<1x8xf32>,
    %slice3A_423 = vector.extract_strided_slice %add3A_154 {offsets = [6, 0], sizes = [1, 1024], strides = [1, 1]} : vector<8x1024xf32> to vector<1x1024xf32>
    %broadcast_in_dim3A_424 = vector.shape_cast %slice3A_423 : vector<1x1024xf32> to vector<1x1024xf32>
    %broadcast_in_dim3A_425 = vector.broadcast %broadcast_in_dim3A_424 : vector<1x1024xf32> to vector<18x1024xf32>
    %eq3A_426 = arith.cmpf oeq, %broadcast_in_dim3A_425, %convert_element_type3A : vector<18x1024xf32>
    %jit3A_427 = arith.constant 1.000000e+00 : f32
    %jit3A_428 = arith.constant 0.000000e+00 : f32
    %broadcast_in_dim3A_429 = vector.broadcast %jit3A_427 : f32 to vector<18x1024xf32>
    %broadcast_in_dim3A_430 = vector.broadcast %jit3A_428 : f32 to vector<18x1024xf32>
    %select_n3A_431 = arith.select %eq3A_426, %broadcast_in_dim3A_429, %broadcast_in_dim3A_430 : vector<18x1024xi1>, vector<18x1024xf32>
    %dot_general3A_432 = arith.constant dense<0.000000e+00> : vector<9x18xf32>
    %dot_general3A_433 = tpu.matmul %concatenate3A, %select_n3A_431, %dot_general3A_432 {dimension_numbers = #tpu.dot_dimension_numbers<[1], [1], [0], [0], [0, 0, 1, 0], [], []>, precision = #tpu.contract_precision<fp32>, transpose_lhs_hint = false} : vector<9x1024xf32>, vector<18x1024xf32>, vector<9x18xf32> -> vector<9x18xf32>
    %slice3A_434 = vector.extract_strided_slice %dot_general3A_433 {offsets = [0, 0], sizes = [8, 18], strides = [1, 1]} : vector<9x18xf32> to vector<8x18xf32>
    %slice3A_435 = vector.extract_strided_slice %dot_general3A_433 {offsets = [8, 0], sizes = [1, 18], strides = [1, 1]} : vector<9x18xf32> to vector<1x18xf32>
    %add3A_436 = arith.constant 9.99999971E-10 : f32
    %add3A_437 = vector.broadcast %add3A_436 : f32 to vector<1x18xf32>
    %add3A_438 = arith.addf %slice3A_435, %add3A_437 : vector<1x18xf32>
    %div3A_439 = vector.broadcast %add3A_438 : vector<1x18xf32> to vector<8x18xf32>
    %div3A_440 = arith.divf %slice3A_434, %div3A_439 : vector<8x18xf32>
    %reduce_sum3A_441 = arith.constant dense<0.000000e+00> : vector<8xf32>
    %reduce_sum3A_442 = vector.multi_reduction <add>, %div3A_440, %reduce_sum3A_441 [1] : vector<8x18xf32> to vector<8xf32>
    %broadcast_in_dim3A_443 = vector.shape_cast %reduce_sum3A_442 : vector<8xf32> to vector<8x1xf32>
    %add3A_444 = arith.constant 9.99999971E-10 : f32
    %add3A_445 = vector.broadcast %add3A_444 : f32 to vector<8x1xf32>
    %add3A_446 = arith.addf %broadcast_in_dim3A_443, %add3A_445 : vector<8x1xf32>
    %div3A_447 = vector.broadcast %add3A_446 : vector<8x1xf32> to vector<8x18xf32>
    %div3A_448 = arith.divf %div3A_440, %div3A_447 : vector<8x18xf32>
    %add3A_449 = arith.constant 9.99999971E-10 : f32
    %add3A_450 = vector.broadcast %add3A_449 : f32 to vector<8x18xf32>
    %add3A_451 = arith.addf %div3A_448, %add3A_450 : vector<8x18xf32>
    %log3A_452 = math.log %add3A_451 : vector<8x18xf32>
    %mul3A_453 = arith.mulf %div3A_448, %log3A_452 : vector<8x18xf32>
    %reduce_sum3A_454 = arith.constant dense<0.000000e+00> : vector<8xf32>
    %reduce_sum3A_455 = vector.multi_reduction <add>, %mul3A_453, %reduce_sum3A_454 [1] : vector<8x18xf32> to vector<8xf32>
    %broadcast_in_dim3A_456 = vector.shape_cast %reduce_sum3A_455 : vector<8xf32> to vector<8x1xf32>
    %add3A_457 = arith.constant 2.8903718 : f32
    %add3A_458 = vector.broadcast %add3A_457 : f32 to vector<8x1xf32>
    %add3A_459 = arith.addf %add3A_458, %broadcast_in_dim3A_456 : vector<8x1xf32>
    %div3A_460 = arith.constant 2.8903718 : f32
    %div3A_461 = vector.broadcast %div3A_460 : f32 to vector<8x1xf32>
    %div3A_462 = arith.divf %add3A_459, %div3A_461 : vector<8x1xf32>
    %squeeze3A_463 = vector.shape_cast %div3A_462 : vector<8x1xf32> to vector<8xf32>
    %swap3A_464 = arith.constant 6 : index
    %swap3A_465 = arith.constant 0 : index
    %swap3A_466 = vector.load %arg2[%swap3A_464, %swap3A_465] : memref<64x8xf32, #tpu.memory_space<vmem>>, vector<1x8xf32>
    %swap3A_467 = vector.shape_cast %swap3A_466 : vector<1x8xf32> to vector<8xf32>
    %swap3A_468 = vector.shape_cast %squeeze3A_463 : vector<8xf32> to vector<1x8xf32>
    tpu.vector_store %arg2[%swap3A_464, %swap3A_465], %swap3A_468 {strides = array<i32>} : memref<64x8xf32, #tpu.memory_space<vmem>>, vector<1x8xf32>,
    %slice3A_469 = vector.extract_strided_slice %add3A_154 {offsets = [7, 0], sizes = [1, 1024], strides = [1, 1]} : vector<8x1024xf32> to vector<1x1024xf32>
    %broadcast_in_dim3A_470 = vector.shape_cast %slice3A_469 : vector<1x1024xf32> to vector<1x1024xf32>
    %broadcast_in_dim3A_471 = vector.broadcast %broadcast_in_dim3A_470 : vector<1x1024xf32> to vector<18x1024xf32>
    %eq3A_472 = arith.cmpf oeq, %broadcast_in_dim3A_471, %convert_element_type3A : vector<18x1024xf32>
    %jit3A_473 = arith.constant 1.000000e+00 : f32
    %jit3A_474 = arith.constant 0.000000e+00 : f32
    %broadcast_in_dim3A_475 = vector.broadcast %jit3A_473 : f32 to vector<18x1024xf32>
    %broadcast_in_dim3A_476 = vector.broadcast %jit3A_474 : f32 to vector<18x1024xf32>
    %select_n3A_477 = arith.select %eq3A_472, %broadcast_in_dim3A_475, %broadcast_in_dim3A_476 : vector<18x1024xi1>, vector<18x1024xf32>
    %dot_general3A_478 = arith.constant dense<0.000000e+00> : vector<9x18xf32>
    %dot_general3A_479 = tpu.matmul %concatenate3A, %select_n3A_477, %dot_general3A_478 {dimension_numbers = #tpu.dot_dimension_numbers<[1], [1], [0], [0], [0, 0, 1, 0], [], []>, precision = #tpu.contract_precision<fp32>, transpose_lhs_hint = false} : vector<9x1024xf32>, vector<18x1024xf32>, vector<9x18xf32> -> vector<9x18xf32>
    %slice3A_480 = vector.extract_strided_slice %dot_general3A_479 {offsets = [0, 0], sizes = [8, 18], strides = [1, 1]} : vector<9x18xf32> to vector<8x18xf32>
    %slice3A_481 = vector.extract_strided_slice %dot_general3A_479 {offsets = [8, 0], sizes = [1, 18], strides = [1, 1]} : vector<9x18xf32> to vector<1x18xf32>
    %add3A_482 = arith.constant 9.99999971E-10 : f32
    %add3A_483 = vector.broadcast %add3A_482 : f32 to vector<1x18xf32>
    %add3A_484 = arith.addf %slice3A_481, %add3A_483 : vector<1x18xf32>
    %div3A_485 = vector.broadcast %add3A_484 : vector<1x18xf32> to vector<8x18xf32>
    %div3A_486 = arith.divf %slice3A_480, %div3A_485 : vector<8x18xf32>
    %reduce_sum3A_487 = arith.constant dense<0.000000e+00> : vector<8xf32>
    %reduce_sum3A_488 = vector.multi_reduction <add>, %div3A_486, %reduce_sum3A_487 [1] : vector<8x18xf32> to vector<8xf32>
    %broadcast_in_dim3A_489 = vector.shape_cast %reduce_sum3A_488 : vector<8xf32> to vector<8x1xf32>
    %add3A_490 = arith.constant 9.99999971E-10 : f32
    %add3A_491 = vector.broadcast %add3A_490 : f32 to vector<8x1xf32>
    %add3A_492 = arith.addf %broadcast_in_dim3A_489, %add3A_491 : vector<8x1xf32>
    %div3A_493 = vector.broadcast %add3A_492 : vector<8x1xf32> to vector<8x18xf32>
    %div3A_494 = arith.divf %div3A_486, %div3A_493 : vector<8x18xf32>
    %add3A_495 = arith.constant 9.99999971E-10 : f32
    %add3A_496 = vector.broadcast %add3A_495 : f32 to vector<8x18xf32>
    %add3A_497 = arith.addf %div3A_494, %add3A_496 : vector<8x18xf32>
    %log3A_498 = math.log %add3A_497 : vector<8x18xf32>
    %mul3A_499 = arith.mulf %div3A_494, %log3A_498 : vector<8x18xf32>
    %reduce_sum3A_500 = arith.constant dense<0.000000e+00> : vector<8xf32>
    %reduce_sum3A_501 = vector.multi_reduction <add>, %mul3A_499, %reduce_sum3A_500 [1] : vector<8x18xf32> to vector<8xf32>
    %broadcast_in_dim3A_502 = vector.shape_cast %reduce_sum3A_501 : vector<8xf32> to vector<8x1xf32>
    %add3A_503 = arith.constant 2.8903718 : f32
    %add3A_504 = vector.broadcast %add3A_503 : f32 to vector<8x1xf32>
    %add3A_505 = arith.addf %add3A_504, %broadcast_in_dim3A_502 : vector<8x1xf32>
    %div3A_506 = arith.constant 2.8903718 : f32
    %div3A_507 = vector.broadcast %div3A_506 : f32 to vector<8x1xf32>
    %div3A_508 = arith.divf %add3A_505, %div3A_507 : vector<8x1xf32>
    %squeeze3A_509 = vector.shape_cast %div3A_508 : vector<8x1xf32> to vector<8xf32>
    %swap3A_510 = arith.constant 7 : index
    %swap3A_511 = arith.constant 0 : index
    %swap3A_512 = vector.load %arg2[%swap3A_510, %swap3A_511] : memref<64x8xf32, #tpu.memory_space<vmem>>, vector<1x8xf32>
    %swap3A_513 = vector.shape_cast %swap3A_512 : vector<1x8xf32> to vector<8xf32>
    %swap3A_514 = vector.shape_cast %squeeze3A_509 : vector<8xf32> to vector<1x8xf32>
    tpu.vector_store %arg2[%swap3A_510, %swap3A_511], %swap3A_514 {strides = array<i32>} : memref<64x8xf32, #tpu.memory_space<vmem>>, vector<1x8xf32>,
    %slice3A_515 = vector.extract_strided_slice %get3A_1 {offsets = [16, 0], sizes = [8, 1024], strides = [1, 1]} : vector<128x1024xf32> to vector<8x1024xf32>
    %slice3A_516 = vector.extract_strided_slice %get3A_1 {offsets = [24, 0], sizes = [8, 1024], strides = [1, 1]} : vector<128x1024xf32> to vector<8x1024xf32>
    %concatenate3A_517 = tpu.concatenate %slice3A_516, %broadcast_in_dim3A_2 in 0 : vector<8x1024xf32>, vector<1x1024xf32> -> vector<9x1024xf32>
    %broadcast_in_dim3A_518 = arith.constant 0.000000e+00 : f32
    %broadcast_in_dim3A_519 = vector.broadcast %broadcast_in_dim3A_518 : f32 to vector<8x1024xf32>
    %gt3A_520 = arith.constant -2.79252672 : f32
    %gt3A_521 = vector.broadcast %gt3A_520 : f32 to vector<8x1024xf32>
    %gt3A_522 = arith.cmpf ogt, %slice3A_515, %gt3A_521 : vector<8x1024xf32>
    %jit3A_523 = arith.constant 1.000000e+00 : f32
    %jit3A_524 = arith.constant 0.000000e+00 : f32
    %broadcast_in_dim3A_525 = vector.broadcast %jit3A_523 : f32 to vector<8x1024xf32>
    %broadcast_in_dim3A_526 = vector.broadcast %jit3A_524 : f32 to vector<8x1024xf32>
    %select_n3A_527 = arith.select %gt3A_522, %broadcast_in_dim3A_525, %broadcast_in_dim3A_526 : vector<8x1024xi1>, vector<8x1024xf32>
    %add3A_528 = arith.addf %broadcast_in_dim3A_519, %select_n3A_527 : vector<8x1024xf32>
    %gt3A_529 = arith.constant -2.44346094 : f32
    %gt3A_530 = vector.broadcast %gt3A_529 : f32 to vector<8x1024xf32>
    %gt3A_531 = arith.cmpf ogt, %slice3A_515, %gt3A_530 : vector<8x1024xf32>
    %jit3A_532 = arith.constant 1.000000e+00 : f32
    %jit3A_533 = arith.constant 0.000000e+00 : f32
    %broadcast_in_dim3A_534 = vector.broadcast %jit3A_532 : f32 to vector<8x1024xf32>
    %broadcast_in_dim3A_535 = vector.broadcast %jit3A_533 : f32 to vector<8x1024xf32>
    %select_n3A_536 = arith.select %gt3A_531, %broadcast_in_dim3A_534, %broadcast_in_dim3A_535 : vector<8x1024xi1>, vector<8x1024xf32>
    %add3A_537 = arith.addf %add3A_528, %select_n3A_536 : vector<8x1024xf32>
    %gt3A_538 = arith.constant -2.09439516 : f32
    %gt3A_539 = vector.broadcast %gt3A_538 : f32 to vector<8x1024xf32>
    %gt3A_540 = arith.cmpf ogt, %slice3A_515, %gt3A_539 : vector<8x1024xf32>
    %jit3A_541 = arith.constant 1.000000e+00 : f32
    %jit3A_542 = arith.constant 0.000000e+00 : f32
    %broadcast_in_dim3A_543 = vector.broadcast %jit3A_541 : f32 to vector<8x1024xf32>
    %broadcast_in_dim3A_544 = vector.broadcast %jit3A_542 : f32 to vector<8x1024xf32>
    %select_n3A_545 = arith.select %gt3A_540, %broadcast_in_dim3A_543, %broadcast_in_dim3A_544 : vector<8x1024xi1>, vector<8x1024xf32>
    %add3A_546 = arith.addf %add3A_537, %select_n3A_545 : vector<8x1024xf32>
    %gt3A_547 = arith.constant -1.74532926 : f32
    %gt3A_548 = vector.broadcast %gt3A_547 : f32 to vector<8x1024xf32>
    %gt3A_549 = arith.cmpf ogt, %slice3A_515, %gt3A_548 : vector<8x1024xf32>
    %jit3A_550 = arith.constant 1.000000e+00 : f32
    %jit3A_551 = arith.constant 0.000000e+00 : f32
    %broadcast_in_dim3A_552 = vector.broadcast %jit3A_550 : f32 to vector<8x1024xf32>
    %broadcast_in_dim3A_553 = vector.broadcast %jit3A_551 : f32 to vector<8x1024xf32>
    %select_n3A_554 = arith.select %gt3A_549, %broadcast_in_dim3A_552, %broadcast_in_dim3A_553 : vector<8x1024xi1>, vector<8x1024xf32>
    %add3A_555 = arith.addf %add3A_546, %select_n3A_554 : vector<8x1024xf32>
    %gt3A_556 = arith.constant -1.39626336 : f32
    %gt3A_557 = vector.broadcast %gt3A_556 : f32 to vector<8x1024xf32>
    %gt3A_558 = arith.cmpf ogt, %slice3A_515, %gt3A_557 : vector<8x1024xf32>
    %jit3A_559 = arith.constant 1.000000e+00 : f32
    %jit3A_560 = arith.constant 0.000000e+00 : f32
    %broadcast_in_dim3A_561 = vector.broadcast %jit3A_559 : f32 to vector<8x1024xf32>
    %broadcast_in_dim3A_562 = vector.broadcast %jit3A_560 : f32 to vector<8x1024xf32>
    %select_n3A_563 = arith.select %gt3A_558, %broadcast_in_dim3A_561, %broadcast_in_dim3A_562 : vector<8x1024xi1>, vector<8x1024xf32>
    %add3A_564 = arith.addf %add3A_555, %select_n3A_563 : vector<8x1024xf32>
    %gt3A_565 = arith.constant -1.04719758 : f32
    %gt3A_566 = vector.broadcast %gt3A_565 : f32 to vector<8x1024xf32>
    %gt3A_567 = arith.cmpf ogt, %slice3A_515, %gt3A_566 : vector<8x1024xf32>
    %jit3A_568 = arith.constant 1.000000e+00 : f32
    %jit3A_569 = arith.constant 0.000000e+00 : f32
    %broadcast_in_dim3A_570 = vector.broadcast %jit3A_568 : f32 to vector<8x1024xf32>
    %broadcast_in_dim3A_571 = vector.broadcast %jit3A_569 : f32 to vector<8x1024xf32>
    %select_n3A_572 = arith.select %gt3A_567, %broadcast_in_dim3A_570, %broadcast_in_dim3A_571 : vector<8x1024xi1>, vector<8x1024xf32>
    %add3A_573 = arith.addf %add3A_564, %select_n3A_572 : vector<8x1024xf32>
    %gt3A_574 = arith.constant -0.69813168 : f32
    %gt3A_575 = vector.broadcast %gt3A_574 : f32 to vector<8x1024xf32>
    %gt3A_576 = arith.cmpf ogt, %slice3A_515, %gt3A_575 : vector<8x1024xf32>
    %jit3A_577 = arith.constant 1.000000e+00 : f32
    %jit3A_578 = arith.constant 0.000000e+00 : f32
    %broadcast_in_dim3A_579 = vector.broadcast %jit3A_577 : f32 to vector<8x1024xf32>
    %broadcast_in_dim3A_580 = vector.broadcast %jit3A_578 : f32 to vector<8x1024xf32>
    %select_n3A_581 = arith.select %gt3A_576, %broadcast_in_dim3A_579, %broadcast_in_dim3A_580 : vector<8x1024xi1>, vector<8x1024xf32>
    %add3A_582 = arith.addf %add3A_573, %select_n3A_581 : vector<8x1024xf32>
    %gt3A_583 = arith.constant -0.34906584 : f32
    %gt3A_584 = vector.broadcast %gt3A_583 : f32 to vector<8x1024xf32>
    %gt3A_585 = arith.cmpf ogt, %slice3A_515, %gt3A_584 : vector<8x1024xf32>
    %jit3A_586 = arith.constant 1.000000e+00 : f32
    %jit3A_587 = arith.constant 0.000000e+00 : f32
    %broadcast_in_dim3A_588 = vector.broadcast %jit3A_586 : f32 to vector<8x1024xf32>
    %broadcast_in_dim3A_589 = vector.broadcast %jit3A_587 : f32 to vector<8x1024xf32>
    %select_n3A_590 = arith.select %gt3A_585, %broadcast_in_dim3A_588, %broadcast_in_dim3A_589 : vector<8x1024xi1>, vector<8x1024xf32>
    %add3A_591 = arith.addf %add3A_582, %select_n3A_590 : vector<8x1024xf32>
    %gt3A_592 = arith.constant 0.000000e+00 : f32
    %gt3A_593 = vector.broadcast %gt3A_592 : f32 to vector<8x1024xf32>
    %gt3A_594 = arith.cmpf ogt, %slice3A_515, %gt3A_593 : vector<8x1024xf32>
    %jit3A_595 = arith.constant 1.000000e+00 : f32
    %jit3A_596 = arith.constant 0.000000e+00 : f32
    %broadcast_in_dim3A_597 = vector.broadcast %jit3A_595 : f32 to vector<8x1024xf32>
    %broadcast_in_dim3A_598 = vector.broadcast %jit3A_596 : f32 to vector<8x1024xf32>
    %select_n3A_599 = arith.select %gt3A_594, %broadcast_in_dim3A_597, %broadcast_in_dim3A_598 : vector<8x1024xi1>, vector<8x1024xf32>
    %add3A_600 = arith.addf %add3A_591, %select_n3A_599 : vector<8x1024xf32>
    %gt3A_601 = arith.constant 0.34906584 : f32
    %gt3A_602 = vector.broadcast %gt3A_601 : f32 to vector<8x1024xf32>
    %gt3A_603 = arith.cmpf ogt, %slice3A_515, %gt3A_602 : vector<8x1024xf32>
    %jit3A_604 = arith.constant 1.000000e+00 : f32
    %jit3A_605 = arith.constant 0.000000e+00 : f32
    %broadcast_in_dim3A_606 = vector.broadcast %jit3A_604 : f32 to vector<8x1024xf32>
    %broadcast_in_dim3A_607 = vector.broadcast %jit3A_605 : f32 to vector<8x1024xf32>
    %select_n3A_608 = arith.select %gt3A_603, %broadcast_in_dim3A_606, %broadcast_in_dim3A_607 : vector<8x1024xi1>, vector<8x1024xf32>
    %add3A_609 = arith.addf %add3A_600, %select_n3A_608 : vector<8x1024xf32>
    %gt3A_610 = arith.constant 0.69813168 : f32
    %gt3A_611 = vector.broadcast %gt3A_610 : f32 to vector<8x1024xf32>
    %gt3A_612 = arith.cmpf ogt, %slice3A_515, %gt3A_611 : vector<8x1024xf32>
    %jit3A_613 = arith.constant 1.000000e+00 : f32
    %jit3A_614 = arith.constant 0.000000e+00 : f32
    %broadcast_in_dim3A_615 = vector.broadcast %jit3A_613 : f32 to vector<8x1024xf32>
    %broadcast_in_dim3A_616 = vector.broadcast %jit3A_614 : f32 to vector<8x1024xf32>
    %select_n3A_617 = arith.select %gt3A_612, %broadcast_in_dim3A_615, %broadcast_in_dim3A_616 : vector<8x1024xi1>, vector<8x1024xf32>
    %add3A_618 = arith.addf %add3A_609, %select_n3A_617 : vector<8x1024xf32>
    %gt3A_619 = arith.constant 1.04719758 : f32
    %gt3A_620 = vector.broadcast %gt3A_619 : f32 to vector<8x1024xf32>
    %gt3A_621 = arith.cmpf ogt, %slice3A_515, %gt3A_620 : vector<8x1024xf32>
    %jit3A_622 = arith.constant 1.000000e+00 : f32
    %jit3A_623 = arith.constant 0.000000e+00 : f32
    %broadcast_in_dim3A_624 = vector.broadcast %jit3A_622 : f32 to vector<8x1024xf32>
    %broadcast_in_dim3A_625 = vector.broadcast %jit3A_623 : f32 to vector<8x1024xf32>
    %select_n3A_626 = arith.select %gt3A_621, %broadcast_in_dim3A_624, %broadcast_in_dim3A_625 : vector<8x1024xi1>, vector<8x1024xf32>
    %add3A_627 = arith.addf %add3A_618, %select_n3A_626 : vector<8x1024xf32>
    %gt3A_628 = arith.constant 1.39626336 : f32
    %gt3A_629 = vector.broadcast %gt3A_628 : f32 to vector<8x1024xf32>
    %gt3A_630 = arith.cmpf ogt, %slice3A_515, %gt3A_629 : vector<8x1024xf32>
    %jit3A_631 = arith.constant 1.000000e+00 : f32
    %jit3A_632 = arith.constant 0.000000e+00 : f32
    %broadcast_in_dim3A_633 = vector.broadcast %jit3A_631 : f32 to vector<8x1024xf32>
    %broadcast_in_dim3A_634 = vector.broadcast %jit3A_632 : f32 to vector<8x1024xf32>
    %select_n3A_635 = arith.select %gt3A_630, %broadcast_in_dim3A_633, %broadcast_in_dim3A_634 : vector<8x1024xi1>, vector<8x1024xf32>
    %add3A_636 = arith.addf %add3A_627, %select_n3A_635 : vector<8x1024xf32>
    %gt3A_637 = arith.constant 1.74532926 : f32
    %gt3A_638 = vector.broadcast %gt3A_637 : f32 to vector<8x1024xf32>
    %gt3A_639 = arith.cmpf ogt, %slice3A_515, %gt3A_638 : vector<8x1024xf32>
    %jit3A_640 = arith.constant 1.000000e+00 : f32
    %jit3A_641 = arith.constant 0.000000e+00 : f32
    %broadcast_in_dim3A_642 = vector.broadcast %jit3A_640 : f32 to vector<8x1024xf32>
    %broadcast_in_dim3A_643 = vector.broadcast %jit3A_641 : f32 to vector<8x1024xf32>
    %select_n3A_644 = arith.select %gt3A_639, %broadcast_in_dim3A_642, %broadcast_in_dim3A_643 : vector<8x1024xi1>, vector<8x1024xf32>
    %add3A_645 = arith.addf %add3A_636, %select_n3A_644 : vector<8x1024xf32>
    %gt3A_646 = arith.constant 2.09439516 : f32
    %gt3A_647 = vector.broadcast %gt3A_646 : f32 to vector<8x1024xf32>
    %gt3A_648 = arith.cmpf ogt, %slice3A_515, %gt3A_647 : vector<8x1024xf32>
    %jit3A_649 = arith.constant 1.000000e+00 : f32
    %jit3A_650 = arith.constant 0.000000e+00 : f32
    %broadcast_in_dim3A_651 = vector.broadcast %jit3A_649 : f32 to vector<8x1024xf32>
    %broadcast_in_dim3A_652 = vector.broadcast %jit3A_650 : f32 to vector<8x1024xf32>
    %select_n3A_653 = arith.select %gt3A_648, %broadcast_in_dim3A_651, %broadcast_in_dim3A_652 : vector<8x1024xi1>, vector<8x1024xf32>
    %add3A_654 = arith.addf %add3A_645, %select_n3A_653 : vector<8x1024xf32>
    %gt3A_655 = arith.constant 2.44346094 : f32
    %gt3A_656 = vector.broadcast %gt3A_655 : f32 to vector<8x1024xf32>
    %gt3A_657 = arith.cmpf ogt, %slice3A_515, %gt3A_656 : vector<8x1024xf32>
    %jit3A_658 = arith.constant 1.000000e+00 : f32
    %jit3A_659 = arith.constant 0.000000e+00 : f32
    %broadcast_in_dim3A_660 = vector.broadcast %jit3A_658 : f32 to vector<8x1024xf32>
    %broadcast_in_dim3A_661 = vector.broadcast %jit3A_659 : f32 to vector<8x1024xf32>
    %select_n3A_662 = arith.select %gt3A_657, %broadcast_in_dim3A_660, %broadcast_in_dim3A_661 : vector<8x1024xi1>, vector<8x1024xf32>
    %add3A_663 = arith.addf %add3A_654, %select_n3A_662 : vector<8x1024xf32>
    %gt3A_664 = arith.constant 2.79252672 : f32
    %gt3A_665 = vector.broadcast %gt3A_664 : f32 to vector<8x1024xf32>
    %gt3A_666 = arith.cmpf ogt, %slice3A_515, %gt3A_665 : vector<8x1024xf32>
    %jit3A_667 = arith.constant 1.000000e+00 : f32
    %jit3A_668 = arith.constant 0.000000e+00 : f32
    %broadcast_in_dim3A_669 = vector.broadcast %jit3A_667 : f32 to vector<8x1024xf32>
    %broadcast_in_dim3A_670 = vector.broadcast %jit3A_668 : f32 to vector<8x1024xf32>
    %select_n3A_671 = arith.select %gt3A_666, %broadcast_in_dim3A_669, %broadcast_in_dim3A_670 : vector<8x1024xi1>, vector<8x1024xf32>
    %add3A_672 = arith.addf %add3A_663, %select_n3A_671 : vector<8x1024xf32>
    %slice3A_673 = vector.extract_strided_slice %add3A_672 {offsets = [0, 0], sizes = [1, 1024], strides = [1, 1]} : vector<8x1024xf32> to vector<1x1024xf32>
    %broadcast_in_dim3A_674 = vector.shape_cast %slice3A_673 : vector<1x1024xf32> to vector<1x1024xf32>
    %broadcast_in_dim3A_675 = vector.broadcast %broadcast_in_dim3A_674 : vector<1x1024xf32> to vector<18x1024xf32>
    %eq3A_676 = arith.cmpf oeq, %broadcast_in_dim3A_675, %convert_element_type3A : vector<18x1024xf32>
    %jit3A_677 = arith.constant 1.000000e+00 : f32
    %jit3A_678 = arith.constant 0.000000e+00 : f32
    %broadcast_in_dim3A_679 = vector.broadcast %jit3A_677 : f32 to vector<18x1024xf32>
    %broadcast_in_dim3A_680 = vector.broadcast %jit3A_678 : f32 to vector<18x1024xf32>
    %select_n3A_681 = arith.select %eq3A_676, %broadcast_in_dim3A_679, %broadcast_in_dim3A_680 : vector<18x1024xi1>, vector<18x1024xf32>
    %dot_general3A_682 = arith.constant dense<0.000000e+00> : vector<9x18xf32>
    %dot_general3A_683 = tpu.matmul %concatenate3A_517, %select_n3A_681, %dot_general3A_682 {dimension_numbers = #tpu.dot_dimension_numbers<[1], [1], [0], [0], [0, 0, 1, 0], [], []>, precision = #tpu.contract_precision<fp32>, transpose_lhs_hint = false} : vector<9x1024xf32>, vector<18x1024xf32>, vector<9x18xf32> -> vector<9x18xf32>
    %slice3A_684 = vector.extract_strided_slice %dot_general3A_683 {offsets = [0, 0], sizes = [8, 18], strides = [1, 1]} : vector<9x18xf32> to vector<8x18xf32>
    %slice3A_685 = vector.extract_strided_slice %dot_general3A_683 {offsets = [8, 0], sizes = [1, 18], strides = [1, 1]} : vector<9x18xf32> to vector<1x18xf32>
    %add3A_686 = arith.constant 9.99999971E-10 : f32
    %add3A_687 = vector.broadcast %add3A_686 : f32 to vector<1x18xf32>
    %add3A_688 = arith.addf %slice3A_685, %add3A_687 : vector<1x18xf32>
    %div3A_689 = vector.broadcast %add3A_688 : vector<1x18xf32> to vector<8x18xf32>
    %div3A_690 = arith.divf %slice3A_684, %div3A_689 : vector<8x18xf32>
    %reduce_sum3A_691 = arith.constant dense<0.000000e+00> : vector<8xf32>
    %reduce_sum3A_692 = vector.multi_reduction <add>, %div3A_690, %reduce_sum3A_691 [1] : vector<8x18xf32> to vector<8xf32>
    %broadcast_in_dim3A_693 = vector.shape_cast %reduce_sum3A_692 : vector<8xf32> to vector<8x1xf32>
    %add3A_694 = arith.constant 9.99999971E-10 : f32
    %add3A_695 = vector.broadcast %add3A_694 : f32 to vector<8x1xf32>
    %add3A_696 = arith.addf %broadcast_in_dim3A_693, %add3A_695 : vector<8x1xf32>
    %div3A_697 = vector.broadcast %add3A_696 : vector<8x1xf32> to vector<8x18xf32>
    %div3A_698 = arith.divf %div3A_690, %div3A_697 : vector<8x18xf32>
    %add3A_699 = arith.constant 9.99999971E-10 : f32
    %add3A_700 = vector.broadcast %add3A_699 : f32 to vector<8x18xf32>
    %add3A_701 = arith.addf %div3A_698, %add3A_700 : vector<8x18xf32>
    %log3A_702 = math.log %add3A_701 : vector<8x18xf32>
    %mul3A_703 = arith.mulf %div3A_698, %log3A_702 : vector<8x18xf32>
    %reduce_sum3A_704 = arith.constant dense<0.000000e+00> : vector<8xf32>
    %reduce_sum3A_705 = vector.multi_reduction <add>, %mul3A_703, %reduce_sum3A_704 [1] : vector<8x18xf32> to vector<8xf32>
    %broadcast_in_dim3A_706 = vector.shape_cast %reduce_sum3A_705 : vector<8xf32> to vector<8x1xf32>
    %add3A_707 = arith.constant 2.8903718 : f32
    %add3A_708 = vector.broadcast %add3A_707 : f32 to vector<8x1xf32>
    %add3A_709 = arith.addf %add3A_708, %broadcast_in_dim3A_706 : vector<8x1xf32>
    %div3A_710 = arith.constant 2.8903718 : f32
    %div3A_711 = vector.broadcast %div3A_710 : f32 to vector<8x1xf32>
    %div3A_712 = arith.divf %add3A_709, %div3A_711 : vector<8x1xf32>
    %squeeze3A_713 = vector.shape_cast %div3A_712 : vector<8x1xf32> to vector<8xf32>
    %swap3A_714 = arith.constant 8 : index
    %swap3A_715 = arith.constant 0 : index
    %swap3A_716 = vector.load %arg2[%swap3A_714, %swap3A_715] : memref<64x8xf32, #tpu.memory_space<vmem>>, vector<1x8xf32>
    %swap3A_717 = vector.shape_cast %swap3A_716 : vector<1x8xf32> to vector<8xf32>
    %swap3A_718 = vector.shape_cast %squeeze3A_713 : vector<8xf32> to vector<1x8xf32>
    tpu.vector_store %arg2[%swap3A_714, %swap3A_715], %swap3A_718 {strides = array<i32>} : memref<64x8xf32, #tpu.memory_space<vmem>>, vector<1x8xf32>,
    %slice3A_719 = vector.extract_strided_slice %add3A_672 {offsets = [1, 0], sizes = [1, 1024], strides = [1, 1]} : vector<8x1024xf32> to vector<1x1024xf32>
    %broadcast_in_dim3A_720 = vector.shape_cast %slice3A_719 : vector<1x1024xf32> to vector<1x1024xf32>
    %broadcast_in_dim3A_721 = vector.broadcast %broadcast_in_dim3A_720 : vector<1x1024xf32> to vector<18x1024xf32>
    %eq3A_722 = arith.cmpf oeq, %broadcast_in_dim3A_721, %convert_element_type3A : vector<18x1024xf32>
    %jit3A_723 = arith.constant 1.000000e+00 : f32
    %jit3A_724 = arith.constant 0.000000e+00 : f32
    %broadcast_in_dim3A_725 = vector.broadcast %jit3A_723 : f32 to vector<18x1024xf32>
    %broadcast_in_dim3A_726 = vector.broadcast %jit3A_724 : f32 to vector<18x1024xf32>
    %select_n3A_727 = arith.select %eq3A_722, %broadcast_in_dim3A_725, %broadcast_in_dim3A_726 : vector<18x1024xi1>, vector<18x1024xf32>
    %dot_general3A_728 = arith.constant dense<0.000000e+00> : vector<9x18xf32>
    %dot_general3A_729 = tpu.matmul %concatenate3A_517, %select_n3A_727, %dot_general3A_728 {dimension_numbers = #tpu.dot_dimension_numbers<[1], [1], [0], [0], [0, 0, 1, 0], [], []>, precision = #tpu.contract_precision<fp32>, transpose_lhs_hint = false} : vector<9x1024xf32>, vector<18x1024xf32>, vector<9x18xf32> -> vector<9x18xf32>
    %slice3A_730 = vector.extract_strided_slice %dot_general3A_729 {offsets = [0, 0], sizes = [8, 18], strides = [1, 1]} : vector<9x18xf32> to vector<8x18xf32>
    %slice3A_731 = vector.extract_strided_slice %dot_general3A_729 {offsets = [8, 0], sizes = [1, 18], strides = [1, 1]} : vector<9x18xf32> to vector<1x18xf32>
    %add3A_732 = arith.constant 9.99999971E-10 : f32
    %add3A_733 = vector.broadcast %add3A_732 : f32 to vector<1x18xf32>
    %add3A_734 = arith.addf %slice3A_731, %add3A_733 : vector<1x18xf32>
    %div3A_735 = vector.broadcast %add3A_734 : vector<1x18xf32> to vector<8x18xf32>
    %div3A_736 = arith.divf %slice3A_730, %div3A_735 : vector<8x18xf32>
    %reduce_sum3A_737 = arith.constant dense<0.000000e+00> : vector<8xf32>
    %reduce_sum3A_738 = vector.multi_reduction <add>, %div3A_736, %reduce_sum3A_737 [1] : vector<8x18xf32> to vector<8xf32>
    %broadcast_in_dim3A_739 = vector.shape_cast %reduce_sum3A_738 : vector<8xf32> to vector<8x1xf32>
    %add3A_740 = arith.constant 9.99999971E-10 : f32
    %add3A_741 = vector.broadcast %add3A_740 : f32 to vector<8x1xf32>
    %add3A_742 = arith.addf %broadcast_in_dim3A_739, %add3A_741 : vector<8x1xf32>
    %div3A_743 = vector.broadcast %add3A_742 : vector<8x1xf32> to vector<8x18xf32>
    %div3A_744 = arith.divf %div3A_736, %div3A_743 : vector<8x18xf32>
    %add3A_745 = arith.constant 9.99999971E-10 : f32
    %add3A_746 = vector.broadcast %add3A_745 : f32 to vector<8x18xf32>
    %add3A_747 = arith.addf %div3A_744, %add3A_746 : vector<8x18xf32>
    %log3A_748 = math.log %add3A_747 : vector<8x18xf32>
    %mul3A_749 = arith.mulf %div3A_744, %log3A_748 : vector<8x18xf32>
    %reduce_sum3A_750 = arith.constant dense<0.000000e+00> : vector<8xf32>
    %reduce_sum3A_751 = vector.multi_reduction <add>, %mul3A_749, %reduce_sum3A_750 [1] : vector<8x18xf32> to vector<8xf32>
    %broadcast_in_dim3A_752 = vector.shape_cast %reduce_sum3A_751 : vector<8xf32> to vector<8x1xf32>
    %add3A_753 = arith.constant 2.8903718 : f32
    %add3A_754 = vector.broadcast %add3A_753 : f32 to vector<8x1xf32>
    %add3A_755 = arith.addf %add3A_754, %broadcast_in_dim3A_752 : vector<8x1xf32>
    %div3A_756 = arith.constant 2.8903718 : f32
    %div3A_757 = vector.broadcast %div3A_756 : f32 to vector<8x1xf32>
    %div3A_758 = arith.divf %add3A_755, %div3A_757 : vector<8x1xf32>
    %squeeze3A_759 = vector.shape_cast %div3A_758 : vector<8x1xf32> to vector<8xf32>
    %swap3A_760 = arith.constant 9 : index
    %swap3A_761 = arith.constant 0 : index
    %swap3A_762 = vector.load %arg2[%swap3A_760, %swap3A_761] : memref<64x8xf32, #tpu.memory_space<vmem>>, vector<1x8xf32>
    %swap3A_763 = vector.shape_cast %swap3A_762 : vector<1x8xf32> to vector<8xf32>
    %swap3A_764 = vector.shape_cast %squeeze3A_759 : vector<8xf32> to vector<1x8xf32>
    tpu.vector_store %arg2[%swap3A_760, %swap3A_761], %swap3A_764 {strides = array<i32>} : memref<64x8xf32, #tpu.memory_space<vmem>>, vector<1x8xf32>,
    %slice3A_765 = vector.extract_strided_slice %add3A_672 {offsets = [2, 0], sizes = [1, 1024], strides = [1, 1]} : vector<8x1024xf32> to vector<1x1024xf32>
    %broadcast_in_dim3A_766 = vector.shape_cast %slice3A_765 : vector<1x1024xf32> to vector<1x1024xf32>
    %broadcast_in_dim3A_767 = vector.broadcast %broadcast_in_dim3A_766 : vector<1x1024xf32> to vector<18x1024xf32>
    %eq3A_768 = arith.cmpf oeq, %broadcast_in_dim3A_767, %convert_element_type3A : vector<18x1024xf32>
    %jit3A_769 = arith.constant 1.000000e+00 : f32
    %jit3A_770 = arith.constant 0.000000e+00 : f32
    %broadcast_in_dim3A_771 = vector.broadcast %jit3A_769 : f32 to vector<18x1024xf32>
    %broadcast_in_dim3A_772 = vector.broadcast %jit3A_770 : f32 to vector<18x1024xf32>
    %select_n3A_773 = arith.select %eq3A_768, %broadcast_in_dim3A_771, %broadcast_in_dim3A_772 : vector<18x1024xi1>, vector<18x1024xf32>
    %dot_general3A_774 = arith.constant dense<0.000000e+00> : vector<9x18xf32>
    %dot_general3A_775 = tpu.matmul %concatenate3A_517, %select_n3A_773, %dot_general3A_774 {dimension_numbers = #tpu.dot_dimension_numbers<[1], [1], [0], [0], [0, 0, 1, 0], [], []>, precision = #tpu.contract_precision<fp32>, transpose_lhs_hint = false} : vector<9x1024xf32>, vector<18x1024xf32>, vector<9x18xf32> -> vector<9x18xf32>
    %slice3A_776 = vector.extract_strided_slice %dot_general3A_775 {offsets = [0, 0], sizes = [8, 18], strides = [1, 1]} : vector<9x18xf32> to vector<8x18xf32>
    %slice3A_777 = vector.extract_strided_slice %dot_general3A_775 {offsets = [8, 0], sizes = [1, 18], strides = [1, 1]} : vector<9x18xf32> to vector<1x18xf32>
    %add3A_778 = arith.constant 9.99999971E-10 : f32
    %add3A_779 = vector.broadcast %add3A_778 : f32 to vector<1x18xf32>
    %add3A_780 = arith.addf %slice3A_777, %add3A_779 : vector<1x18xf32>
    %div3A_781 = vector.broadcast %add3A_780 : vector<1x18xf32> to vector<8x18xf32>
    %div3A_782 = arith.divf %slice3A_776, %div3A_781 : vector<8x18xf32>
    %reduce_sum3A_783 = arith.constant dense<0.000000e+00> : vector<8xf32>
    %reduce_sum3A_784 = vector.multi_reduction <add>, %div3A_782, %reduce_sum3A_783 [1] : vector<8x18xf32> to vector<8xf32>
    %broadcast_in_dim3A_785 = vector.shape_cast %reduce_sum3A_784 : vector<8xf32> to vector<8x1xf32>
    %add3A_786 = arith.constant 9.99999971E-10 : f32
    %add3A_787 = vector.broadcast %add3A_786 : f32 to vector<8x1xf32>
    %add3A_788 = arith.addf %broadcast_in_dim3A_785, %add3A_787 : vector<8x1xf32>
    %div3A_789 = vector.broadcast %add3A_788 : vector<8x1xf32> to vector<8x18xf32>
    %div3A_790 = arith.divf %div3A_782, %div3A_789 : vector<8x18xf32>
    %add3A_791 = arith.constant 9.99999971E-10 : f32
    %add3A_792 = vector.broadcast %add3A_791 : f32 to vector<8x18xf32>
    %add3A_793 = arith.addf %div3A_790, %add3A_792 : vector<8x18xf32>
    %log3A_794 = math.log %add3A_793 : vector<8x18xf32>
    %mul3A_795 = arith.mulf %div3A_790, %log3A_794 : vector<8x18xf32>
    %reduce_sum3A_796 = arith.constant dense<0.000000e+00> : vector<8xf32>
    %reduce_sum3A_797 = vector.multi_reduction <add>, %mul3A_795, %reduce_sum3A_796 [1] : vector<8x18xf32> to vector<8xf32>
    %broadcast_in_dim3A_798 = vector.shape_cast %reduce_sum3A_797 : vector<8xf32> to vector<8x1xf32>
    %add3A_799 = arith.constant 2.8903718 : f32
    %add3A_800 = vector.broadcast %add3A_799 : f32 to vector<8x1xf32>
    %add3A_801 = arith.addf %add3A_800, %broadcast_in_dim3A_798 : vector<8x1xf32>
    %div3A_802 = arith.constant 2.8903718 : f32
    %div3A_803 = vector.broadcast %div3A_802 : f32 to vector<8x1xf32>
    %div3A_804 = arith.divf %add3A_801, %div3A_803 : vector<8x1xf32>
    %squeeze3A_805 = vector.shape_cast %div3A_804 : vector<8x1xf32> to vector<8xf32>
    %swap3A_806 = arith.constant 10 : index
    %swap3A_807 = arith.constant 0 : index
    %swap3A_808 = vector.load %arg2[%swap3A_806, %swap3A_807] : memref<64x8xf32, #tpu.memory_space<vmem>>, vector<1x8xf32>
    %swap3A_809 = vector.shape_cast %swap3A_808 : vector<1x8xf32> to vector<8xf32>
    %swap3A_810 = vector.shape_cast %squeeze3A_805 : vector<8xf32> to vector<1x8xf32>
    tpu.vector_store %arg2[%swap3A_806, %swap3A_807], %swap3A_810 {strides = array<i32>} : memref<64x8xf32, #tpu.memory_space<vmem>>, vector<1x8xf32>,
    %slice3A_811 = vector.extract_strided_slice %add3A_672 {offsets = [3, 0], sizes = [1, 1024], strides = [1, 1]} : vector<8x1024xf32> to vector<1x1024xf32>
    %broadcast_in_dim3A_812 = vector.shape_cast %slice3A_811 : vector<1x1024xf32> to vector<1x1024xf32>
    %broadcast_in_dim3A_813 = vector.broadcast %broadcast_in_dim3A_812 : vector<1x1024xf32> to vector<18x1024xf32>
    %eq3A_814 = arith.cmpf oeq, %broadcast_in_dim3A_813, %convert_element_type3A : vector<18x1024xf32>
    %jit3A_815 = arith.constant 1.000000e+00 : f32
    %jit3A_816 = arith.constant 0.000000e+00 : f32
    %broadcast_in_dim3A_817 = vector.broadcast %jit3A_815 : f32 to vector<18x1024xf32>
    %broadcast_in_dim3A_818 = vector.broadcast %jit3A_816 : f32 to vector<18x1024xf32>
    %select_n3A_819 = arith.select %eq3A_814, %broadcast_in_dim3A_817, %broadcast_in_dim3A_818 : vector<18x1024xi1>, vector<18x1024xf32>
    %dot_general3A_820 = arith.constant dense<0.000000e+00> : vector<9x18xf32>
    %dot_general3A_821 = tpu.matmul %concatenate3A_517, %select_n3A_819, %dot_general3A_820 {dimension_numbers = #tpu.dot_dimension_numbers<[1], [1], [0], [0], [0, 0, 1, 0], [], []>, precision = #tpu.contract_precision<fp32>, transpose_lhs_hint = false} : vector<9x1024xf32>, vector<18x1024xf32>, vector<9x18xf32> -> vector<9x18xf32>
    %slice3A_822 = vector.extract_strided_slice %dot_general3A_821 {offsets = [0, 0], sizes = [8, 18], strides = [1, 1]} : vector<9x18xf32> to vector<8x18xf32>
    %slice3A_823 = vector.extract_strided_slice %dot_general3A_821 {offsets = [8, 0], sizes = [1, 18], strides = [1, 1]} : vector<9x18xf32> to vector<1x18xf32>
    %add3A_824 = arith.constant 9.99999971E-10 : f32
    %add3A_825 = vector.broadcast %add3A_824 : f32 to vector<1x18xf32>
    %add3A_826 = arith.addf %slice3A_823, %add3A_825 : vector<1x18xf32>
    %div3A_827 = vector.broadcast %add3A_826 : vector<1x18xf32> to vector<8x18xf32>
    %div3A_828 = arith.divf %slice3A_822, %div3A_827 : vector<8x18xf32>
    %reduce_sum3A_829 = arith.constant dense<0.000000e+00> : vector<8xf32>
    %reduce_sum3A_830 = vector.multi_reduction <add>, %div3A_828, %reduce_sum3A_829 [1] : vector<8x18xf32> to vector<8xf32>
    %broadcast_in_dim3A_831 = vector.shape_cast %reduce_sum3A_830 : vector<8xf32> to vector<8x1xf32>
    %add3A_832 = arith.constant 9.99999971E-10 : f32
    %add3A_833 = vector.broadcast %add3A_832 : f32 to vector<8x1xf32>
    %add3A_834 = arith.addf %broadcast_in_dim3A_831, %add3A_833 : vector<8x1xf32>
    %div3A_835 = vector.broadcast %add3A_834 : vector<8x1xf32> to vector<8x18xf32>
    %div3A_836 = arith.divf %div3A_828, %div3A_835 : vector<8x18xf32>
    %add3A_837 = arith.constant 9.99999971E-10 : f32
    %add3A_838 = vector.broadcast %add3A_837 : f32 to vector<8x18xf32>
    %add3A_839 = arith.addf %div3A_836, %add3A_838 : vector<8x18xf32>
    %log3A_840 = math.log %add3A_839 : vector<8x18xf32>
    %mul3A_841 = arith.mulf %div3A_836, %log3A_840 : vector<8x18xf32>
    %reduce_sum3A_842 = arith.constant dense<0.000000e+00> : vector<8xf32>
    %reduce_sum3A_843 = vector.multi_reduction <add>, %mul3A_841, %reduce_sum3A_842 [1] : vector<8x18xf32> to vector<8xf32>
    %broadcast_in_dim3A_844 = vector.shape_cast %reduce_sum3A_843 : vector<8xf32> to vector<8x1xf32>
    %add3A_845 = arith.constant 2.8903718 : f32
    %add3A_846 = vector.broadcast %add3A_845 : f32 to vector<8x1xf32>
    %add3A_847 = arith.addf %add3A_846, %broadcast_in_dim3A_844 : vector<8x1xf32>
    %div3A_848 = arith.constant 2.8903718 : f32
    %div3A_849 = vector.broadcast %div3A_848 : f32 to vector<8x1xf32>
    %div3A_850 = arith.divf %add3A_847, %div3A_849 : vector<8x1xf32>
    %squeeze3A_851 = vector.shape_cast %div3A_850 : vector<8x1xf32> to vector<8xf32>
    %swap3A_852 = arith.constant 11 : index
    %swap3A_853 = arith.constant 0 : index
    %swap3A_854 = vector.load %arg2[%swap3A_852, %swap3A_853] : memref<64x8xf32, #tpu.memory_space<vmem>>, vector<1x8xf32>
    %swap3A_855 = vector.shape_cast %swap3A_854 : vector<1x8xf32> to vector<8xf32>
    %swap3A_856 = vector.shape_cast %squeeze3A_851 : vector<8xf32> to vector<1x8xf32>
    tpu.vector_store %arg2[%swap3A_852, %swap3A_853], %swap3A_856 {strides = array<i32>} : memref<64x8xf32, #tpu.memory_space<vmem>>, vector<1x8xf32>,
    %slice3A_857 = vector.extract_strided_slice %add3A_672 {offsets = [4, 0], sizes = [1, 1024], strides = [1, 1]} : vector<8x1024xf32> to vector<1x1024xf32>
    %broadcast_in_dim3A_858 = vector.shape_cast %slice3A_857 : vector<1x1024xf32> to vector<1x1024xf32>
    %broadcast_in_dim3A_859 = vector.broadcast %broadcast_in_dim3A_858 : vector<1x1024xf32> to vector<18x1024xf32>
    %eq3A_860 = arith.cmpf oeq, %broadcast_in_dim3A_859, %convert_element_type3A : vector<18x1024xf32>
    %jit3A_861 = arith.constant 1.000000e+00 : f32
    %jit3A_862 = arith.constant 0.000000e+00 : f32
    %broadcast_in_dim3A_863 = vector.broadcast %jit3A_861 : f32 to vector<18x1024xf32>
    %broadcast_in_dim3A_864 = vector.broadcast %jit3A_862 : f32 to vector<18x1024xf32>
    %select_n3A_865 = arith.select %eq3A_860, %broadcast_in_dim3A_863, %broadcast_in_dim3A_864 : vector<18x1024xi1>, vector<18x1024xf32>
    %dot_general3A_866 = arith.constant dense<0.000000e+00> : vector<9x18xf32>
    %dot_general3A_867 = tpu.matmul %concatenate3A_517, %select_n3A_865, %dot_general3A_866 {dimension_numbers = #tpu.dot_dimension_numbers<[1], [1], [0], [0], [0, 0, 1, 0], [], []>, precision = #tpu.contract_precision<fp32>, transpose_lhs_hint = false} : vector<9x1024xf32>, vector<18x1024xf32>, vector<9x18xf32> -> vector<9x18xf32>
    %slice3A_868 = vector.extract_strided_slice %dot_general3A_867 {offsets = [0, 0], sizes = [8, 18], strides = [1, 1]} : vector<9x18xf32> to vector<8x18xf32>
    %slice3A_869 = vector.extract_strided_slice %dot_general3A_867 {offsets = [8, 0], sizes = [1, 18], strides = [1, 1]} : vector<9x18xf32> to vector<1x18xf32>
    %add3A_870 = arith.constant 9.99999971E-10 : f32
    %add3A_871 = vector.broadcast %add3A_870 : f32 to vector<1x18xf32>
    %add3A_872 = arith.addf %slice3A_869, %add3A_871 : vector<1x18xf32>
    %div3A_873 = vector.broadcast %add3A_872 : vector<1x18xf32> to vector<8x18xf32>
    %div3A_874 = arith.divf %slice3A_868, %div3A_873 : vector<8x18xf32>
    %reduce_sum3A_875 = arith.constant dense<0.000000e+00> : vector<8xf32>
    %reduce_sum3A_876 = vector.multi_reduction <add>, %div3A_874, %reduce_sum3A_875 [1] : vector<8x18xf32> to vector<8xf32>
    %broadcast_in_dim3A_877 = vector.shape_cast %reduce_sum3A_876 : vector<8xf32> to vector<8x1xf32>
    %add3A_878 = arith.constant 9.99999971E-10 : f32
    %add3A_879 = vector.broadcast %add3A_878 : f32 to vector<8x1xf32>
    %add3A_880 = arith.addf %broadcast_in_dim3A_877, %add3A_879 : vector<8x1xf32>
    %div3A_881 = vector.broadcast %add3A_880 : vector<8x1xf32> to vector<8x18xf32>
    %div3A_882 = arith.divf %div3A_874, %div3A_881 : vector<8x18xf32>
    %add3A_883 = arith.constant 9.99999971E-10 : f32
    %add3A_884 = vector.broadcast %add3A_883 : f32 to vector<8x18xf32>
    %add3A_885 = arith.addf %div3A_882, %add3A_884 : vector<8x18xf32>
    %log3A_886 = math.log %add3A_885 : vector<8x18xf32>
    %mul3A_887 = arith.mulf %div3A_882, %log3A_886 : vector<8x18xf32>
    %reduce_sum3A_888 = arith.constant dense<0.000000e+00> : vector<8xf32>
    %reduce_sum3A_889 = vector.multi_reduction <add>, %mul3A_887, %reduce_sum3A_888 [1] : vector<8x18xf32> to vector<8xf32>
    %broadcast_in_dim3A_890 = vector.shape_cast %reduce_sum3A_889 : vector<8xf32> to vector<8x1xf32>
    %add3A_891 = arith.constant 2.8903718 : f32
    %add3A_892 = vector.broadcast %add3A_891 : f32 to vector<8x1xf32>
    %add3A_893 = arith.addf %add3A_892, %broadcast_in_dim3A_890 : vector<8x1xf32>
    %div3A_894 = arith.constant 2.8903718 : f32
    %div3A_895 = vector.broadcast %div3A_894 : f32 to vector<8x1xf32>
    %div3A_896 = arith.divf %add3A_893, %div3A_895 : vector<8x1xf32>
    %squeeze3A_897 = vector.shape_cast %div3A_896 : vector<8x1xf32> to vector<8xf32>
    %swap3A_898 = arith.constant 12 : index
    %swap3A_899 = arith.constant 0 : index
    %swap3A_900 = vector.load %arg2[%swap3A_898, %swap3A_899] : memref<64x8xf32, #tpu.memory_space<vmem>>, vector<1x8xf32>
    %swap3A_901 = vector.shape_cast %swap3A_900 : vector<1x8xf32> to vector<8xf32>
    %swap3A_902 = vector.shape_cast %squeeze3A_897 : vector<8xf32> to vector<1x8xf32>
    tpu.vector_store %arg2[%swap3A_898, %swap3A_899], %swap3A_902 {strides = array<i32>} : memref<64x8xf32, #tpu.memory_space<vmem>>, vector<1x8xf32>,
    %slice3A_903 = vector.extract_strided_slice %add3A_672 {offsets = [5, 0], sizes = [1, 1024], strides = [1, 1]} : vector<8x1024xf32> to vector<1x1024xf32>
    %broadcast_in_dim3A_904 = vector.shape_cast %slice3A_903 : vector<1x1024xf32> to vector<1x1024xf32>
    %broadcast_in_dim3A_905 = vector.broadcast %broadcast_in_dim3A_904 : vector<1x1024xf32> to vector<18x1024xf32>
    %eq3A_906 = arith.cmpf oeq, %broadcast_in_dim3A_905, %convert_element_type3A : vector<18x1024xf32>
    %jit3A_907 = arith.constant 1.000000e+00 : f32
    %jit3A_908 = arith.constant 0.000000e+00 : f32
    %broadcast_in_dim3A_909 = vector.broadcast %jit3A_907 : f32 to vector<18x1024xf32>
    %broadcast_in_dim3A_910 = vector.broadcast %jit3A_908 : f32 to vector<18x1024xf32>
    %select_n3A_911 = arith.select %eq3A_906, %broadcast_in_dim3A_909, %broadcast_in_dim3A_910 : vector<18x1024xi1>, vector<18x1024xf32>
    %dot_general3A_912 = arith.constant dense<0.000000e+00> : vector<9x18xf32>
    %dot_general3A_913 = tpu.matmul %concatenate3A_517, %select_n3A_911, %dot_general3A_912 {dimension_numbers = #tpu.dot_dimension_numbers<[1], [1], [0], [0], [0, 0, 1, 0], [], []>, precision = #tpu.contract_precision<fp32>, transpose_lhs_hint = false} : vector<9x1024xf32>, vector<18x1024xf32>, vector<9x18xf32> -> vector<9x18xf32>
    %slice3A_914 = vector.extract_strided_slice %dot_general3A_913 {offsets = [0, 0], sizes = [8, 18], strides = [1, 1]} : vector<9x18xf32> to vector<8x18xf32>
    %slice3A_915 = vector.extract_strided_slice %dot_general3A_913 {offsets = [8, 0], sizes = [1, 18], strides = [1, 1]} : vector<9x18xf32> to vector<1x18xf32>
    %add3A_916 = arith.constant 9.99999971E-10 : f32
    %add3A_917 = vector.broadcast %add3A_916 : f32 to vector<1x18xf32>
    %add3A_918 = arith.addf %slice3A_915, %add3A_917 : vector<1x18xf32>
    %div3A_919 = vector.broadcast %add3A_918 : vector<1x18xf32> to vector<8x18xf32>
    %div3A_920 = arith.divf %slice3A_914, %div3A_919 : vector<8x18xf32>
    %reduce_sum3A_921 = arith.constant dense<0.000000e+00> : vector<8xf32>
    %reduce_sum3A_922 = vector.multi_reduction <add>, %div3A_920, %reduce_sum3A_921 [1] : vector<8x18xf32> to vector<8xf32>
    %broadcast_in_dim3A_923 = vector.shape_cast %reduce_sum3A_922 : vector<8xf32> to vector<8x1xf32>
    %add3A_924 = arith.constant 9.99999971E-10 : f32
    %add3A_925 = vector.broadcast %add3A_924 : f32 to vector<8x1xf32>
    %add3A_926 = arith.addf %broadcast_in_dim3A_923, %add3A_925 : vector<8x1xf32>
    %div3A_927 = vector.broadcast %add3A_926 : vector<8x1xf32> to vector<8x18xf32>
    %div3A_928 = arith.divf %div3A_920, %div3A_927 : vector<8x18xf32>
    %add3A_929 = arith.constant 9.99999971E-10 : f32
    %add3A_930 = vector.broadcast %add3A_929 : f32 to vector<8x18xf32>
    %add3A_931 = arith.addf %div3A_928, %add3A_930 : vector<8x18xf32>
    %log3A_932 = math.log %add3A_931 : vector<8x18xf32>
    %mul3A_933 = arith.mulf %div3A_928, %log3A_932 : vector<8x18xf32>
    %reduce_sum3A_934 = arith.constant dense<0.000000e+00> : vector<8xf32>
    %reduce_sum3A_935 = vector.multi_reduction <add>, %mul3A_933, %reduce_sum3A_934 [1] : vector<8x18xf32> to vector<8xf32>
    %broadcast_in_dim3A_936 = vector.shape_cast %reduce_sum3A_935 : vector<8xf32> to vector<8x1xf32>
    %add3A_937 = arith.constant 2.8903718 : f32
    %add3A_938 = vector.broadcast %add3A_937 : f32 to vector<8x1xf32>
    %add3A_939 = arith.addf %add3A_938, %broadcast_in_dim3A_936 : vector<8x1xf32>
    %div3A_940 = arith.constant 2.8903718 : f32
    %div3A_941 = vector.broadcast %div3A_940 : f32 to vector<8x1xf32>
    %div3A_942 = arith.divf %add3A_939, %div3A_941 : vector<8x1xf32>
    %squeeze3A_943 = vector.shape_cast %div3A_942 : vector<8x1xf32> to vector<8xf32>
    %swap3A_944 = arith.constant 13 : index
    %swap3A_945 = arith.constant 0 : index
    %swap3A_946 = vector.load %arg2[%swap3A_944, %swap3A_945] : memref<64x8xf32, #tpu.memory_space<vmem>>, vector<1x8xf32>
    %swap3A_947 = vector.shape_cast %swap3A_946 : vector<1x8xf32> to vector<8xf32>
    %swap3A_948 = vector.shape_cast %squeeze3A_943 : vector<8xf32> to vector<1x8xf32>
    tpu.vector_store %arg2[%swap3A_944, %swap3A_945], %swap3A_948 {strides = array<i32>} : memref<64x8xf32, #tpu.memory_space<vmem>>, vector<1x8xf32>,
    %slice3A_949 = vector.extract_strided_slice %add3A_672 {offsets = [6, 0], sizes = [1, 1024], strides = [1, 1]} : vector<8x1024xf32> to vector<1x1024xf32>
    %broadcast_in_dim3A_950 = vector.shape_cast %slice3A_949 : vector<1x1024xf32> to vector<1x1024xf32>
    %broadcast_in_dim3A_951 = vector.broadcast %broadcast_in_dim3A_950 : vector<1x1024xf32> to vector<18x1024xf32>
    %eq3A_952 = arith.cmpf oeq, %broadcast_in_dim3A_951, %convert_element_type3A : vector<18x1024xf32>
    %jit3A_953 = arith.constant 1.000000e+00 : f32
    %jit3A_954 = arith.constant 0.000000e+00 : f32
    %broadcast_in_dim3A_955 = vector.broadcast %jit3A_953 : f32 to vector<18x1024xf32>
    %broadcast_in_dim3A_956 = vector.broadcast %jit3A_954 : f32 to vector<18x1024xf32>
    %select_n3A_957 = arith.select %eq3A_952, %broadcast_in_dim3A_955, %broadcast_in_dim3A_956 : vector<18x1024xi1>, vector<18x1024xf32>
    %dot_general3A_958 = arith.constant dense<0.000000e+00> : vector<9x18xf32>
    %dot_general3A_959 = tpu.matmul %concatenate3A_517, %select_n3A_957, %dot_general3A_958 {dimension_numbers = #tpu.dot_dimension_numbers<[1], [1], [0], [0], [0, 0, 1, 0], [], []>, precision = #tpu.contract_precision<fp32>, transpose_lhs_hint = false} : vector<9x1024xf32>, vector<18x1024xf32>, vector<9x18xf32> -> vector<9x18xf32>
    %slice3A_960 = vector.extract_strided_slice %dot_general3A_959 {offsets = [0, 0], sizes = [8, 18], strides = [1, 1]} : vector<9x18xf32> to vector<8x18xf32>
    %slice3A_961 = vector.extract_strided_slice %dot_general3A_959 {offsets = [8, 0], sizes = [1, 18], strides = [1, 1]} : vector<9x18xf32> to vector<1x18xf32>
    %add3A_962 = arith.constant 9.99999971E-10 : f32
    %add3A_963 = vector.broadcast %add3A_962 : f32 to vector<1x18xf32>
    %add3A_964 = arith.addf %slice3A_961, %add3A_963 : vector<1x18xf32>
    %div3A_965 = vector.broadcast %add3A_964 : vector<1x18xf32> to vector<8x18xf32>
    %div3A_966 = arith.divf %slice3A_960, %div3A_965 : vector<8x18xf32>
    %reduce_sum3A_967 = arith.constant dense<0.000000e+00> : vector<8xf32>
    %reduce_sum3A_968 = vector.multi_reduction <add>, %div3A_966, %reduce_sum3A_967 [1] : vector<8x18xf32> to vector<8xf32>
    %broadcast_in_dim3A_969 = vector.shape_cast %reduce_sum3A_968 : vector<8xf32> to vector<8x1xf32>
    %add3A_970 = arith.constant 9.99999971E-10 : f32
    %add3A_971 = vector.broadcast %add3A_970 : f32 to vector<8x1xf32>
    %add3A_972 = arith.addf %broadcast_in_dim3A_969, %add3A_971 : vector<8x1xf32>
    %div3A_973 = vector.broadcast %add3A_972 : vector<8x1xf32> to vector<8x18xf32>
    %div3A_974 = arith.divf %div3A_966, %div3A_973 : vector<8x18xf32>
    %add3A_975 = arith.constant 9.99999971E-10 : f32
    %add3A_976 = vector.broadcast %add3A_975 : f32 to vector<8x18xf32>
    %add3A_977 = arith.addf %div3A_974, %add3A_976 : vector<8x18xf32>
    %log3A_978 = math.log %add3A_977 : vector<8x18xf32>
    %mul3A_979 = arith.mulf %div3A_974, %log3A_978 : vector<8x18xf32>
    %reduce_sum3A_980 = arith.constant dense<0.000000e+00> : vector<8xf32>
    %reduce_sum3A_981 = vector.multi_reduction <add>, %mul3A_979, %reduce_sum3A_980 [1] : vector<8x18xf32> to vector<8xf32>
    %broadcast_in_dim3A_982 = vector.shape_cast %reduce_sum3A_981 : vector<8xf32> to vector<8x1xf32>
    %add3A_983 = arith.constant 2.8903718 : f32
    %add3A_984 = vector.broadcast %add3A_983 : f32 to vector<8x1xf32>
    %add3A_985 = arith.addf %add3A_984, %broadcast_in_dim3A_982 : vector<8x1xf32>
    %div3A_986 = arith.constant 2.8903718 : f32
    %div3A_987 = vector.broadcast %div3A_986 : f32 to vector<8x1xf32>
    %div3A_988 = arith.divf %add3A_985, %div3A_987 : vector<8x1xf32>
    %squeeze3A_989 = vector.shape_cast %div3A_988 : vector<8x1xf32> to vector<8xf32>
    %swap3A_990 = arith.constant 14 : index
    %swap3A_991 = arith.constant 0 : index
    %swap3A_992 = vector.load %arg2[%swap3A_990, %swap3A_991] : memref<64x8xf32, #tpu.memory_space<vmem>>, vector<1x8xf32>
    %swap3A_993 = vector.shape_cast %swap3A_992 : vector<1x8xf32> to vector<8xf32>
    %swap3A_994 = vector.shape_cast %squeeze3A_989 : vector<8xf32> to vector<1x8xf32>
    tpu.vector_store %arg2[%swap3A_990, %swap3A_991], %swap3A_994 {strides = array<i32>} : memref<64x8xf32, #tpu.memory_space<vmem>>, vector<1x8xf32>,
    %slice3A_995 = vector.extract_strided_slice %add3A_672 {offsets = [7, 0], sizes = [1, 1024], strides = [1, 1]} : vector<8x1024xf32> to vector<1x1024xf32>
    %broadcast_in_dim3A_996 = vector.shape_cast %slice3A_995 : vector<1x1024xf32> to vector<1x1024xf32>
    %broadcast_in_dim3A_997 = vector.broadcast %broadcast_in_dim3A_996 : vector<1x1024xf32> to vector<18x1024xf32>
    %eq3A_998 = arith.cmpf oeq, %broadcast_in_dim3A_997, %convert_element_type3A : vector<18x1024xf32>
    %jit3A_999 = arith.constant 1.000000e+00 : f32
    %jit3A_1000 = arith.constant 0.000000e+00 : f32
    %broadcast_in_dim3A_1001 = vector.broadcast %jit3A_999 : f32 to vector<18x1024xf32>
    %broadcast_in_dim3A_1002 = vector.broadcast %jit3A_1000 : f32 to vector<18x1024xf32>
    %select_n3A_1003 = arith.select %eq3A_998, %broadcast_in_dim3A_1001, %broadcast_in_dim3A_1002 : vector<18x1024xi1>, vector<18x1024xf32>
    %dot_general3A_1004 = arith.constant dense<0.000000e+00> : vector<9x18xf32>
    %dot_general3A_1005 = tpu.matmul %concatenate3A_517, %select_n3A_1003, %dot_general3A_1004 {dimension_numbers = #tpu.dot_dimension_numbers<[1], [1], [0], [0], [0, 0, 1, 0], [], []>, precision = #tpu.contract_precision<fp32>, transpose_lhs_hint = false} : vector<9x1024xf32>, vector<18x1024xf32>, vector<9x18xf32> -> vector<9x18xf32>
    %slice3A_1006 = vector.extract_strided_slice %dot_general3A_1005 {offsets = [0, 0], sizes = [8, 18], strides = [1, 1]} : vector<9x18xf32> to vector<8x18xf32>
    %slice3A_1007 = vector.extract_strided_slice %dot_general3A_1005 {offsets = [8, 0], sizes = [1, 18], strides = [1, 1]} : vector<9x18xf32> to vector<1x18xf32>
    %add3A_1008 = arith.constant 9.99999971E-10 : f32
    %add3A_1009 = vector.broadcast %add3A_1008 : f32 to vector<1x18xf32>
    %add3A_1010 = arith.addf %slice3A_1007, %add3A_1009 : vector<1x18xf32>
    %div3A_1011 = vector.broadcast %add3A_1010 : vector<1x18xf32> to vector<8x18xf32>
    %div3A_1012 = arith.divf %slice3A_1006, %div3A_1011 : vector<8x18xf32>
    %reduce_sum3A_1013 = arith.constant dense<0.000000e+00> : vector<8xf32>
    %reduce_sum3A_1014 = vector.multi_reduction <add>, %div3A_1012, %reduce_sum3A_1013 [1] : vector<8x18xf32> to vector<8xf32>
    %broadcast_in_dim3A_1015 = vector.shape_cast %reduce_sum3A_1014 : vector<8xf32> to vector<8x1xf32>
    %add3A_1016 = arith.constant 9.99999971E-10 : f32
    %add3A_1017 = vector.broadcast %add3A_1016 : f32 to vector<8x1xf32>
    %add3A_1018 = arith.addf %broadcast_in_dim3A_1015, %add3A_1017 : vector<8x1xf32>
    %div3A_1019 = vector.broadcast %add3A_1018 : vector<8x1xf32> to vector<8x18xf32>
    %div3A_1020 = arith.divf %div3A_1012, %div3A_1019 : vector<8x18xf32>
    %add3A_1021 = arith.constant 9.99999971E-10 : f32
    %add3A_1022 = vector.broadcast %add3A_1021 : f32 to vector<8x18xf32>
    %add3A_1023 = arith.addf %div3A_1020, %add3A_1022 : vector<8x18xf32>
    %log3A_1024 = math.log %add3A_1023 : vector<8x18xf32>
    %mul3A_1025 = arith.mulf %div3A_1020, %log3A_1024 : vector<8x18xf32>
    %reduce_sum3A_1026 = arith.constant dense<0.000000e+00> : vector<8xf32>
    %reduce_sum3A_1027 = vector.multi_reduction <add>, %mul3A_1025, %reduce_sum3A_1026 [1] : vector<8x18xf32> to vector<8xf32>
    %broadcast_in_dim3A_1028 = vector.shape_cast %reduce_sum3A_1027 : vector<8xf32> to vector<8x1xf32>
    %add3A_1029 = arith.constant 2.8903718 : f32
    %add3A_1030 = vector.broadcast %add3A_1029 : f32 to vector<8x1xf32>
    %add3A_1031 = arith.addf %add3A_1030, %broadcast_in_dim3A_1028 : vector<8x1xf32>
    %div3A_1032 = arith.constant 2.8903718 : f32
    %div3A_1033 = vector.broadcast %div3A_1032 : f32 to vector<8x1xf32>
    %div3A_1034 = arith.divf %add3A_1031, %div3A_1033 : vector<8x1xf32>
    %squeeze3A_1035 = vector.shape_cast %div3A_1034 : vector<8x1xf32> to vector<8xf32>
    %swap3A_1036 = arith.constant 15 : index
    %swap3A_1037 = arith.constant 0 : index
    %swap3A_1038 = vector.load %arg2[%swap3A_1036, %swap3A_1037] : memref<64x8xf32, #tpu.memory_space<vmem>>, vector<1x8xf32>
    %swap3A_1039 = vector.shape_cast %swap3A_1038 : vector<1x8xf32> to vector<8xf32>
    %swap3A_1040 = vector.shape_cast %squeeze3A_1035 : vector<8xf32> to vector<1x8xf32>
    tpu.vector_store %arg2[%swap3A_1036, %swap3A_1037], %swap3A_1040 {strides = array<i32>} : memref<64x8xf32, #tpu.memory_space<vmem>>, vector<1x8xf32>,
    %slice3A_1041 = vector.extract_strided_slice %get3A_1 {offsets = [32, 0], sizes = [8, 1024], strides = [1, 1]} : vector<128x1024xf32> to vector<8x1024xf32>
    %slice3A_1042 = vector.extract_strided_slice %get3A_1 {offsets = [40, 0], sizes = [8, 1024], strides = [1, 1]} : vector<128x1024xf32> to vector<8x1024xf32>
    %concatenate3A_1043 = tpu.concatenate %slice3A_1042, %broadcast_in_dim3A_2 in 0 : vector<8x1024xf32>, vector<1x1024xf32> -> vector<9x1024xf32>
    %broadcast_in_dim3A_1044 = arith.constant 0.000000e+00 : f32
    %broadcast_in_dim3A_1045 = vector.broadcast %broadcast_in_dim3A_1044 : f32 to vector<8x1024xf32>
    %gt3A_1046 = arith.constant -2.79252672 : f32
    %gt3A_1047 = vector.broadcast %gt3A_1046 : f32 to vector<8x1024xf32>
    %gt3A_1048 = arith.cmpf ogt, %slice3A_1041, %gt3A_1047 : vector<8x1024xf32>
    %jit3A_1049 = arith.constant 1.000000e+00 : f32
    %jit3A_1050 = arith.constant 0.000000e+00 : f32
    %broadcast_in_dim3A_1051 = vector.broadcast %jit3A_1049 : f32 to vector<8x1024xf32>
    %broadcast_in_dim3A_1052 = vector.broadcast %jit3A_1050 : f32 to vector<8x1024xf32>
    %select_n3A_1053 = arith.select %gt3A_1048, %broadcast_in_dim3A_1051, %broadcast_in_dim3A_1052 : vector<8x1024xi1>, vector<8x1024xf32>
    %add3A_1054 = arith.addf %broadcast_in_dim3A_1045, %select_n3A_1053 : vector<8x1024xf32>
    %gt3A_1055 = arith.constant -2.44346094 : f32
    %gt3A_1056 = vector.broadcast %gt3A_1055 : f32 to vector<8x1024xf32>
    %gt3A_1057 = arith.cmpf ogt, %slice3A_1041, %gt3A_1056 : vector<8x1024xf32>
    %jit3A_1058 = arith.constant 1.000000e+00 : f32
    %jit3A_1059 = arith.constant 0.000000e+00 : f32
    %broadcast_in_dim3A_1060 = vector.broadcast %jit3A_1058 : f32 to vector<8x1024xf32>
    %broadcast_in_dim3A_1061 = vector.broadcast %jit3A_1059 : f32 to vector<8x1024xf32>
    %select_n3A_1062 = arith.select %gt3A_1057, %broadcast_in_dim3A_1060, %broadcast_in_dim3A_1061 : vector<8x1024xi1>, vector<8x1024xf32>
    %add3A_1063 = arith.addf %add3A_1054, %select_n3A_1062 : vector<8x1024xf32>
    %gt3A_1064 = arith.constant -2.09439516 : f32
    %gt3A_1065 = vector.broadcast %gt3A_1064 : f32 to vector<8x1024xf32>
    %gt3A_1066 = arith.cmpf ogt, %slice3A_1041, %gt3A_1065 : vector<8x1024xf32>
    %jit3A_1067 = arith.constant 1.000000e+00 : f32
    %jit3A_1068 = arith.constant 0.000000e+00 : f32
    %broadcast_in_dim3A_1069 = vector.broadcast %jit3A_1067 : f32 to vector<8x1024xf32>
    %broadcast_in_dim3A_1070 = vector.broadcast %jit3A_1068 : f32 to vector<8x1024xf32>
    %select_n3A_1071 = arith.select %gt3A_1066, %broadcast_in_dim3A_1069, %broadcast_in_dim3A_1070 : vector<8x1024xi1>, vector<8x1024xf32>
    %add3A_1072 = arith.addf %add3A_1063, %select_n3A_1071 : vector<8x1024xf32>
    %gt3A_1073 = arith.constant -1.74532926 : f32
    %gt3A_1074 = vector.broadcast %gt3A_1073 : f32 to vector<8x1024xf32>
    %gt3A_1075 = arith.cmpf ogt, %slice3A_1041, %gt3A_1074 : vector<8x1024xf32>
    %jit3A_1076 = arith.constant 1.000000e+00 : f32
    %jit3A_1077 = arith.constant 0.000000e+00 : f32
    %broadcast_in_dim3A_1078 = vector.broadcast %jit3A_1076 : f32 to vector<8x1024xf32>
    %broadcast_in_dim3A_1079 = vector.broadcast %jit3A_1077 : f32 to vector<8x1024xf32>
    %select_n3A_1080 = arith.select %gt3A_1075, %broadcast_in_dim3A_1078, %broadcast_in_dim3A_1079 : vector<8x1024xi1>, vector<8x1024xf32>
    %add3A_1081 = arith.addf %add3A_1072, %select_n3A_1080 : vector<8x1024xf32>
    %gt3A_1082 = arith.constant -1.39626336 : f32
    %gt3A_1083 = vector.broadcast %gt3A_1082 : f32 to vector<8x1024xf32>
    %gt3A_1084 = arith.cmpf ogt, %slice3A_1041, %gt3A_1083 : vector<8x1024xf32>
    %jit3A_1085 = arith.constant 1.000000e+00 : f32
    %jit3A_1086 = arith.constant 0.000000e+00 : f32
    %broadcast_in_dim3A_1087 = vector.broadcast %jit3A_1085 : f32 to vector<8x1024xf32>
    %broadcast_in_dim3A_1088 = vector.broadcast %jit3A_1086 : f32 to vector<8x1024xf32>
    %select_n3A_1089 = arith.select %gt3A_1084, %broadcast_in_dim3A_1087, %broadcast_in_dim3A_1088 : vector<8x1024xi1>, vector<8x1024xf32>
    %add3A_1090 = arith.addf %add3A_1081, %select_n3A_1089 : vector<8x1024xf32>
    %gt3A_1091 = arith.constant -1.04719758 : f32
    %gt3A_1092 = vector.broadcast %gt3A_1091 : f32 to vector<8x1024xf32>
    %gt3A_1093 = arith.cmpf ogt, %slice3A_1041, %gt3A_1092 : vector<8x1024xf32>
    %jit3A_1094 = arith.constant 1.000000e+00 : f32
    %jit3A_1095 = arith.constant 0.000000e+00 : f32
    %broadcast_in_dim3A_1096 = vector.broadcast %jit3A_1094 : f32 to vector<8x1024xf32>
    %broadcast_in_dim3A_1097 = vector.broadcast %jit3A_1095 : f32 to vector<8x1024xf32>
    %select_n3A_1098 = arith.select %gt3A_1093, %broadcast_in_dim3A_1096, %broadcast_in_dim3A_1097 : vector<8x1024xi1>, vector<8x1024xf32>
    %add3A_1099 = arith.addf %add3A_1090, %select_n3A_1098 : vector<8x1024xf32>
    %gt3A_1100 = arith.constant -0.69813168 : f32
    %gt3A_1101 = vector.broadcast %gt3A_1100 : f32 to vector<8x1024xf32>
    %gt3A_1102 = arith.cmpf ogt, %slice3A_1041, %gt3A_1101 : vector<8x1024xf32>
    %jit3A_1103 = arith.constant 1.000000e+00 : f32
    %jit3A_1104 = arith.constant 0.000000e+00 : f32
    %broadcast_in_dim3A_1105 = vector.broadcast %jit3A_1103 : f32 to vector<8x1024xf32>
    %broadcast_in_dim3A_1106 = vector.broadcast %jit3A_1104 : f32 to vector<8x1024xf32>
    %select_n3A_1107 = arith.select %gt3A_1102, %broadcast_in_dim3A_1105, %broadcast_in_dim3A_1106 : vector<8x1024xi1>, vector<8x1024xf32>
    %add3A_1108 = arith.addf %add3A_1099, %select_n3A_1107 : vector<8x1024xf32>
    %gt3A_1109 = arith.constant -0.34906584 : f32
    %gt3A_1110 = vector.broadcast %gt3A_1109 : f32 to vector<8x1024xf32>
    %gt3A_1111 = arith.cmpf ogt, %slice3A_1041, %gt3A_1110 : vector<8x1024xf32>
    %jit3A_1112 = arith.constant 1.000000e+00 : f32
    %jit3A_1113 = arith.constant 0.000000e+00 : f32
    %broadcast_in_dim3A_1114 = vector.broadcast %jit3A_1112 : f32 to vector<8x1024xf32>
    %broadcast_in_dim3A_1115 = vector.broadcast %jit3A_1113 : f32 to vector<8x1024xf32>
    %select_n3A_1116 = arith.select %gt3A_1111, %broadcast_in_dim3A_1114, %broadcast_in_dim3A_1115 : vector<8x1024xi1>, vector<8x1024xf32>
    %add3A_1117 = arith.addf %add3A_1108, %select_n3A_1116 : vector<8x1024xf32>
    %gt3A_1118 = arith.constant 0.000000e+00 : f32
    %gt3A_1119 = vector.broadcast %gt3A_1118 : f32 to vector<8x1024xf32>
    %gt3A_1120 = arith.cmpf ogt, %slice3A_1041, %gt3A_1119 : vector<8x1024xf32>
    %jit3A_1121 = arith.constant 1.000000e+00 : f32
    %jit3A_1122 = arith.constant 0.000000e+00 : f32
    %broadcast_in_dim3A_1123 = vector.broadcast %jit3A_1121 : f32 to vector<8x1024xf32>
    %broadcast_in_dim3A_1124 = vector.broadcast %jit3A_1122 : f32 to vector<8x1024xf32>
    %select_n3A_1125 = arith.select %gt3A_1120, %broadcast_in_dim3A_1123, %broadcast_in_dim3A_1124 : vector<8x1024xi1>, vector<8x1024xf32>
    %add3A_1126 = arith.addf %add3A_1117, %select_n3A_1125 : vector<8x1024xf32>
    %gt3A_1127 = arith.constant 0.34906584 : f32
    %gt3A_1128 = vector.broadcast %gt3A_1127 : f32 to vector<8x1024xf32>
    %gt3A_1129 = arith.cmpf ogt, %slice3A_1041, %gt3A_1128 : vector<8x1024xf32>
    %jit3A_1130 = arith.constant 1.000000e+00 : f32
    %jit3A_1131 = arith.constant 0.000000e+00 : f32
    %broadcast_in_dim3A_1132 = vector.broadcast %jit3A_1130 : f32 to vector<8x1024xf32>
    %broadcast_in_dim3A_1133 = vector.broadcast %jit3A_1131 : f32 to vector<8x1024xf32>
    %select_n3A_1134 = arith.select %gt3A_1129, %broadcast_in_dim3A_1132, %broadcast_in_dim3A_1133 : vector<8x1024xi1>, vector<8x1024xf32>
    %add3A_1135 = arith.addf %add3A_1126, %select_n3A_1134 : vector<8x1024xf32>
    %gt3A_1136 = arith.constant 0.69813168 : f32
    %gt3A_1137 = vector.broadcast %gt3A_1136 : f32 to vector<8x1024xf32>
    %gt3A_1138 = arith.cmpf ogt, %slice3A_1041, %gt3A_1137 : vector<8x1024xf32>
    %jit3A_1139 = arith.constant 1.000000e+00 : f32
    %jit3A_1140 = arith.constant 0.000000e+00 : f32
    %broadcast_in_dim3A_1141 = vector.broadcast %jit3A_1139 : f32 to vector<8x1024xf32>
    %broadcast_in_dim3A_1142 = vector.broadcast %jit3A_1140 : f32 to vector<8x1024xf32>
    %select_n3A_1143 = arith.select %gt3A_1138, %broadcast_in_dim3A_1141, %broadcast_in_dim3A_1142 : vector<8x1024xi1>, vector<8x1024xf32>
    %add3A_1144 = arith.addf %add3A_1135, %select_n3A_1143 : vector<8x1024xf32>
    %gt3A_1145 = arith.constant 1.04719758 : f32
    %gt3A_1146 = vector.broadcast %gt3A_1145 : f32 to vector<8x1024xf32>
    %gt3A_1147 = arith.cmpf ogt, %slice3A_1041, %gt3A_1146 : vector<8x1024xf32>
    %jit3A_1148 = arith.constant 1.000000e+00 : f32
    %jit3A_1149 = arith.constant 0.000000e+00 : f32
    %broadcast_in_dim3A_1150 = vector.broadcast %jit3A_1148 : f32 to vector<8x1024xf32>
    %broadcast_in_dim3A_1151 = vector.broadcast %jit3A_1149 : f32 to vector<8x1024xf32>
    %select_n3A_1152 = arith.select %gt3A_1147, %broadcast_in_dim3A_1150, %broadcast_in_dim3A_1151 : vector<8x1024xi1>, vector<8x1024xf32>
    %add3A_1153 = arith.addf %add3A_1144, %select_n3A_1152 : vector<8x1024xf32>
    %gt3A_1154 = arith.constant 1.39626336 : f32
    %gt3A_1155 = vector.broadcast %gt3A_1154 : f32 to vector<8x1024xf32>
    %gt3A_1156 = arith.cmpf ogt, %slice3A_1041, %gt3A_1155 : vector<8x1024xf32>
    %jit3A_1157 = arith.constant 1.000000e+00 : f32
    %jit3A_1158 = arith.constant 0.000000e+00 : f32
    %broadcast_in_dim3A_1159 = vector.broadcast %jit3A_1157 : f32 to vector<8x1024xf32>
    %broadcast_in_dim3A_1160 = vector.broadcast %jit3A_1158 : f32 to vector<8x1024xf32>
    %select_n3A_1161 = arith.select %gt3A_1156, %broadcast_in_dim3A_1159, %broadcast_in_dim3A_1160 : vector<8x1024xi1>, vector<8x1024xf32>
    %add3A_1162 = arith.addf %add3A_1153, %select_n3A_1161 : vector<8x1024xf32>
    %gt3A_1163 = arith.constant 1.74532926 : f32
    %gt3A_1164 = vector.broadcast %gt3A_1163 : f32 to vector<8x1024xf32>
    %gt3A_1165 = arith.cmpf ogt, %slice3A_1041, %gt3A_1164 : vector<8x1024xf32>
    %jit3A_1166 = arith.constant 1.000000e+00 : f32
    %jit3A_1167 = arith.constant 0.000000e+00 : f32
    %broadcast_in_dim3A_1168 = vector.broadcast %jit3A_1166 : f32 to vector<8x1024xf32>
    %broadcast_in_dim3A_1169 = vector.broadcast %jit3A_1167 : f32 to vector<8x1024xf32>
    %select_n3A_1170 = arith.select %gt3A_1165, %broadcast_in_dim3A_1168, %broadcast_in_dim3A_1169 : vector<8x1024xi1>, vector<8x1024xf32>
    %add3A_1171 = arith.addf %add3A_1162, %select_n3A_1170 : vector<8x1024xf32>
    %gt3A_1172 = arith.constant 2.09439516 : f32
    %gt3A_1173 = vector.broadcast %gt3A_1172 : f32 to vector<8x1024xf32>
    %gt3A_1174 = arith.cmpf ogt, %slice3A_1041, %gt3A_1173 : vector<8x1024xf32>
    %jit3A_1175 = arith.constant 1.000000e+00 : f32
    %jit3A_1176 = arith.constant 0.000000e+00 : f32
    %broadcast_in_dim3A_1177 = vector.broadcast %jit3A_1175 : f32 to vector<8x1024xf32>
    %broadcast_in_dim3A_1178 = vector.broadcast %jit3A_1176 : f32 to vector<8x1024xf32>
    %select_n3A_1179 = arith.select %gt3A_1174, %broadcast_in_dim3A_1177, %broadcast_in_dim3A_1178 : vector<8x1024xi1>, vector<8x1024xf32>
    %add3A_1180 = arith.addf %add3A_1171, %select_n3A_1179 : vector<8x1024xf32>
    %gt3A_1181 = arith.constant 2.44346094 : f32
    %gt3A_1182 = vector.broadcast %gt3A_1181 : f32 to vector<8x1024xf32>
    %gt3A_1183 = arith.cmpf ogt, %slice3A_1041, %gt3A_1182 : vector<8x1024xf32>
    %jit3A_1184 = arith.constant 1.000000e+00 : f32
    %jit3A_1185 = arith.constant 0.000000e+00 : f32
    %broadcast_in_dim3A_1186 = vector.broadcast %jit3A_1184 : f32 to vector<8x1024xf32>
    %broadcast_in_dim3A_1187 = vector.broadcast %jit3A_1185 : f32 to vector<8x1024xf32>
    %select_n3A_1188 = arith.select %gt3A_1183, %broadcast_in_dim3A_1186, %broadcast_in_dim3A_1187 : vector<8x1024xi1>, vector<8x1024xf32>
    %add3A_1189 = arith.addf %add3A_1180, %select_n3A_1188 : vector<8x1024xf32>
    %gt3A_1190 = arith.constant 2.79252672 : f32
    %gt3A_1191 = vector.broadcast %gt3A_1190 : f32 to vector<8x1024xf32>
    %gt3A_1192 = arith.cmpf ogt, %slice3A_1041, %gt3A_1191 : vector<8x1024xf32>
    %jit3A_1193 = arith.constant 1.000000e+00 : f32
    %jit3A_1194 = arith.constant 0.000000e+00 : f32
    %broadcast_in_dim3A_1195 = vector.broadcast %jit3A_1193 : f32 to vector<8x1024xf32>
    %broadcast_in_dim3A_1196 = vector.broadcast %jit3A_1194 : f32 to vector<8x1024xf32>
    %select_n3A_1197 = arith.select %gt3A_1192, %broadcast_in_dim3A_1195, %broadcast_in_dim3A_1196 : vector<8x1024xi1>, vector<8x1024xf32>
    %add3A_1198 = arith.addf %add3A_1189, %select_n3A_1197 : vector<8x1024xf32>
    %slice3A_1199 = vector.extract_strided_slice %add3A_1198 {offsets = [0, 0], sizes = [1, 1024], strides = [1, 1]} : vector<8x1024xf32> to vector<1x1024xf32>
    %broadcast_in_dim3A_1200 = vector.shape_cast %slice3A_1199 : vector<1x1024xf32> to vector<1x1024xf32>
    %broadcast_in_dim3A_1201 = vector.broadcast %broadcast_in_dim3A_1200 : vector<1x1024xf32> to vector<18x1024xf32>
    %eq3A_1202 = arith.cmpf oeq, %broadcast_in_dim3A_1201, %convert_element_type3A : vector<18x1024xf32>
    %jit3A_1203 = arith.constant 1.000000e+00 : f32
    %jit3A_1204 = arith.constant 0.000000e+00 : f32
    %broadcast_in_dim3A_1205 = vector.broadcast %jit3A_1203 : f32 to vector<18x1024xf32>
    %broadcast_in_dim3A_1206 = vector.broadcast %jit3A_1204 : f32 to vector<18x1024xf32>
    %select_n3A_1207 = arith.select %eq3A_1202, %broadcast_in_dim3A_1205, %broadcast_in_dim3A_1206 : vector<18x1024xi1>, vector<18x1024xf32>
    %dot_general3A_1208 = arith.constant dense<0.000000e+00> : vector<9x18xf32>
    %dot_general3A_1209 = tpu.matmul %concatenate3A_1043, %select_n3A_1207, %dot_general3A_1208 {dimension_numbers = #tpu.dot_dimension_numbers<[1], [1], [0], [0], [0, 0, 1, 0], [], []>, precision = #tpu.contract_precision<fp32>, transpose_lhs_hint = false} : vector<9x1024xf32>, vector<18x1024xf32>, vector<9x18xf32> -> vector<9x18xf32>
    %slice3A_1210 = vector.extract_strided_slice %dot_general3A_1209 {offsets = [0, 0], sizes = [8, 18], strides = [1, 1]} : vector<9x18xf32> to vector<8x18xf32>
    %slice3A_1211 = vector.extract_strided_slice %dot_general3A_1209 {offsets = [8, 0], sizes = [1, 18], strides = [1, 1]} : vector<9x18xf32> to vector<1x18xf32>
    %add3A_1212 = arith.constant 9.99999971E-10 : f32
    %add3A_1213 = vector.broadcast %add3A_1212 : f32 to vector<1x18xf32>
    %add3A_1214 = arith.addf %slice3A_1211, %add3A_1213 : vector<1x18xf32>
    %div3A_1215 = vector.broadcast %add3A_1214 : vector<1x18xf32> to vector<8x18xf32>
    %div3A_1216 = arith.divf %slice3A_1210, %div3A_1215 : vector<8x18xf32>
    %reduce_sum3A_1217 = arith.constant dense<0.000000e+00> : vector<8xf32>
    %reduce_sum3A_1218 = vector.multi_reduction <add>, %div3A_1216, %reduce_sum3A_1217 [1] : vector<8x18xf32> to vector<8xf32>
    %broadcast_in_dim3A_1219 = vector.shape_cast %reduce_sum3A_1218 : vector<8xf32> to vector<8x1xf32>
    %add3A_1220 = arith.constant 9.99999971E-10 : f32
    %add3A_1221 = vector.broadcast %add3A_1220 : f32 to vector<8x1xf32>
    %add3A_1222 = arith.addf %broadcast_in_dim3A_1219, %add3A_1221 : vector<8x1xf32>
    %div3A_1223 = vector.broadcast %add3A_1222 : vector<8x1xf32> to vector<8x18xf32>
    %div3A_1224 = arith.divf %div3A_1216, %div3A_1223 : vector<8x18xf32>
    %add3A_1225 = arith.constant 9.99999971E-10 : f32
    %add3A_1226 = vector.broadcast %add3A_1225 : f32 to vector<8x18xf32>
    %add3A_1227 = arith.addf %div3A_1224, %add3A_1226 : vector<8x18xf32>
    %log3A_1228 = math.log %add3A_1227 : vector<8x18xf32>
    %mul3A_1229 = arith.mulf %div3A_1224, %log3A_1228 : vector<8x18xf32>
    %reduce_sum3A_1230 = arith.constant dense<0.000000e+00> : vector<8xf32>
    %reduce_sum3A_1231 = vector.multi_reduction <add>, %mul3A_1229, %reduce_sum3A_1230 [1] : vector<8x18xf32> to vector<8xf32>
    %broadcast_in_dim3A_1232 = vector.shape_cast %reduce_sum3A_1231 : vector<8xf32> to vector<8x1xf32>
    %add3A_1233 = arith.constant 2.8903718 : f32
    %add3A_1234 = vector.broadcast %add3A_1233 : f32 to vector<8x1xf32>
    %add3A_1235 = arith.addf %add3A_1234, %broadcast_in_dim3A_1232 : vector<8x1xf32>
    %div3A_1236 = arith.constant 2.8903718 : f32
    %div3A_1237 = vector.broadcast %div3A_1236 : f32 to vector<8x1xf32>
    %div3A_1238 = arith.divf %add3A_1235, %div3A_1237 : vector<8x1xf32>
    %squeeze3A_1239 = vector.shape_cast %div3A_1238 : vector<8x1xf32> to vector<8xf32>
    %swap3A_1240 = arith.constant 16 : index
    %swap3A_1241 = arith.constant 0 : index
    %swap3A_1242 = vector.load %arg2[%swap3A_1240, %swap3A_1241] : memref<64x8xf32, #tpu.memory_space<vmem>>, vector<1x8xf32>
    %swap3A_1243 = vector.shape_cast %swap3A_1242 : vector<1x8xf32> to vector<8xf32>
    %swap3A_1244 = vector.shape_cast %squeeze3A_1239 : vector<8xf32> to vector<1x8xf32>
    tpu.vector_store %arg2[%swap3A_1240, %swap3A_1241], %swap3A_1244 {strides = array<i32>} : memref<64x8xf32, #tpu.memory_space<vmem>>, vector<1x8xf32>,
    %slice3A_1245 = vector.extract_strided_slice %add3A_1198 {offsets = [1, 0], sizes = [1, 1024], strides = [1, 1]} : vector<8x1024xf32> to vector<1x1024xf32>
    %broadcast_in_dim3A_1246 = vector.shape_cast %slice3A_1245 : vector<1x1024xf32> to vector<1x1024xf32>
    %broadcast_in_dim3A_1247 = vector.broadcast %broadcast_in_dim3A_1246 : vector<1x1024xf32> to vector<18x1024xf32>
    %eq3A_1248 = arith.cmpf oeq, %broadcast_in_dim3A_1247, %convert_element_type3A : vector<18x1024xf32>
    %jit3A_1249 = arith.constant 1.000000e+00 : f32
    %jit3A_1250 = arith.constant 0.000000e+00 : f32
    %broadcast_in_dim3A_1251 = vector.broadcast %jit3A_1249 : f32 to vector<18x1024xf32>
    %broadcast_in_dim3A_1252 = vector.broadcast %jit3A_1250 : f32 to vector<18x1024xf32>
    %select_n3A_1253 = arith.select %eq3A_1248, %broadcast_in_dim3A_1251, %broadcast_in_dim3A_1252 : vector<18x1024xi1>, vector<18x1024xf32>
    %dot_general3A_1254 = arith.constant dense<0.000000e+00> : vector<9x18xf32>
    %dot_general3A_1255 = tpu.matmul %concatenate3A_1043, %select_n3A_1253, %dot_general3A_1254 {dimension_numbers = #tpu.dot_dimension_numbers<[1], [1], [0], [0], [0, 0, 1, 0], [], []>, precision = #tpu.contract_precision<fp32>, transpose_lhs_hint = false} : vector<9x1024xf32>, vector<18x1024xf32>, vector<9x18xf32> -> vector<9x18xf32>
    %slice3A_1256 = vector.extract_strided_slice %dot_general3A_1255 {offsets = [0, 0], sizes = [8, 18], strides = [1, 1]} : vector<9x18xf32> to vector<8x18xf32>
    %slice3A_1257 = vector.extract_strided_slice %dot_general3A_1255 {offsets = [8, 0], sizes = [1, 18], strides = [1, 1]} : vector<9x18xf32> to vector<1x18xf32>
    %add3A_1258 = arith.constant 9.99999971E-10 : f32
    %add3A_1259 = vector.broadcast %add3A_1258 : f32 to vector<1x18xf32>
    %add3A_1260 = arith.addf %slice3A_1257, %add3A_1259 : vector<1x18xf32>
    %div3A_1261 = vector.broadcast %add3A_1260 : vector<1x18xf32> to vector<8x18xf32>
    %div3A_1262 = arith.divf %slice3A_1256, %div3A_1261 : vector<8x18xf32>
    %reduce_sum3A_1263 = arith.constant dense<0.000000e+00> : vector<8xf32>
    %reduce_sum3A_1264 = vector.multi_reduction <add>, %div3A_1262, %reduce_sum3A_1263 [1] : vector<8x18xf32> to vector<8xf32>
    %broadcast_in_dim3A_1265 = vector.shape_cast %reduce_sum3A_1264 : vector<8xf32> to vector<8x1xf32>
    %add3A_1266 = arith.constant 9.99999971E-10 : f32
    %add3A_1267 = vector.broadcast %add3A_1266 : f32 to vector<8x1xf32>
    %add3A_1268 = arith.addf %broadcast_in_dim3A_1265, %add3A_1267 : vector<8x1xf32>
    %div3A_1269 = vector.broadcast %add3A_1268 : vector<8x1xf32> to vector<8x18xf32>
    %div3A_1270 = arith.divf %div3A_1262, %div3A_1269 : vector<8x18xf32>
    %add3A_1271 = arith.constant 9.99999971E-10 : f32
    %add3A_1272 = vector.broadcast %add3A_1271 : f32 to vector<8x18xf32>
    %add3A_1273 = arith.addf %div3A_1270, %add3A_1272 : vector<8x18xf32>
    %log3A_1274 = math.log %add3A_1273 : vector<8x18xf32>
    %mul3A_1275 = arith.mulf %div3A_1270, %log3A_1274 : vector<8x18xf32>
    %reduce_sum3A_1276 = arith.constant dense<0.000000e+00> : vector<8xf32>
    %reduce_sum3A_1277 = vector.multi_reduction <add>, %mul3A_1275, %reduce_sum3A_1276 [1] : vector<8x18xf32> to vector<8xf32>
    %broadcast_in_dim3A_1278 = vector.shape_cast %reduce_sum3A_1277 : vector<8xf32> to vector<8x1xf32>
    %add3A_1279 = arith.constant 2.8903718 : f32
    %add3A_1280 = vector.broadcast %add3A_1279 : f32 to vector<8x1xf32>
    %add3A_1281 = arith.addf %add3A_1280, %broadcast_in_dim3A_1278 : vector<8x1xf32>
    %div3A_1282 = arith.constant 2.8903718 : f32
    %div3A_1283 = vector.broadcast %div3A_1282 : f32 to vector<8x1xf32>
    %div3A_1284 = arith.divf %add3A_1281, %div3A_1283 : vector<8x1xf32>
    %squeeze3A_1285 = vector.shape_cast %div3A_1284 : vector<8x1xf32> to vector<8xf32>
    %swap3A_1286 = arith.constant 17 : index
    %swap3A_1287 = arith.constant 0 : index
    %swap3A_1288 = vector.load %arg2[%swap3A_1286, %swap3A_1287] : memref<64x8xf32, #tpu.memory_space<vmem>>, vector<1x8xf32>
    %swap3A_1289 = vector.shape_cast %swap3A_1288 : vector<1x8xf32> to vector<8xf32>
    %swap3A_1290 = vector.shape_cast %squeeze3A_1285 : vector<8xf32> to vector<1x8xf32>
    tpu.vector_store %arg2[%swap3A_1286, %swap3A_1287], %swap3A_1290 {strides = array<i32>} : memref<64x8xf32, #tpu.memory_space<vmem>>, vector<1x8xf32>,
    %slice3A_1291 = vector.extract_strided_slice %add3A_1198 {offsets = [2, 0], sizes = [1, 1024], strides = [1, 1]} : vector<8x1024xf32> to vector<1x1024xf32>
    %broadcast_in_dim3A_1292 = vector.shape_cast %slice3A_1291 : vector<1x1024xf32> to vector<1x1024xf32>
    %broadcast_in_dim3A_1293 = vector.broadcast %broadcast_in_dim3A_1292 : vector<1x1024xf32> to vector<18x1024xf32>
    %eq3A_1294 = arith.cmpf oeq, %broadcast_in_dim3A_1293, %convert_element_type3A : vector<18x1024xf32>
    %jit3A_1295 = arith.constant 1.000000e+00 : f32
    %jit3A_1296 = arith.constant 0.000000e+00 : f32
    %broadcast_in_dim3A_1297 = vector.broadcast %jit3A_1295 : f32 to vector<18x1024xf32>
    %broadcast_in_dim3A_1298 = vector.broadcast %jit3A_1296 : f32 to vector<18x1024xf32>
    %select_n3A_1299 = arith.select %eq3A_1294, %broadcast_in_dim3A_1297, %broadcast_in_dim3A_1298 : vector<18x1024xi1>, vector<18x1024xf32>
    %dot_general3A_1300 = arith.constant dense<0.000000e+00> : vector<9x18xf32>
    %dot_general3A_1301 = tpu.matmul %concatenate3A_1043, %select_n3A_1299, %dot_general3A_1300 {dimension_numbers = #tpu.dot_dimension_numbers<[1], [1], [0], [0], [0, 0, 1, 0], [], []>, precision = #tpu.contract_precision<fp32>, transpose_lhs_hint = false} : vector<9x1024xf32>, vector<18x1024xf32>, vector<9x18xf32> -> vector<9x18xf32>
    %slice3A_1302 = vector.extract_strided_slice %dot_general3A_1301 {offsets = [0, 0], sizes = [8, 18], strides = [1, 1]} : vector<9x18xf32> to vector<8x18xf32>
    %slice3A_1303 = vector.extract_strided_slice %dot_general3A_1301 {offsets = [8, 0], sizes = [1, 18], strides = [1, 1]} : vector<9x18xf32> to vector<1x18xf32>
    %add3A_1304 = arith.constant 9.99999971E-10 : f32
    %add3A_1305 = vector.broadcast %add3A_1304 : f32 to vector<1x18xf32>
    %add3A_1306 = arith.addf %slice3A_1303, %add3A_1305 : vector<1x18xf32>
    %div3A_1307 = vector.broadcast %add3A_1306 : vector<1x18xf32> to vector<8x18xf32>
    %div3A_1308 = arith.divf %slice3A_1302, %div3A_1307 : vector<8x18xf32>
    %reduce_sum3A_1309 = arith.constant dense<0.000000e+00> : vector<8xf32>
    %reduce_sum3A_1310 = vector.multi_reduction <add>, %div3A_1308, %reduce_sum3A_1309 [1] : vector<8x18xf32> to vector<8xf32>
    %broadcast_in_dim3A_1311 = vector.shape_cast %reduce_sum3A_1310 : vector<8xf32> to vector<8x1xf32>
    %add3A_1312 = arith.constant 9.99999971E-10 : f32
    %add3A_1313 = vector.broadcast %add3A_1312 : f32 to vector<8x1xf32>
    %add3A_1314 = arith.addf %broadcast_in_dim3A_1311, %add3A_1313 : vector<8x1xf32>
    %div3A_1315 = vector.broadcast %add3A_1314 : vector<8x1xf32> to vector<8x18xf32>
    %div3A_1316 = arith.divf %div3A_1308, %div3A_1315 : vector<8x18xf32>
    %add3A_1317 = arith.constant 9.99999971E-10 : f32
    %add3A_1318 = vector.broadcast %add3A_1317 : f32 to vector<8x18xf32>
    %add3A_1319 = arith.addf %div3A_1316, %add3A_1318 : vector<8x18xf32>
    %log3A_1320 = math.log %add3A_1319 : vector<8x18xf32>
    %mul3A_1321 = arith.mulf %div3A_1316, %log3A_1320 : vector<8x18xf32>
    %reduce_sum3A_1322 = arith.constant dense<0.000000e+00> : vector<8xf32>
    %reduce_sum3A_1323 = vector.multi_reduction <add>, %mul3A_1321, %reduce_sum3A_1322 [1] : vector<8x18xf32> to vector<8xf32>
    %broadcast_in_dim3A_1324 = vector.shape_cast %reduce_sum3A_1323 : vector<8xf32> to vector<8x1xf32>
    %add3A_1325 = arith.constant 2.8903718 : f32
    %add3A_1326 = vector.broadcast %add3A_1325 : f32 to vector<8x1xf32>
    %add3A_1327 = arith.addf %add3A_1326, %broadcast_in_dim3A_1324 : vector<8x1xf32>
    %div3A_1328 = arith.constant 2.8903718 : f32
    %div3A_1329 = vector.broadcast %div3A_1328 : f32 to vector<8x1xf32>
    %div3A_1330 = arith.divf %add3A_1327, %div3A_1329 : vector<8x1xf32>
    %squeeze3A_1331 = vector.shape_cast %div3A_1330 : vector<8x1xf32> to vector<8xf32>
    %swap3A_1332 = arith.constant 18 : index
    %swap3A_1333 = arith.constant 0 : index
    %swap3A_1334 = vector.load %arg2[%swap3A_1332, %swap3A_1333] : memref<64x8xf32, #tpu.memory_space<vmem>>, vector<1x8xf32>
    %swap3A_1335 = vector.shape_cast %swap3A_1334 : vector<1x8xf32> to vector<8xf32>
    %swap3A_1336 = vector.shape_cast %squeeze3A_1331 : vector<8xf32> to vector<1x8xf32>
    tpu.vector_store %arg2[%swap3A_1332, %swap3A_1333], %swap3A_1336 {strides = array<i32>} : memref<64x8xf32, #tpu.memory_space<vmem>>, vector<1x8xf32>,
    %slice3A_1337 = vector.extract_strided_slice %add3A_1198 {offsets = [3, 0], sizes = [1, 1024], strides = [1, 1]} : vector<8x1024xf32> to vector<1x1024xf32>
    %broadcast_in_dim3A_1338 = vector.shape_cast %slice3A_1337 : vector<1x1024xf32> to vector<1x1024xf32>
    %broadcast_in_dim3A_1339 = vector.broadcast %broadcast_in_dim3A_1338 : vector<1x1024xf32> to vector<18x1024xf32>
    %eq3A_1340 = arith.cmpf oeq, %broadcast_in_dim3A_1339, %convert_element_type3A : vector<18x1024xf32>
    %jit3A_1341 = arith.constant 1.000000e+00 : f32
    %jit3A_1342 = arith.constant 0.000000e+00 : f32
    %broadcast_in_dim3A_1343 = vector.broadcast %jit3A_1341 : f32 to vector<18x1024xf32>
    %broadcast_in_dim3A_1344 = vector.broadcast %jit3A_1342 : f32 to vector<18x1024xf32>
    %select_n3A_1345 = arith.select %eq3A_1340, %broadcast_in_dim3A_1343, %broadcast_in_dim3A_1344 : vector<18x1024xi1>, vector<18x1024xf32>
    %dot_general3A_1346 = arith.constant dense<0.000000e+00> : vector<9x18xf32>
    %dot_general3A_1347 = tpu.matmul %concatenate3A_1043, %select_n3A_1345, %dot_general3A_1346 {dimension_numbers = #tpu.dot_dimension_numbers<[1], [1], [0], [0], [0, 0, 1, 0], [], []>, precision = #tpu.contract_precision<fp32>, transpose_lhs_hint = false} : vector<9x1024xf32>, vector<18x1024xf32>, vector<9x18xf32> -> vector<9x18xf32>
    %slice3A_1348 = vector.extract_strided_slice %dot_general3A_1347 {offsets = [0, 0], sizes = [8, 18], strides = [1, 1]} : vector<9x18xf32> to vector<8x18xf32>
    %slice3A_1349 = vector.extract_strided_slice %dot_general3A_1347 {offsets = [8, 0], sizes = [1, 18], strides = [1, 1]} : vector<9x18xf32> to vector<1x18xf32>
    %add3A_1350 = arith.constant 9.99999971E-10 : f32
    %add3A_1351 = vector.broadcast %add3A_1350 : f32 to vector<1x18xf32>
    %add3A_1352 = arith.addf %slice3A_1349, %add3A_1351 : vector<1x18xf32>
    %div3A_1353 = vector.broadcast %add3A_1352 : vector<1x18xf32> to vector<8x18xf32>
    %div3A_1354 = arith.divf %slice3A_1348, %div3A_1353 : vector<8x18xf32>
    %reduce_sum3A_1355 = arith.constant dense<0.000000e+00> : vector<8xf32>
    %reduce_sum3A_1356 = vector.multi_reduction <add>, %div3A_1354, %reduce_sum3A_1355 [1] : vector<8x18xf32> to vector<8xf32>
    %broadcast_in_dim3A_1357 = vector.shape_cast %reduce_sum3A_1356 : vector<8xf32> to vector<8x1xf32>
    %add3A_1358 = arith.constant 9.99999971E-10 : f32
    %add3A_1359 = vector.broadcast %add3A_1358 : f32 to vector<8x1xf32>
    %add3A_1360 = arith.addf %broadcast_in_dim3A_1357, %add3A_1359 : vector<8x1xf32>
    %div3A_1361 = vector.broadcast %add3A_1360 : vector<8x1xf32> to vector<8x18xf32>
    %div3A_1362 = arith.divf %div3A_1354, %div3A_1361 : vector<8x18xf32>
    %add3A_1363 = arith.constant 9.99999971E-10 : f32
    %add3A_1364 = vector.broadcast %add3A_1363 : f32 to vector<8x18xf32>
    %add3A_1365 = arith.addf %div3A_1362, %add3A_1364 : vector<8x18xf32>
    %log3A_1366 = math.log %add3A_1365 : vector<8x18xf32>
    %mul3A_1367 = arith.mulf %div3A_1362, %log3A_1366 : vector<8x18xf32>
    %reduce_sum3A_1368 = arith.constant dense<0.000000e+00> : vector<8xf32>
    %reduce_sum3A_1369 = vector.multi_reduction <add>, %mul3A_1367, %reduce_sum3A_1368 [1] : vector<8x18xf32> to vector<8xf32>
    %broadcast_in_dim3A_1370 = vector.shape_cast %reduce_sum3A_1369 : vector<8xf32> to vector<8x1xf32>
    %add3A_1371 = arith.constant 2.8903718 : f32
    %add3A_1372 = vector.broadcast %add3A_1371 : f32 to vector<8x1xf32>
    %add3A_1373 = arith.addf %add3A_1372, %broadcast_in_dim3A_1370 : vector<8x1xf32>
    %div3A_1374 = arith.constant 2.8903718 : f32
    %div3A_1375 = vector.broadcast %div3A_1374 : f32 to vector<8x1xf32>
    %div3A_1376 = arith.divf %add3A_1373, %div3A_1375 : vector<8x1xf32>
    %squeeze3A_1377 = vector.shape_cast %div3A_1376 : vector<8x1xf32> to vector<8xf32>
    %swap3A_1378 = arith.constant 19 : index
    %swap3A_1379 = arith.constant 0 : index
    %swap3A_1380 = vector.load %arg2[%swap3A_1378, %swap3A_1379] : memref<64x8xf32, #tpu.memory_space<vmem>>, vector<1x8xf32>
    %swap3A_1381 = vector.shape_cast %swap3A_1380 : vector<1x8xf32> to vector<8xf32>
    %swap3A_1382 = vector.shape_cast %squeeze3A_1377 : vector<8xf32> to vector<1x8xf32>
    tpu.vector_store %arg2[%swap3A_1378, %swap3A_1379], %swap3A_1382 {strides = array<i32>} : memref<64x8xf32, #tpu.memory_space<vmem>>, vector<1x8xf32>,
    %slice3A_1383 = vector.extract_strided_slice %add3A_1198 {offsets = [4, 0], sizes = [1, 1024], strides = [1, 1]} : vector<8x1024xf32> to vector<1x1024xf32>
    %broadcast_in_dim3A_1384 = vector.shape_cast %slice3A_1383 : vector<1x1024xf32> to vector<1x1024xf32>
    %broadcast_in_dim3A_1385 = vector.broadcast %broadcast_in_dim3A_1384 : vector<1x1024xf32> to vector<18x1024xf32>
    %eq3A_1386 = arith.cmpf oeq, %broadcast_in_dim3A_1385, %convert_element_type3A : vector<18x1024xf32>
    %jit3A_1387 = arith.constant 1.000000e+00 : f32
    %jit3A_1388 = arith.constant 0.000000e+00 : f32
    %broadcast_in_dim3A_1389 = vector.broadcast %jit3A_1387 : f32 to vector<18x1024xf32>
    %broadcast_in_dim3A_1390 = vector.broadcast %jit3A_1388 : f32 to vector<18x1024xf32>
    %select_n3A_1391 = arith.select %eq3A_1386, %broadcast_in_dim3A_1389, %broadcast_in_dim3A_1390 : vector<18x1024xi1>, vector<18x1024xf32>
    %dot_general3A_1392 = arith.constant dense<0.000000e+00> : vector<9x18xf32>
    %dot_general3A_1393 = tpu.matmul %concatenate3A_1043, %select_n3A_1391, %dot_general3A_1392 {dimension_numbers = #tpu.dot_dimension_numbers<[1], [1], [0], [0], [0, 0, 1, 0], [], []>, precision = #tpu.contract_precision<fp32>, transpose_lhs_hint = false} : vector<9x1024xf32>, vector<18x1024xf32>, vector<9x18xf32> -> vector<9x18xf32>
    %slice3A_1394 = vector.extract_strided_slice %dot_general3A_1393 {offsets = [0, 0], sizes = [8, 18], strides = [1, 1]} : vector<9x18xf32> to vector<8x18xf32>
    %slice3A_1395 = vector.extract_strided_slice %dot_general3A_1393 {offsets = [8, 0], sizes = [1, 18], strides = [1, 1]} : vector<9x18xf32> to vector<1x18xf32>
    %add3A_1396 = arith.constant 9.99999971E-10 : f32
    %add3A_1397 = vector.broadcast %add3A_1396 : f32 to vector<1x18xf32>
    %add3A_1398 = arith.addf %slice3A_1395, %add3A_1397 : vector<1x18xf32>
    %div3A_1399 = vector.broadcast %add3A_1398 : vector<1x18xf32> to vector<8x18xf32>
    %div3A_1400 = arith.divf %slice3A_1394, %div3A_1399 : vector<8x18xf32>
    %reduce_sum3A_1401 = arith.constant dense<0.000000e+00> : vector<8xf32>
    %reduce_sum3A_1402 = vector.multi_reduction <add>, %div3A_1400, %reduce_sum3A_1401 [1] : vector<8x18xf32> to vector<8xf32>
    %broadcast_in_dim3A_1403 = vector.shape_cast %reduce_sum3A_1402 : vector<8xf32> to vector<8x1xf32>
    %add3A_1404 = arith.constant 9.99999971E-10 : f32
    %add3A_1405 = vector.broadcast %add3A_1404 : f32 to vector<8x1xf32>
    %add3A_1406 = arith.addf %broadcast_in_dim3A_1403, %add3A_1405 : vector<8x1xf32>
    %div3A_1407 = vector.broadcast %add3A_1406 : vector<8x1xf32> to vector<8x18xf32>
    %div3A_1408 = arith.divf %div3A_1400, %div3A_1407 : vector<8x18xf32>
    %add3A_1409 = arith.constant 9.99999971E-10 : f32
    %add3A_1410 = vector.broadcast %add3A_1409 : f32 to vector<8x18xf32>
    %add3A_1411 = arith.addf %div3A_1408, %add3A_1410 : vector<8x18xf32>
    %log3A_1412 = math.log %add3A_1411 : vector<8x18xf32>
    %mul3A_1413 = arith.mulf %div3A_1408, %log3A_1412 : vector<8x18xf32>
    %reduce_sum3A_1414 = arith.constant dense<0.000000e+00> : vector<8xf32>
    %reduce_sum3A_1415 = vector.multi_reduction <add>, %mul3A_1413, %reduce_sum3A_1414 [1] : vector<8x18xf32> to vector<8xf32>
    %broadcast_in_dim3A_1416 = vector.shape_cast %reduce_sum3A_1415 : vector<8xf32> to vector<8x1xf32>
    %add3A_1417 = arith.constant 2.8903718 : f32
    %add3A_1418 = vector.broadcast %add3A_1417 : f32 to vector<8x1xf32>
    %add3A_1419 = arith.addf %add3A_1418, %broadcast_in_dim3A_1416 : vector<8x1xf32>
    %div3A_1420 = arith.constant 2.8903718 : f32
    %div3A_1421 = vector.broadcast %div3A_1420 : f32 to vector<8x1xf32>
    %div3A_1422 = arith.divf %add3A_1419, %div3A_1421 : vector<8x1xf32>
    %squeeze3A_1423 = vector.shape_cast %div3A_1422 : vector<8x1xf32> to vector<8xf32>
    %swap3A_1424 = arith.constant 20 : index
    %swap3A_1425 = arith.constant 0 : index
    %swap3A_1426 = vector.load %arg2[%swap3A_1424, %swap3A_1425] : memref<64x8xf32, #tpu.memory_space<vmem>>, vector<1x8xf32>
    %swap3A_1427 = vector.shape_cast %swap3A_1426 : vector<1x8xf32> to vector<8xf32>
    %swap3A_1428 = vector.shape_cast %squeeze3A_1423 : vector<8xf32> to vector<1x8xf32>
    tpu.vector_store %arg2[%swap3A_1424, %swap3A_1425], %swap3A_1428 {strides = array<i32>} : memref<64x8xf32, #tpu.memory_space<vmem>>, vector<1x8xf32>,
    %slice3A_1429 = vector.extract_strided_slice %add3A_1198 {offsets = [5, 0], sizes = [1, 1024], strides = [1, 1]} : vector<8x1024xf32> to vector<1x1024xf32>
    %broadcast_in_dim3A_1430 = vector.shape_cast %slice3A_1429 : vector<1x1024xf32> to vector<1x1024xf32>
    %broadcast_in_dim3A_1431 = vector.broadcast %broadcast_in_dim3A_1430 : vector<1x1024xf32> to vector<18x1024xf32>
    %eq3A_1432 = arith.cmpf oeq, %broadcast_in_dim3A_1431, %convert_element_type3A : vector<18x1024xf32>
    %jit3A_1433 = arith.constant 1.000000e+00 : f32
    %jit3A_1434 = arith.constant 0.000000e+00 : f32
    %broadcast_in_dim3A_1435 = vector.broadcast %jit3A_1433 : f32 to vector<18x1024xf32>
    %broadcast_in_dim3A_1436 = vector.broadcast %jit3A_1434 : f32 to vector<18x1024xf32>
    %select_n3A_1437 = arith.select %eq3A_1432, %broadcast_in_dim3A_1435, %broadcast_in_dim3A_1436 : vector<18x1024xi1>, vector<18x1024xf32>
    %dot_general3A_1438 = arith.constant dense<0.000000e+00> : vector<9x18xf32>
    %dot_general3A_1439 = tpu.matmul %concatenate3A_1043, %select_n3A_1437, %dot_general3A_1438 {dimension_numbers = #tpu.dot_dimension_numbers<[1], [1], [0], [0], [0, 0, 1, 0], [], []>, precision = #tpu.contract_precision<fp32>, transpose_lhs_hint = false} : vector<9x1024xf32>, vector<18x1024xf32>, vector<9x18xf32> -> vector<9x18xf32>
    %slice3A_1440 = vector.extract_strided_slice %dot_general3A_1439 {offsets = [0, 0], sizes = [8, 18], strides = [1, 1]} : vector<9x18xf32> to vector<8x18xf32>
    %slice3A_1441 = vector.extract_strided_slice %dot_general3A_1439 {offsets = [8, 0], sizes = [1, 18], strides = [1, 1]} : vector<9x18xf32> to vector<1x18xf32>
    %add3A_1442 = arith.constant 9.99999971E-10 : f32
    %add3A_1443 = vector.broadcast %add3A_1442 : f32 to vector<1x18xf32>
    %add3A_1444 = arith.addf %slice3A_1441, %add3A_1443 : vector<1x18xf32>
    %div3A_1445 = vector.broadcast %add3A_1444 : vector<1x18xf32> to vector<8x18xf32>
    %div3A_1446 = arith.divf %slice3A_1440, %div3A_1445 : vector<8x18xf32>
    %reduce_sum3A_1447 = arith.constant dense<0.000000e+00> : vector<8xf32>
    %reduce_sum3A_1448 = vector.multi_reduction <add>, %div3A_1446, %reduce_sum3A_1447 [1] : vector<8x18xf32> to vector<8xf32>
    %broadcast_in_dim3A_1449 = vector.shape_cast %reduce_sum3A_1448 : vector<8xf32> to vector<8x1xf32>
    %add3A_1450 = arith.constant 9.99999971E-10 : f32
    %add3A_1451 = vector.broadcast %add3A_1450 : f32 to vector<8x1xf32>
    %add3A_1452 = arith.addf %broadcast_in_dim3A_1449, %add3A_1451 : vector<8x1xf32>
    %div3A_1453 = vector.broadcast %add3A_1452 : vector<8x1xf32> to vector<8x18xf32>
    %div3A_1454 = arith.divf %div3A_1446, %div3A_1453 : vector<8x18xf32>
    %add3A_1455 = arith.constant 9.99999971E-10 : f32
    %add3A_1456 = vector.broadcast %add3A_1455 : f32 to vector<8x18xf32>
    %add3A_1457 = arith.addf %div3A_1454, %add3A_1456 : vector<8x18xf32>
    %log3A_1458 = math.log %add3A_1457 : vector<8x18xf32>
    %mul3A_1459 = arith.mulf %div3A_1454, %log3A_1458 : vector<8x18xf32>
    %reduce_sum3A_1460 = arith.constant dense<0.000000e+00> : vector<8xf32>
    %reduce_sum3A_1461 = vector.multi_reduction <add>, %mul3A_1459, %reduce_sum3A_1460 [1] : vector<8x18xf32> to vector<8xf32>
    %broadcast_in_dim3A_1462 = vector.shape_cast %reduce_sum3A_1461 : vector<8xf32> to vector<8x1xf32>
    %add3A_1463 = arith.constant 2.8903718 : f32
    %add3A_1464 = vector.broadcast %add3A_1463 : f32 to vector<8x1xf32>
    %add3A_1465 = arith.addf %add3A_1464, %broadcast_in_dim3A_1462 : vector<8x1xf32>
    %div3A_1466 = arith.constant 2.8903718 : f32
    %div3A_1467 = vector.broadcast %div3A_1466 : f32 to vector<8x1xf32>
    %div3A_1468 = arith.divf %add3A_1465, %div3A_1467 : vector<8x1xf32>
    %squeeze3A_1469 = vector.shape_cast %div3A_1468 : vector<8x1xf32> to vector<8xf32>
    %swap3A_1470 = arith.constant 21 : index
    %swap3A_1471 = arith.constant 0 : index
    %swap3A_1472 = vector.load %arg2[%swap3A_1470, %swap3A_1471] : memref<64x8xf32, #tpu.memory_space<vmem>>, vector<1x8xf32>
    %swap3A_1473 = vector.shape_cast %swap3A_1472 : vector<1x8xf32> to vector<8xf32>
    %swap3A_1474 = vector.shape_cast %squeeze3A_1469 : vector<8xf32> to vector<1x8xf32>
    tpu.vector_store %arg2[%swap3A_1470, %swap3A_1471], %swap3A_1474 {strides = array<i32>} : memref<64x8xf32, #tpu.memory_space<vmem>>, vector<1x8xf32>,
    %slice3A_1475 = vector.extract_strided_slice %add3A_1198 {offsets = [6, 0], sizes = [1, 1024], strides = [1, 1]} : vector<8x1024xf32> to vector<1x1024xf32>
    %broadcast_in_dim3A_1476 = vector.shape_cast %slice3A_1475 : vector<1x1024xf32> to vector<1x1024xf32>
    %broadcast_in_dim3A_1477 = vector.broadcast %broadcast_in_dim3A_1476 : vector<1x1024xf32> to vector<18x1024xf32>
    %eq3A_1478 = arith.cmpf oeq, %broadcast_in_dim3A_1477, %convert_element_type3A : vector<18x1024xf32>
    %jit3A_1479 = arith.constant 1.000000e+00 : f32
    %jit3A_1480 = arith.constant 0.000000e+00 : f32
    %broadcast_in_dim3A_1481 = vector.broadcast %jit3A_1479 : f32 to vector<18x1024xf32>
    %broadcast_in_dim3A_1482 = vector.broadcast %jit3A_1480 : f32 to vector<18x1024xf32>
    %select_n3A_1483 = arith.select %eq3A_1478, %broadcast_in_dim3A_1481, %broadcast_in_dim3A_1482 : vector<18x1024xi1>, vector<18x1024xf32>
    %dot_general3A_1484 = arith.constant dense<0.000000e+00> : vector<9x18xf32>
    %dot_general3A_1485 = tpu.matmul %concatenate3A_1043, %select_n3A_1483, %dot_general3A_1484 {dimension_numbers = #tpu.dot_dimension_numbers<[1], [1], [0], [0], [0, 0, 1, 0], [], []>, precision = #tpu.contract_precision<fp32>, transpose_lhs_hint = false} : vector<9x1024xf32>, vector<18x1024xf32>, vector<9x18xf32> -> vector<9x18xf32>
    %slice3A_1486 = vector.extract_strided_slice %dot_general3A_1485 {offsets = [0, 0], sizes = [8, 18], strides = [1, 1]} : vector<9x18xf32> to vector<8x18xf32>
    %slice3A_1487 = vector.extract_strided_slice %dot_general3A_1485 {offsets = [8, 0], sizes = [1, 18], strides = [1, 1]} : vector<9x18xf32> to vector<1x18xf32>
    %add3A_1488 = arith.constant 9.99999971E-10 : f32
    %add3A_1489 = vector.broadcast %add3A_1488 : f32 to vector<1x18xf32>
    %add3A_1490 = arith.addf %slice3A_1487, %add3A_1489 : vector<1x18xf32>
    %div3A_1491 = vector.broadcast %add3A_1490 : vector<1x18xf32> to vector<8x18xf32>
    %div3A_1492 = arith.divf %slice3A_1486, %div3A_1491 : vector<8x18xf32>
    %reduce_sum3A_1493 = arith.constant dense<0.000000e+00> : vector<8xf32>
    %reduce_sum3A_1494 = vector.multi_reduction <add>, %div3A_1492, %reduce_sum3A_1493 [1] : vector<8x18xf32> to vector<8xf32>
    %broadcast_in_dim3A_1495 = vector.shape_cast %reduce_sum3A_1494 : vector<8xf32> to vector<8x1xf32>
    %add3A_1496 = arith.constant 9.99999971E-10 : f32
    %add3A_1497 = vector.broadcast %add3A_1496 : f32 to vector<8x1xf32>
    %add3A_1498 = arith.addf %broadcast_in_dim3A_1495, %add3A_1497 : vector<8x1xf32>
    %div3A_1499 = vector.broadcast %add3A_1498 : vector<8x1xf32> to vector<8x18xf32>
    %div3A_1500 = arith.divf %div3A_1492, %div3A_1499 : vector<8x18xf32>
    %add3A_1501 = arith.constant 9.99999971E-10 : f32
    %add3A_1502 = vector.broadcast %add3A_1501 : f32 to vector<8x18xf32>
    %add3A_1503 = arith.addf %div3A_1500, %add3A_1502 : vector<8x18xf32>
    %log3A_1504 = math.log %add3A_1503 : vector<8x18xf32>
    %mul3A_1505 = arith.mulf %div3A_1500, %log3A_1504 : vector<8x18xf32>
    %reduce_sum3A_1506 = arith.constant dense<0.000000e+00> : vector<8xf32>
    %reduce_sum3A_1507 = vector.multi_reduction <add>, %mul3A_1505, %reduce_sum3A_1506 [1] : vector<8x18xf32> to vector<8xf32>
    %broadcast_in_dim3A_1508 = vector.shape_cast %reduce_sum3A_1507 : vector<8xf32> to vector<8x1xf32>
    %add3A_1509 = arith.constant 2.8903718 : f32
    %add3A_1510 = vector.broadcast %add3A_1509 : f32 to vector<8x1xf32>
    %add3A_1511 = arith.addf %add3A_1510, %broadcast_in_dim3A_1508 : vector<8x1xf32>
    %div3A_1512 = arith.constant 2.8903718 : f32
    %div3A_1513 = vector.broadcast %div3A_1512 : f32 to vector<8x1xf32>
    %div3A_1514 = arith.divf %add3A_1511, %div3A_1513 : vector<8x1xf32>
    %squeeze3A_1515 = vector.shape_cast %div3A_1514 : vector<8x1xf32> to vector<8xf32>
    %swap3A_1516 = arith.constant 22 : index
    %swap3A_1517 = arith.constant 0 : index
    %swap3A_1518 = vector.load %arg2[%swap3A_1516, %swap3A_1517] : memref<64x8xf32, #tpu.memory_space<vmem>>, vector<1x8xf32>
    %swap3A_1519 = vector.shape_cast %swap3A_1518 : vector<1x8xf32> to vector<8xf32>
    %swap3A_1520 = vector.shape_cast %squeeze3A_1515 : vector<8xf32> to vector<1x8xf32>
    tpu.vector_store %arg2[%swap3A_1516, %swap3A_1517], %swap3A_1520 {strides = array<i32>} : memref<64x8xf32, #tpu.memory_space<vmem>>, vector<1x8xf32>,
    %slice3A_1521 = vector.extract_strided_slice %add3A_1198 {offsets = [7, 0], sizes = [1, 1024], strides = [1, 1]} : vector<8x1024xf32> to vector<1x1024xf32>
    %broadcast_in_dim3A_1522 = vector.shape_cast %slice3A_1521 : vector<1x1024xf32> to vector<1x1024xf32>
    %broadcast_in_dim3A_1523 = vector.broadcast %broadcast_in_dim3A_1522 : vector<1x1024xf32> to vector<18x1024xf32>
    %eq3A_1524 = arith.cmpf oeq, %broadcast_in_dim3A_1523, %convert_element_type3A : vector<18x1024xf32>
    %jit3A_1525 = arith.constant 1.000000e+00 : f32
    %jit3A_1526 = arith.constant 0.000000e+00 : f32
    %broadcast_in_dim3A_1527 = vector.broadcast %jit3A_1525 : f32 to vector<18x1024xf32>
    %broadcast_in_dim3A_1528 = vector.broadcast %jit3A_1526 : f32 to vector<18x1024xf32>
    %select_n3A_1529 = arith.select %eq3A_1524, %broadcast_in_dim3A_1527, %broadcast_in_dim3A_1528 : vector<18x1024xi1>, vector<18x1024xf32>
    %dot_general3A_1530 = arith.constant dense<0.000000e+00> : vector<9x18xf32>
    %dot_general3A_1531 = tpu.matmul %concatenate3A_1043, %select_n3A_1529, %dot_general3A_1530 {dimension_numbers = #tpu.dot_dimension_numbers<[1], [1], [0], [0], [0, 0, 1, 0], [], []>, precision = #tpu.contract_precision<fp32>, transpose_lhs_hint = false} : vector<9x1024xf32>, vector<18x1024xf32>, vector<9x18xf32> -> vector<9x18xf32>
    %slice3A_1532 = vector.extract_strided_slice %dot_general3A_1531 {offsets = [0, 0], sizes = [8, 18], strides = [1, 1]} : vector<9x18xf32> to vector<8x18xf32>
    %slice3A_1533 = vector.extract_strided_slice %dot_general3A_1531 {offsets = [8, 0], sizes = [1, 18], strides = [1, 1]} : vector<9x18xf32> to vector<1x18xf32>
    %add3A_1534 = arith.constant 9.99999971E-10 : f32
    %add3A_1535 = vector.broadcast %add3A_1534 : f32 to vector<1x18xf32>
    %add3A_1536 = arith.addf %slice3A_1533, %add3A_1535 : vector<1x18xf32>
    %div3A_1537 = vector.broadcast %add3A_1536 : vector<1x18xf32> to vector<8x18xf32>
    %div3A_1538 = arith.divf %slice3A_1532, %div3A_1537 : vector<8x18xf32>
    %reduce_sum3A_1539 = arith.constant dense<0.000000e+00> : vector<8xf32>
    %reduce_sum3A_1540 = vector.multi_reduction <add>, %div3A_1538, %reduce_sum3A_1539 [1] : vector<8x18xf32> to vector<8xf32>
    %broadcast_in_dim3A_1541 = vector.shape_cast %reduce_sum3A_1540 : vector<8xf32> to vector<8x1xf32>
    %add3A_1542 = arith.constant 9.99999971E-10 : f32
    %add3A_1543 = vector.broadcast %add3A_1542 : f32 to vector<8x1xf32>
    %add3A_1544 = arith.addf %broadcast_in_dim3A_1541, %add3A_1543 : vector<8x1xf32>
    %div3A_1545 = vector.broadcast %add3A_1544 : vector<8x1xf32> to vector<8x18xf32>
    %div3A_1546 = arith.divf %div3A_1538, %div3A_1545 : vector<8x18xf32>
    %add3A_1547 = arith.constant 9.99999971E-10 : f32
    %add3A_1548 = vector.broadcast %add3A_1547 : f32 to vector<8x18xf32>
    %add3A_1549 = arith.addf %div3A_1546, %add3A_1548 : vector<8x18xf32>
    %log3A_1550 = math.log %add3A_1549 : vector<8x18xf32>
    %mul3A_1551 = arith.mulf %div3A_1546, %log3A_1550 : vector<8x18xf32>
    %reduce_sum3A_1552 = arith.constant dense<0.000000e+00> : vector<8xf32>
    %reduce_sum3A_1553 = vector.multi_reduction <add>, %mul3A_1551, %reduce_sum3A_1552 [1] : vector<8x18xf32> to vector<8xf32>
    %broadcast_in_dim3A_1554 = vector.shape_cast %reduce_sum3A_1553 : vector<8xf32> to vector<8x1xf32>
    %add3A_1555 = arith.constant 2.8903718 : f32
    %add3A_1556 = vector.broadcast %add3A_1555 : f32 to vector<8x1xf32>
    %add3A_1557 = arith.addf %add3A_1556, %broadcast_in_dim3A_1554 : vector<8x1xf32>
    %div3A_1558 = arith.constant 2.8903718 : f32
    %div3A_1559 = vector.broadcast %div3A_1558 : f32 to vector<8x1xf32>
    %div3A_1560 = arith.divf %add3A_1557, %div3A_1559 : vector<8x1xf32>
    %squeeze3A_1561 = vector.shape_cast %div3A_1560 : vector<8x1xf32> to vector<8xf32>
    %swap3A_1562 = arith.constant 23 : index
    %swap3A_1563 = arith.constant 0 : index
    %swap3A_1564 = vector.load %arg2[%swap3A_1562, %swap3A_1563] : memref<64x8xf32, #tpu.memory_space<vmem>>, vector<1x8xf32>
    %swap3A_1565 = vector.shape_cast %swap3A_1564 : vector<1x8xf32> to vector<8xf32>
    %swap3A_1566 = vector.shape_cast %squeeze3A_1561 : vector<8xf32> to vector<1x8xf32>
    tpu.vector_store %arg2[%swap3A_1562, %swap3A_1563], %swap3A_1566 {strides = array<i32>} : memref<64x8xf32, #tpu.memory_space<vmem>>, vector<1x8xf32>,
    %slice3A_1567 = vector.extract_strided_slice %get3A_1 {offsets = [48, 0], sizes = [8, 1024], strides = [1, 1]} : vector<128x1024xf32> to vector<8x1024xf32>
    %slice3A_1568 = vector.extract_strided_slice %get3A_1 {offsets = [56, 0], sizes = [8, 1024], strides = [1, 1]} : vector<128x1024xf32> to vector<8x1024xf32>
    %concatenate3A_1569 = tpu.concatenate %slice3A_1568, %broadcast_in_dim3A_2 in 0 : vector<8x1024xf32>, vector<1x1024xf32> -> vector<9x1024xf32>
    %broadcast_in_dim3A_1570 = arith.constant 0.000000e+00 : f32
    %broadcast_in_dim3A_1571 = vector.broadcast %broadcast_in_dim3A_1570 : f32 to vector<8x1024xf32>
    %gt3A_1572 = arith.constant -2.79252672 : f32
    %gt3A_1573 = vector.broadcast %gt3A_1572 : f32 to vector<8x1024xf32>
    %gt3A_1574 = arith.cmpf ogt, %slice3A_1567, %gt3A_1573 : vector<8x1024xf32>
    %jit3A_1575 = arith.constant 1.000000e+00 : f32
    %jit3A_1576 = arith.constant 0.000000e+00 : f32
    %broadcast_in_dim3A_1577 = vector.broadcast %jit3A_1575 : f32 to vector<8x1024xf32>
    %broadcast_in_dim3A_1578 = vector.broadcast %jit3A_1576 : f32 to vector<8x1024xf32>
    %select_n3A_1579 = arith.select %gt3A_1574, %broadcast_in_dim3A_1577, %broadcast_in_dim3A_1578 : vector<8x1024xi1>, vector<8x1024xf32>
    %add3A_1580 = arith.addf %broadcast_in_dim3A_1571, %select_n3A_1579 : vector<8x1024xf32>
    %gt3A_1581 = arith.constant -2.44346094 : f32
    %gt3A_1582 = vector.broadcast %gt3A_1581 : f32 to vector<8x1024xf32>
    %gt3A_1583 = arith.cmpf ogt, %slice3A_1567, %gt3A_1582 : vector<8x1024xf32>
    %jit3A_1584 = arith.constant 1.000000e+00 : f32
    %jit3A_1585 = arith.constant 0.000000e+00 : f32
    %broadcast_in_dim3A_1586 = vector.broadcast %jit3A_1584 : f32 to vector<8x1024xf32>
    %broadcast_in_dim3A_1587 = vector.broadcast %jit3A_1585 : f32 to vector<8x1024xf32>
    %select_n3A_1588 = arith.select %gt3A_1583, %broadcast_in_dim3A_1586, %broadcast_in_dim3A_1587 : vector<8x1024xi1>, vector<8x1024xf32>
    %add3A_1589 = arith.addf %add3A_1580, %select_n3A_1588 : vector<8x1024xf32>
    %gt3A_1590 = arith.constant -2.09439516 : f32
    %gt3A_1591 = vector.broadcast %gt3A_1590 : f32 to vector<8x1024xf32>
    %gt3A_1592 = arith.cmpf ogt, %slice3A_1567, %gt3A_1591 : vector<8x1024xf32>
    %jit3A_1593 = arith.constant 1.000000e+00 : f32
    %jit3A_1594 = arith.constant 0.000000e+00 : f32
    %broadcast_in_dim3A_1595 = vector.broadcast %jit3A_1593 : f32 to vector<8x1024xf32>
    %broadcast_in_dim3A_1596 = vector.broadcast %jit3A_1594 : f32 to vector<8x1024xf32>
    %select_n3A_1597 = arith.select %gt3A_1592, %broadcast_in_dim3A_1595, %broadcast_in_dim3A_1596 : vector<8x1024xi1>, vector<8x1024xf32>
    %add3A_1598 = arith.addf %add3A_1589, %select_n3A_1597 : vector<8x1024xf32>
    %gt3A_1599 = arith.constant -1.74532926 : f32
    %gt3A_1600 = vector.broadcast %gt3A_1599 : f32 to vector<8x1024xf32>
    %gt3A_1601 = arith.cmpf ogt, %slice3A_1567, %gt3A_1600 : vector<8x1024xf32>
    %jit3A_1602 = arith.constant 1.000000e+00 : f32
    %jit3A_1603 = arith.constant 0.000000e+00 : f32
    %broadcast_in_dim3A_1604 = vector.broadcast %jit3A_1602 : f32 to vector<8x1024xf32>
    %broadcast_in_dim3A_1605 = vector.broadcast %jit3A_1603 : f32 to vector<8x1024xf32>
    %select_n3A_1606 = arith.select %gt3A_1601, %broadcast_in_dim3A_1604, %broadcast_in_dim3A_1605 : vector<8x1024xi1>, vector<8x1024xf32>
    %add3A_1607 = arith.addf %add3A_1598, %select_n3A_1606 : vector<8x1024xf32>
    %gt3A_1608 = arith.constant -1.39626336 : f32
    %gt3A_1609 = vector.broadcast %gt3A_1608 : f32 to vector<8x1024xf32>
    %gt3A_1610 = arith.cmpf ogt, %slice3A_1567, %gt3A_1609 : vector<8x1024xf32>
    %jit3A_1611 = arith.constant 1.000000e+00 : f32
    %jit3A_1612 = arith.constant 0.000000e+00 : f32
    %broadcast_in_dim3A_1613 = vector.broadcast %jit3A_1611 : f32 to vector<8x1024xf32>
    %broadcast_in_dim3A_1614 = vector.broadcast %jit3A_1612 : f32 to vector<8x1024xf32>
    %select_n3A_1615 = arith.select %gt3A_1610, %broadcast_in_dim3A_1613, %broadcast_in_dim3A_1614 : vector<8x1024xi1>, vector<8x1024xf32>
    %add3A_1616 = arith.addf %add3A_1607, %select_n3A_1615 : vector<8x1024xf32>
    %gt3A_1617 = arith.constant -1.04719758 : f32
    %gt3A_1618 = vector.broadcast %gt3A_1617 : f32 to vector<8x1024xf32>
    %gt3A_1619 = arith.cmpf ogt, %slice3A_1567, %gt3A_1618 : vector<8x1024xf32>
    %jit3A_1620 = arith.constant 1.000000e+00 : f32
    %jit3A_1621 = arith.constant 0.000000e+00 : f32
    %broadcast_in_dim3A_1622 = vector.broadcast %jit3A_1620 : f32 to vector<8x1024xf32>
    %broadcast_in_dim3A_1623 = vector.broadcast %jit3A_1621 : f32 to vector<8x1024xf32>
    %select_n3A_1624 = arith.select %gt3A_1619, %broadcast_in_dim3A_1622, %broadcast_in_dim3A_1623 : vector<8x1024xi1>, vector<8x1024xf32>
    %add3A_1625 = arith.addf %add3A_1616, %select_n3A_1624 : vector<8x1024xf32>
    %gt3A_1626 = arith.constant -0.69813168 : f32
    %gt3A_1627 = vector.broadcast %gt3A_1626 : f32 to vector<8x1024xf32>
    %gt3A_1628 = arith.cmpf ogt, %slice3A_1567, %gt3A_1627 : vector<8x1024xf32>
    %jit3A_1629 = arith.constant 1.000000e+00 : f32
    %jit3A_1630 = arith.constant 0.000000e+00 : f32
    %broadcast_in_dim3A_1631 = vector.broadcast %jit3A_1629 : f32 to vector<8x1024xf32>
    %broadcast_in_dim3A_1632 = vector.broadcast %jit3A_1630 : f32 to vector<8x1024xf32>
    %select_n3A_1633 = arith.select %gt3A_1628, %broadcast_in_dim3A_1631, %broadcast_in_dim3A_1632 : vector<8x1024xi1>, vector<8x1024xf32>
    %add3A_1634 = arith.addf %add3A_1625, %select_n3A_1633 : vector<8x1024xf32>
    %gt3A_1635 = arith.constant -0.34906584 : f32
    %gt3A_1636 = vector.broadcast %gt3A_1635 : f32 to vector<8x1024xf32>
    %gt3A_1637 = arith.cmpf ogt, %slice3A_1567, %gt3A_1636 : vector<8x1024xf32>
    %jit3A_1638 = arith.constant 1.000000e+00 : f32
    %jit3A_1639 = arith.constant 0.000000e+00 : f32
    %broadcast_in_dim3A_1640 = vector.broadcast %jit3A_1638 : f32 to vector<8x1024xf32>
    %broadcast_in_dim3A_1641 = vector.broadcast %jit3A_1639 : f32 to vector<8x1024xf32>
    %select_n3A_1642 = arith.select %gt3A_1637, %broadcast_in_dim3A_1640, %broadcast_in_dim3A_1641 : vector<8x1024xi1>, vector<8x1024xf32>
    %add3A_1643 = arith.addf %add3A_1634, %select_n3A_1642 : vector<8x1024xf32>
    %gt3A_1644 = arith.constant 0.000000e+00 : f32
    %gt3A_1645 = vector.broadcast %gt3A_1644 : f32 to vector<8x1024xf32>
    %gt3A_1646 = arith.cmpf ogt, %slice3A_1567, %gt3A_1645 : vector<8x1024xf32>
    %jit3A_1647 = arith.constant 1.000000e+00 : f32
    %jit3A_1648 = arith.constant 0.000000e+00 : f32
    %broadcast_in_dim3A_1649 = vector.broadcast %jit3A_1647 : f32 to vector<8x1024xf32>
    %broadcast_in_dim3A_1650 = vector.broadcast %jit3A_1648 : f32 to vector<8x1024xf32>
    %select_n3A_1651 = arith.select %gt3A_1646, %broadcast_in_dim3A_1649, %broadcast_in_dim3A_1650 : vector<8x1024xi1>, vector<8x1024xf32>
    %add3A_1652 = arith.addf %add3A_1643, %select_n3A_1651 : vector<8x1024xf32>
    %gt3A_1653 = arith.constant 0.34906584 : f32
    %gt3A_1654 = vector.broadcast %gt3A_1653 : f32 to vector<8x1024xf32>
    %gt3A_1655 = arith.cmpf ogt, %slice3A_1567, %gt3A_1654 : vector<8x1024xf32>
    %jit3A_1656 = arith.constant 1.000000e+00 : f32
    %jit3A_1657 = arith.constant 0.000000e+00 : f32
    %broadcast_in_dim3A_1658 = vector.broadcast %jit3A_1656 : f32 to vector<8x1024xf32>
    %broadcast_in_dim3A_1659 = vector.broadcast %jit3A_1657 : f32 to vector<8x1024xf32>
    %select_n3A_1660 = arith.select %gt3A_1655, %broadcast_in_dim3A_1658, %broadcast_in_dim3A_1659 : vector<8x1024xi1>, vector<8x1024xf32>
    %add3A_1661 = arith.addf %add3A_1652, %select_n3A_1660 : vector<8x1024xf32>
    %gt3A_1662 = arith.constant 0.69813168 : f32
    %gt3A_1663 = vector.broadcast %gt3A_1662 : f32 to vector<8x1024xf32>
    %gt3A_1664 = arith.cmpf ogt, %slice3A_1567, %gt3A_1663 : vector<8x1024xf32>
    %jit3A_1665 = arith.constant 1.000000e+00 : f32
    %jit3A_1666 = arith.constant 0.000000e+00 : f32
    %broadcast_in_dim3A_1667 = vector.broadcast %jit3A_1665 : f32 to vector<8x1024xf32>
    %broadcast_in_dim3A_1668 = vector.broadcast %jit3A_1666 : f32 to vector<8x1024xf32>
    %select_n3A_1669 = arith.select %gt3A_1664, %broadcast_in_dim3A_1667, %broadcast_in_dim3A_1668 : vector<8x1024xi1>, vector<8x1024xf32>
    %add3A_1670 = arith.addf %add3A_1661, %select_n3A_1669 : vector<8x1024xf32>
    %gt3A_1671 = arith.constant 1.04719758 : f32
    %gt3A_1672 = vector.broadcast %gt3A_1671 : f32 to vector<8x1024xf32>
    %gt3A_1673 = arith.cmpf ogt, %slice3A_1567, %gt3A_1672 : vector<8x1024xf32>
    %jit3A_1674 = arith.constant 1.000000e+00 : f32
    %jit3A_1675 = arith.constant 0.000000e+00 : f32
    %broadcast_in_dim3A_1676 = vector.broadcast %jit3A_1674 : f32 to vector<8x1024xf32>
    %broadcast_in_dim3A_1677 = vector.broadcast %jit3A_1675 : f32 to vector<8x1024xf32>
    %select_n3A_1678 = arith.select %gt3A_1673, %broadcast_in_dim3A_1676, %broadcast_in_dim3A_1677 : vector<8x1024xi1>, vector<8x1024xf32>
    %add3A_1679 = arith.addf %add3A_1670, %select_n3A_1678 : vector<8x1024xf32>
    %gt3A_1680 = arith.constant 1.39626336 : f32
    %gt3A_1681 = vector.broadcast %gt3A_1680 : f32 to vector<8x1024xf32>
    %gt3A_1682 = arith.cmpf ogt, %slice3A_1567, %gt3A_1681 : vector<8x1024xf32>
    %jit3A_1683 = arith.constant 1.000000e+00 : f32
    %jit3A_1684 = arith.constant 0.000000e+00 : f32
    %broadcast_in_dim3A_1685 = vector.broadcast %jit3A_1683 : f32 to vector<8x1024xf32>
    %broadcast_in_dim3A_1686 = vector.broadcast %jit3A_1684 : f32 to vector<8x1024xf32>
    %select_n3A_1687 = arith.select %gt3A_1682, %broadcast_in_dim3A_1685, %broadcast_in_dim3A_1686 : vector<8x1024xi1>, vector<8x1024xf32>
    %add3A_1688 = arith.addf %add3A_1679, %select_n3A_1687 : vector<8x1024xf32>
    %gt3A_1689 = arith.constant 1.74532926 : f32
    %gt3A_1690 = vector.broadcast %gt3A_1689 : f32 to vector<8x1024xf32>
    %gt3A_1691 = arith.cmpf ogt, %slice3A_1567, %gt3A_1690 : vector<8x1024xf32>
    %jit3A_1692 = arith.constant 1.000000e+00 : f32
    %jit3A_1693 = arith.constant 0.000000e+00 : f32
    %broadcast_in_dim3A_1694 = vector.broadcast %jit3A_1692 : f32 to vector<8x1024xf32>
    %broadcast_in_dim3A_1695 = vector.broadcast %jit3A_1693 : f32 to vector<8x1024xf32>
    %select_n3A_1696 = arith.select %gt3A_1691, %broadcast_in_dim3A_1694, %broadcast_in_dim3A_1695 : vector<8x1024xi1>, vector<8x1024xf32>
    %add3A_1697 = arith.addf %add3A_1688, %select_n3A_1696 : vector<8x1024xf32>
    %gt3A_1698 = arith.constant 2.09439516 : f32
    %gt3A_1699 = vector.broadcast %gt3A_1698 : f32 to vector<8x1024xf32>
    %gt3A_1700 = arith.cmpf ogt, %slice3A_1567, %gt3A_1699 : vector<8x1024xf32>
    %jit3A_1701 = arith.constant 1.000000e+00 : f32
    %jit3A_1702 = arith.constant 0.000000e+00 : f32
    %broadcast_in_dim3A_1703 = vector.broadcast %jit3A_1701 : f32 to vector<8x1024xf32>
    %broadcast_in_dim3A_1704 = vector.broadcast %jit3A_1702 : f32 to vector<8x1024xf32>
    %select_n3A_1705 = arith.select %gt3A_1700, %broadcast_in_dim3A_1703, %broadcast_in_dim3A_1704 : vector<8x1024xi1>, vector<8x1024xf32>
    %add3A_1706 = arith.addf %add3A_1697, %select_n3A_1705 : vector<8x1024xf32>
    %gt3A_1707 = arith.constant 2.44346094 : f32
    %gt3A_1708 = vector.broadcast %gt3A_1707 : f32 to vector<8x1024xf32>
    %gt3A_1709 = arith.cmpf ogt, %slice3A_1567, %gt3A_1708 : vector<8x1024xf32>
    %jit3A_1710 = arith.constant 1.000000e+00 : f32
    %jit3A_1711 = arith.constant 0.000000e+00 : f32
    %broadcast_in_dim3A_1712 = vector.broadcast %jit3A_1710 : f32 to vector<8x1024xf32>
    %broadcast_in_dim3A_1713 = vector.broadcast %jit3A_1711 : f32 to vector<8x1024xf32>
    %select_n3A_1714 = arith.select %gt3A_1709, %broadcast_in_dim3A_1712, %broadcast_in_dim3A_1713 : vector<8x1024xi1>, vector<8x1024xf32>
    %add3A_1715 = arith.addf %add3A_1706, %select_n3A_1714 : vector<8x1024xf32>
    %gt3A_1716 = arith.constant 2.79252672 : f32
    %gt3A_1717 = vector.broadcast %gt3A_1716 : f32 to vector<8x1024xf32>
    %gt3A_1718 = arith.cmpf ogt, %slice3A_1567, %gt3A_1717 : vector<8x1024xf32>
    %jit3A_1719 = arith.constant 1.000000e+00 : f32
    %jit3A_1720 = arith.constant 0.000000e+00 : f32
    %broadcast_in_dim3A_1721 = vector.broadcast %jit3A_1719 : f32 to vector<8x1024xf32>
    %broadcast_in_dim3A_1722 = vector.broadcast %jit3A_1720 : f32 to vector<8x1024xf32>
    %select_n3A_1723 = arith.select %gt3A_1718, %broadcast_in_dim3A_1721, %broadcast_in_dim3A_1722 : vector<8x1024xi1>, vector<8x1024xf32>
    %add3A_1724 = arith.addf %add3A_1715, %select_n3A_1723 : vector<8x1024xf32>
    %slice3A_1725 = vector.extract_strided_slice %add3A_1724 {offsets = [0, 0], sizes = [1, 1024], strides = [1, 1]} : vector<8x1024xf32> to vector<1x1024xf32>
    %broadcast_in_dim3A_1726 = vector.shape_cast %slice3A_1725 : vector<1x1024xf32> to vector<1x1024xf32>
    %broadcast_in_dim3A_1727 = vector.broadcast %broadcast_in_dim3A_1726 : vector<1x1024xf32> to vector<18x1024xf32>
    %eq3A_1728 = arith.cmpf oeq, %broadcast_in_dim3A_1727, %convert_element_type3A : vector<18x1024xf32>
    %jit3A_1729 = arith.constant 1.000000e+00 : f32
    %jit3A_1730 = arith.constant 0.000000e+00 : f32
    %broadcast_in_dim3A_1731 = vector.broadcast %jit3A_1729 : f32 to vector<18x1024xf32>
    %broadcast_in_dim3A_1732 = vector.broadcast %jit3A_1730 : f32 to vector<18x1024xf32>
    %select_n3A_1733 = arith.select %eq3A_1728, %broadcast_in_dim3A_1731, %broadcast_in_dim3A_1732 : vector<18x1024xi1>, vector<18x1024xf32>
    %dot_general3A_1734 = arith.constant dense<0.000000e+00> : vector<9x18xf32>
    %dot_general3A_1735 = tpu.matmul %concatenate3A_1569, %select_n3A_1733, %dot_general3A_1734 {dimension_numbers = #tpu.dot_dimension_numbers<[1], [1], [0], [0], [0, 0, 1, 0], [], []>, precision = #tpu.contract_precision<fp32>, transpose_lhs_hint = false} : vector<9x1024xf32>, vector<18x1024xf32>, vector<9x18xf32> -> vector<9x18xf32>
    %slice3A_1736 = vector.extract_strided_slice %dot_general3A_1735 {offsets = [0, 0], sizes = [8, 18], strides = [1, 1]} : vector<9x18xf32> to vector<8x18xf32>
    %slice3A_1737 = vector.extract_strided_slice %dot_general3A_1735 {offsets = [8, 0], sizes = [1, 18], strides = [1, 1]} : vector<9x18xf32> to vector<1x18xf32>
    %add3A_1738 = arith.constant 9.99999971E-10 : f32
    %add3A_1739 = vector.broadcast %add3A_1738 : f32 to vector<1x18xf32>
    %add3A_1740 = arith.addf %slice3A_1737, %add3A_1739 : vector<1x18xf32>
    %div3A_1741 = vector.broadcast %add3A_1740 : vector<1x18xf32> to vector<8x18xf32>
    %div3A_1742 = arith.divf %slice3A_1736, %div3A_1741 : vector<8x18xf32>
    %reduce_sum3A_1743 = arith.constant dense<0.000000e+00> : vector<8xf32>
    %reduce_sum3A_1744 = vector.multi_reduction <add>, %div3A_1742, %reduce_sum3A_1743 [1] : vector<8x18xf32> to vector<8xf32>
    %broadcast_in_dim3A_1745 = vector.shape_cast %reduce_sum3A_1744 : vector<8xf32> to vector<8x1xf32>
    %add3A_1746 = arith.constant 9.99999971E-10 : f32
    %add3A_1747 = vector.broadcast %add3A_1746 : f32 to vector<8x1xf32>
    %add3A_1748 = arith.addf %broadcast_in_dim3A_1745, %add3A_1747 : vector<8x1xf32>
    %div3A_1749 = vector.broadcast %add3A_1748 : vector<8x1xf32> to vector<8x18xf32>
    %div3A_1750 = arith.divf %div3A_1742, %div3A_1749 : vector<8x18xf32>
    %add3A_1751 = arith.constant 9.99999971E-10 : f32
    %add3A_1752 = vector.broadcast %add3A_1751 : f32 to vector<8x18xf32>
    %add3A_1753 = arith.addf %div3A_1750, %add3A_1752 : vector<8x18xf32>
    %log3A_1754 = math.log %add3A_1753 : vector<8x18xf32>
    %mul3A_1755 = arith.mulf %div3A_1750, %log3A_1754 : vector<8x18xf32>
    %reduce_sum3A_1756 = arith.constant dense<0.000000e+00> : vector<8xf32>
    %reduce_sum3A_1757 = vector.multi_reduction <add>, %mul3A_1755, %reduce_sum3A_1756 [1] : vector<8x18xf32> to vector<8xf32>
    %broadcast_in_dim3A_1758 = vector.shape_cast %reduce_sum3A_1757 : vector<8xf32> to vector<8x1xf32>
    %add3A_1759 = arith.constant 2.8903718 : f32
    %add3A_1760 = vector.broadcast %add3A_1759 : f32 to vector<8x1xf32>
    %add3A_1761 = arith.addf %add3A_1760, %broadcast_in_dim3A_1758 : vector<8x1xf32>
    %div3A_1762 = arith.constant 2.8903718 : f32
    %div3A_1763 = vector.broadcast %div3A_1762 : f32 to vector<8x1xf32>
    %div3A_1764 = arith.divf %add3A_1761, %div3A_1763 : vector<8x1xf32>
    %squeeze3A_1765 = vector.shape_cast %div3A_1764 : vector<8x1xf32> to vector<8xf32>
    %swap3A_1766 = arith.constant 24 : index
    %swap3A_1767 = arith.constant 0 : index
    %swap3A_1768 = vector.load %arg2[%swap3A_1766, %swap3A_1767] : memref<64x8xf32, #tpu.memory_space<vmem>>, vector<1x8xf32>
    %swap3A_1769 = vector.shape_cast %swap3A_1768 : vector<1x8xf32> to vector<8xf32>
    %swap3A_1770 = vector.shape_cast %squeeze3A_1765 : vector<8xf32> to vector<1x8xf32>
    tpu.vector_store %arg2[%swap3A_1766, %swap3A_1767], %swap3A_1770 {strides = array<i32>} : memref<64x8xf32, #tpu.memory_space<vmem>>, vector<1x8xf32>,
    %slice3A_1771 = vector.extract_strided_slice %add3A_1724 {offsets = [1, 0], sizes = [1, 1024], strides = [1, 1]} : vector<8x1024xf32> to vector<1x1024xf32>
    %broadcast_in_dim3A_1772 = vector.shape_cast %slice3A_1771 : vector<1x1024xf32> to vector<1x1024xf32>
    %broadcast_in_dim3A_1773 = vector.broadcast %broadcast_in_dim3A_1772 : vector<1x1024xf32> to vector<18x1024xf32>
    %eq3A_1774 = arith.cmpf oeq, %broadcast_in_dim3A_1773, %convert_element_type3A : vector<18x1024xf32>
    %jit3A_1775 = arith.constant 1.000000e+00 : f32
    %jit3A_1776 = arith.constant 0.000000e+00 : f32
    %broadcast_in_dim3A_1777 = vector.broadcast %jit3A_1775 : f32 to vector<18x1024xf32>
    %broadcast_in_dim3A_1778 = vector.broadcast %jit3A_1776 : f32 to vector<18x1024xf32>
    %select_n3A_1779 = arith.select %eq3A_1774, %broadcast_in_dim3A_1777, %broadcast_in_dim3A_1778 : vector<18x1024xi1>, vector<18x1024xf32>
    %dot_general3A_1780 = arith.constant dense<0.000000e+00> : vector<9x18xf32>
    %dot_general3A_1781 = tpu.matmul %concatenate3A_1569, %select_n3A_1779, %dot_general3A_1780 {dimension_numbers = #tpu.dot_dimension_numbers<[1], [1], [0], [0], [0, 0, 1, 0], [], []>, precision = #tpu.contract_precision<fp32>, transpose_lhs_hint = false} : vector<9x1024xf32>, vector<18x1024xf32>, vector<9x18xf32> -> vector<9x18xf32>
    %slice3A_1782 = vector.extract_strided_slice %dot_general3A_1781 {offsets = [0, 0], sizes = [8, 18], strides = [1, 1]} : vector<9x18xf32> to vector<8x18xf32>
    %slice3A_1783 = vector.extract_strided_slice %dot_general3A_1781 {offsets = [8, 0], sizes = [1, 18], strides = [1, 1]} : vector<9x18xf32> to vector<1x18xf32>
    %add3A_1784 = arith.constant 9.99999971E-10 : f32
    %add3A_1785 = vector.broadcast %add3A_1784 : f32 to vector<1x18xf32>
    %add3A_1786 = arith.addf %slice3A_1783, %add3A_1785 : vector<1x18xf32>
    %div3A_1787 = vector.broadcast %add3A_1786 : vector<1x18xf32> to vector<8x18xf32>
    %div3A_1788 = arith.divf %slice3A_1782, %div3A_1787 : vector<8x18xf32>
    %reduce_sum3A_1789 = arith.constant dense<0.000000e+00> : vector<8xf32>
    %reduce_sum3A_1790 = vector.multi_reduction <add>, %div3A_1788, %reduce_sum3A_1789 [1] : vector<8x18xf32> to vector<8xf32>
    %broadcast_in_dim3A_1791 = vector.shape_cast %reduce_sum3A_1790 : vector<8xf32> to vector<8x1xf32>
    %add3A_1792 = arith.constant 9.99999971E-10 : f32
    %add3A_1793 = vector.broadcast %add3A_1792 : f32 to vector<8x1xf32>
    %add3A_1794 = arith.addf %broadcast_in_dim3A_1791, %add3A_1793 : vector<8x1xf32>
    %div3A_1795 = vector.broadcast %add3A_1794 : vector<8x1xf32> to vector<8x18xf32>
    %div3A_1796 = arith.divf %div3A_1788, %div3A_1795 : vector<8x18xf32>
    %add3A_1797 = arith.constant 9.99999971E-10 : f32
    %add3A_1798 = vector.broadcast %add3A_1797 : f32 to vector<8x18xf32>
    %add3A_1799 = arith.addf %div3A_1796, %add3A_1798 : vector<8x18xf32>
    %log3A_1800 = math.log %add3A_1799 : vector<8x18xf32>
    %mul3A_1801 = arith.mulf %div3A_1796, %log3A_1800 : vector<8x18xf32>
    %reduce_sum3A_1802 = arith.constant dense<0.000000e+00> : vector<8xf32>
    %reduce_sum3A_1803 = vector.multi_reduction <add>, %mul3A_1801, %reduce_sum3A_1802 [1] : vector<8x18xf32> to vector<8xf32>
    %broadcast_in_dim3A_1804 = vector.shape_cast %reduce_sum3A_1803 : vector<8xf32> to vector<8x1xf32>
    %add3A_1805 = arith.constant 2.8903718 : f32
    %add3A_1806 = vector.broadcast %add3A_1805 : f32 to vector<8x1xf32>
    %add3A_1807 = arith.addf %add3A_1806, %broadcast_in_dim3A_1804 : vector<8x1xf32>
    %div3A_1808 = arith.constant 2.8903718 : f32
    %div3A_1809 = vector.broadcast %div3A_1808 : f32 to vector<8x1xf32>
    %div3A_1810 = arith.divf %add3A_1807, %div3A_1809 : vector<8x1xf32>
    %squeeze3A_1811 = vector.shape_cast %div3A_1810 : vector<8x1xf32> to vector<8xf32>
    %swap3A_1812 = arith.constant 25 : index
    %swap3A_1813 = arith.constant 0 : index
    %swap3A_1814 = vector.load %arg2[%swap3A_1812, %swap3A_1813] : memref<64x8xf32, #tpu.memory_space<vmem>>, vector<1x8xf32>
    %swap3A_1815 = vector.shape_cast %swap3A_1814 : vector<1x8xf32> to vector<8xf32>
    %swap3A_1816 = vector.shape_cast %squeeze3A_1811 : vector<8xf32> to vector<1x8xf32>
    tpu.vector_store %arg2[%swap3A_1812, %swap3A_1813], %swap3A_1816 {strides = array<i32>} : memref<64x8xf32, #tpu.memory_space<vmem>>, vector<1x8xf32>,
    %slice3A_1817 = vector.extract_strided_slice %add3A_1724 {offsets = [2, 0], sizes = [1, 1024], strides = [1, 1]} : vector<8x1024xf32> to vector<1x1024xf32>
    %broadcast_in_dim3A_1818 = vector.shape_cast %slice3A_1817 : vector<1x1024xf32> to vector<1x1024xf32>
    %broadcast_in_dim3A_1819 = vector.broadcast %broadcast_in_dim3A_1818 : vector<1x1024xf32> to vector<18x1024xf32>
    %eq3A_1820 = arith.cmpf oeq, %broadcast_in_dim3A_1819, %convert_element_type3A : vector<18x1024xf32>
    %jit3A_1821 = arith.constant 1.000000e+00 : f32
    %jit3A_1822 = arith.constant 0.000000e+00 : f32
    %broadcast_in_dim3A_1823 = vector.broadcast %jit3A_1821 : f32 to vector<18x1024xf32>
    %broadcast_in_dim3A_1824 = vector.broadcast %jit3A_1822 : f32 to vector<18x1024xf32>
    %select_n3A_1825 = arith.select %eq3A_1820, %broadcast_in_dim3A_1823, %broadcast_in_dim3A_1824 : vector<18x1024xi1>, vector<18x1024xf32>
    %dot_general3A_1826 = arith.constant dense<0.000000e+00> : vector<9x18xf32>
    %dot_general3A_1827 = tpu.matmul %concatenate3A_1569, %select_n3A_1825, %dot_general3A_1826 {dimension_numbers = #tpu.dot_dimension_numbers<[1], [1], [0], [0], [0, 0, 1, 0], [], []>, precision = #tpu.contract_precision<fp32>, transpose_lhs_hint = false} : vector<9x1024xf32>, vector<18x1024xf32>, vector<9x18xf32> -> vector<9x18xf32>
    %slice3A_1828 = vector.extract_strided_slice %dot_general3A_1827 {offsets = [0, 0], sizes = [8, 18], strides = [1, 1]} : vector<9x18xf32> to vector<8x18xf32>
    %slice3A_1829 = vector.extract_strided_slice %dot_general3A_1827 {offsets = [8, 0], sizes = [1, 18], strides = [1, 1]} : vector<9x18xf32> to vector<1x18xf32>
    %add3A_1830 = arith.constant 9.99999971E-10 : f32
    %add3A_1831 = vector.broadcast %add3A_1830 : f32 to vector<1x18xf32>
    %add3A_1832 = arith.addf %slice3A_1829, %add3A_1831 : vector<1x18xf32>
    %div3A_1833 = vector.broadcast %add3A_1832 : vector<1x18xf32> to vector<8x18xf32>
    %div3A_1834 = arith.divf %slice3A_1828, %div3A_1833 : vector<8x18xf32>
    %reduce_sum3A_1835 = arith.constant dense<0.000000e+00> : vector<8xf32>
    %reduce_sum3A_1836 = vector.multi_reduction <add>, %div3A_1834, %reduce_sum3A_1835 [1] : vector<8x18xf32> to vector<8xf32>
    %broadcast_in_dim3A_1837 = vector.shape_cast %reduce_sum3A_1836 : vector<8xf32> to vector<8x1xf32>
    %add3A_1838 = arith.constant 9.99999971E-10 : f32
    %add3A_1839 = vector.broadcast %add3A_1838 : f32 to vector<8x1xf32>
    %add3A_1840 = arith.addf %broadcast_in_dim3A_1837, %add3A_1839 : vector<8x1xf32>
    %div3A_1841 = vector.broadcast %add3A_1840 : vector<8x1xf32> to vector<8x18xf32>
    %div3A_1842 = arith.divf %div3A_1834, %div3A_1841 : vector<8x18xf32>
    %add3A_1843 = arith.constant 9.99999971E-10 : f32
    %add3A_1844 = vector.broadcast %add3A_1843 : f32 to vector<8x18xf32>
    %add3A_1845 = arith.addf %div3A_1842, %add3A_1844 : vector<8x18xf32>
    %log3A_1846 = math.log %add3A_1845 : vector<8x18xf32>
    %mul3A_1847 = arith.mulf %div3A_1842, %log3A_1846 : vector<8x18xf32>
    %reduce_sum3A_1848 = arith.constant dense<0.000000e+00> : vector<8xf32>
    %reduce_sum3A_1849 = vector.multi_reduction <add>, %mul3A_1847, %reduce_sum3A_1848 [1] : vector<8x18xf32> to vector<8xf32>
    %broadcast_in_dim3A_1850 = vector.shape_cast %reduce_sum3A_1849 : vector<8xf32> to vector<8x1xf32>
    %add3A_1851 = arith.constant 2.8903718 : f32
    %add3A_1852 = vector.broadcast %add3A_1851 : f32 to vector<8x1xf32>
    %add3A_1853 = arith.addf %add3A_1852, %broadcast_in_dim3A_1850 : vector<8x1xf32>
    %div3A_1854 = arith.constant 2.8903718 : f32
    %div3A_1855 = vector.broadcast %div3A_1854 : f32 to vector<8x1xf32>
    %div3A_1856 = arith.divf %add3A_1853, %div3A_1855 : vector<8x1xf32>
    %squeeze3A_1857 = vector.shape_cast %div3A_1856 : vector<8x1xf32> to vector<8xf32>
    %swap3A_1858 = arith.constant 26 : index
    %swap3A_1859 = arith.constant 0 : index
    %swap3A_1860 = vector.load %arg2[%swap3A_1858, %swap3A_1859] : memref<64x8xf32, #tpu.memory_space<vmem>>, vector<1x8xf32>
    %swap3A_1861 = vector.shape_cast %swap3A_1860 : vector<1x8xf32> to vector<8xf32>
    %swap3A_1862 = vector.shape_cast %squeeze3A_1857 : vector<8xf32> to vector<1x8xf32>
    tpu.vector_store %arg2[%swap3A_1858, %swap3A_1859], %swap3A_1862 {strides = array<i32>} : memref<64x8xf32, #tpu.memory_space<vmem>>, vector<1x8xf32>,
    %slice3A_1863 = vector.extract_strided_slice %add3A_1724 {offsets = [3, 0], sizes = [1, 1024], strides = [1, 1]} : vector<8x1024xf32> to vector<1x1024xf32>
    %broadcast_in_dim3A_1864 = vector.shape_cast %slice3A_1863 : vector<1x1024xf32> to vector<1x1024xf32>
    %broadcast_in_dim3A_1865 = vector.broadcast %broadcast_in_dim3A_1864 : vector<1x1024xf32> to vector<18x1024xf32>
    %eq3A_1866 = arith.cmpf oeq, %broadcast_in_dim3A_1865, %convert_element_type3A : vector<18x1024xf32>
    %jit3A_1867 = arith.constant 1.000000e+00 : f32
    %jit3A_1868 = arith.constant 0.000000e+00 : f32
    %broadcast_in_dim3A_1869 = vector.broadcast %jit3A_1867 : f32 to vector<18x1024xf32>
    %broadcast_in_dim3A_1870 = vector.broadcast %jit3A_1868 : f32 to vector<18x1024xf32>
    %select_n3A_1871 = arith.select %eq3A_1866, %broadcast_in_dim3A_1869, %broadcast_in_dim3A_1870 : vector<18x1024xi1>, vector<18x1024xf32>
    %dot_general3A_1872 = arith.constant dense<0.000000e+00> : vector<9x18xf32>
    %dot_general3A_1873 = tpu.matmul %concatenate3A_1569, %select_n3A_1871, %dot_general3A_1872 {dimension_numbers = #tpu.dot_dimension_numbers<[1], [1], [0], [0], [0, 0, 1, 0], [], []>, precision = #tpu.contract_precision<fp32>, transpose_lhs_hint = false} : vector<9x1024xf32>, vector<18x1024xf32>, vector<9x18xf32> -> vector<9x18xf32>
    %slice3A_1874 = vector.extract_strided_slice %dot_general3A_1873 {offsets = [0, 0], sizes = [8, 18], strides = [1, 1]} : vector<9x18xf32> to vector<8x18xf32>
    %slice3A_1875 = vector.extract_strided_slice %dot_general3A_1873 {offsets = [8, 0], sizes = [1, 18], strides = [1, 1]} : vector<9x18xf32> to vector<1x18xf32>
    %add3A_1876 = arith.constant 9.99999971E-10 : f32
    %add3A_1877 = vector.broadcast %add3A_1876 : f32 to vector<1x18xf32>
    %add3A_1878 = arith.addf %slice3A_1875, %add3A_1877 : vector<1x18xf32>
    %div3A_1879 = vector.broadcast %add3A_1878 : vector<1x18xf32> to vector<8x18xf32>
    %div3A_1880 = arith.divf %slice3A_1874, %div3A_1879 : vector<8x18xf32>
    %reduce_sum3A_1881 = arith.constant dense<0.000000e+00> : vector<8xf32>
    %reduce_sum3A_1882 = vector.multi_reduction <add>, %div3A_1880, %reduce_sum3A_1881 [1] : vector<8x18xf32> to vector<8xf32>
    %broadcast_in_dim3A_1883 = vector.shape_cast %reduce_sum3A_1882 : vector<8xf32> to vector<8x1xf32>
    %add3A_1884 = arith.constant 9.99999971E-10 : f32
    %add3A_1885 = vector.broadcast %add3A_1884 : f32 to vector<8x1xf32>
    %add3A_1886 = arith.addf %broadcast_in_dim3A_1883, %add3A_1885 : vector<8x1xf32>
    %div3A_1887 = vector.broadcast %add3A_1886 : vector<8x1xf32> to vector<8x18xf32>
    %div3A_1888 = arith.divf %div3A_1880, %div3A_1887 : vector<8x18xf32>
    %add3A_1889 = arith.constant 9.99999971E-10 : f32
    %add3A_1890 = vector.broadcast %add3A_1889 : f32 to vector<8x18xf32>
    %add3A_1891 = arith.addf %div3A_1888, %add3A_1890 : vector<8x18xf32>
    %log3A_1892 = math.log %add3A_1891 : vector<8x18xf32>
    %mul3A_1893 = arith.mulf %div3A_1888, %log3A_1892 : vector<8x18xf32>
    %reduce_sum3A_1894 = arith.constant dense<0.000000e+00> : vector<8xf32>
    %reduce_sum3A_1895 = vector.multi_reduction <add>, %mul3A_1893, %reduce_sum3A_1894 [1] : vector<8x18xf32> to vector<8xf32>
    %broadcast_in_dim3A_1896 = vector.shape_cast %reduce_sum3A_1895 : vector<8xf32> to vector<8x1xf32>
    %add3A_1897 = arith.constant 2.8903718 : f32
    %add3A_1898 = vector.broadcast %add3A_1897 : f32 to vector<8x1xf32>
    %add3A_1899 = arith.addf %add3A_1898, %broadcast_in_dim3A_1896 : vector<8x1xf32>
    %div3A_1900 = arith.constant 2.8903718 : f32
    %div3A_1901 = vector.broadcast %div3A_1900 : f32 to vector<8x1xf32>
    %div3A_1902 = arith.divf %add3A_1899, %div3A_1901 : vector<8x1xf32>
    %squeeze3A_1903 = vector.shape_cast %div3A_1902 : vector<8x1xf32> to vector<8xf32>
    %swap3A_1904 = arith.constant 27 : index
    %swap3A_1905 = arith.constant 0 : index
    %swap3A_1906 = vector.load %arg2[%swap3A_1904, %swap3A_1905] : memref<64x8xf32, #tpu.memory_space<vmem>>, vector<1x8xf32>
    %swap3A_1907 = vector.shape_cast %swap3A_1906 : vector<1x8xf32> to vector<8xf32>
    %swap3A_1908 = vector.shape_cast %squeeze3A_1903 : vector<8xf32> to vector<1x8xf32>
    tpu.vector_store %arg2[%swap3A_1904, %swap3A_1905], %swap3A_1908 {strides = array<i32>} : memref<64x8xf32, #tpu.memory_space<vmem>>, vector<1x8xf32>,
    %slice3A_1909 = vector.extract_strided_slice %add3A_1724 {offsets = [4, 0], sizes = [1, 1024], strides = [1, 1]} : vector<8x1024xf32> to vector<1x1024xf32>
    %broadcast_in_dim3A_1910 = vector.shape_cast %slice3A_1909 : vector<1x1024xf32> to vector<1x1024xf32>
    %broadcast_in_dim3A_1911 = vector.broadcast %broadcast_in_dim3A_1910 : vector<1x1024xf32> to vector<18x1024xf32>
    %eq3A_1912 = arith.cmpf oeq, %broadcast_in_dim3A_1911, %convert_element_type3A : vector<18x1024xf32>
    %jit3A_1913 = arith.constant 1.000000e+00 : f32
    %jit3A_1914 = arith.constant 0.000000e+00 : f32
    %broadcast_in_dim3A_1915 = vector.broadcast %jit3A_1913 : f32 to vector<18x1024xf32>
    %broadcast_in_dim3A_1916 = vector.broadcast %jit3A_1914 : f32 to vector<18x1024xf32>
    %select_n3A_1917 = arith.select %eq3A_1912, %broadcast_in_dim3A_1915, %broadcast_in_dim3A_1916 : vector<18x1024xi1>, vector<18x1024xf32>
    %dot_general3A_1918 = arith.constant dense<0.000000e+00> : vector<9x18xf32>
    %dot_general3A_1919 = tpu.matmul %concatenate3A_1569, %select_n3A_1917, %dot_general3A_1918 {dimension_numbers = #tpu.dot_dimension_numbers<[1], [1], [0], [0], [0, 0, 1, 0], [], []>, precision = #tpu.contract_precision<fp32>, transpose_lhs_hint = false} : vector<9x1024xf32>, vector<18x1024xf32>, vector<9x18xf32> -> vector<9x18xf32>
    %slice3A_1920 = vector.extract_strided_slice %dot_general3A_1919 {offsets = [0, 0], sizes = [8, 18], strides = [1, 1]} : vector<9x18xf32> to vector<8x18xf32>
    %slice3A_1921 = vector.extract_strided_slice %dot_general3A_1919 {offsets = [8, 0], sizes = [1, 18], strides = [1, 1]} : vector<9x18xf32> to vector<1x18xf32>
    %add3A_1922 = arith.constant 9.99999971E-10 : f32
    %add3A_1923 = vector.broadcast %add3A_1922 : f32 to vector<1x18xf32>
    %add3A_1924 = arith.addf %slice3A_1921, %add3A_1923 : vector<1x18xf32>
    %div3A_1925 = vector.broadcast %add3A_1924 : vector<1x18xf32> to vector<8x18xf32>
    %div3A_1926 = arith.divf %slice3A_1920, %div3A_1925 : vector<8x18xf32>
    %reduce_sum3A_1927 = arith.constant dense<0.000000e+00> : vector<8xf32>
    %reduce_sum3A_1928 = vector.multi_reduction <add>, %div3A_1926, %reduce_sum3A_1927 [1] : vector<8x18xf32> to vector<8xf32>
    %broadcast_in_dim3A_1929 = vector.shape_cast %reduce_sum3A_1928 : vector<8xf32> to vector<8x1xf32>
    %add3A_1930 = arith.constant 9.99999971E-10 : f32
    %add3A_1931 = vector.broadcast %add3A_1930 : f32 to vector<8x1xf32>
    %add3A_1932 = arith.addf %broadcast_in_dim3A_1929, %add3A_1931 : vector<8x1xf32>
    %div3A_1933 = vector.broadcast %add3A_1932 : vector<8x1xf32> to vector<8x18xf32>
    %div3A_1934 = arith.divf %div3A_1926, %div3A_1933 : vector<8x18xf32>
    %add3A_1935 = arith.constant 9.99999971E-10 : f32
    %add3A_1936 = vector.broadcast %add3A_1935 : f32 to vector<8x18xf32>
    %add3A_1937 = arith.addf %div3A_1934, %add3A_1936 : vector<8x18xf32>
    %log3A_1938 = math.log %add3A_1937 : vector<8x18xf32>
    %mul3A_1939 = arith.mulf %div3A_1934, %log3A_1938 : vector<8x18xf32>
    %reduce_sum3A_1940 = arith.constant dense<0.000000e+00> : vector<8xf32>
    %reduce_sum3A_1941 = vector.multi_reduction <add>, %mul3A_1939, %reduce_sum3A_1940 [1] : vector<8x18xf32> to vector<8xf32>
    %broadcast_in_dim3A_1942 = vector.shape_cast %reduce_sum3A_1941 : vector<8xf32> to vector<8x1xf32>
    %add3A_1943 = arith.constant 2.8903718 : f32
    %add3A_1944 = vector.broadcast %add3A_1943 : f32 to vector<8x1xf32>
    %add3A_1945 = arith.addf %add3A_1944, %broadcast_in_dim3A_1942 : vector<8x1xf32>
    %div3A_1946 = arith.constant 2.8903718 : f32
    %div3A_1947 = vector.broadcast %div3A_1946 : f32 to vector<8x1xf32>
    %div3A_1948 = arith.divf %add3A_1945, %div3A_1947 : vector<8x1xf32>
    %squeeze3A_1949 = vector.shape_cast %div3A_1948 : vector<8x1xf32> to vector<8xf32>
    %swap3A_1950 = arith.constant 28 : index
    %swap3A_1951 = arith.constant 0 : index
    %swap3A_1952 = vector.load %arg2[%swap3A_1950, %swap3A_1951] : memref<64x8xf32, #tpu.memory_space<vmem>>, vector<1x8xf32>
    %swap3A_1953 = vector.shape_cast %swap3A_1952 : vector<1x8xf32> to vector<8xf32>
    %swap3A_1954 = vector.shape_cast %squeeze3A_1949 : vector<8xf32> to vector<1x8xf32>
    tpu.vector_store %arg2[%swap3A_1950, %swap3A_1951], %swap3A_1954 {strides = array<i32>} : memref<64x8xf32, #tpu.memory_space<vmem>>, vector<1x8xf32>,
    %slice3A_1955 = vector.extract_strided_slice %add3A_1724 {offsets = [5, 0], sizes = [1, 1024], strides = [1, 1]} : vector<8x1024xf32> to vector<1x1024xf32>
    %broadcast_in_dim3A_1956 = vector.shape_cast %slice3A_1955 : vector<1x1024xf32> to vector<1x1024xf32>
    %broadcast_in_dim3A_1957 = vector.broadcast %broadcast_in_dim3A_1956 : vector<1x1024xf32> to vector<18x1024xf32>
    %eq3A_1958 = arith.cmpf oeq, %broadcast_in_dim3A_1957, %convert_element_type3A : vector<18x1024xf32>
    %jit3A_1959 = arith.constant 1.000000e+00 : f32
    %jit3A_1960 = arith.constant 0.000000e+00 : f32
    %broadcast_in_dim3A_1961 = vector.broadcast %jit3A_1959 : f32 to vector<18x1024xf32>
    %broadcast_in_dim3A_1962 = vector.broadcast %jit3A_1960 : f32 to vector<18x1024xf32>
    %select_n3A_1963 = arith.select %eq3A_1958, %broadcast_in_dim3A_1961, %broadcast_in_dim3A_1962 : vector<18x1024xi1>, vector<18x1024xf32>
    %dot_general3A_1964 = arith.constant dense<0.000000e+00> : vector<9x18xf32>
    %dot_general3A_1965 = tpu.matmul %concatenate3A_1569, %select_n3A_1963, %dot_general3A_1964 {dimension_numbers = #tpu.dot_dimension_numbers<[1], [1], [0], [0], [0, 0, 1, 0], [], []>, precision = #tpu.contract_precision<fp32>, transpose_lhs_hint = false} : vector<9x1024xf32>, vector<18x1024xf32>, vector<9x18xf32> -> vector<9x18xf32>
    %slice3A_1966 = vector.extract_strided_slice %dot_general3A_1965 {offsets = [0, 0], sizes = [8, 18], strides = [1, 1]} : vector<9x18xf32> to vector<8x18xf32>
    %slice3A_1967 = vector.extract_strided_slice %dot_general3A_1965 {offsets = [8, 0], sizes = [1, 18], strides = [1, 1]} : vector<9x18xf32> to vector<1x18xf32>
    %add3A_1968 = arith.constant 9.99999971E-10 : f32
    %add3A_1969 = vector.broadcast %add3A_1968 : f32 to vector<1x18xf32>
    %add3A_1970 = arith.addf %slice3A_1967, %add3A_1969 : vector<1x18xf32>
    %div3A_1971 = vector.broadcast %add3A_1970 : vector<1x18xf32> to vector<8x18xf32>
    %div3A_1972 = arith.divf %slice3A_1966, %div3A_1971 : vector<8x18xf32>
    %reduce_sum3A_1973 = arith.constant dense<0.000000e+00> : vector<8xf32>
    %reduce_sum3A_1974 = vector.multi_reduction <add>, %div3A_1972, %reduce_sum3A_1973 [1] : vector<8x18xf32> to vector<8xf32>
    %broadcast_in_dim3A_1975 = vector.shape_cast %reduce_sum3A_1974 : vector<8xf32> to vector<8x1xf32>
    %add3A_1976 = arith.constant 9.99999971E-10 : f32
    %add3A_1977 = vector.broadcast %add3A_1976 : f32 to vector<8x1xf32>
    %add3A_1978 = arith.addf %broadcast_in_dim3A_1975, %add3A_1977 : vector<8x1xf32>
    %div3A_1979 = vector.broadcast %add3A_1978 : vector<8x1xf32> to vector<8x18xf32>
    %div3A_1980 = arith.divf %div3A_1972, %div3A_1979 : vector<8x18xf32>
    %add3A_1981 = arith.constant 9.99999971E-10 : f32
    %add3A_1982 = vector.broadcast %add3A_1981 : f32 to vector<8x18xf32>
    %add3A_1983 = arith.addf %div3A_1980, %add3A_1982 : vector<8x18xf32>
    %log3A_1984 = math.log %add3A_1983 : vector<8x18xf32>
    %mul3A_1985 = arith.mulf %div3A_1980, %log3A_1984 : vector<8x18xf32>
    %reduce_sum3A_1986 = arith.constant dense<0.000000e+00> : vector<8xf32>
    %reduce_sum3A_1987 = vector.multi_reduction <add>, %mul3A_1985, %reduce_sum3A_1986 [1] : vector<8x18xf32> to vector<8xf32>
    %broadcast_in_dim3A_1988 = vector.shape_cast %reduce_sum3A_1987 : vector<8xf32> to vector<8x1xf32>
    %add3A_1989 = arith.constant 2.8903718 : f32
    %add3A_1990 = vector.broadcast %add3A_1989 : f32 to vector<8x1xf32>
    %add3A_1991 = arith.addf %add3A_1990, %broadcast_in_dim3A_1988 : vector<8x1xf32>
    %div3A_1992 = arith.constant 2.8903718 : f32
    %div3A_1993 = vector.broadcast %div3A_1992 : f32 to vector<8x1xf32>
    %div3A_1994 = arith.divf %add3A_1991, %div3A_1993 : vector<8x1xf32>
    %squeeze3A_1995 = vector.shape_cast %div3A_1994 : vector<8x1xf32> to vector<8xf32>
    %swap3A_1996 = arith.constant 29 : index
    %swap3A_1997 = arith.constant 0 : index
    %swap3A_1998 = vector.load %arg2[%swap3A_1996, %swap3A_1997] : memref<64x8xf32, #tpu.memory_space<vmem>>, vector<1x8xf32>
    %swap3A_1999 = vector.shape_cast %swap3A_1998 : vector<1x8xf32> to vector<8xf32>
    %swap3A_2000 = vector.shape_cast %squeeze3A_1995 : vector<8xf32> to vector<1x8xf32>
    tpu.vector_store %arg2[%swap3A_1996, %swap3A_1997], %swap3A_2000 {strides = array<i32>} : memref<64x8xf32, #tpu.memory_space<vmem>>, vector<1x8xf32>,
    %slice3A_2001 = vector.extract_strided_slice %add3A_1724 {offsets = [6, 0], sizes = [1, 1024], strides = [1, 1]} : vector<8x1024xf32> to vector<1x1024xf32>
    %broadcast_in_dim3A_2002 = vector.shape_cast %slice3A_2001 : vector<1x1024xf32> to vector<1x1024xf32>
    %broadcast_in_dim3A_2003 = vector.broadcast %broadcast_in_dim3A_2002 : vector<1x1024xf32> to vector<18x1024xf32>
    %eq3A_2004 = arith.cmpf oeq, %broadcast_in_dim3A_2003, %convert_element_type3A : vector<18x1024xf32>
    %jit3A_2005 = arith.constant 1.000000e+00 : f32
    %jit3A_2006 = arith.constant 0.000000e+00 : f32
    %broadcast_in_dim3A_2007 = vector.broadcast %jit3A_2005 : f32 to vector<18x1024xf32>
    %broadcast_in_dim3A_2008 = vector.broadcast %jit3A_2006 : f32 to vector<18x1024xf32>
    %select_n3A_2009 = arith.select %eq3A_2004, %broadcast_in_dim3A_2007, %broadcast_in_dim3A_2008 : vector<18x1024xi1>, vector<18x1024xf32>
    %dot_general3A_2010 = arith.constant dense<0.000000e+00> : vector<9x18xf32>
    %dot_general3A_2011 = tpu.matmul %concatenate3A_1569, %select_n3A_2009, %dot_general3A_2010 {dimension_numbers = #tpu.dot_dimension_numbers<[1], [1], [0], [0], [0, 0, 1, 0], [], []>, precision = #tpu.contract_precision<fp32>, transpose_lhs_hint = false} : vector<9x1024xf32>, vector<18x1024xf32>, vector<9x18xf32> -> vector<9x18xf32>
    %slice3A_2012 = vector.extract_strided_slice %dot_general3A_2011 {offsets = [0, 0], sizes = [8, 18], strides = [1, 1]} : vector<9x18xf32> to vector<8x18xf32>
    %slice3A_2013 = vector.extract_strided_slice %dot_general3A_2011 {offsets = [8, 0], sizes = [1, 18], strides = [1, 1]} : vector<9x18xf32> to vector<1x18xf32>
    %add3A_2014 = arith.constant 9.99999971E-10 : f32
    %add3A_2015 = vector.broadcast %add3A_2014 : f32 to vector<1x18xf32>
    %add3A_2016 = arith.addf %slice3A_2013, %add3A_2015 : vector<1x18xf32>
    %div3A_2017 = vector.broadcast %add3A_2016 : vector<1x18xf32> to vector<8x18xf32>
    %div3A_2018 = arith.divf %slice3A_2012, %div3A_2017 : vector<8x18xf32>
    %reduce_sum3A_2019 = arith.constant dense<0.000000e+00> : vector<8xf32>
    %reduce_sum3A_2020 = vector.multi_reduction <add>, %div3A_2018, %reduce_sum3A_2019 [1] : vector<8x18xf32> to vector<8xf32>
    %broadcast_in_dim3A_2021 = vector.shape_cast %reduce_sum3A_2020 : vector<8xf32> to vector<8x1xf32>
    %add3A_2022 = arith.constant 9.99999971E-10 : f32
    %add3A_2023 = vector.broadcast %add3A_2022 : f32 to vector<8x1xf32>
    %add3A_2024 = arith.addf %broadcast_in_dim3A_2021, %add3A_2023 : vector<8x1xf32>
    %div3A_2025 = vector.broadcast %add3A_2024 : vector<8x1xf32> to vector<8x18xf32>
    %div3A_2026 = arith.divf %div3A_2018, %div3A_2025 : vector<8x18xf32>
    %add3A_2027 = arith.constant 9.99999971E-10 : f32
    %add3A_2028 = vector.broadcast %add3A_2027 : f32 to vector<8x18xf32>
    %add3A_2029 = arith.addf %div3A_2026, %add3A_2028 : vector<8x18xf32>
    %log3A_2030 = math.log %add3A_2029 : vector<8x18xf32>
    %mul3A_2031 = arith.mulf %div3A_2026, %log3A_2030 : vector<8x18xf32>
    %reduce_sum3A_2032 = arith.constant dense<0.000000e+00> : vector<8xf32>
    %reduce_sum3A_2033 = vector.multi_reduction <add>, %mul3A_2031, %reduce_sum3A_2032 [1] : vector<8x18xf32> to vector<8xf32>
    %broadcast_in_dim3A_2034 = vector.shape_cast %reduce_sum3A_2033 : vector<8xf32> to vector<8x1xf32>
    %add3A_2035 = arith.constant 2.8903718 : f32
    %add3A_2036 = vector.broadcast %add3A_2035 : f32 to vector<8x1xf32>
    %add3A_2037 = arith.addf %add3A_2036, %broadcast_in_dim3A_2034 : vector<8x1xf32>
    %div3A_2038 = arith.constant 2.8903718 : f32
    %div3A_2039 = vector.broadcast %div3A_2038 : f32 to vector<8x1xf32>
    %div3A_2040 = arith.divf %add3A_2037, %div3A_2039 : vector<8x1xf32>
    %squeeze3A_2041 = vector.shape_cast %div3A_2040 : vector<8x1xf32> to vector<8xf32>
    %swap3A_2042 = arith.constant 30 : index
    %swap3A_2043 = arith.constant 0 : index
    %swap3A_2044 = vector.load %arg2[%swap3A_2042, %swap3A_2043] : memref<64x8xf32, #tpu.memory_space<vmem>>, vector<1x8xf32>
    %swap3A_2045 = vector.shape_cast %swap3A_2044 : vector<1x8xf32> to vector<8xf32>
    %swap3A_2046 = vector.shape_cast %squeeze3A_2041 : vector<8xf32> to vector<1x8xf32>
    tpu.vector_store %arg2[%swap3A_2042, %swap3A_2043], %swap3A_2046 {strides = array<i32>} : memref<64x8xf32, #tpu.memory_space<vmem>>, vector<1x8xf32>,
    %slice3A_2047 = vector.extract_strided_slice %add3A_1724 {offsets = [7, 0], sizes = [1, 1024], strides = [1, 1]} : vector<8x1024xf32> to vector<1x1024xf32>
    %broadcast_in_dim3A_2048 = vector.shape_cast %slice3A_2047 : vector<1x1024xf32> to vector<1x1024xf32>
    %broadcast_in_dim3A_2049 = vector.broadcast %broadcast_in_dim3A_2048 : vector<1x1024xf32> to vector<18x1024xf32>
    %eq3A_2050 = arith.cmpf oeq, %broadcast_in_dim3A_2049, %convert_element_type3A : vector<18x1024xf32>
    %jit3A_2051 = arith.constant 1.000000e+00 : f32
    %jit3A_2052 = arith.constant 0.000000e+00 : f32
    %broadcast_in_dim3A_2053 = vector.broadcast %jit3A_2051 : f32 to vector<18x1024xf32>
    %broadcast_in_dim3A_2054 = vector.broadcast %jit3A_2052 : f32 to vector<18x1024xf32>
    %select_n3A_2055 = arith.select %eq3A_2050, %broadcast_in_dim3A_2053, %broadcast_in_dim3A_2054 : vector<18x1024xi1>, vector<18x1024xf32>
    %dot_general3A_2056 = arith.constant dense<0.000000e+00> : vector<9x18xf32>
    %dot_general3A_2057 = tpu.matmul %concatenate3A_1569, %select_n3A_2055, %dot_general3A_2056 {dimension_numbers = #tpu.dot_dimension_numbers<[1], [1], [0], [0], [0, 0, 1, 0], [], []>, precision = #tpu.contract_precision<fp32>, transpose_lhs_hint = false} : vector<9x1024xf32>, vector<18x1024xf32>, vector<9x18xf32> -> vector<9x18xf32>
    %slice3A_2058 = vector.extract_strided_slice %dot_general3A_2057 {offsets = [0, 0], sizes = [8, 18], strides = [1, 1]} : vector<9x18xf32> to vector<8x18xf32>
    %slice3A_2059 = vector.extract_strided_slice %dot_general3A_2057 {offsets = [8, 0], sizes = [1, 18], strides = [1, 1]} : vector<9x18xf32> to vector<1x18xf32>
    %add3A_2060 = arith.constant 9.99999971E-10 : f32
    %add3A_2061 = vector.broadcast %add3A_2060 : f32 to vector<1x18xf32>
    %add3A_2062 = arith.addf %slice3A_2059, %add3A_2061 : vector<1x18xf32>
    %div3A_2063 = vector.broadcast %add3A_2062 : vector<1x18xf32> to vector<8x18xf32>
    %div3A_2064 = arith.divf %slice3A_2058, %div3A_2063 : vector<8x18xf32>
    %reduce_sum3A_2065 = arith.constant dense<0.000000e+00> : vector<8xf32>
    %reduce_sum3A_2066 = vector.multi_reduction <add>, %div3A_2064, %reduce_sum3A_2065 [1] : vector<8x18xf32> to vector<8xf32>
    %broadcast_in_dim3A_2067 = vector.shape_cast %reduce_sum3A_2066 : vector<8xf32> to vector<8x1xf32>
    %add3A_2068 = arith.constant 9.99999971E-10 : f32
    %add3A_2069 = vector.broadcast %add3A_2068 : f32 to vector<8x1xf32>
    %add3A_2070 = arith.addf %broadcast_in_dim3A_2067, %add3A_2069 : vector<8x1xf32>
    %div3A_2071 = vector.broadcast %add3A_2070 : vector<8x1xf32> to vector<8x18xf32>
    %div3A_2072 = arith.divf %div3A_2064, %div3A_2071 : vector<8x18xf32>
    %add3A_2073 = arith.constant 9.99999971E-10 : f32
    %add3A_2074 = vector.broadcast %add3A_2073 : f32 to vector<8x18xf32>
    %add3A_2075 = arith.addf %div3A_2072, %add3A_2074 : vector<8x18xf32>
    %log3A_2076 = math.log %add3A_2075 : vector<8x18xf32>
    %mul3A_2077 = arith.mulf %div3A_2072, %log3A_2076 : vector<8x18xf32>
    %reduce_sum3A_2078 = arith.constant dense<0.000000e+00> : vector<8xf32>
    %reduce_sum3A_2079 = vector.multi_reduction <add>, %mul3A_2077, %reduce_sum3A_2078 [1] : vector<8x18xf32> to vector<8xf32>
    %broadcast_in_dim3A_2080 = vector.shape_cast %reduce_sum3A_2079 : vector<8xf32> to vector<8x1xf32>
    %add3A_2081 = arith.constant 2.8903718 : f32
    %add3A_2082 = vector.broadcast %add3A_2081 : f32 to vector<8x1xf32>
    %add3A_2083 = arith.addf %add3A_2082, %broadcast_in_dim3A_2080 : vector<8x1xf32>
    %div3A_2084 = arith.constant 2.8903718 : f32
    %div3A_2085 = vector.broadcast %div3A_2084 : f32 to vector<8x1xf32>
    %div3A_2086 = arith.divf %add3A_2083, %div3A_2085 : vector<8x1xf32>
    %squeeze3A_2087 = vector.shape_cast %div3A_2086 : vector<8x1xf32> to vector<8xf32>
    %swap3A_2088 = arith.constant 31 : index
    %swap3A_2089 = arith.constant 0 : index
    %swap3A_2090 = vector.load %arg2[%swap3A_2088, %swap3A_2089] : memref<64x8xf32, #tpu.memory_space<vmem>>, vector<1x8xf32>
    %swap3A_2091 = vector.shape_cast %swap3A_2090 : vector<1x8xf32> to vector<8xf32>
    %swap3A_2092 = vector.shape_cast %squeeze3A_2087 : vector<8xf32> to vector<1x8xf32>
    tpu.vector_store %arg2[%swap3A_2088, %swap3A_2089], %swap3A_2092 {strides = array<i32>} : memref<64x8xf32, #tpu.memory_space<vmem>>, vector<1x8xf32>,
    %slice3A_2093 = vector.extract_strided_slice %get3A_1 {offsets = [64, 0], sizes = [8, 1024], strides = [1, 1]} : vector<128x1024xf32> to vector<8x1024xf32>
    %slice3A_2094 = vector.extract_strided_slice %get3A_1 {offsets = [72, 0], sizes = [8, 1024], strides = [1, 1]} : vector<128x1024xf32> to vector<8x1024xf32>
    %concatenate3A_2095 = tpu.concatenate %slice3A_2094, %broadcast_in_dim3A_2 in 0 : vector<8x1024xf32>, vector<1x1024xf32> -> vector<9x1024xf32>
    %broadcast_in_dim3A_2096 = arith.constant 0.000000e+00 : f32
    %broadcast_in_dim3A_2097 = vector.broadcast %broadcast_in_dim3A_2096 : f32 to vector<8x1024xf32>
    %gt3A_2098 = arith.constant -2.79252672 : f32
    %gt3A_2099 = vector.broadcast %gt3A_2098 : f32 to vector<8x1024xf32>
    %gt3A_2100 = arith.cmpf ogt, %slice3A_2093, %gt3A_2099 : vector<8x1024xf32>
    %jit3A_2101 = arith.constant 1.000000e+00 : f32
    %jit3A_2102 = arith.constant 0.000000e+00 : f32
    %broadcast_in_dim3A_2103 = vector.broadcast %jit3A_2101 : f32 to vector<8x1024xf32>
    %broadcast_in_dim3A_2104 = vector.broadcast %jit3A_2102 : f32 to vector<8x1024xf32>
    %select_n3A_2105 = arith.select %gt3A_2100, %broadcast_in_dim3A_2103, %broadcast_in_dim3A_2104 : vector<8x1024xi1>, vector<8x1024xf32>
    %add3A_2106 = arith.addf %broadcast_in_dim3A_2097, %select_n3A_2105 : vector<8x1024xf32>
    %gt3A_2107 = arith.constant -2.44346094 : f32
    %gt3A_2108 = vector.broadcast %gt3A_2107 : f32 to vector<8x1024xf32>
    %gt3A_2109 = arith.cmpf ogt, %slice3A_2093, %gt3A_2108 : vector<8x1024xf32>
    %jit3A_2110 = arith.constant 1.000000e+00 : f32
    %jit3A_2111 = arith.constant 0.000000e+00 : f32
    %broadcast_in_dim3A_2112 = vector.broadcast %jit3A_2110 : f32 to vector<8x1024xf32>
    %broadcast_in_dim3A_2113 = vector.broadcast %jit3A_2111 : f32 to vector<8x1024xf32>
    %select_n3A_2114 = arith.select %gt3A_2109, %broadcast_in_dim3A_2112, %broadcast_in_dim3A_2113 : vector<8x1024xi1>, vector<8x1024xf32>
    %add3A_2115 = arith.addf %add3A_2106, %select_n3A_2114 : vector<8x1024xf32>
    %gt3A_2116 = arith.constant -2.09439516 : f32
    %gt3A_2117 = vector.broadcast %gt3A_2116 : f32 to vector<8x1024xf32>
    %gt3A_2118 = arith.cmpf ogt, %slice3A_2093, %gt3A_2117 : vector<8x1024xf32>
    %jit3A_2119 = arith.constant 1.000000e+00 : f32
    %jit3A_2120 = arith.constant 0.000000e+00 : f32
    %broadcast_in_dim3A_2121 = vector.broadcast %jit3A_2119 : f32 to vector<8x1024xf32>
    %broadcast_in_dim3A_2122 = vector.broadcast %jit3A_2120 : f32 to vector<8x1024xf32>
    %select_n3A_2123 = arith.select %gt3A_2118, %broadcast_in_dim3A_2121, %broadcast_in_dim3A_2122 : vector<8x1024xi1>, vector<8x1024xf32>
    %add3A_2124 = arith.addf %add3A_2115, %select_n3A_2123 : vector<8x1024xf32>
    %gt3A_2125 = arith.constant -1.74532926 : f32
    %gt3A_2126 = vector.broadcast %gt3A_2125 : f32 to vector<8x1024xf32>
    %gt3A_2127 = arith.cmpf ogt, %slice3A_2093, %gt3A_2126 : vector<8x1024xf32>
    %jit3A_2128 = arith.constant 1.000000e+00 : f32
    %jit3A_2129 = arith.constant 0.000000e+00 : f32
    %broadcast_in_dim3A_2130 = vector.broadcast %jit3A_2128 : f32 to vector<8x1024xf32>
    %broadcast_in_dim3A_2131 = vector.broadcast %jit3A_2129 : f32 to vector<8x1024xf32>
    %select_n3A_2132 = arith.select %gt3A_2127, %broadcast_in_dim3A_2130, %broadcast_in_dim3A_2131 : vector<8x1024xi1>, vector<8x1024xf32>
    %add3A_2133 = arith.addf %add3A_2124, %select_n3A_2132 : vector<8x1024xf32>
    %gt3A_2134 = arith.constant -1.39626336 : f32
    %gt3A_2135 = vector.broadcast %gt3A_2134 : f32 to vector<8x1024xf32>
    %gt3A_2136 = arith.cmpf ogt, %slice3A_2093, %gt3A_2135 : vector<8x1024xf32>
    %jit3A_2137 = arith.constant 1.000000e+00 : f32
    %jit3A_2138 = arith.constant 0.000000e+00 : f32
    %broadcast_in_dim3A_2139 = vector.broadcast %jit3A_2137 : f32 to vector<8x1024xf32>
    %broadcast_in_dim3A_2140 = vector.broadcast %jit3A_2138 : f32 to vector<8x1024xf32>
    %select_n3A_2141 = arith.select %gt3A_2136, %broadcast_in_dim3A_2139, %broadcast_in_dim3A_2140 : vector<8x1024xi1>, vector<8x1024xf32>
    %add3A_2142 = arith.addf %add3A_2133, %select_n3A_2141 : vector<8x1024xf32>
    %gt3A_2143 = arith.constant -1.04719758 : f32
    %gt3A_2144 = vector.broadcast %gt3A_2143 : f32 to vector<8x1024xf32>
    %gt3A_2145 = arith.cmpf ogt, %slice3A_2093, %gt3A_2144 : vector<8x1024xf32>
    %jit3A_2146 = arith.constant 1.000000e+00 : f32
    %jit3A_2147 = arith.constant 0.000000e+00 : f32
    %broadcast_in_dim3A_2148 = vector.broadcast %jit3A_2146 : f32 to vector<8x1024xf32>
    %broadcast_in_dim3A_2149 = vector.broadcast %jit3A_2147 : f32 to vector<8x1024xf32>
    %select_n3A_2150 = arith.select %gt3A_2145, %broadcast_in_dim3A_2148, %broadcast_in_dim3A_2149 : vector<8x1024xi1>, vector<8x1024xf32>
    %add3A_2151 = arith.addf %add3A_2142, %select_n3A_2150 : vector<8x1024xf32>
    %gt3A_2152 = arith.constant -0.69813168 : f32
    %gt3A_2153 = vector.broadcast %gt3A_2152 : f32 to vector<8x1024xf32>
    %gt3A_2154 = arith.cmpf ogt, %slice3A_2093, %gt3A_2153 : vector<8x1024xf32>
    %jit3A_2155 = arith.constant 1.000000e+00 : f32
    %jit3A_2156 = arith.constant 0.000000e+00 : f32
    %broadcast_in_dim3A_2157 = vector.broadcast %jit3A_2155 : f32 to vector<8x1024xf32>
    %broadcast_in_dim3A_2158 = vector.broadcast %jit3A_2156 : f32 to vector<8x1024xf32>
    %select_n3A_2159 = arith.select %gt3A_2154, %broadcast_in_dim3A_2157, %broadcast_in_dim3A_2158 : vector<8x1024xi1>, vector<8x1024xf32>
    %add3A_2160 = arith.addf %add3A_2151, %select_n3A_2159 : vector<8x1024xf32>
    %gt3A_2161 = arith.constant -0.34906584 : f32
    %gt3A_2162 = vector.broadcast %gt3A_2161 : f32 to vector<8x1024xf32>
    %gt3A_2163 = arith.cmpf ogt, %slice3A_2093, %gt3A_2162 : vector<8x1024xf32>
    %jit3A_2164 = arith.constant 1.000000e+00 : f32
    %jit3A_2165 = arith.constant 0.000000e+00 : f32
    %broadcast_in_dim3A_2166 = vector.broadcast %jit3A_2164 : f32 to vector<8x1024xf32>
    %broadcast_in_dim3A_2167 = vector.broadcast %jit3A_2165 : f32 to vector<8x1024xf32>
    %select_n3A_2168 = arith.select %gt3A_2163, %broadcast_in_dim3A_2166, %broadcast_in_dim3A_2167 : vector<8x1024xi1>, vector<8x1024xf32>
    %add3A_2169 = arith.addf %add3A_2160, %select_n3A_2168 : vector<8x1024xf32>
    %gt3A_2170 = arith.constant 0.000000e+00 : f32
    %gt3A_2171 = vector.broadcast %gt3A_2170 : f32 to vector<8x1024xf32>
    %gt3A_2172 = arith.cmpf ogt, %slice3A_2093, %gt3A_2171 : vector<8x1024xf32>
    %jit3A_2173 = arith.constant 1.000000e+00 : f32
    %jit3A_2174 = arith.constant 0.000000e+00 : f32
    %broadcast_in_dim3A_2175 = vector.broadcast %jit3A_2173 : f32 to vector<8x1024xf32>
    %broadcast_in_dim3A_2176 = vector.broadcast %jit3A_2174 : f32 to vector<8x1024xf32>
    %select_n3A_2177 = arith.select %gt3A_2172, %broadcast_in_dim3A_2175, %broadcast_in_dim3A_2176 : vector<8x1024xi1>, vector<8x1024xf32>
    %add3A_2178 = arith.addf %add3A_2169, %select_n3A_2177 : vector<8x1024xf32>
    %gt3A_2179 = arith.constant 0.34906584 : f32
    %gt3A_2180 = vector.broadcast %gt3A_2179 : f32 to vector<8x1024xf32>
    %gt3A_2181 = arith.cmpf ogt, %slice3A_2093, %gt3A_2180 : vector<8x1024xf32>
    %jit3A_2182 = arith.constant 1.000000e+00 : f32
    %jit3A_2183 = arith.constant 0.000000e+00 : f32
    %broadcast_in_dim3A_2184 = vector.broadcast %jit3A_2182 : f32 to vector<8x1024xf32>
    %broadcast_in_dim3A_2185 = vector.broadcast %jit3A_2183 : f32 to vector<8x1024xf32>
    %select_n3A_2186 = arith.select %gt3A_2181, %broadcast_in_dim3A_2184, %broadcast_in_dim3A_2185 : vector<8x1024xi1>, vector<8x1024xf32>
    %add3A_2187 = arith.addf %add3A_2178, %select_n3A_2186 : vector<8x1024xf32>
    %gt3A_2188 = arith.constant 0.69813168 : f32
    %gt3A_2189 = vector.broadcast %gt3A_2188 : f32 to vector<8x1024xf32>
    %gt3A_2190 = arith.cmpf ogt, %slice3A_2093, %gt3A_2189 : vector<8x1024xf32>
    %jit3A_2191 = arith.constant 1.000000e+00 : f32
    %jit3A_2192 = arith.constant 0.000000e+00 : f32
    %broadcast_in_dim3A_2193 = vector.broadcast %jit3A_2191 : f32 to vector<8x1024xf32>
    %broadcast_in_dim3A_2194 = vector.broadcast %jit3A_2192 : f32 to vector<8x1024xf32>
    %select_n3A_2195 = arith.select %gt3A_2190, %broadcast_in_dim3A_2193, %broadcast_in_dim3A_2194 : vector<8x1024xi1>, vector<8x1024xf32>
    %add3A_2196 = arith.addf %add3A_2187, %select_n3A_2195 : vector<8x1024xf32>
    %gt3A_2197 = arith.constant 1.04719758 : f32
    %gt3A_2198 = vector.broadcast %gt3A_2197 : f32 to vector<8x1024xf32>
    %gt3A_2199 = arith.cmpf ogt, %slice3A_2093, %gt3A_2198 : vector<8x1024xf32>
    %jit3A_2200 = arith.constant 1.000000e+00 : f32
    %jit3A_2201 = arith.constant 0.000000e+00 : f32
    %broadcast_in_dim3A_2202 = vector.broadcast %jit3A_2200 : f32 to vector<8x1024xf32>
    %broadcast_in_dim3A_2203 = vector.broadcast %jit3A_2201 : f32 to vector<8x1024xf32>
    %select_n3A_2204 = arith.select %gt3A_2199, %broadcast_in_dim3A_2202, %broadcast_in_dim3A_2203 : vector<8x1024xi1>, vector<8x1024xf32>
    %add3A_2205 = arith.addf %add3A_2196, %select_n3A_2204 : vector<8x1024xf32>
    %gt3A_2206 = arith.constant 1.39626336 : f32
    %gt3A_2207 = vector.broadcast %gt3A_2206 : f32 to vector<8x1024xf32>
    %gt3A_2208 = arith.cmpf ogt, %slice3A_2093, %gt3A_2207 : vector<8x1024xf32>
    %jit3A_2209 = arith.constant 1.000000e+00 : f32
    %jit3A_2210 = arith.constant 0.000000e+00 : f32
    %broadcast_in_dim3A_2211 = vector.broadcast %jit3A_2209 : f32 to vector<8x1024xf32>
    %broadcast_in_dim3A_2212 = vector.broadcast %jit3A_2210 : f32 to vector<8x1024xf32>
    %select_n3A_2213 = arith.select %gt3A_2208, %broadcast_in_dim3A_2211, %broadcast_in_dim3A_2212 : vector<8x1024xi1>, vector<8x1024xf32>
    %add3A_2214 = arith.addf %add3A_2205, %select_n3A_2213 : vector<8x1024xf32>
    %gt3A_2215 = arith.constant 1.74532926 : f32
    %gt3A_2216 = vector.broadcast %gt3A_2215 : f32 to vector<8x1024xf32>
    %gt3A_2217 = arith.cmpf ogt, %slice3A_2093, %gt3A_2216 : vector<8x1024xf32>
    %jit3A_2218 = arith.constant 1.000000e+00 : f32
    %jit3A_2219 = arith.constant 0.000000e+00 : f32
    %broadcast_in_dim3A_2220 = vector.broadcast %jit3A_2218 : f32 to vector<8x1024xf32>
    %broadcast_in_dim3A_2221 = vector.broadcast %jit3A_2219 : f32 to vector<8x1024xf32>
    %select_n3A_2222 = arith.select %gt3A_2217, %broadcast_in_dim3A_2220, %broadcast_in_dim3A_2221 : vector<8x1024xi1>, vector<8x1024xf32>
    %add3A_2223 = arith.addf %add3A_2214, %select_n3A_2222 : vector<8x1024xf32>
    %gt3A_2224 = arith.constant 2.09439516 : f32
    %gt3A_2225 = vector.broadcast %gt3A_2224 : f32 to vector<8x1024xf32>
    %gt3A_2226 = arith.cmpf ogt, %slice3A_2093, %gt3A_2225 : vector<8x1024xf32>
    %jit3A_2227 = arith.constant 1.000000e+00 : f32
    %jit3A_2228 = arith.constant 0.000000e+00 : f32
    %broadcast_in_dim3A_2229 = vector.broadcast %jit3A_2227 : f32 to vector<8x1024xf32>
    %broadcast_in_dim3A_2230 = vector.broadcast %jit3A_2228 : f32 to vector<8x1024xf32>
    %select_n3A_2231 = arith.select %gt3A_2226, %broadcast_in_dim3A_2229, %broadcast_in_dim3A_2230 : vector<8x1024xi1>, vector<8x1024xf32>
    %add3A_2232 = arith.addf %add3A_2223, %select_n3A_2231 : vector<8x1024xf32>
    %gt3A_2233 = arith.constant 2.44346094 : f32
    %gt3A_2234 = vector.broadcast %gt3A_2233 : f32 to vector<8x1024xf32>
    %gt3A_2235 = arith.cmpf ogt, %slice3A_2093, %gt3A_2234 : vector<8x1024xf32>
    %jit3A_2236 = arith.constant 1.000000e+00 : f32
    %jit3A_2237 = arith.constant 0.000000e+00 : f32
    %broadcast_in_dim3A_2238 = vector.broadcast %jit3A_2236 : f32 to vector<8x1024xf32>
    %broadcast_in_dim3A_2239 = vector.broadcast %jit3A_2237 : f32 to vector<8x1024xf32>
    %select_n3A_2240 = arith.select %gt3A_2235, %broadcast_in_dim3A_2238, %broadcast_in_dim3A_2239 : vector<8x1024xi1>, vector<8x1024xf32>
    %add3A_2241 = arith.addf %add3A_2232, %select_n3A_2240 : vector<8x1024xf32>
    %gt3A_2242 = arith.constant 2.79252672 : f32
    %gt3A_2243 = vector.broadcast %gt3A_2242 : f32 to vector<8x1024xf32>
    %gt3A_2244 = arith.cmpf ogt, %slice3A_2093, %gt3A_2243 : vector<8x1024xf32>
    %jit3A_2245 = arith.constant 1.000000e+00 : f32
    %jit3A_2246 = arith.constant 0.000000e+00 : f32
    %broadcast_in_dim3A_2247 = vector.broadcast %jit3A_2245 : f32 to vector<8x1024xf32>
    %broadcast_in_dim3A_2248 = vector.broadcast %jit3A_2246 : f32 to vector<8x1024xf32>
    %select_n3A_2249 = arith.select %gt3A_2244, %broadcast_in_dim3A_2247, %broadcast_in_dim3A_2248 : vector<8x1024xi1>, vector<8x1024xf32>
    %add3A_2250 = arith.addf %add3A_2241, %select_n3A_2249 : vector<8x1024xf32>
    %slice3A_2251 = vector.extract_strided_slice %add3A_2250 {offsets = [0, 0], sizes = [1, 1024], strides = [1, 1]} : vector<8x1024xf32> to vector<1x1024xf32>
    %broadcast_in_dim3A_2252 = vector.shape_cast %slice3A_2251 : vector<1x1024xf32> to vector<1x1024xf32>
    %broadcast_in_dim3A_2253 = vector.broadcast %broadcast_in_dim3A_2252 : vector<1x1024xf32> to vector<18x1024xf32>
    %eq3A_2254 = arith.cmpf oeq, %broadcast_in_dim3A_2253, %convert_element_type3A : vector<18x1024xf32>
    %jit3A_2255 = arith.constant 1.000000e+00 : f32
    %jit3A_2256 = arith.constant 0.000000e+00 : f32
    %broadcast_in_dim3A_2257 = vector.broadcast %jit3A_2255 : f32 to vector<18x1024xf32>
    %broadcast_in_dim3A_2258 = vector.broadcast %jit3A_2256 : f32 to vector<18x1024xf32>
    %select_n3A_2259 = arith.select %eq3A_2254, %broadcast_in_dim3A_2257, %broadcast_in_dim3A_2258 : vector<18x1024xi1>, vector<18x1024xf32>
    %dot_general3A_2260 = arith.constant dense<0.000000e+00> : vector<9x18xf32>
    %dot_general3A_2261 = tpu.matmul %concatenate3A_2095, %select_n3A_2259, %dot_general3A_2260 {dimension_numbers = #tpu.dot_dimension_numbers<[1], [1], [0], [0], [0, 0, 1, 0], [], []>, precision = #tpu.contract_precision<fp32>, transpose_lhs_hint = false} : vector<9x1024xf32>, vector<18x1024xf32>, vector<9x18xf32> -> vector<9x18xf32>
    %slice3A_2262 = vector.extract_strided_slice %dot_general3A_2261 {offsets = [0, 0], sizes = [8, 18], strides = [1, 1]} : vector<9x18xf32> to vector<8x18xf32>
    %slice3A_2263 = vector.extract_strided_slice %dot_general3A_2261 {offsets = [8, 0], sizes = [1, 18], strides = [1, 1]} : vector<9x18xf32> to vector<1x18xf32>
    %add3A_2264 = arith.constant 9.99999971E-10 : f32
    %add3A_2265 = vector.broadcast %add3A_2264 : f32 to vector<1x18xf32>
    %add3A_2266 = arith.addf %slice3A_2263, %add3A_2265 : vector<1x18xf32>
    %div3A_2267 = vector.broadcast %add3A_2266 : vector<1x18xf32> to vector<8x18xf32>
    %div3A_2268 = arith.divf %slice3A_2262, %div3A_2267 : vector<8x18xf32>
    %reduce_sum3A_2269 = arith.constant dense<0.000000e+00> : vector<8xf32>
    %reduce_sum3A_2270 = vector.multi_reduction <add>, %div3A_2268, %reduce_sum3A_2269 [1] : vector<8x18xf32> to vector<8xf32>
    %broadcast_in_dim3A_2271 = vector.shape_cast %reduce_sum3A_2270 : vector<8xf32> to vector<8x1xf32>
    %add3A_2272 = arith.constant 9.99999971E-10 : f32
    %add3A_2273 = vector.broadcast %add3A_2272 : f32 to vector<8x1xf32>
    %add3A_2274 = arith.addf %broadcast_in_dim3A_2271, %add3A_2273 : vector<8x1xf32>
    %div3A_2275 = vector.broadcast %add3A_2274 : vector<8x1xf32> to vector<8x18xf32>
    %div3A_2276 = arith.divf %div3A_2268, %div3A_2275 : vector<8x18xf32>
    %add3A_2277 = arith.constant 9.99999971E-10 : f32
    %add3A_2278 = vector.broadcast %add3A_2277 : f32 to vector<8x18xf32>
    %add3A_2279 = arith.addf %div3A_2276, %add3A_2278 : vector<8x18xf32>
    %log3A_2280 = math.log %add3A_2279 : vector<8x18xf32>
    %mul3A_2281 = arith.mulf %div3A_2276, %log3A_2280 : vector<8x18xf32>
    %reduce_sum3A_2282 = arith.constant dense<0.000000e+00> : vector<8xf32>
    %reduce_sum3A_2283 = vector.multi_reduction <add>, %mul3A_2281, %reduce_sum3A_2282 [1] : vector<8x18xf32> to vector<8xf32>
    %broadcast_in_dim3A_2284 = vector.shape_cast %reduce_sum3A_2283 : vector<8xf32> to vector<8x1xf32>
    %add3A_2285 = arith.constant 2.8903718 : f32
    %add3A_2286 = vector.broadcast %add3A_2285 : f32 to vector<8x1xf32>
    %add3A_2287 = arith.addf %add3A_2286, %broadcast_in_dim3A_2284 : vector<8x1xf32>
    %div3A_2288 = arith.constant 2.8903718 : f32
    %div3A_2289 = vector.broadcast %div3A_2288 : f32 to vector<8x1xf32>
    %div3A_2290 = arith.divf %add3A_2287, %div3A_2289 : vector<8x1xf32>
    %squeeze3A_2291 = vector.shape_cast %div3A_2290 : vector<8x1xf32> to vector<8xf32>
    %swap3A_2292 = arith.constant 32 : index
    %swap3A_2293 = arith.constant 0 : index
    %swap3A_2294 = vector.load %arg2[%swap3A_2292, %swap3A_2293] : memref<64x8xf32, #tpu.memory_space<vmem>>, vector<1x8xf32>
    %swap3A_2295 = vector.shape_cast %swap3A_2294 : vector<1x8xf32> to vector<8xf32>
    %swap3A_2296 = vector.shape_cast %squeeze3A_2291 : vector<8xf32> to vector<1x8xf32>
    tpu.vector_store %arg2[%swap3A_2292, %swap3A_2293], %swap3A_2296 {strides = array<i32>} : memref<64x8xf32, #tpu.memory_space<vmem>>, vector<1x8xf32>,
    %slice3A_2297 = vector.extract_strided_slice %add3A_2250 {offsets = [1, 0], sizes = [1, 1024], strides = [1, 1]} : vector<8x1024xf32> to vector<1x1024xf32>
    %broadcast_in_dim3A_2298 = vector.shape_cast %slice3A_2297 : vector<1x1024xf32> to vector<1x1024xf32>
    %broadcast_in_dim3A_2299 = vector.broadcast %broadcast_in_dim3A_2298 : vector<1x1024xf32> to vector<18x1024xf32>
    %eq3A_2300 = arith.cmpf oeq, %broadcast_in_dim3A_2299, %convert_element_type3A : vector<18x1024xf32>
    %jit3A_2301 = arith.constant 1.000000e+00 : f32
    %jit3A_2302 = arith.constant 0.000000e+00 : f32
    %broadcast_in_dim3A_2303 = vector.broadcast %jit3A_2301 : f32 to vector<18x1024xf32>
    %broadcast_in_dim3A_2304 = vector.broadcast %jit3A_2302 : f32 to vector<18x1024xf32>
    %select_n3A_2305 = arith.select %eq3A_2300, %broadcast_in_dim3A_2303, %broadcast_in_dim3A_2304 : vector<18x1024xi1>, vector<18x1024xf32>
    %dot_general3A_2306 = arith.constant dense<0.000000e+00> : vector<9x18xf32>
    %dot_general3A_2307 = tpu.matmul %concatenate3A_2095, %select_n3A_2305, %dot_general3A_2306 {dimension_numbers = #tpu.dot_dimension_numbers<[1], [1], [0], [0], [0, 0, 1, 0], [], []>, precision = #tpu.contract_precision<fp32>, transpose_lhs_hint = false} : vector<9x1024xf32>, vector<18x1024xf32>, vector<9x18xf32> -> vector<9x18xf32>
    %slice3A_2308 = vector.extract_strided_slice %dot_general3A_2307 {offsets = [0, 0], sizes = [8, 18], strides = [1, 1]} : vector<9x18xf32> to vector<8x18xf32>
    %slice3A_2309 = vector.extract_strided_slice %dot_general3A_2307 {offsets = [8, 0], sizes = [1, 18], strides = [1, 1]} : vector<9x18xf32> to vector<1x18xf32>
    %add3A_2310 = arith.constant 9.99999971E-10 : f32
    %add3A_2311 = vector.broadcast %add3A_2310 : f32 to vector<1x18xf32>
    %add3A_2312 = arith.addf %slice3A_2309, %add3A_2311 : vector<1x18xf32>
    %div3A_2313 = vector.broadcast %add3A_2312 : vector<1x18xf32> to vector<8x18xf32>
    %div3A_2314 = arith.divf %slice3A_2308, %div3A_2313 : vector<8x18xf32>
    %reduce_sum3A_2315 = arith.constant dense<0.000000e+00> : vector<8xf32>
    %reduce_sum3A_2316 = vector.multi_reduction <add>, %div3A_2314, %reduce_sum3A_2315 [1] : vector<8x18xf32> to vector<8xf32>
    %broadcast_in_dim3A_2317 = vector.shape_cast %reduce_sum3A_2316 : vector<8xf32> to vector<8x1xf32>
    %add3A_2318 = arith.constant 9.99999971E-10 : f32
    %add3A_2319 = vector.broadcast %add3A_2318 : f32 to vector<8x1xf32>
    %add3A_2320 = arith.addf %broadcast_in_dim3A_2317, %add3A_2319 : vector<8x1xf32>
    %div3A_2321 = vector.broadcast %add3A_2320 : vector<8x1xf32> to vector<8x18xf32>
    %div3A_2322 = arith.divf %div3A_2314, %div3A_2321 : vector<8x18xf32>
    %add3A_2323 = arith.constant 9.99999971E-10 : f32
    %add3A_2324 = vector.broadcast %add3A_2323 : f32 to vector<8x18xf32>
    %add3A_2325 = arith.addf %div3A_2322, %add3A_2324 : vector<8x18xf32>
    %log3A_2326 = math.log %add3A_2325 : vector<8x18xf32>
    %mul3A_2327 = arith.mulf %div3A_2322, %log3A_2326 : vector<8x18xf32>
    %reduce_sum3A_2328 = arith.constant dense<0.000000e+00> : vector<8xf32>
    %reduce_sum3A_2329 = vector.multi_reduction <add>, %mul3A_2327, %reduce_sum3A_2328 [1] : vector<8x18xf32> to vector<8xf32>
    %broadcast_in_dim3A_2330 = vector.shape_cast %reduce_sum3A_2329 : vector<8xf32> to vector<8x1xf32>
    %add3A_2331 = arith.constant 2.8903718 : f32
    %add3A_2332 = vector.broadcast %add3A_2331 : f32 to vector<8x1xf32>
    %add3A_2333 = arith.addf %add3A_2332, %broadcast_in_dim3A_2330 : vector<8x1xf32>
    %div3A_2334 = arith.constant 2.8903718 : f32
    %div3A_2335 = vector.broadcast %div3A_2334 : f32 to vector<8x1xf32>
    %div3A_2336 = arith.divf %add3A_2333, %div3A_2335 : vector<8x1xf32>
    %squeeze3A_2337 = vector.shape_cast %div3A_2336 : vector<8x1xf32> to vector<8xf32>
    %swap3A_2338 = arith.constant 33 : index
    %swap3A_2339 = arith.constant 0 : index
    %swap3A_2340 = vector.load %arg2[%swap3A_2338, %swap3A_2339] : memref<64x8xf32, #tpu.memory_space<vmem>>, vector<1x8xf32>
    %swap3A_2341 = vector.shape_cast %swap3A_2340 : vector<1x8xf32> to vector<8xf32>
    %swap3A_2342 = vector.shape_cast %squeeze3A_2337 : vector<8xf32> to vector<1x8xf32>
    tpu.vector_store %arg2[%swap3A_2338, %swap3A_2339], %swap3A_2342 {strides = array<i32>} : memref<64x8xf32, #tpu.memory_space<vmem>>, vector<1x8xf32>,
    %slice3A_2343 = vector.extract_strided_slice %add3A_2250 {offsets = [2, 0], sizes = [1, 1024], strides = [1, 1]} : vector<8x1024xf32> to vector<1x1024xf32>
    %broadcast_in_dim3A_2344 = vector.shape_cast %slice3A_2343 : vector<1x1024xf32> to vector<1x1024xf32>
    %broadcast_in_dim3A_2345 = vector.broadcast %broadcast_in_dim3A_2344 : vector<1x1024xf32> to vector<18x1024xf32>
    %eq3A_2346 = arith.cmpf oeq, %broadcast_in_dim3A_2345, %convert_element_type3A : vector<18x1024xf32>
    %jit3A_2347 = arith.constant 1.000000e+00 : f32
    %jit3A_2348 = arith.constant 0.000000e+00 : f32
    %broadcast_in_dim3A_2349 = vector.broadcast %jit3A_2347 : f32 to vector<18x1024xf32>
    %broadcast_in_dim3A_2350 = vector.broadcast %jit3A_2348 : f32 to vector<18x1024xf32>
    %select_n3A_2351 = arith.select %eq3A_2346, %broadcast_in_dim3A_2349, %broadcast_in_dim3A_2350 : vector<18x1024xi1>, vector<18x1024xf32>
    %dot_general3A_2352 = arith.constant dense<0.000000e+00> : vector<9x18xf32>
    %dot_general3A_2353 = tpu.matmul %concatenate3A_2095, %select_n3A_2351, %dot_general3A_2352 {dimension_numbers = #tpu.dot_dimension_numbers<[1], [1], [0], [0], [0, 0, 1, 0], [], []>, precision = #tpu.contract_precision<fp32>, transpose_lhs_hint = false} : vector<9x1024xf32>, vector<18x1024xf32>, vector<9x18xf32> -> vector<9x18xf32>
    %slice3A_2354 = vector.extract_strided_slice %dot_general3A_2353 {offsets = [0, 0], sizes = [8, 18], strides = [1, 1]} : vector<9x18xf32> to vector<8x18xf32>
    %slice3A_2355 = vector.extract_strided_slice %dot_general3A_2353 {offsets = [8, 0], sizes = [1, 18], strides = [1, 1]} : vector<9x18xf32> to vector<1x18xf32>
    %add3A_2356 = arith.constant 9.99999971E-10 : f32
    %add3A_2357 = vector.broadcast %add3A_2356 : f32 to vector<1x18xf32>
    %add3A_2358 = arith.addf %slice3A_2355, %add3A_2357 : vector<1x18xf32>
    %div3A_2359 = vector.broadcast %add3A_2358 : vector<1x18xf32> to vector<8x18xf32>
    %div3A_2360 = arith.divf %slice3A_2354, %div3A_2359 : vector<8x18xf32>
    %reduce_sum3A_2361 = arith.constant dense<0.000000e+00> : vector<8xf32>
    %reduce_sum3A_2362 = vector.multi_reduction <add>, %div3A_2360, %reduce_sum3A_2361 [1] : vector<8x18xf32> to vector<8xf32>
    %broadcast_in_dim3A_2363 = vector.shape_cast %reduce_sum3A_2362 : vector<8xf32> to vector<8x1xf32>
    %add3A_2364 = arith.constant 9.99999971E-10 : f32
    %add3A_2365 = vector.broadcast %add3A_2364 : f32 to vector<8x1xf32>
    %add3A_2366 = arith.addf %broadcast_in_dim3A_2363, %add3A_2365 : vector<8x1xf32>
    %div3A_2367 = vector.broadcast %add3A_2366 : vector<8x1xf32> to vector<8x18xf32>
    %div3A_2368 = arith.divf %div3A_2360, %div3A_2367 : vector<8x18xf32>
    %add3A_2369 = arith.constant 9.99999971E-10 : f32
    %add3A_2370 = vector.broadcast %add3A_2369 : f32 to vector<8x18xf32>
    %add3A_2371 = arith.addf %div3A_2368, %add3A_2370 : vector<8x18xf32>
    %log3A_2372 = math.log %add3A_2371 : vector<8x18xf32>
    %mul3A_2373 = arith.mulf %div3A_2368, %log3A_2372 : vector<8x18xf32>
    %reduce_sum3A_2374 = arith.constant dense<0.000000e+00> : vector<8xf32>
    %reduce_sum3A_2375 = vector.multi_reduction <add>, %mul3A_2373, %reduce_sum3A_2374 [1] : vector<8x18xf32> to vector<8xf32>
    %broadcast_in_dim3A_2376 = vector.shape_cast %reduce_sum3A_2375 : vector<8xf32> to vector<8x1xf32>
    %add3A_2377 = arith.constant 2.8903718 : f32
    %add3A_2378 = vector.broadcast %add3A_2377 : f32 to vector<8x1xf32>
    %add3A_2379 = arith.addf %add3A_2378, %broadcast_in_dim3A_2376 : vector<8x1xf32>
    %div3A_2380 = arith.constant 2.8903718 : f32
    %div3A_2381 = vector.broadcast %div3A_2380 : f32 to vector<8x1xf32>
    %div3A_2382 = arith.divf %add3A_2379, %div3A_2381 : vector<8x1xf32>
    %squeeze3A_2383 = vector.shape_cast %div3A_2382 : vector<8x1xf32> to vector<8xf32>
    %swap3A_2384 = arith.constant 34 : index
    %swap3A_2385 = arith.constant 0 : index
    %swap3A_2386 = vector.load %arg2[%swap3A_2384, %swap3A_2385] : memref<64x8xf32, #tpu.memory_space<vmem>>, vector<1x8xf32>
    %swap3A_2387 = vector.shape_cast %swap3A_2386 : vector<1x8xf32> to vector<8xf32>
    %swap3A_2388 = vector.shape_cast %squeeze3A_2383 : vector<8xf32> to vector<1x8xf32>
    tpu.vector_store %arg2[%swap3A_2384, %swap3A_2385], %swap3A_2388 {strides = array<i32>} : memref<64x8xf32, #tpu.memory_space<vmem>>, vector<1x8xf32>,
    %slice3A_2389 = vector.extract_strided_slice %add3A_2250 {offsets = [3, 0], sizes = [1, 1024], strides = [1, 1]} : vector<8x1024xf32> to vector<1x1024xf32>
    %broadcast_in_dim3A_2390 = vector.shape_cast %slice3A_2389 : vector<1x1024xf32> to vector<1x1024xf32>
    %broadcast_in_dim3A_2391 = vector.broadcast %broadcast_in_dim3A_2390 : vector<1x1024xf32> to vector<18x1024xf32>
    %eq3A_2392 = arith.cmpf oeq, %broadcast_in_dim3A_2391, %convert_element_type3A : vector<18x1024xf32>
    %jit3A_2393 = arith.constant 1.000000e+00 : f32
    %jit3A_2394 = arith.constant 0.000000e+00 : f32
    %broadcast_in_dim3A_2395 = vector.broadcast %jit3A_2393 : f32 to vector<18x1024xf32>
    %broadcast_in_dim3A_2396 = vector.broadcast %jit3A_2394 : f32 to vector<18x1024xf32>
    %select_n3A_2397 = arith.select %eq3A_2392, %broadcast_in_dim3A_2395, %broadcast_in_dim3A_2396 : vector<18x1024xi1>, vector<18x1024xf32>
    %dot_general3A_2398 = arith.constant dense<0.000000e+00> : vector<9x18xf32>
    %dot_general3A_2399 = tpu.matmul %concatenate3A_2095, %select_n3A_2397, %dot_general3A_2398 {dimension_numbers = #tpu.dot_dimension_numbers<[1], [1], [0], [0], [0, 0, 1, 0], [], []>, precision = #tpu.contract_precision<fp32>, transpose_lhs_hint = false} : vector<9x1024xf32>, vector<18x1024xf32>, vector<9x18xf32> -> vector<9x18xf32>
    %slice3A_2400 = vector.extract_strided_slice %dot_general3A_2399 {offsets = [0, 0], sizes = [8, 18], strides = [1, 1]} : vector<9x18xf32> to vector<8x18xf32>
    %slice3A_2401 = vector.extract_strided_slice %dot_general3A_2399 {offsets = [8, 0], sizes = [1, 18], strides = [1, 1]} : vector<9x18xf32> to vector<1x18xf32>
    %add3A_2402 = arith.constant 9.99999971E-10 : f32
    %add3A_2403 = vector.broadcast %add3A_2402 : f32 to vector<1x18xf32>
    %add3A_2404 = arith.addf %slice3A_2401, %add3A_2403 : vector<1x18xf32>
    %div3A_2405 = vector.broadcast %add3A_2404 : vector<1x18xf32> to vector<8x18xf32>
    %div3A_2406 = arith.divf %slice3A_2400, %div3A_2405 : vector<8x18xf32>
    %reduce_sum3A_2407 = arith.constant dense<0.000000e+00> : vector<8xf32>
    %reduce_sum3A_2408 = vector.multi_reduction <add>, %div3A_2406, %reduce_sum3A_2407 [1] : vector<8x18xf32> to vector<8xf32>
    %broadcast_in_dim3A_2409 = vector.shape_cast %reduce_sum3A_2408 : vector<8xf32> to vector<8x1xf32>
    %add3A_2410 = arith.constant 9.99999971E-10 : f32
    %add3A_2411 = vector.broadcast %add3A_2410 : f32 to vector<8x1xf32>
    %add3A_2412 = arith.addf %broadcast_in_dim3A_2409, %add3A_2411 : vector<8x1xf32>
    %div3A_2413 = vector.broadcast %add3A_2412 : vector<8x1xf32> to vector<8x18xf32>
    %div3A_2414 = arith.divf %div3A_2406, %div3A_2413 : vector<8x18xf32>
    %add3A_2415 = arith.constant 9.99999971E-10 : f32
    %add3A_2416 = vector.broadcast %add3A_2415 : f32 to vector<8x18xf32>
    %add3A_2417 = arith.addf %div3A_2414, %add3A_2416 : vector<8x18xf32>
    %log3A_2418 = math.log %add3A_2417 : vector<8x18xf32>
    %mul3A_2419 = arith.mulf %div3A_2414, %log3A_2418 : vector<8x18xf32>
    %reduce_sum3A_2420 = arith.constant dense<0.000000e+00> : vector<8xf32>
    %reduce_sum3A_2421 = vector.multi_reduction <add>, %mul3A_2419, %reduce_sum3A_2420 [1] : vector<8x18xf32> to vector<8xf32>
    %broadcast_in_dim3A_2422 = vector.shape_cast %reduce_sum3A_2421 : vector<8xf32> to vector<8x1xf32>
    %add3A_2423 = arith.constant 2.8903718 : f32
    %add3A_2424 = vector.broadcast %add3A_2423 : f32 to vector<8x1xf32>
    %add3A_2425 = arith.addf %add3A_2424, %broadcast_in_dim3A_2422 : vector<8x1xf32>
    %div3A_2426 = arith.constant 2.8903718 : f32
    %div3A_2427 = vector.broadcast %div3A_2426 : f32 to vector<8x1xf32>
    %div3A_2428 = arith.divf %add3A_2425, %div3A_2427 : vector<8x1xf32>
    %squeeze3A_2429 = vector.shape_cast %div3A_2428 : vector<8x1xf32> to vector<8xf32>
    %swap3A_2430 = arith.constant 35 : index
    %swap3A_2431 = arith.constant 0 : index
    %swap3A_2432 = vector.load %arg2[%swap3A_2430, %swap3A_2431] : memref<64x8xf32, #tpu.memory_space<vmem>>, vector<1x8xf32>
    %swap3A_2433 = vector.shape_cast %swap3A_2432 : vector<1x8xf32> to vector<8xf32>
    %swap3A_2434 = vector.shape_cast %squeeze3A_2429 : vector<8xf32> to vector<1x8xf32>
    tpu.vector_store %arg2[%swap3A_2430, %swap3A_2431], %swap3A_2434 {strides = array<i32>} : memref<64x8xf32, #tpu.memory_space<vmem>>, vector<1x8xf32>,
    %slice3A_2435 = vector.extract_strided_slice %add3A_2250 {offsets = [4, 0], sizes = [1, 1024], strides = [1, 1]} : vector<8x1024xf32> to vector<1x1024xf32>
    %broadcast_in_dim3A_2436 = vector.shape_cast %slice3A_2435 : vector<1x1024xf32> to vector<1x1024xf32>
    %broadcast_in_dim3A_2437 = vector.broadcast %broadcast_in_dim3A_2436 : vector<1x1024xf32> to vector<18x1024xf32>
    %eq3A_2438 = arith.cmpf oeq, %broadcast_in_dim3A_2437, %convert_element_type3A : vector<18x1024xf32>
    %jit3A_2439 = arith.constant 1.000000e+00 : f32
    %jit3A_2440 = arith.constant 0.000000e+00 : f32
    %broadcast_in_dim3A_2441 = vector.broadcast %jit3A_2439 : f32 to vector<18x1024xf32>
    %broadcast_in_dim3A_2442 = vector.broadcast %jit3A_2440 : f32 to vector<18x1024xf32>
    %select_n3A_2443 = arith.select %eq3A_2438, %broadcast_in_dim3A_2441, %broadcast_in_dim3A_2442 : vector<18x1024xi1>, vector<18x1024xf32>
    %dot_general3A_2444 = arith.constant dense<0.000000e+00> : vector<9x18xf32>
    %dot_general3A_2445 = tpu.matmul %concatenate3A_2095, %select_n3A_2443, %dot_general3A_2444 {dimension_numbers = #tpu.dot_dimension_numbers<[1], [1], [0], [0], [0, 0, 1, 0], [], []>, precision = #tpu.contract_precision<fp32>, transpose_lhs_hint = false} : vector<9x1024xf32>, vector<18x1024xf32>, vector<9x18xf32> -> vector<9x18xf32>
    %slice3A_2446 = vector.extract_strided_slice %dot_general3A_2445 {offsets = [0, 0], sizes = [8, 18], strides = [1, 1]} : vector<9x18xf32> to vector<8x18xf32>
    %slice3A_2447 = vector.extract_strided_slice %dot_general3A_2445 {offsets = [8, 0], sizes = [1, 18], strides = [1, 1]} : vector<9x18xf32> to vector<1x18xf32>
    %add3A_2448 = arith.constant 9.99999971E-10 : f32
    %add3A_2449 = vector.broadcast %add3A_2448 : f32 to vector<1x18xf32>
    %add3A_2450 = arith.addf %slice3A_2447, %add3A_2449 : vector<1x18xf32>
    %div3A_2451 = vector.broadcast %add3A_2450 : vector<1x18xf32> to vector<8x18xf32>
    %div3A_2452 = arith.divf %slice3A_2446, %div3A_2451 : vector<8x18xf32>
    %reduce_sum3A_2453 = arith.constant dense<0.000000e+00> : vector<8xf32>
    %reduce_sum3A_2454 = vector.multi_reduction <add>, %div3A_2452, %reduce_sum3A_2453 [1] : vector<8x18xf32> to vector<8xf32>
    %broadcast_in_dim3A_2455 = vector.shape_cast %reduce_sum3A_2454 : vector<8xf32> to vector<8x1xf32>
    %add3A_2456 = arith.constant 9.99999971E-10 : f32
    %add3A_2457 = vector.broadcast %add3A_2456 : f32 to vector<8x1xf32>
    %add3A_2458 = arith.addf %broadcast_in_dim3A_2455, %add3A_2457 : vector<8x1xf32>
    %div3A_2459 = vector.broadcast %add3A_2458 : vector<8x1xf32> to vector<8x18xf32>
    %div3A_2460 = arith.divf %div3A_2452, %div3A_2459 : vector<8x18xf32>
    %add3A_2461 = arith.constant 9.99999971E-10 : f32
    %add3A_2462 = vector.broadcast %add3A_2461 : f32 to vector<8x18xf32>
    %add3A_2463 = arith.addf %div3A_2460, %add3A_2462 : vector<8x18xf32>
    %log3A_2464 = math.log %add3A_2463 : vector<8x18xf32>
    %mul3A_2465 = arith.mulf %div3A_2460, %log3A_2464 : vector<8x18xf32>
    %reduce_sum3A_2466 = arith.constant dense<0.000000e+00> : vector<8xf32>
    %reduce_sum3A_2467 = vector.multi_reduction <add>, %mul3A_2465, %reduce_sum3A_2466 [1] : vector<8x18xf32> to vector<8xf32>
    %broadcast_in_dim3A_2468 = vector.shape_cast %reduce_sum3A_2467 : vector<8xf32> to vector<8x1xf32>
    %add3A_2469 = arith.constant 2.8903718 : f32
    %add3A_2470 = vector.broadcast %add3A_2469 : f32 to vector<8x1xf32>
    %add3A_2471 = arith.addf %add3A_2470, %broadcast_in_dim3A_2468 : vector<8x1xf32>
    %div3A_2472 = arith.constant 2.8903718 : f32
    %div3A_2473 = vector.broadcast %div3A_2472 : f32 to vector<8x1xf32>
    %div3A_2474 = arith.divf %add3A_2471, %div3A_2473 : vector<8x1xf32>
    %squeeze3A_2475 = vector.shape_cast %div3A_2474 : vector<8x1xf32> to vector<8xf32>
    %swap3A_2476 = arith.constant 36 : index
    %swap3A_2477 = arith.constant 0 : index
    %swap3A_2478 = vector.load %arg2[%swap3A_2476, %swap3A_2477] : memref<64x8xf32, #tpu.memory_space<vmem>>, vector<1x8xf32>
    %swap3A_2479 = vector.shape_cast %swap3A_2478 : vector<1x8xf32> to vector<8xf32>
    %swap3A_2480 = vector.shape_cast %squeeze3A_2475 : vector<8xf32> to vector<1x8xf32>
    tpu.vector_store %arg2[%swap3A_2476, %swap3A_2477], %swap3A_2480 {strides = array<i32>} : memref<64x8xf32, #tpu.memory_space<vmem>>, vector<1x8xf32>,
    %slice3A_2481 = vector.extract_strided_slice %add3A_2250 {offsets = [5, 0], sizes = [1, 1024], strides = [1, 1]} : vector<8x1024xf32> to vector<1x1024xf32>
    %broadcast_in_dim3A_2482 = vector.shape_cast %slice3A_2481 : vector<1x1024xf32> to vector<1x1024xf32>
    %broadcast_in_dim3A_2483 = vector.broadcast %broadcast_in_dim3A_2482 : vector<1x1024xf32> to vector<18x1024xf32>
    %eq3A_2484 = arith.cmpf oeq, %broadcast_in_dim3A_2483, %convert_element_type3A : vector<18x1024xf32>
    %jit3A_2485 = arith.constant 1.000000e+00 : f32
    %jit3A_2486 = arith.constant 0.000000e+00 : f32
    %broadcast_in_dim3A_2487 = vector.broadcast %jit3A_2485 : f32 to vector<18x1024xf32>
    %broadcast_in_dim3A_2488 = vector.broadcast %jit3A_2486 : f32 to vector<18x1024xf32>
    %select_n3A_2489 = arith.select %eq3A_2484, %broadcast_in_dim3A_2487, %broadcast_in_dim3A_2488 : vector<18x1024xi1>, vector<18x1024xf32>
    %dot_general3A_2490 = arith.constant dense<0.000000e+00> : vector<9x18xf32>
    %dot_general3A_2491 = tpu.matmul %concatenate3A_2095, %select_n3A_2489, %dot_general3A_2490 {dimension_numbers = #tpu.dot_dimension_numbers<[1], [1], [0], [0], [0, 0, 1, 0], [], []>, precision = #tpu.contract_precision<fp32>, transpose_lhs_hint = false} : vector<9x1024xf32>, vector<18x1024xf32>, vector<9x18xf32> -> vector<9x18xf32>
    %slice3A_2492 = vector.extract_strided_slice %dot_general3A_2491 {offsets = [0, 0], sizes = [8, 18], strides = [1, 1]} : vector<9x18xf32> to vector<8x18xf32>
    %slice3A_2493 = vector.extract_strided_slice %dot_general3A_2491 {offsets = [8, 0], sizes = [1, 18], strides = [1, 1]} : vector<9x18xf32> to vector<1x18xf32>
    %add3A_2494 = arith.constant 9.99999971E-10 : f32
    %add3A_2495 = vector.broadcast %add3A_2494 : f32 to vector<1x18xf32>
    %add3A_2496 = arith.addf %slice3A_2493, %add3A_2495 : vector<1x18xf32>
    %div3A_2497 = vector.broadcast %add3A_2496 : vector<1x18xf32> to vector<8x18xf32>
    %div3A_2498 = arith.divf %slice3A_2492, %div3A_2497 : vector<8x18xf32>
    %reduce_sum3A_2499 = arith.constant dense<0.000000e+00> : vector<8xf32>
    %reduce_sum3A_2500 = vector.multi_reduction <add>, %div3A_2498, %reduce_sum3A_2499 [1] : vector<8x18xf32> to vector<8xf32>
    %broadcast_in_dim3A_2501 = vector.shape_cast %reduce_sum3A_2500 : vector<8xf32> to vector<8x1xf32>
    %add3A_2502 = arith.constant 9.99999971E-10 : f32
    %add3A_2503 = vector.broadcast %add3A_2502 : f32 to vector<8x1xf32>
    %add3A_2504 = arith.addf %broadcast_in_dim3A_2501, %add3A_2503 : vector<8x1xf32>
    %div3A_2505 = vector.broadcast %add3A_2504 : vector<8x1xf32> to vector<8x18xf32>
    %div3A_2506 = arith.divf %div3A_2498, %div3A_2505 : vector<8x18xf32>
    %add3A_2507 = arith.constant 9.99999971E-10 : f32
    %add3A_2508 = vector.broadcast %add3A_2507 : f32 to vector<8x18xf32>
    %add3A_2509 = arith.addf %div3A_2506, %add3A_2508 : vector<8x18xf32>
    %log3A_2510 = math.log %add3A_2509 : vector<8x18xf32>
    %mul3A_2511 = arith.mulf %div3A_2506, %log3A_2510 : vector<8x18xf32>
    %reduce_sum3A_2512 = arith.constant dense<0.000000e+00> : vector<8xf32>
    %reduce_sum3A_2513 = vector.multi_reduction <add>, %mul3A_2511, %reduce_sum3A_2512 [1] : vector<8x18xf32> to vector<8xf32>
    %broadcast_in_dim3A_2514 = vector.shape_cast %reduce_sum3A_2513 : vector<8xf32> to vector<8x1xf32>
    %add3A_2515 = arith.constant 2.8903718 : f32
    %add3A_2516 = vector.broadcast %add3A_2515 : f32 to vector<8x1xf32>
    %add3A_2517 = arith.addf %add3A_2516, %broadcast_in_dim3A_2514 : vector<8x1xf32>
    %div3A_2518 = arith.constant 2.8903718 : f32
    %div3A_2519 = vector.broadcast %div3A_2518 : f32 to vector<8x1xf32>
    %div3A_2520 = arith.divf %add3A_2517, %div3A_2519 : vector<8x1xf32>
    %squeeze3A_2521 = vector.shape_cast %div3A_2520 : vector<8x1xf32> to vector<8xf32>
    %swap3A_2522 = arith.constant 37 : index
    %swap3A_2523 = arith.constant 0 : index
    %swap3A_2524 = vector.load %arg2[%swap3A_2522, %swap3A_2523] : memref<64x8xf32, #tpu.memory_space<vmem>>, vector<1x8xf32>
    %swap3A_2525 = vector.shape_cast %swap3A_2524 : vector<1x8xf32> to vector<8xf32>
    %swap3A_2526 = vector.shape_cast %squeeze3A_2521 : vector<8xf32> to vector<1x8xf32>
    tpu.vector_store %arg2[%swap3A_2522, %swap3A_2523], %swap3A_2526 {strides = array<i32>} : memref<64x8xf32, #tpu.memory_space<vmem>>, vector<1x8xf32>,
    %slice3A_2527 = vector.extract_strided_slice %add3A_2250 {offsets = [6, 0], sizes = [1, 1024], strides = [1, 1]} : vector<8x1024xf32> to vector<1x1024xf32>
    %broadcast_in_dim3A_2528 = vector.shape_cast %slice3A_2527 : vector<1x1024xf32> to vector<1x1024xf32>
    %broadcast_in_dim3A_2529 = vector.broadcast %broadcast_in_dim3A_2528 : vector<1x1024xf32> to vector<18x1024xf32>
    %eq3A_2530 = arith.cmpf oeq, %broadcast_in_dim3A_2529, %convert_element_type3A : vector<18x1024xf32>
    %jit3A_2531 = arith.constant 1.000000e+00 : f32
    %jit3A_2532 = arith.constant 0.000000e+00 : f32
    %broadcast_in_dim3A_2533 = vector.broadcast %jit3A_2531 : f32 to vector<18x1024xf32>
    %broadcast_in_dim3A_2534 = vector.broadcast %jit3A_2532 : f32 to vector<18x1024xf32>
    %select_n3A_2535 = arith.select %eq3A_2530, %broadcast_in_dim3A_2533, %broadcast_in_dim3A_2534 : vector<18x1024xi1>, vector<18x1024xf32>
    %dot_general3A_2536 = arith.constant dense<0.000000e+00> : vector<9x18xf32>
    %dot_general3A_2537 = tpu.matmul %concatenate3A_2095, %select_n3A_2535, %dot_general3A_2536 {dimension_numbers = #tpu.dot_dimension_numbers<[1], [1], [0], [0], [0, 0, 1, 0], [], []>, precision = #tpu.contract_precision<fp32>, transpose_lhs_hint = false} : vector<9x1024xf32>, vector<18x1024xf32>, vector<9x18xf32> -> vector<9x18xf32>
    %slice3A_2538 = vector.extract_strided_slice %dot_general3A_2537 {offsets = [0, 0], sizes = [8, 18], strides = [1, 1]} : vector<9x18xf32> to vector<8x18xf32>
    %slice3A_2539 = vector.extract_strided_slice %dot_general3A_2537 {offsets = [8, 0], sizes = [1, 18], strides = [1, 1]} : vector<9x18xf32> to vector<1x18xf32>
    %add3A_2540 = arith.constant 9.99999971E-10 : f32
    %add3A_2541 = vector.broadcast %add3A_2540 : f32 to vector<1x18xf32>
    %add3A_2542 = arith.addf %slice3A_2539, %add3A_2541 : vector<1x18xf32>
    %div3A_2543 = vector.broadcast %add3A_2542 : vector<1x18xf32> to vector<8x18xf32>
    %div3A_2544 = arith.divf %slice3A_2538, %div3A_2543 : vector<8x18xf32>
    %reduce_sum3A_2545 = arith.constant dense<0.000000e+00> : vector<8xf32>
    %reduce_sum3A_2546 = vector.multi_reduction <add>, %div3A_2544, %reduce_sum3A_2545 [1] : vector<8x18xf32> to vector<8xf32>
    %broadcast_in_dim3A_2547 = vector.shape_cast %reduce_sum3A_2546 : vector<8xf32> to vector<8x1xf32>
    %add3A_2548 = arith.constant 9.99999971E-10 : f32
    %add3A_2549 = vector.broadcast %add3A_2548 : f32 to vector<8x1xf32>
    %add3A_2550 = arith.addf %broadcast_in_dim3A_2547, %add3A_2549 : vector<8x1xf32>
    %div3A_2551 = vector.broadcast %add3A_2550 : vector<8x1xf32> to vector<8x18xf32>
    %div3A_2552 = arith.divf %div3A_2544, %div3A_2551 : vector<8x18xf32>
    %add3A_2553 = arith.constant 9.99999971E-10 : f32
    %add3A_2554 = vector.broadcast %add3A_2553 : f32 to vector<8x18xf32>
    %add3A_2555 = arith.addf %div3A_2552, %add3A_2554 : vector<8x18xf32>
    %log3A_2556 = math.log %add3A_2555 : vector<8x18xf32>
    %mul3A_2557 = arith.mulf %div3A_2552, %log3A_2556 : vector<8x18xf32>
    %reduce_sum3A_2558 = arith.constant dense<0.000000e+00> : vector<8xf32>
    %reduce_sum3A_2559 = vector.multi_reduction <add>, %mul3A_2557, %reduce_sum3A_2558 [1] : vector<8x18xf32> to vector<8xf32>
    %broadcast_in_dim3A_2560 = vector.shape_cast %reduce_sum3A_2559 : vector<8xf32> to vector<8x1xf32>
    %add3A_2561 = arith.constant 2.8903718 : f32
    %add3A_2562 = vector.broadcast %add3A_2561 : f32 to vector<8x1xf32>
    %add3A_2563 = arith.addf %add3A_2562, %broadcast_in_dim3A_2560 : vector<8x1xf32>
    %div3A_2564 = arith.constant 2.8903718 : f32
    %div3A_2565 = vector.broadcast %div3A_2564 : f32 to vector<8x1xf32>
    %div3A_2566 = arith.divf %add3A_2563, %div3A_2565 : vector<8x1xf32>
    %squeeze3A_2567 = vector.shape_cast %div3A_2566 : vector<8x1xf32> to vector<8xf32>
    %swap3A_2568 = arith.constant 38 : index
    %swap3A_2569 = arith.constant 0 : index
    %swap3A_2570 = vector.load %arg2[%swap3A_2568, %swap3A_2569] : memref<64x8xf32, #tpu.memory_space<vmem>>, vector<1x8xf32>
    %swap3A_2571 = vector.shape_cast %swap3A_2570 : vector<1x8xf32> to vector<8xf32>
    %swap3A_2572 = vector.shape_cast %squeeze3A_2567 : vector<8xf32> to vector<1x8xf32>
    tpu.vector_store %arg2[%swap3A_2568, %swap3A_2569], %swap3A_2572 {strides = array<i32>} : memref<64x8xf32, #tpu.memory_space<vmem>>, vector<1x8xf32>,
    %slice3A_2573 = vector.extract_strided_slice %add3A_2250 {offsets = [7, 0], sizes = [1, 1024], strides = [1, 1]} : vector<8x1024xf32> to vector<1x1024xf32>
    %broadcast_in_dim3A_2574 = vector.shape_cast %slice3A_2573 : vector<1x1024xf32> to vector<1x1024xf32>
    %broadcast_in_dim3A_2575 = vector.broadcast %broadcast_in_dim3A_2574 : vector<1x1024xf32> to vector<18x1024xf32>
    %eq3A_2576 = arith.cmpf oeq, %broadcast_in_dim3A_2575, %convert_element_type3A : vector<18x1024xf32>
    %jit3A_2577 = arith.constant 1.000000e+00 : f32
    %jit3A_2578 = arith.constant 0.000000e+00 : f32
    %broadcast_in_dim3A_2579 = vector.broadcast %jit3A_2577 : f32 to vector<18x1024xf32>
    %broadcast_in_dim3A_2580 = vector.broadcast %jit3A_2578 : f32 to vector<18x1024xf32>
    %select_n3A_2581 = arith.select %eq3A_2576, %broadcast_in_dim3A_2579, %broadcast_in_dim3A_2580 : vector<18x1024xi1>, vector<18x1024xf32>
    %dot_general3A_2582 = arith.constant dense<0.000000e+00> : vector<9x18xf32>
    %dot_general3A_2583 = tpu.matmul %concatenate3A_2095, %select_n3A_2581, %dot_general3A_2582 {dimension_numbers = #tpu.dot_dimension_numbers<[1], [1], [0], [0], [0, 0, 1, 0], [], []>, precision = #tpu.contract_precision<fp32>, transpose_lhs_hint = false} : vector<9x1024xf32>, vector<18x1024xf32>, vector<9x18xf32> -> vector<9x18xf32>
    %slice3A_2584 = vector.extract_strided_slice %dot_general3A_2583 {offsets = [0, 0], sizes = [8, 18], strides = [1, 1]} : vector<9x18xf32> to vector<8x18xf32>
    %slice3A_2585 = vector.extract_strided_slice %dot_general3A_2583 {offsets = [8, 0], sizes = [1, 18], strides = [1, 1]} : vector<9x18xf32> to vector<1x18xf32>
    %add3A_2586 = arith.constant 9.99999971E-10 : f32
    %add3A_2587 = vector.broadcast %add3A_2586 : f32 to vector<1x18xf32>
    %add3A_2588 = arith.addf %slice3A_2585, %add3A_2587 : vector<1x18xf32>
    %div3A_2589 = vector.broadcast %add3A_2588 : vector<1x18xf32> to vector<8x18xf32>
    %div3A_2590 = arith.divf %slice3A_2584, %div3A_2589 : vector<8x18xf32>
    %reduce_sum3A_2591 = arith.constant dense<0.000000e+00> : vector<8xf32>
    %reduce_sum3A_2592 = vector.multi_reduction <add>, %div3A_2590, %reduce_sum3A_2591 [1] : vector<8x18xf32> to vector<8xf32>
    %broadcast_in_dim3A_2593 = vector.shape_cast %reduce_sum3A_2592 : vector<8xf32> to vector<8x1xf32>
    %add3A_2594 = arith.constant 9.99999971E-10 : f32
    %add3A_2595 = vector.broadcast %add3A_2594 : f32 to vector<8x1xf32>
    %add3A_2596 = arith.addf %broadcast_in_dim3A_2593, %add3A_2595 : vector<8x1xf32>
    %div3A_2597 = vector.broadcast %add3A_2596 : vector<8x1xf32> to vector<8x18xf32>
    %div3A_2598 = arith.divf %div3A_2590, %div3A_2597 : vector<8x18xf32>
    %add3A_2599 = arith.constant 9.99999971E-10 : f32
    %add3A_2600 = vector.broadcast %add3A_2599 : f32 to vector<8x18xf32>
    %add3A_2601 = arith.addf %div3A_2598, %add3A_2600 : vector<8x18xf32>
    %log3A_2602 = math.log %add3A_2601 : vector<8x18xf32>
    %mul3A_2603 = arith.mulf %div3A_2598, %log3A_2602 : vector<8x18xf32>
    %reduce_sum3A_2604 = arith.constant dense<0.000000e+00> : vector<8xf32>
    %reduce_sum3A_2605 = vector.multi_reduction <add>, %mul3A_2603, %reduce_sum3A_2604 [1] : vector<8x18xf32> to vector<8xf32>
    %broadcast_in_dim3A_2606 = vector.shape_cast %reduce_sum3A_2605 : vector<8xf32> to vector<8x1xf32>
    %add3A_2607 = arith.constant 2.8903718 : f32
    %add3A_2608 = vector.broadcast %add3A_2607 : f32 to vector<8x1xf32>
    %add3A_2609 = arith.addf %add3A_2608, %broadcast_in_dim3A_2606 : vector<8x1xf32>
    %div3A_2610 = arith.constant 2.8903718 : f32
    %div3A_2611 = vector.broadcast %div3A_2610 : f32 to vector<8x1xf32>
    %div3A_2612 = arith.divf %add3A_2609, %div3A_2611 : vector<8x1xf32>
    %squeeze3A_2613 = vector.shape_cast %div3A_2612 : vector<8x1xf32> to vector<8xf32>
    %swap3A_2614 = arith.constant 39 : index
    %swap3A_2615 = arith.constant 0 : index
    %swap3A_2616 = vector.load %arg2[%swap3A_2614, %swap3A_2615] : memref<64x8xf32, #tpu.memory_space<vmem>>, vector<1x8xf32>
    %swap3A_2617 = vector.shape_cast %swap3A_2616 : vector<1x8xf32> to vector<8xf32>
    %swap3A_2618 = vector.shape_cast %squeeze3A_2613 : vector<8xf32> to vector<1x8xf32>
    tpu.vector_store %arg2[%swap3A_2614, %swap3A_2615], %swap3A_2618 {strides = array<i32>} : memref<64x8xf32, #tpu.memory_space<vmem>>, vector<1x8xf32>,
    %slice3A_2619 = vector.extract_strided_slice %get3A_1 {offsets = [80, 0], sizes = [8, 1024], strides = [1, 1]} : vector<128x1024xf32> to vector<8x1024xf32>
    %slice3A_2620 = vector.extract_strided_slice %get3A_1 {offsets = [88, 0], sizes = [8, 1024], strides = [1, 1]} : vector<128x1024xf32> to vector<8x1024xf32>
    %concatenate3A_2621 = tpu.concatenate %slice3A_2620, %broadcast_in_dim3A_2 in 0 : vector<8x1024xf32>, vector<1x1024xf32> -> vector<9x1024xf32>
    %broadcast_in_dim3A_2622 = arith.constant 0.000000e+00 : f32
    %broadcast_in_dim3A_2623 = vector.broadcast %broadcast_in_dim3A_2622 : f32 to vector<8x1024xf32>
    %gt3A_2624 = arith.constant -2.79252672 : f32
    %gt3A_2625 = vector.broadcast %gt3A_2624 : f32 to vector<8x1024xf32>
    %gt3A_2626 = arith.cmpf ogt, %slice3A_2619, %gt3A_2625 : vector<8x1024xf32>
    %jit3A_2627 = arith.constant 1.000000e+00 : f32
    %jit3A_2628 = arith.constant 0.000000e+00 : f32
    %broadcast_in_dim3A_2629 = vector.broadcast %jit3A_2627 : f32 to vector<8x1024xf32>
    %broadcast_in_dim3A_2630 = vector.broadcast %jit3A_2628 : f32 to vector<8x1024xf32>
    %select_n3A_2631 = arith.select %gt3A_2626, %broadcast_in_dim3A_2629, %broadcast_in_dim3A_2630 : vector<8x1024xi1>, vector<8x1024xf32>
    %add3A_2632 = arith.addf %broadcast_in_dim3A_2623, %select_n3A_2631 : vector<8x1024xf32>
    %gt3A_2633 = arith.constant -2.44346094 : f32
    %gt3A_2634 = vector.broadcast %gt3A_2633 : f32 to vector<8x1024xf32>
    %gt3A_2635 = arith.cmpf ogt, %slice3A_2619, %gt3A_2634 : vector<8x1024xf32>
    %jit3A_2636 = arith.constant 1.000000e+00 : f32
    %jit3A_2637 = arith.constant 0.000000e+00 : f32
    %broadcast_in_dim3A_2638 = vector.broadcast %jit3A_2636 : f32 to vector<8x1024xf32>
    %broadcast_in_dim3A_2639 = vector.broadcast %jit3A_2637 : f32 to vector<8x1024xf32>
    %select_n3A_2640 = arith.select %gt3A_2635, %broadcast_in_dim3A_2638, %broadcast_in_dim3A_2639 : vector<8x1024xi1>, vector<8x1024xf32>
    %add3A_2641 = arith.addf %add3A_2632, %select_n3A_2640 : vector<8x1024xf32>
    %gt3A_2642 = arith.constant -2.09439516 : f32
    %gt3A_2643 = vector.broadcast %gt3A_2642 : f32 to vector<8x1024xf32>
    %gt3A_2644 = arith.cmpf ogt, %slice3A_2619, %gt3A_2643 : vector<8x1024xf32>
    %jit3A_2645 = arith.constant 1.000000e+00 : f32
    %jit3A_2646 = arith.constant 0.000000e+00 : f32
    %broadcast_in_dim3A_2647 = vector.broadcast %jit3A_2645 : f32 to vector<8x1024xf32>
    %broadcast_in_dim3A_2648 = vector.broadcast %jit3A_2646 : f32 to vector<8x1024xf32>
    %select_n3A_2649 = arith.select %gt3A_2644, %broadcast_in_dim3A_2647, %broadcast_in_dim3A_2648 : vector<8x1024xi1>, vector<8x1024xf32>
    %add3A_2650 = arith.addf %add3A_2641, %select_n3A_2649 : vector<8x1024xf32>
    %gt3A_2651 = arith.constant -1.74532926 : f32
    %gt3A_2652 = vector.broadcast %gt3A_2651 : f32 to vector<8x1024xf32>
    %gt3A_2653 = arith.cmpf ogt, %slice3A_2619, %gt3A_2652 : vector<8x1024xf32>
    %jit3A_2654 = arith.constant 1.000000e+00 : f32
    %jit3A_2655 = arith.constant 0.000000e+00 : f32
    %broadcast_in_dim3A_2656 = vector.broadcast %jit3A_2654 : f32 to vector<8x1024xf32>
    %broadcast_in_dim3A_2657 = vector.broadcast %jit3A_2655 : f32 to vector<8x1024xf32>
    %select_n3A_2658 = arith.select %gt3A_2653, %broadcast_in_dim3A_2656, %broadcast_in_dim3A_2657 : vector<8x1024xi1>, vector<8x1024xf32>
    %add3A_2659 = arith.addf %add3A_2650, %select_n3A_2658 : vector<8x1024xf32>
    %gt3A_2660 = arith.constant -1.39626336 : f32
    %gt3A_2661 = vector.broadcast %gt3A_2660 : f32 to vector<8x1024xf32>
    %gt3A_2662 = arith.cmpf ogt, %slice3A_2619, %gt3A_2661 : vector<8x1024xf32>
    %jit3A_2663 = arith.constant 1.000000e+00 : f32
    %jit3A_2664 = arith.constant 0.000000e+00 : f32
    %broadcast_in_dim3A_2665 = vector.broadcast %jit3A_2663 : f32 to vector<8x1024xf32>
    %broadcast_in_dim3A_2666 = vector.broadcast %jit3A_2664 : f32 to vector<8x1024xf32>
    %select_n3A_2667 = arith.select %gt3A_2662, %broadcast_in_dim3A_2665, %broadcast_in_dim3A_2666 : vector<8x1024xi1>, vector<8x1024xf32>
    %add3A_2668 = arith.addf %add3A_2659, %select_n3A_2667 : vector<8x1024xf32>
    %gt3A_2669 = arith.constant -1.04719758 : f32
    %gt3A_2670 = vector.broadcast %gt3A_2669 : f32 to vector<8x1024xf32>
    %gt3A_2671 = arith.cmpf ogt, %slice3A_2619, %gt3A_2670 : vector<8x1024xf32>
    %jit3A_2672 = arith.constant 1.000000e+00 : f32
    %jit3A_2673 = arith.constant 0.000000e+00 : f32
    %broadcast_in_dim3A_2674 = vector.broadcast %jit3A_2672 : f32 to vector<8x1024xf32>
    %broadcast_in_dim3A_2675 = vector.broadcast %jit3A_2673 : f32 to vector<8x1024xf32>
    %select_n3A_2676 = arith.select %gt3A_2671, %broadcast_in_dim3A_2674, %broadcast_in_dim3A_2675 : vector<8x1024xi1>, vector<8x1024xf32>
    %add3A_2677 = arith.addf %add3A_2668, %select_n3A_2676 : vector<8x1024xf32>
    %gt3A_2678 = arith.constant -0.69813168 : f32
    %gt3A_2679 = vector.broadcast %gt3A_2678 : f32 to vector<8x1024xf32>
    %gt3A_2680 = arith.cmpf ogt, %slice3A_2619, %gt3A_2679 : vector<8x1024xf32>
    %jit3A_2681 = arith.constant 1.000000e+00 : f32
    %jit3A_2682 = arith.constant 0.000000e+00 : f32
    %broadcast_in_dim3A_2683 = vector.broadcast %jit3A_2681 : f32 to vector<8x1024xf32>
    %broadcast_in_dim3A_2684 = vector.broadcast %jit3A_2682 : f32 to vector<8x1024xf32>
    %select_n3A_2685 = arith.select %gt3A_2680, %broadcast_in_dim3A_2683, %broadcast_in_dim3A_2684 : vector<8x1024xi1>, vector<8x1024xf32>
    %add3A_2686 = arith.addf %add3A_2677, %select_n3A_2685 : vector<8x1024xf32>
    %gt3A_2687 = arith.constant -0.34906584 : f32
    %gt3A_2688 = vector.broadcast %gt3A_2687 : f32 to vector<8x1024xf32>
    %gt3A_2689 = arith.cmpf ogt, %slice3A_2619, %gt3A_2688 : vector<8x1024xf32>
    %jit3A_2690 = arith.constant 1.000000e+00 : f32
    %jit3A_2691 = arith.constant 0.000000e+00 : f32
    %broadcast_in_dim3A_2692 = vector.broadcast %jit3A_2690 : f32 to vector<8x1024xf32>
    %broadcast_in_dim3A_2693 = vector.broadcast %jit3A_2691 : f32 to vector<8x1024xf32>
    %select_n3A_2694 = arith.select %gt3A_2689, %broadcast_in_dim3A_2692, %broadcast_in_dim3A_2693 : vector<8x1024xi1>, vector<8x1024xf32>
    %add3A_2695 = arith.addf %add3A_2686, %select_n3A_2694 : vector<8x1024xf32>
    %gt3A_2696 = arith.constant 0.000000e+00 : f32
    %gt3A_2697 = vector.broadcast %gt3A_2696 : f32 to vector<8x1024xf32>
    %gt3A_2698 = arith.cmpf ogt, %slice3A_2619, %gt3A_2697 : vector<8x1024xf32>
    %jit3A_2699 = arith.constant 1.000000e+00 : f32
    %jit3A_2700 = arith.constant 0.000000e+00 : f32
    %broadcast_in_dim3A_2701 = vector.broadcast %jit3A_2699 : f32 to vector<8x1024xf32>
    %broadcast_in_dim3A_2702 = vector.broadcast %jit3A_2700 : f32 to vector<8x1024xf32>
    %select_n3A_2703 = arith.select %gt3A_2698, %broadcast_in_dim3A_2701, %broadcast_in_dim3A_2702 : vector<8x1024xi1>, vector<8x1024xf32>
    %add3A_2704 = arith.addf %add3A_2695, %select_n3A_2703 : vector<8x1024xf32>
    %gt3A_2705 = arith.constant 0.34906584 : f32
    %gt3A_2706 = vector.broadcast %gt3A_2705 : f32 to vector<8x1024xf32>
    %gt3A_2707 = arith.cmpf ogt, %slice3A_2619, %gt3A_2706 : vector<8x1024xf32>
    %jit3A_2708 = arith.constant 1.000000e+00 : f32
    %jit3A_2709 = arith.constant 0.000000e+00 : f32
    %broadcast_in_dim3A_2710 = vector.broadcast %jit3A_2708 : f32 to vector<8x1024xf32>
    %broadcast_in_dim3A_2711 = vector.broadcast %jit3A_2709 : f32 to vector<8x1024xf32>
    %select_n3A_2712 = arith.select %gt3A_2707, %broadcast_in_dim3A_2710, %broadcast_in_dim3A_2711 : vector<8x1024xi1>, vector<8x1024xf32>
    %add3A_2713 = arith.addf %add3A_2704, %select_n3A_2712 : vector<8x1024xf32>
    %gt3A_2714 = arith.constant 0.69813168 : f32
    %gt3A_2715 = vector.broadcast %gt3A_2714 : f32 to vector<8x1024xf32>
    %gt3A_2716 = arith.cmpf ogt, %slice3A_2619, %gt3A_2715 : vector<8x1024xf32>
    %jit3A_2717 = arith.constant 1.000000e+00 : f32
    %jit3A_2718 = arith.constant 0.000000e+00 : f32
    %broadcast_in_dim3A_2719 = vector.broadcast %jit3A_2717 : f32 to vector<8x1024xf32>
    %broadcast_in_dim3A_2720 = vector.broadcast %jit3A_2718 : f32 to vector<8x1024xf32>
    %select_n3A_2721 = arith.select %gt3A_2716, %broadcast_in_dim3A_2719, %broadcast_in_dim3A_2720 : vector<8x1024xi1>, vector<8x1024xf32>
    %add3A_2722 = arith.addf %add3A_2713, %select_n3A_2721 : vector<8x1024xf32>
    %gt3A_2723 = arith.constant 1.04719758 : f32
    %gt3A_2724 = vector.broadcast %gt3A_2723 : f32 to vector<8x1024xf32>
    %gt3A_2725 = arith.cmpf ogt, %slice3A_2619, %gt3A_2724 : vector<8x1024xf32>
    %jit3A_2726 = arith.constant 1.000000e+00 : f32
    %jit3A_2727 = arith.constant 0.000000e+00 : f32
    %broadcast_in_dim3A_2728 = vector.broadcast %jit3A_2726 : f32 to vector<8x1024xf32>
    %broadcast_in_dim3A_2729 = vector.broadcast %jit3A_2727 : f32 to vector<8x1024xf32>
    %select_n3A_2730 = arith.select %gt3A_2725, %broadcast_in_dim3A_2728, %broadcast_in_dim3A_2729 : vector<8x1024xi1>, vector<8x1024xf32>
    %add3A_2731 = arith.addf %add3A_2722, %select_n3A_2730 : vector<8x1024xf32>
    %gt3A_2732 = arith.constant 1.39626336 : f32
    %gt3A_2733 = vector.broadcast %gt3A_2732 : f32 to vector<8x1024xf32>
    %gt3A_2734 = arith.cmpf ogt, %slice3A_2619, %gt3A_2733 : vector<8x1024xf32>
    %jit3A_2735 = arith.constant 1.000000e+00 : f32
    %jit3A_2736 = arith.constant 0.000000e+00 : f32
    %broadcast_in_dim3A_2737 = vector.broadcast %jit3A_2735 : f32 to vector<8x1024xf32>
    %broadcast_in_dim3A_2738 = vector.broadcast %jit3A_2736 : f32 to vector<8x1024xf32>
    %select_n3A_2739 = arith.select %gt3A_2734, %broadcast_in_dim3A_2737, %broadcast_in_dim3A_2738 : vector<8x1024xi1>, vector<8x1024xf32>
    %add3A_2740 = arith.addf %add3A_2731, %select_n3A_2739 : vector<8x1024xf32>
    %gt3A_2741 = arith.constant 1.74532926 : f32
    %gt3A_2742 = vector.broadcast %gt3A_2741 : f32 to vector<8x1024xf32>
    %gt3A_2743 = arith.cmpf ogt, %slice3A_2619, %gt3A_2742 : vector<8x1024xf32>
    %jit3A_2744 = arith.constant 1.000000e+00 : f32
    %jit3A_2745 = arith.constant 0.000000e+00 : f32
    %broadcast_in_dim3A_2746 = vector.broadcast %jit3A_2744 : f32 to vector<8x1024xf32>
    %broadcast_in_dim3A_2747 = vector.broadcast %jit3A_2745 : f32 to vector<8x1024xf32>
    %select_n3A_2748 = arith.select %gt3A_2743, %broadcast_in_dim3A_2746, %broadcast_in_dim3A_2747 : vector<8x1024xi1>, vector<8x1024xf32>
    %add3A_2749 = arith.addf %add3A_2740, %select_n3A_2748 : vector<8x1024xf32>
    %gt3A_2750 = arith.constant 2.09439516 : f32
    %gt3A_2751 = vector.broadcast %gt3A_2750 : f32 to vector<8x1024xf32>
    %gt3A_2752 = arith.cmpf ogt, %slice3A_2619, %gt3A_2751 : vector<8x1024xf32>
    %jit3A_2753 = arith.constant 1.000000e+00 : f32
    %jit3A_2754 = arith.constant 0.000000e+00 : f32
    %broadcast_in_dim3A_2755 = vector.broadcast %jit3A_2753 : f32 to vector<8x1024xf32>
    %broadcast_in_dim3A_2756 = vector.broadcast %jit3A_2754 : f32 to vector<8x1024xf32>
    %select_n3A_2757 = arith.select %gt3A_2752, %broadcast_in_dim3A_2755, %broadcast_in_dim3A_2756 : vector<8x1024xi1>, vector<8x1024xf32>
    %add3A_2758 = arith.addf %add3A_2749, %select_n3A_2757 : vector<8x1024xf32>
    %gt3A_2759 = arith.constant 2.44346094 : f32
    %gt3A_2760 = vector.broadcast %gt3A_2759 : f32 to vector<8x1024xf32>
    %gt3A_2761 = arith.cmpf ogt, %slice3A_2619, %gt3A_2760 : vector<8x1024xf32>
    %jit3A_2762 = arith.constant 1.000000e+00 : f32
    %jit3A_2763 = arith.constant 0.000000e+00 : f32
    %broadcast_in_dim3A_2764 = vector.broadcast %jit3A_2762 : f32 to vector<8x1024xf32>
    %broadcast_in_dim3A_2765 = vector.broadcast %jit3A_2763 : f32 to vector<8x1024xf32>
    %select_n3A_2766 = arith.select %gt3A_2761, %broadcast_in_dim3A_2764, %broadcast_in_dim3A_2765 : vector<8x1024xi1>, vector<8x1024xf32>
    %add3A_2767 = arith.addf %add3A_2758, %select_n3A_2766 : vector<8x1024xf32>
    %gt3A_2768 = arith.constant 2.79252672 : f32
    %gt3A_2769 = vector.broadcast %gt3A_2768 : f32 to vector<8x1024xf32>
    %gt3A_2770 = arith.cmpf ogt, %slice3A_2619, %gt3A_2769 : vector<8x1024xf32>
    %jit3A_2771 = arith.constant 1.000000e+00 : f32
    %jit3A_2772 = arith.constant 0.000000e+00 : f32
    %broadcast_in_dim3A_2773 = vector.broadcast %jit3A_2771 : f32 to vector<8x1024xf32>
    %broadcast_in_dim3A_2774 = vector.broadcast %jit3A_2772 : f32 to vector<8x1024xf32>
    %select_n3A_2775 = arith.select %gt3A_2770, %broadcast_in_dim3A_2773, %broadcast_in_dim3A_2774 : vector<8x1024xi1>, vector<8x1024xf32>
    %add3A_2776 = arith.addf %add3A_2767, %select_n3A_2775 : vector<8x1024xf32>
    %slice3A_2777 = vector.extract_strided_slice %add3A_2776 {offsets = [0, 0], sizes = [1, 1024], strides = [1, 1]} : vector<8x1024xf32> to vector<1x1024xf32>
    %broadcast_in_dim3A_2778 = vector.shape_cast %slice3A_2777 : vector<1x1024xf32> to vector<1x1024xf32>
    %broadcast_in_dim3A_2779 = vector.broadcast %broadcast_in_dim3A_2778 : vector<1x1024xf32> to vector<18x1024xf32>
    %eq3A_2780 = arith.cmpf oeq, %broadcast_in_dim3A_2779, %convert_element_type3A : vector<18x1024xf32>
    %jit3A_2781 = arith.constant 1.000000e+00 : f32
    %jit3A_2782 = arith.constant 0.000000e+00 : f32
    %broadcast_in_dim3A_2783 = vector.broadcast %jit3A_2781 : f32 to vector<18x1024xf32>
    %broadcast_in_dim3A_2784 = vector.broadcast %jit3A_2782 : f32 to vector<18x1024xf32>
    %select_n3A_2785 = arith.select %eq3A_2780, %broadcast_in_dim3A_2783, %broadcast_in_dim3A_2784 : vector<18x1024xi1>, vector<18x1024xf32>
    %dot_general3A_2786 = arith.constant dense<0.000000e+00> : vector<9x18xf32>
    %dot_general3A_2787 = tpu.matmul %concatenate3A_2621, %select_n3A_2785, %dot_general3A_2786 {dimension_numbers = #tpu.dot_dimension_numbers<[1], [1], [0], [0], [0, 0, 1, 0], [], []>, precision = #tpu.contract_precision<fp32>, transpose_lhs_hint = false} : vector<9x1024xf32>, vector<18x1024xf32>, vector<9x18xf32> -> vector<9x18xf32>
    %slice3A_2788 = vector.extract_strided_slice %dot_general3A_2787 {offsets = [0, 0], sizes = [8, 18], strides = [1, 1]} : vector<9x18xf32> to vector<8x18xf32>
    %slice3A_2789 = vector.extract_strided_slice %dot_general3A_2787 {offsets = [8, 0], sizes = [1, 18], strides = [1, 1]} : vector<9x18xf32> to vector<1x18xf32>
    %add3A_2790 = arith.constant 9.99999971E-10 : f32
    %add3A_2791 = vector.broadcast %add3A_2790 : f32 to vector<1x18xf32>
    %add3A_2792 = arith.addf %slice3A_2789, %add3A_2791 : vector<1x18xf32>
    %div3A_2793 = vector.broadcast %add3A_2792 : vector<1x18xf32> to vector<8x18xf32>
    %div3A_2794 = arith.divf %slice3A_2788, %div3A_2793 : vector<8x18xf32>
    %reduce_sum3A_2795 = arith.constant dense<0.000000e+00> : vector<8xf32>
    %reduce_sum3A_2796 = vector.multi_reduction <add>, %div3A_2794, %reduce_sum3A_2795 [1] : vector<8x18xf32> to vector<8xf32>
    %broadcast_in_dim3A_2797 = vector.shape_cast %reduce_sum3A_2796 : vector<8xf32> to vector<8x1xf32>
    %add3A_2798 = arith.constant 9.99999971E-10 : f32
    %add3A_2799 = vector.broadcast %add3A_2798 : f32 to vector<8x1xf32>
    %add3A_2800 = arith.addf %broadcast_in_dim3A_2797, %add3A_2799 : vector<8x1xf32>
    %div3A_2801 = vector.broadcast %add3A_2800 : vector<8x1xf32> to vector<8x18xf32>
    %div3A_2802 = arith.divf %div3A_2794, %div3A_2801 : vector<8x18xf32>
    %add3A_2803 = arith.constant 9.99999971E-10 : f32
    %add3A_2804 = vector.broadcast %add3A_2803 : f32 to vector<8x18xf32>
    %add3A_2805 = arith.addf %div3A_2802, %add3A_2804 : vector<8x18xf32>
    %log3A_2806 = math.log %add3A_2805 : vector<8x18xf32>
    %mul3A_2807 = arith.mulf %div3A_2802, %log3A_2806 : vector<8x18xf32>
    %reduce_sum3A_2808 = arith.constant dense<0.000000e+00> : vector<8xf32>
    %reduce_sum3A_2809 = vector.multi_reduction <add>, %mul3A_2807, %reduce_sum3A_2808 [1] : vector<8x18xf32> to vector<8xf32>
    %broadcast_in_dim3A_2810 = vector.shape_cast %reduce_sum3A_2809 : vector<8xf32> to vector<8x1xf32>
    %add3A_2811 = arith.constant 2.8903718 : f32
    %add3A_2812 = vector.broadcast %add3A_2811 : f32 to vector<8x1xf32>
    %add3A_2813 = arith.addf %add3A_2812, %broadcast_in_dim3A_2810 : vector<8x1xf32>
    %div3A_2814 = arith.constant 2.8903718 : f32
    %div3A_2815 = vector.broadcast %div3A_2814 : f32 to vector<8x1xf32>
    %div3A_2816 = arith.divf %add3A_2813, %div3A_2815 : vector<8x1xf32>
    %squeeze3A_2817 = vector.shape_cast %div3A_2816 : vector<8x1xf32> to vector<8xf32>
    %swap3A_2818 = arith.constant 40 : index
    %swap3A_2819 = arith.constant 0 : index
    %swap3A_2820 = vector.load %arg2[%swap3A_2818, %swap3A_2819] : memref<64x8xf32, #tpu.memory_space<vmem>>, vector<1x8xf32>
    %swap3A_2821 = vector.shape_cast %swap3A_2820 : vector<1x8xf32> to vector<8xf32>
    %swap3A_2822 = vector.shape_cast %squeeze3A_2817 : vector<8xf32> to vector<1x8xf32>
    tpu.vector_store %arg2[%swap3A_2818, %swap3A_2819], %swap3A_2822 {strides = array<i32>} : memref<64x8xf32, #tpu.memory_space<vmem>>, vector<1x8xf32>,
    %slice3A_2823 = vector.extract_strided_slice %add3A_2776 {offsets = [1, 0], sizes = [1, 1024], strides = [1, 1]} : vector<8x1024xf32> to vector<1x1024xf32>
    %broadcast_in_dim3A_2824 = vector.shape_cast %slice3A_2823 : vector<1x1024xf32> to vector<1x1024xf32>
    %broadcast_in_dim3A_2825 = vector.broadcast %broadcast_in_dim3A_2824 : vector<1x1024xf32> to vector<18x1024xf32>
    %eq3A_2826 = arith.cmpf oeq, %broadcast_in_dim3A_2825, %convert_element_type3A : vector<18x1024xf32>
    %jit3A_2827 = arith.constant 1.000000e+00 : f32
    %jit3A_2828 = arith.constant 0.000000e+00 : f32
    %broadcast_in_dim3A_2829 = vector.broadcast %jit3A_2827 : f32 to vector<18x1024xf32>
    %broadcast_in_dim3A_2830 = vector.broadcast %jit3A_2828 : f32 to vector<18x1024xf32>
    %select_n3A_2831 = arith.select %eq3A_2826, %broadcast_in_dim3A_2829, %broadcast_in_dim3A_2830 : vector<18x1024xi1>, vector<18x1024xf32>
    %dot_general3A_2832 = arith.constant dense<0.000000e+00> : vector<9x18xf32>
    %dot_general3A_2833 = tpu.matmul %concatenate3A_2621, %select_n3A_2831, %dot_general3A_2832 {dimension_numbers = #tpu.dot_dimension_numbers<[1], [1], [0], [0], [0, 0, 1, 0], [], []>, precision = #tpu.contract_precision<fp32>, transpose_lhs_hint = false} : vector<9x1024xf32>, vector<18x1024xf32>, vector<9x18xf32> -> vector<9x18xf32>
    %slice3A_2834 = vector.extract_strided_slice %dot_general3A_2833 {offsets = [0, 0], sizes = [8, 18], strides = [1, 1]} : vector<9x18xf32> to vector<8x18xf32>
    %slice3A_2835 = vector.extract_strided_slice %dot_general3A_2833 {offsets = [8, 0], sizes = [1, 18], strides = [1, 1]} : vector<9x18xf32> to vector<1x18xf32>
    %add3A_2836 = arith.constant 9.99999971E-10 : f32
    %add3A_2837 = vector.broadcast %add3A_2836 : f32 to vector<1x18xf32>
    %add3A_2838 = arith.addf %slice3A_2835, %add3A_2837 : vector<1x18xf32>
    %div3A_2839 = vector.broadcast %add3A_2838 : vector<1x18xf32> to vector<8x18xf32>
    %div3A_2840 = arith.divf %slice3A_2834, %div3A_2839 : vector<8x18xf32>
    %reduce_sum3A_2841 = arith.constant dense<0.000000e+00> : vector<8xf32>
    %reduce_sum3A_2842 = vector.multi_reduction <add>, %div3A_2840, %reduce_sum3A_2841 [1] : vector<8x18xf32> to vector<8xf32>
    %broadcast_in_dim3A_2843 = vector.shape_cast %reduce_sum3A_2842 : vector<8xf32> to vector<8x1xf32>
    %add3A_2844 = arith.constant 9.99999971E-10 : f32
    %add3A_2845 = vector.broadcast %add3A_2844 : f32 to vector<8x1xf32>
    %add3A_2846 = arith.addf %broadcast_in_dim3A_2843, %add3A_2845 : vector<8x1xf32>
    %div3A_2847 = vector.broadcast %add3A_2846 : vector<8x1xf32> to vector<8x18xf32>
    %div3A_2848 = arith.divf %div3A_2840, %div3A_2847 : vector<8x18xf32>
    %add3A_2849 = arith.constant 9.99999971E-10 : f32
    %add3A_2850 = vector.broadcast %add3A_2849 : f32 to vector<8x18xf32>
    %add3A_2851 = arith.addf %div3A_2848, %add3A_2850 : vector<8x18xf32>
    %log3A_2852 = math.log %add3A_2851 : vector<8x18xf32>
    %mul3A_2853 = arith.mulf %div3A_2848, %log3A_2852 : vector<8x18xf32>
    %reduce_sum3A_2854 = arith.constant dense<0.000000e+00> : vector<8xf32>
    %reduce_sum3A_2855 = vector.multi_reduction <add>, %mul3A_2853, %reduce_sum3A_2854 [1] : vector<8x18xf32> to vector<8xf32>
    %broadcast_in_dim3A_2856 = vector.shape_cast %reduce_sum3A_2855 : vector<8xf32> to vector<8x1xf32>
    %add3A_2857 = arith.constant 2.8903718 : f32
    %add3A_2858 = vector.broadcast %add3A_2857 : f32 to vector<8x1xf32>
    %add3A_2859 = arith.addf %add3A_2858, %broadcast_in_dim3A_2856 : vector<8x1xf32>
    %div3A_2860 = arith.constant 2.8903718 : f32
    %div3A_2861 = vector.broadcast %div3A_2860 : f32 to vector<8x1xf32>
    %div3A_2862 = arith.divf %add3A_2859, %div3A_2861 : vector<8x1xf32>
    %squeeze3A_2863 = vector.shape_cast %div3A_2862 : vector<8x1xf32> to vector<8xf32>
    %swap3A_2864 = arith.constant 41 : index
    %swap3A_2865 = arith.constant 0 : index
    %swap3A_2866 = vector.load %arg2[%swap3A_2864, %swap3A_2865] : memref<64x8xf32, #tpu.memory_space<vmem>>, vector<1x8xf32>
    %swap3A_2867 = vector.shape_cast %swap3A_2866 : vector<1x8xf32> to vector<8xf32>
    %swap3A_2868 = vector.shape_cast %squeeze3A_2863 : vector<8xf32> to vector<1x8xf32>
    tpu.vector_store %arg2[%swap3A_2864, %swap3A_2865], %swap3A_2868 {strides = array<i32>} : memref<64x8xf32, #tpu.memory_space<vmem>>, vector<1x8xf32>,
    %slice3A_2869 = vector.extract_strided_slice %add3A_2776 {offsets = [2, 0], sizes = [1, 1024], strides = [1, 1]} : vector<8x1024xf32> to vector<1x1024xf32>
    %broadcast_in_dim3A_2870 = vector.shape_cast %slice3A_2869 : vector<1x1024xf32> to vector<1x1024xf32>
    %broadcast_in_dim3A_2871 = vector.broadcast %broadcast_in_dim3A_2870 : vector<1x1024xf32> to vector<18x1024xf32>
    %eq3A_2872 = arith.cmpf oeq, %broadcast_in_dim3A_2871, %convert_element_type3A : vector<18x1024xf32>
    %jit3A_2873 = arith.constant 1.000000e+00 : f32
    %jit3A_2874 = arith.constant 0.000000e+00 : f32
    %broadcast_in_dim3A_2875 = vector.broadcast %jit3A_2873 : f32 to vector<18x1024xf32>
    %broadcast_in_dim3A_2876 = vector.broadcast %jit3A_2874 : f32 to vector<18x1024xf32>
    %select_n3A_2877 = arith.select %eq3A_2872, %broadcast_in_dim3A_2875, %broadcast_in_dim3A_2876 : vector<18x1024xi1>, vector<18x1024xf32>
    %dot_general3A_2878 = arith.constant dense<0.000000e+00> : vector<9x18xf32>
    %dot_general3A_2879 = tpu.matmul %concatenate3A_2621, %select_n3A_2877, %dot_general3A_2878 {dimension_numbers = #tpu.dot_dimension_numbers<[1], [1], [0], [0], [0, 0, 1, 0], [], []>, precision = #tpu.contract_precision<fp32>, transpose_lhs_hint = false} : vector<9x1024xf32>, vector<18x1024xf32>, vector<9x18xf32> -> vector<9x18xf32>
    %slice3A_2880 = vector.extract_strided_slice %dot_general3A_2879 {offsets = [0, 0], sizes = [8, 18], strides = [1, 1]} : vector<9x18xf32> to vector<8x18xf32>
    %slice3A_2881 = vector.extract_strided_slice %dot_general3A_2879 {offsets = [8, 0], sizes = [1, 18], strides = [1, 1]} : vector<9x18xf32> to vector<1x18xf32>
    %add3A_2882 = arith.constant 9.99999971E-10 : f32
    %add3A_2883 = vector.broadcast %add3A_2882 : f32 to vector<1x18xf32>
    %add3A_2884 = arith.addf %slice3A_2881, %add3A_2883 : vector<1x18xf32>
    %div3A_2885 = vector.broadcast %add3A_2884 : vector<1x18xf32> to vector<8x18xf32>
    %div3A_2886 = arith.divf %slice3A_2880, %div3A_2885 : vector<8x18xf32>
    %reduce_sum3A_2887 = arith.constant dense<0.000000e+00> : vector<8xf32>
    %reduce_sum3A_2888 = vector.multi_reduction <add>, %div3A_2886, %reduce_sum3A_2887 [1] : vector<8x18xf32> to vector<8xf32>
    %broadcast_in_dim3A_2889 = vector.shape_cast %reduce_sum3A_2888 : vector<8xf32> to vector<8x1xf32>
    %add3A_2890 = arith.constant 9.99999971E-10 : f32
    %add3A_2891 = vector.broadcast %add3A_2890 : f32 to vector<8x1xf32>
    %add3A_2892 = arith.addf %broadcast_in_dim3A_2889, %add3A_2891 : vector<8x1xf32>
    %div3A_2893 = vector.broadcast %add3A_2892 : vector<8x1xf32> to vector<8x18xf32>
    %div3A_2894 = arith.divf %div3A_2886, %div3A_2893 : vector<8x18xf32>
    %add3A_2895 = arith.constant 9.99999971E-10 : f32
    %add3A_2896 = vector.broadcast %add3A_2895 : f32 to vector<8x18xf32>
    %add3A_2897 = arith.addf %div3A_2894, %add3A_2896 : vector<8x18xf32>
    %log3A_2898 = math.log %add3A_2897 : vector<8x18xf32>
    %mul3A_2899 = arith.mulf %div3A_2894, %log3A_2898 : vector<8x18xf32>
    %reduce_sum3A_2900 = arith.constant dense<0.000000e+00> : vector<8xf32>
    %reduce_sum3A_2901 = vector.multi_reduction <add>, %mul3A_2899, %reduce_sum3A_2900 [1] : vector<8x18xf32> to vector<8xf32>
    %broadcast_in_dim3A_2902 = vector.shape_cast %reduce_sum3A_2901 : vector<8xf32> to vector<8x1xf32>
    %add3A_2903 = arith.constant 2.8903718 : f32
    %add3A_2904 = vector.broadcast %add3A_2903 : f32 to vector<8x1xf32>
    %add3A_2905 = arith.addf %add3A_2904, %broadcast_in_dim3A_2902 : vector<8x1xf32>
    %div3A_2906 = arith.constant 2.8903718 : f32
    %div3A_2907 = vector.broadcast %div3A_2906 : f32 to vector<8x1xf32>
    %div3A_2908 = arith.divf %add3A_2905, %div3A_2907 : vector<8x1xf32>
    %squeeze3A_2909 = vector.shape_cast %div3A_2908 : vector<8x1xf32> to vector<8xf32>
    %swap3A_2910 = arith.constant 42 : index
    %swap3A_2911 = arith.constant 0 : index
    %swap3A_2912 = vector.load %arg2[%swap3A_2910, %swap3A_2911] : memref<64x8xf32, #tpu.memory_space<vmem>>, vector<1x8xf32>
    %swap3A_2913 = vector.shape_cast %swap3A_2912 : vector<1x8xf32> to vector<8xf32>
    %swap3A_2914 = vector.shape_cast %squeeze3A_2909 : vector<8xf32> to vector<1x8xf32>
    tpu.vector_store %arg2[%swap3A_2910, %swap3A_2911], %swap3A_2914 {strides = array<i32>} : memref<64x8xf32, #tpu.memory_space<vmem>>, vector<1x8xf32>,
    %slice3A_2915 = vector.extract_strided_slice %add3A_2776 {offsets = [3, 0], sizes = [1, 1024], strides = [1, 1]} : vector<8x1024xf32> to vector<1x1024xf32>
    %broadcast_in_dim3A_2916 = vector.shape_cast %slice3A_2915 : vector<1x1024xf32> to vector<1x1024xf32>
    %broadcast_in_dim3A_2917 = vector.broadcast %broadcast_in_dim3A_2916 : vector<1x1024xf32> to vector<18x1024xf32>
    %eq3A_2918 = arith.cmpf oeq, %broadcast_in_dim3A_2917, %convert_element_type3A : vector<18x1024xf32>
    %jit3A_2919 = arith.constant 1.000000e+00 : f32
    %jit3A_2920 = arith.constant 0.000000e+00 : f32
    %broadcast_in_dim3A_2921 = vector.broadcast %jit3A_2919 : f32 to vector<18x1024xf32>
    %broadcast_in_dim3A_2922 = vector.broadcast %jit3A_2920 : f32 to vector<18x1024xf32>
    %select_n3A_2923 = arith.select %eq3A_2918, %broadcast_in_dim3A_2921, %broadcast_in_dim3A_2922 : vector<18x1024xi1>, vector<18x1024xf32>
    %dot_general3A_2924 = arith.constant dense<0.000000e+00> : vector<9x18xf32>
    %dot_general3A_2925 = tpu.matmul %concatenate3A_2621, %select_n3A_2923, %dot_general3A_2924 {dimension_numbers = #tpu.dot_dimension_numbers<[1], [1], [0], [0], [0, 0, 1, 0], [], []>, precision = #tpu.contract_precision<fp32>, transpose_lhs_hint = false} : vector<9x1024xf32>, vector<18x1024xf32>, vector<9x18xf32> -> vector<9x18xf32>
    %slice3A_2926 = vector.extract_strided_slice %dot_general3A_2925 {offsets = [0, 0], sizes = [8, 18], strides = [1, 1]} : vector<9x18xf32> to vector<8x18xf32>
    %slice3A_2927 = vector.extract_strided_slice %dot_general3A_2925 {offsets = [8, 0], sizes = [1, 18], strides = [1, 1]} : vector<9x18xf32> to vector<1x18xf32>
    %add3A_2928 = arith.constant 9.99999971E-10 : f32
    %add3A_2929 = vector.broadcast %add3A_2928 : f32 to vector<1x18xf32>
    %add3A_2930 = arith.addf %slice3A_2927, %add3A_2929 : vector<1x18xf32>
    %div3A_2931 = vector.broadcast %add3A_2930 : vector<1x18xf32> to vector<8x18xf32>
    %div3A_2932 = arith.divf %slice3A_2926, %div3A_2931 : vector<8x18xf32>
    %reduce_sum3A_2933 = arith.constant dense<0.000000e+00> : vector<8xf32>
    %reduce_sum3A_2934 = vector.multi_reduction <add>, %div3A_2932, %reduce_sum3A_2933 [1] : vector<8x18xf32> to vector<8xf32>
    %broadcast_in_dim3A_2935 = vector.shape_cast %reduce_sum3A_2934 : vector<8xf32> to vector<8x1xf32>
    %add3A_2936 = arith.constant 9.99999971E-10 : f32
    %add3A_2937 = vector.broadcast %add3A_2936 : f32 to vector<8x1xf32>
    %add3A_2938 = arith.addf %broadcast_in_dim3A_2935, %add3A_2937 : vector<8x1xf32>
    %div3A_2939 = vector.broadcast %add3A_2938 : vector<8x1xf32> to vector<8x18xf32>
    %div3A_2940 = arith.divf %div3A_2932, %div3A_2939 : vector<8x18xf32>
    %add3A_2941 = arith.constant 9.99999971E-10 : f32
    %add3A_2942 = vector.broadcast %add3A_2941 : f32 to vector<8x18xf32>
    %add3A_2943 = arith.addf %div3A_2940, %add3A_2942 : vector<8x18xf32>
    %log3A_2944 = math.log %add3A_2943 : vector<8x18xf32>
    %mul3A_2945 = arith.mulf %div3A_2940, %log3A_2944 : vector<8x18xf32>
    %reduce_sum3A_2946 = arith.constant dense<0.000000e+00> : vector<8xf32>
    %reduce_sum3A_2947 = vector.multi_reduction <add>, %mul3A_2945, %reduce_sum3A_2946 [1] : vector<8x18xf32> to vector<8xf32>
    %broadcast_in_dim3A_2948 = vector.shape_cast %reduce_sum3A_2947 : vector<8xf32> to vector<8x1xf32>
    %add3A_2949 = arith.constant 2.8903718 : f32
    %add3A_2950 = vector.broadcast %add3A_2949 : f32 to vector<8x1xf32>
    %add3A_2951 = arith.addf %add3A_2950, %broadcast_in_dim3A_2948 : vector<8x1xf32>
    %div3A_2952 = arith.constant 2.8903718 : f32
    %div3A_2953 = vector.broadcast %div3A_2952 : f32 to vector<8x1xf32>
    %div3A_2954 = arith.divf %add3A_2951, %div3A_2953 : vector<8x1xf32>
    %squeeze3A_2955 = vector.shape_cast %div3A_2954 : vector<8x1xf32> to vector<8xf32>
    %swap3A_2956 = arith.constant 43 : index
    %swap3A_2957 = arith.constant 0 : index
    %swap3A_2958 = vector.load %arg2[%swap3A_2956, %swap3A_2957] : memref<64x8xf32, #tpu.memory_space<vmem>>, vector<1x8xf32>
    %swap3A_2959 = vector.shape_cast %swap3A_2958 : vector<1x8xf32> to vector<8xf32>
    %swap3A_2960 = vector.shape_cast %squeeze3A_2955 : vector<8xf32> to vector<1x8xf32>
    tpu.vector_store %arg2[%swap3A_2956, %swap3A_2957], %swap3A_2960 {strides = array<i32>} : memref<64x8xf32, #tpu.memory_space<vmem>>, vector<1x8xf32>,
    %slice3A_2961 = vector.extract_strided_slice %add3A_2776 {offsets = [4, 0], sizes = [1, 1024], strides = [1, 1]} : vector<8x1024xf32> to vector<1x1024xf32>
    %broadcast_in_dim3A_2962 = vector.shape_cast %slice3A_2961 : vector<1x1024xf32> to vector<1x1024xf32>
    %broadcast_in_dim3A_2963 = vector.broadcast %broadcast_in_dim3A_2962 : vector<1x1024xf32> to vector<18x1024xf32>
    %eq3A_2964 = arith.cmpf oeq, %broadcast_in_dim3A_2963, %convert_element_type3A : vector<18x1024xf32>
    %jit3A_2965 = arith.constant 1.000000e+00 : f32
    %jit3A_2966 = arith.constant 0.000000e+00 : f32
    %broadcast_in_dim3A_2967 = vector.broadcast %jit3A_2965 : f32 to vector<18x1024xf32>
    %broadcast_in_dim3A_2968 = vector.broadcast %jit3A_2966 : f32 to vector<18x1024xf32>
    %select_n3A_2969 = arith.select %eq3A_2964, %broadcast_in_dim3A_2967, %broadcast_in_dim3A_2968 : vector<18x1024xi1>, vector<18x1024xf32>
    %dot_general3A_2970 = arith.constant dense<0.000000e+00> : vector<9x18xf32>
    %dot_general3A_2971 = tpu.matmul %concatenate3A_2621, %select_n3A_2969, %dot_general3A_2970 {dimension_numbers = #tpu.dot_dimension_numbers<[1], [1], [0], [0], [0, 0, 1, 0], [], []>, precision = #tpu.contract_precision<fp32>, transpose_lhs_hint = false} : vector<9x1024xf32>, vector<18x1024xf32>, vector<9x18xf32> -> vector<9x18xf32>
    %slice3A_2972 = vector.extract_strided_slice %dot_general3A_2971 {offsets = [0, 0], sizes = [8, 18], strides = [1, 1]} : vector<9x18xf32> to vector<8x18xf32>
    %slice3A_2973 = vector.extract_strided_slice %dot_general3A_2971 {offsets = [8, 0], sizes = [1, 18], strides = [1, 1]} : vector<9x18xf32> to vector<1x18xf32>
    %add3A_2974 = arith.constant 9.99999971E-10 : f32
    %add3A_2975 = vector.broadcast %add3A_2974 : f32 to vector<1x18xf32>
    %add3A_2976 = arith.addf %slice3A_2973, %add3A_2975 : vector<1x18xf32>
    %div3A_2977 = vector.broadcast %add3A_2976 : vector<1x18xf32> to vector<8x18xf32>
    %div3A_2978 = arith.divf %slice3A_2972, %div3A_2977 : vector<8x18xf32>
    %reduce_sum3A_2979 = arith.constant dense<0.000000e+00> : vector<8xf32>
    %reduce_sum3A_2980 = vector.multi_reduction <add>, %div3A_2978, %reduce_sum3A_2979 [1] : vector<8x18xf32> to vector<8xf32>
    %broadcast_in_dim3A_2981 = vector.shape_cast %reduce_sum3A_2980 : vector<8xf32> to vector<8x1xf32>
    %add3A_2982 = arith.constant 9.99999971E-10 : f32
    %add3A_2983 = vector.broadcast %add3A_2982 : f32 to vector<8x1xf32>
    %add3A_2984 = arith.addf %broadcast_in_dim3A_2981, %add3A_2983 : vector<8x1xf32>
    %div3A_2985 = vector.broadcast %add3A_2984 : vector<8x1xf32> to vector<8x18xf32>
    %div3A_2986 = arith.divf %div3A_2978, %div3A_2985 : vector<8x18xf32>
    %add3A_2987 = arith.constant 9.99999971E-10 : f32
    %add3A_2988 = vector.broadcast %add3A_2987 : f32 to vector<8x18xf32>
    %add3A_2989 = arith.addf %div3A_2986, %add3A_2988 : vector<8x18xf32>
    %log3A_2990 = math.log %add3A_2989 : vector<8x18xf32>
    %mul3A_2991 = arith.mulf %div3A_2986, %log3A_2990 : vector<8x18xf32>
    %reduce_sum3A_2992 = arith.constant dense<0.000000e+00> : vector<8xf32>
    %reduce_sum3A_2993 = vector.multi_reduction <add>, %mul3A_2991, %reduce_sum3A_2992 [1] : vector<8x18xf32> to vector<8xf32>
    %broadcast_in_dim3A_2994 = vector.shape_cast %reduce_sum3A_2993 : vector<8xf32> to vector<8x1xf32>
    %add3A_2995 = arith.constant 2.8903718 : f32
    %add3A_2996 = vector.broadcast %add3A_2995 : f32 to vector<8x1xf32>
    %add3A_2997 = arith.addf %add3A_2996, %broadcast_in_dim3A_2994 : vector<8x1xf32>
    %div3A_2998 = arith.constant 2.8903718 : f32
    %div3A_2999 = vector.broadcast %div3A_2998 : f32 to vector<8x1xf32>
    %div3A_3000 = arith.divf %add3A_2997, %div3A_2999 : vector<8x1xf32>
    %squeeze3A_3001 = vector.shape_cast %div3A_3000 : vector<8x1xf32> to vector<8xf32>
    %swap3A_3002 = arith.constant 44 : index
    %swap3A_3003 = arith.constant 0 : index
    %swap3A_3004 = vector.load %arg2[%swap3A_3002, %swap3A_3003] : memref<64x8xf32, #tpu.memory_space<vmem>>, vector<1x8xf32>
    %swap3A_3005 = vector.shape_cast %swap3A_3004 : vector<1x8xf32> to vector<8xf32>
    %swap3A_3006 = vector.shape_cast %squeeze3A_3001 : vector<8xf32> to vector<1x8xf32>
    tpu.vector_store %arg2[%swap3A_3002, %swap3A_3003], %swap3A_3006 {strides = array<i32>} : memref<64x8xf32, #tpu.memory_space<vmem>>, vector<1x8xf32>,
    %slice3A_3007 = vector.extract_strided_slice %add3A_2776 {offsets = [5, 0], sizes = [1, 1024], strides = [1, 1]} : vector<8x1024xf32> to vector<1x1024xf32>
    %broadcast_in_dim3A_3008 = vector.shape_cast %slice3A_3007 : vector<1x1024xf32> to vector<1x1024xf32>
    %broadcast_in_dim3A_3009 = vector.broadcast %broadcast_in_dim3A_3008 : vector<1x1024xf32> to vector<18x1024xf32>
    %eq3A_3010 = arith.cmpf oeq, %broadcast_in_dim3A_3009, %convert_element_type3A : vector<18x1024xf32>
    %jit3A_3011 = arith.constant 1.000000e+00 : f32
    %jit3A_3012 = arith.constant 0.000000e+00 : f32
    %broadcast_in_dim3A_3013 = vector.broadcast %jit3A_3011 : f32 to vector<18x1024xf32>
    %broadcast_in_dim3A_3014 = vector.broadcast %jit3A_3012 : f32 to vector<18x1024xf32>
    %select_n3A_3015 = arith.select %eq3A_3010, %broadcast_in_dim3A_3013, %broadcast_in_dim3A_3014 : vector<18x1024xi1>, vector<18x1024xf32>
    %dot_general3A_3016 = arith.constant dense<0.000000e+00> : vector<9x18xf32>
    %dot_general3A_3017 = tpu.matmul %concatenate3A_2621, %select_n3A_3015, %dot_general3A_3016 {dimension_numbers = #tpu.dot_dimension_numbers<[1], [1], [0], [0], [0, 0, 1, 0], [], []>, precision = #tpu.contract_precision<fp32>, transpose_lhs_hint = false} : vector<9x1024xf32>, vector<18x1024xf32>, vector<9x18xf32> -> vector<9x18xf32>
    %slice3A_3018 = vector.extract_strided_slice %dot_general3A_3017 {offsets = [0, 0], sizes = [8, 18], strides = [1, 1]} : vector<9x18xf32> to vector<8x18xf32>
    %slice3A_3019 = vector.extract_strided_slice %dot_general3A_3017 {offsets = [8, 0], sizes = [1, 18], strides = [1, 1]} : vector<9x18xf32> to vector<1x18xf32>
    %add3A_3020 = arith.constant 9.99999971E-10 : f32
    %add3A_3021 = vector.broadcast %add3A_3020 : f32 to vector<1x18xf32>
    %add3A_3022 = arith.addf %slice3A_3019, %add3A_3021 : vector<1x18xf32>
    %div3A_3023 = vector.broadcast %add3A_3022 : vector<1x18xf32> to vector<8x18xf32>
    %div3A_3024 = arith.divf %slice3A_3018, %div3A_3023 : vector<8x18xf32>
    %reduce_sum3A_3025 = arith.constant dense<0.000000e+00> : vector<8xf32>
    %reduce_sum3A_3026 = vector.multi_reduction <add>, %div3A_3024, %reduce_sum3A_3025 [1] : vector<8x18xf32> to vector<8xf32>
    %broadcast_in_dim3A_3027 = vector.shape_cast %reduce_sum3A_3026 : vector<8xf32> to vector<8x1xf32>
    %add3A_3028 = arith.constant 9.99999971E-10 : f32
    %add3A_3029 = vector.broadcast %add3A_3028 : f32 to vector<8x1xf32>
    %add3A_3030 = arith.addf %broadcast_in_dim3A_3027, %add3A_3029 : vector<8x1xf32>
    %div3A_3031 = vector.broadcast %add3A_3030 : vector<8x1xf32> to vector<8x18xf32>
    %div3A_3032 = arith.divf %div3A_3024, %div3A_3031 : vector<8x18xf32>
    %add3A_3033 = arith.constant 9.99999971E-10 : f32
    %add3A_3034 = vector.broadcast %add3A_3033 : f32 to vector<8x18xf32>
    %add3A_3035 = arith.addf %div3A_3032, %add3A_3034 : vector<8x18xf32>
    %log3A_3036 = math.log %add3A_3035 : vector<8x18xf32>
    %mul3A_3037 = arith.mulf %div3A_3032, %log3A_3036 : vector<8x18xf32>
    %reduce_sum3A_3038 = arith.constant dense<0.000000e+00> : vector<8xf32>
    %reduce_sum3A_3039 = vector.multi_reduction <add>, %mul3A_3037, %reduce_sum3A_3038 [1] : vector<8x18xf32> to vector<8xf32>
    %broadcast_in_dim3A_3040 = vector.shape_cast %reduce_sum3A_3039 : vector<8xf32> to vector<8x1xf32>
    %add3A_3041 = arith.constant 2.8903718 : f32
    %add3A_3042 = vector.broadcast %add3A_3041 : f32 to vector<8x1xf32>
    %add3A_3043 = arith.addf %add3A_3042, %broadcast_in_dim3A_3040 : vector<8x1xf32>
    %div3A_3044 = arith.constant 2.8903718 : f32
    %div3A_3045 = vector.broadcast %div3A_3044 : f32 to vector<8x1xf32>
    %div3A_3046 = arith.divf %add3A_3043, %div3A_3045 : vector<8x1xf32>
    %squeeze3A_3047 = vector.shape_cast %div3A_3046 : vector<8x1xf32> to vector<8xf32>
    %swap3A_3048 = arith.constant 45 : index
    %swap3A_3049 = arith.constant 0 : index
    %swap3A_3050 = vector.load %arg2[%swap3A_3048, %swap3A_3049] : memref<64x8xf32, #tpu.memory_space<vmem>>, vector<1x8xf32>
    %swap3A_3051 = vector.shape_cast %swap3A_3050 : vector<1x8xf32> to vector<8xf32>
    %swap3A_3052 = vector.shape_cast %squeeze3A_3047 : vector<8xf32> to vector<1x8xf32>
    tpu.vector_store %arg2[%swap3A_3048, %swap3A_3049], %swap3A_3052 {strides = array<i32>} : memref<64x8xf32, #tpu.memory_space<vmem>>, vector<1x8xf32>,
    %slice3A_3053 = vector.extract_strided_slice %add3A_2776 {offsets = [6, 0], sizes = [1, 1024], strides = [1, 1]} : vector<8x1024xf32> to vector<1x1024xf32>
    %broadcast_in_dim3A_3054 = vector.shape_cast %slice3A_3053 : vector<1x1024xf32> to vector<1x1024xf32>
    %broadcast_in_dim3A_3055 = vector.broadcast %broadcast_in_dim3A_3054 : vector<1x1024xf32> to vector<18x1024xf32>
    %eq3A_3056 = arith.cmpf oeq, %broadcast_in_dim3A_3055, %convert_element_type3A : vector<18x1024xf32>
    %jit3A_3057 = arith.constant 1.000000e+00 : f32
    %jit3A_3058 = arith.constant 0.000000e+00 : f32
    %broadcast_in_dim3A_3059 = vector.broadcast %jit3A_3057 : f32 to vector<18x1024xf32>
    %broadcast_in_dim3A_3060 = vector.broadcast %jit3A_3058 : f32 to vector<18x1024xf32>
    %select_n3A_3061 = arith.select %eq3A_3056, %broadcast_in_dim3A_3059, %broadcast_in_dim3A_3060 : vector<18x1024xi1>, vector<18x1024xf32>
    %dot_general3A_3062 = arith.constant dense<0.000000e+00> : vector<9x18xf32>
    %dot_general3A_3063 = tpu.matmul %concatenate3A_2621, %select_n3A_3061, %dot_general3A_3062 {dimension_numbers = #tpu.dot_dimension_numbers<[1], [1], [0], [0], [0, 0, 1, 0], [], []>, precision = #tpu.contract_precision<fp32>, transpose_lhs_hint = false} : vector<9x1024xf32>, vector<18x1024xf32>, vector<9x18xf32> -> vector<9x18xf32>
    %slice3A_3064 = vector.extract_strided_slice %dot_general3A_3063 {offsets = [0, 0], sizes = [8, 18], strides = [1, 1]} : vector<9x18xf32> to vector<8x18xf32>
    %slice3A_3065 = vector.extract_strided_slice %dot_general3A_3063 {offsets = [8, 0], sizes = [1, 18], strides = [1, 1]} : vector<9x18xf32> to vector<1x18xf32>
    %add3A_3066 = arith.constant 9.99999971E-10 : f32
    %add3A_3067 = vector.broadcast %add3A_3066 : f32 to vector<1x18xf32>
    %add3A_3068 = arith.addf %slice3A_3065, %add3A_3067 : vector<1x18xf32>
    %div3A_3069 = vector.broadcast %add3A_3068 : vector<1x18xf32> to vector<8x18xf32>
    %div3A_3070 = arith.divf %slice3A_3064, %div3A_3069 : vector<8x18xf32>
    %reduce_sum3A_3071 = arith.constant dense<0.000000e+00> : vector<8xf32>
    %reduce_sum3A_3072 = vector.multi_reduction <add>, %div3A_3070, %reduce_sum3A_3071 [1] : vector<8x18xf32> to vector<8xf32>
    %broadcast_in_dim3A_3073 = vector.shape_cast %reduce_sum3A_3072 : vector<8xf32> to vector<8x1xf32>
    %add3A_3074 = arith.constant 9.99999971E-10 : f32
    %add3A_3075 = vector.broadcast %add3A_3074 : f32 to vector<8x1xf32>
    %add3A_3076 = arith.addf %broadcast_in_dim3A_3073, %add3A_3075 : vector<8x1xf32>
    %div3A_3077 = vector.broadcast %add3A_3076 : vector<8x1xf32> to vector<8x18xf32>
    %div3A_3078 = arith.divf %div3A_3070, %div3A_3077 : vector<8x18xf32>
    %add3A_3079 = arith.constant 9.99999971E-10 : f32
    %add3A_3080 = vector.broadcast %add3A_3079 : f32 to vector<8x18xf32>
    %add3A_3081 = arith.addf %div3A_3078, %add3A_3080 : vector<8x18xf32>
    %log3A_3082 = math.log %add3A_3081 : vector<8x18xf32>
    %mul3A_3083 = arith.mulf %div3A_3078, %log3A_3082 : vector<8x18xf32>
    %reduce_sum3A_3084 = arith.constant dense<0.000000e+00> : vector<8xf32>
    %reduce_sum3A_3085 = vector.multi_reduction <add>, %mul3A_3083, %reduce_sum3A_3084 [1] : vector<8x18xf32> to vector<8xf32>
    %broadcast_in_dim3A_3086 = vector.shape_cast %reduce_sum3A_3085 : vector<8xf32> to vector<8x1xf32>
    %add3A_3087 = arith.constant 2.8903718 : f32
    %add3A_3088 = vector.broadcast %add3A_3087 : f32 to vector<8x1xf32>
    %add3A_3089 = arith.addf %add3A_3088, %broadcast_in_dim3A_3086 : vector<8x1xf32>
    %div3A_3090 = arith.constant 2.8903718 : f32
    %div3A_3091 = vector.broadcast %div3A_3090 : f32 to vector<8x1xf32>
    %div3A_3092 = arith.divf %add3A_3089, %div3A_3091 : vector<8x1xf32>
    %squeeze3A_3093 = vector.shape_cast %div3A_3092 : vector<8x1xf32> to vector<8xf32>
    %swap3A_3094 = arith.constant 46 : index
    %swap3A_3095 = arith.constant 0 : index
    %swap3A_3096 = vector.load %arg2[%swap3A_3094, %swap3A_3095] : memref<64x8xf32, #tpu.memory_space<vmem>>, vector<1x8xf32>
    %swap3A_3097 = vector.shape_cast %swap3A_3096 : vector<1x8xf32> to vector<8xf32>
    %swap3A_3098 = vector.shape_cast %squeeze3A_3093 : vector<8xf32> to vector<1x8xf32>
    tpu.vector_store %arg2[%swap3A_3094, %swap3A_3095], %swap3A_3098 {strides = array<i32>} : memref<64x8xf32, #tpu.memory_space<vmem>>, vector<1x8xf32>,
    %slice3A_3099 = vector.extract_strided_slice %add3A_2776 {offsets = [7, 0], sizes = [1, 1024], strides = [1, 1]} : vector<8x1024xf32> to vector<1x1024xf32>
    %broadcast_in_dim3A_3100 = vector.shape_cast %slice3A_3099 : vector<1x1024xf32> to vector<1x1024xf32>
    %broadcast_in_dim3A_3101 = vector.broadcast %broadcast_in_dim3A_3100 : vector<1x1024xf32> to vector<18x1024xf32>
    %eq3A_3102 = arith.cmpf oeq, %broadcast_in_dim3A_3101, %convert_element_type3A : vector<18x1024xf32>
    %jit3A_3103 = arith.constant 1.000000e+00 : f32
    %jit3A_3104 = arith.constant 0.000000e+00 : f32
    %broadcast_in_dim3A_3105 = vector.broadcast %jit3A_3103 : f32 to vector<18x1024xf32>
    %broadcast_in_dim3A_3106 = vector.broadcast %jit3A_3104 : f32 to vector<18x1024xf32>
    %select_n3A_3107 = arith.select %eq3A_3102, %broadcast_in_dim3A_3105, %broadcast_in_dim3A_3106 : vector<18x1024xi1>, vector<18x1024xf32>
    %dot_general3A_3108 = arith.constant dense<0.000000e+00> : vector<9x18xf32>
    %dot_general3A_3109 = tpu.matmul %concatenate3A_2621, %select_n3A_3107, %dot_general3A_3108 {dimension_numbers = #tpu.dot_dimension_numbers<[1], [1], [0], [0], [0, 0, 1, 0], [], []>, precision = #tpu.contract_precision<fp32>, transpose_lhs_hint = false} : vector<9x1024xf32>, vector<18x1024xf32>, vector<9x18xf32> -> vector<9x18xf32>
    %slice3A_3110 = vector.extract_strided_slice %dot_general3A_3109 {offsets = [0, 0], sizes = [8, 18], strides = [1, 1]} : vector<9x18xf32> to vector<8x18xf32>
    %slice3A_3111 = vector.extract_strided_slice %dot_general3A_3109 {offsets = [8, 0], sizes = [1, 18], strides = [1, 1]} : vector<9x18xf32> to vector<1x18xf32>
    %add3A_3112 = arith.constant 9.99999971E-10 : f32
    %add3A_3113 = vector.broadcast %add3A_3112 : f32 to vector<1x18xf32>
    %add3A_3114 = arith.addf %slice3A_3111, %add3A_3113 : vector<1x18xf32>
    %div3A_3115 = vector.broadcast %add3A_3114 : vector<1x18xf32> to vector<8x18xf32>
    %div3A_3116 = arith.divf %slice3A_3110, %div3A_3115 : vector<8x18xf32>
    %reduce_sum3A_3117 = arith.constant dense<0.000000e+00> : vector<8xf32>
    %reduce_sum3A_3118 = vector.multi_reduction <add>, %div3A_3116, %reduce_sum3A_3117 [1] : vector<8x18xf32> to vector<8xf32>
    %broadcast_in_dim3A_3119 = vector.shape_cast %reduce_sum3A_3118 : vector<8xf32> to vector<8x1xf32>
    %add3A_3120 = arith.constant 9.99999971E-10 : f32
    %add3A_3121 = vector.broadcast %add3A_3120 : f32 to vector<8x1xf32>
    %add3A_3122 = arith.addf %broadcast_in_dim3A_3119, %add3A_3121 : vector<8x1xf32>
    %div3A_3123 = vector.broadcast %add3A_3122 : vector<8x1xf32> to vector<8x18xf32>
    %div3A_3124 = arith.divf %div3A_3116, %div3A_3123 : vector<8x18xf32>
    %add3A_3125 = arith.constant 9.99999971E-10 : f32
    %add3A_3126 = vector.broadcast %add3A_3125 : f32 to vector<8x18xf32>
    %add3A_3127 = arith.addf %div3A_3124, %add3A_3126 : vector<8x18xf32>
    %log3A_3128 = math.log %add3A_3127 : vector<8x18xf32>
    %mul3A_3129 = arith.mulf %div3A_3124, %log3A_3128 : vector<8x18xf32>
    %reduce_sum3A_3130 = arith.constant dense<0.000000e+00> : vector<8xf32>
    %reduce_sum3A_3131 = vector.multi_reduction <add>, %mul3A_3129, %reduce_sum3A_3130 [1] : vector<8x18xf32> to vector<8xf32>
    %broadcast_in_dim3A_3132 = vector.shape_cast %reduce_sum3A_3131 : vector<8xf32> to vector<8x1xf32>
    %add3A_3133 = arith.constant 2.8903718 : f32
    %add3A_3134 = vector.broadcast %add3A_3133 : f32 to vector<8x1xf32>
    %add3A_3135 = arith.addf %add3A_3134, %broadcast_in_dim3A_3132 : vector<8x1xf32>
    %div3A_3136 = arith.constant 2.8903718 : f32
    %div3A_3137 = vector.broadcast %div3A_3136 : f32 to vector<8x1xf32>
    %div3A_3138 = arith.divf %add3A_3135, %div3A_3137 : vector<8x1xf32>
    %squeeze3A_3139 = vector.shape_cast %div3A_3138 : vector<8x1xf32> to vector<8xf32>
    %swap3A_3140 = arith.constant 47 : index
    %swap3A_3141 = arith.constant 0 : index
    %swap3A_3142 = vector.load %arg2[%swap3A_3140, %swap3A_3141] : memref<64x8xf32, #tpu.memory_space<vmem>>, vector<1x8xf32>
    %swap3A_3143 = vector.shape_cast %swap3A_3142 : vector<1x8xf32> to vector<8xf32>
    %swap3A_3144 = vector.shape_cast %squeeze3A_3139 : vector<8xf32> to vector<1x8xf32>
    tpu.vector_store %arg2[%swap3A_3140, %swap3A_3141], %swap3A_3144 {strides = array<i32>} : memref<64x8xf32, #tpu.memory_space<vmem>>, vector<1x8xf32>,
    %slice3A_3145 = vector.extract_strided_slice %get3A_1 {offsets = [96, 0], sizes = [8, 1024], strides = [1, 1]} : vector<128x1024xf32> to vector<8x1024xf32>
    %slice3A_3146 = vector.extract_strided_slice %get3A_1 {offsets = [104, 0], sizes = [8, 1024], strides = [1, 1]} : vector<128x1024xf32> to vector<8x1024xf32>
    %concatenate3A_3147 = tpu.concatenate %slice3A_3146, %broadcast_in_dim3A_2 in 0 : vector<8x1024xf32>, vector<1x1024xf32> -> vector<9x1024xf32>
    %broadcast_in_dim3A_3148 = arith.constant 0.000000e+00 : f32
    %broadcast_in_dim3A_3149 = vector.broadcast %broadcast_in_dim3A_3148 : f32 to vector<8x1024xf32>
    %gt3A_3150 = arith.constant -2.79252672 : f32
    %gt3A_3151 = vector.broadcast %gt3A_3150 : f32 to vector<8x1024xf32>
    %gt3A_3152 = arith.cmpf ogt, %slice3A_3145, %gt3A_3151 : vector<8x1024xf32>
    %jit3A_3153 = arith.constant 1.000000e+00 : f32
    %jit3A_3154 = arith.constant 0.000000e+00 : f32
    %broadcast_in_dim3A_3155 = vector.broadcast %jit3A_3153 : f32 to vector<8x1024xf32>
    %broadcast_in_dim3A_3156 = vector.broadcast %jit3A_3154 : f32 to vector<8x1024xf32>
    %select_n3A_3157 = arith.select %gt3A_3152, %broadcast_in_dim3A_3155, %broadcast_in_dim3A_3156 : vector<8x1024xi1>, vector<8x1024xf32>
    %add3A_3158 = arith.addf %broadcast_in_dim3A_3149, %select_n3A_3157 : vector<8x1024xf32>
    %gt3A_3159 = arith.constant -2.44346094 : f32
    %gt3A_3160 = vector.broadcast %gt3A_3159 : f32 to vector<8x1024xf32>
    %gt3A_3161 = arith.cmpf ogt, %slice3A_3145, %gt3A_3160 : vector<8x1024xf32>
    %jit3A_3162 = arith.constant 1.000000e+00 : f32
    %jit3A_3163 = arith.constant 0.000000e+00 : f32
    %broadcast_in_dim3A_3164 = vector.broadcast %jit3A_3162 : f32 to vector<8x1024xf32>
    %broadcast_in_dim3A_3165 = vector.broadcast %jit3A_3163 : f32 to vector<8x1024xf32>
    %select_n3A_3166 = arith.select %gt3A_3161, %broadcast_in_dim3A_3164, %broadcast_in_dim3A_3165 : vector<8x1024xi1>, vector<8x1024xf32>
    %add3A_3167 = arith.addf %add3A_3158, %select_n3A_3166 : vector<8x1024xf32>
    %gt3A_3168 = arith.constant -2.09439516 : f32
    %gt3A_3169 = vector.broadcast %gt3A_3168 : f32 to vector<8x1024xf32>
    %gt3A_3170 = arith.cmpf ogt, %slice3A_3145, %gt3A_3169 : vector<8x1024xf32>
    %jit3A_3171 = arith.constant 1.000000e+00 : f32
    %jit3A_3172 = arith.constant 0.000000e+00 : f32
    %broadcast_in_dim3A_3173 = vector.broadcast %jit3A_3171 : f32 to vector<8x1024xf32>
    %broadcast_in_dim3A_3174 = vector.broadcast %jit3A_3172 : f32 to vector<8x1024xf32>
    %select_n3A_3175 = arith.select %gt3A_3170, %broadcast_in_dim3A_3173, %broadcast_in_dim3A_3174 : vector<8x1024xi1>, vector<8x1024xf32>
    %add3A_3176 = arith.addf %add3A_3167, %select_n3A_3175 : vector<8x1024xf32>
    %gt3A_3177 = arith.constant -1.74532926 : f32
    %gt3A_3178 = vector.broadcast %gt3A_3177 : f32 to vector<8x1024xf32>
    %gt3A_3179 = arith.cmpf ogt, %slice3A_3145, %gt3A_3178 : vector<8x1024xf32>
    %jit3A_3180 = arith.constant 1.000000e+00 : f32
    %jit3A_3181 = arith.constant 0.000000e+00 : f32
    %broadcast_in_dim3A_3182 = vector.broadcast %jit3A_3180 : f32 to vector<8x1024xf32>
    %broadcast_in_dim3A_3183 = vector.broadcast %jit3A_3181 : f32 to vector<8x1024xf32>
    %select_n3A_3184 = arith.select %gt3A_3179, %broadcast_in_dim3A_3182, %broadcast_in_dim3A_3183 : vector<8x1024xi1>, vector<8x1024xf32>
    %add3A_3185 = arith.addf %add3A_3176, %select_n3A_3184 : vector<8x1024xf32>
    %gt3A_3186 = arith.constant -1.39626336 : f32
    %gt3A_3187 = vector.broadcast %gt3A_3186 : f32 to vector<8x1024xf32>
    %gt3A_3188 = arith.cmpf ogt, %slice3A_3145, %gt3A_3187 : vector<8x1024xf32>
    %jit3A_3189 = arith.constant 1.000000e+00 : f32
    %jit3A_3190 = arith.constant 0.000000e+00 : f32
    %broadcast_in_dim3A_3191 = vector.broadcast %jit3A_3189 : f32 to vector<8x1024xf32>
    %broadcast_in_dim3A_3192 = vector.broadcast %jit3A_3190 : f32 to vector<8x1024xf32>
    %select_n3A_3193 = arith.select %gt3A_3188, %broadcast_in_dim3A_3191, %broadcast_in_dim3A_3192 : vector<8x1024xi1>, vector<8x1024xf32>
    %add3A_3194 = arith.addf %add3A_3185, %select_n3A_3193 : vector<8x1024xf32>
    %gt3A_3195 = arith.constant -1.04719758 : f32
    %gt3A_3196 = vector.broadcast %gt3A_3195 : f32 to vector<8x1024xf32>
    %gt3A_3197 = arith.cmpf ogt, %slice3A_3145, %gt3A_3196 : vector<8x1024xf32>
    %jit3A_3198 = arith.constant 1.000000e+00 : f32
    %jit3A_3199 = arith.constant 0.000000e+00 : f32
    %broadcast_in_dim3A_3200 = vector.broadcast %jit3A_3198 : f32 to vector<8x1024xf32>
    %broadcast_in_dim3A_3201 = vector.broadcast %jit3A_3199 : f32 to vector<8x1024xf32>
    %select_n3A_3202 = arith.select %gt3A_3197, %broadcast_in_dim3A_3200, %broadcast_in_dim3A_3201 : vector<8x1024xi1>, vector<8x1024xf32>
    %add3A_3203 = arith.addf %add3A_3194, %select_n3A_3202 : vector<8x1024xf32>
    %gt3A_3204 = arith.constant -0.69813168 : f32
    %gt3A_3205 = vector.broadcast %gt3A_3204 : f32 to vector<8x1024xf32>
    %gt3A_3206 = arith.cmpf ogt, %slice3A_3145, %gt3A_3205 : vector<8x1024xf32>
    %jit3A_3207 = arith.constant 1.000000e+00 : f32
    %jit3A_3208 = arith.constant 0.000000e+00 : f32
    %broadcast_in_dim3A_3209 = vector.broadcast %jit3A_3207 : f32 to vector<8x1024xf32>
    %broadcast_in_dim3A_3210 = vector.broadcast %jit3A_3208 : f32 to vector<8x1024xf32>
    %select_n3A_3211 = arith.select %gt3A_3206, %broadcast_in_dim3A_3209, %broadcast_in_dim3A_3210 : vector<8x1024xi1>, vector<8x1024xf32>
    %add3A_3212 = arith.addf %add3A_3203, %select_n3A_3211 : vector<8x1024xf32>
    %gt3A_3213 = arith.constant -0.34906584 : f32
    %gt3A_3214 = vector.broadcast %gt3A_3213 : f32 to vector<8x1024xf32>
    %gt3A_3215 = arith.cmpf ogt, %slice3A_3145, %gt3A_3214 : vector<8x1024xf32>
    %jit3A_3216 = arith.constant 1.000000e+00 : f32
    %jit3A_3217 = arith.constant 0.000000e+00 : f32
    %broadcast_in_dim3A_3218 = vector.broadcast %jit3A_3216 : f32 to vector<8x1024xf32>
    %broadcast_in_dim3A_3219 = vector.broadcast %jit3A_3217 : f32 to vector<8x1024xf32>
    %select_n3A_3220 = arith.select %gt3A_3215, %broadcast_in_dim3A_3218, %broadcast_in_dim3A_3219 : vector<8x1024xi1>, vector<8x1024xf32>
    %add3A_3221 = arith.addf %add3A_3212, %select_n3A_3220 : vector<8x1024xf32>
    %gt3A_3222 = arith.constant 0.000000e+00 : f32
    %gt3A_3223 = vector.broadcast %gt3A_3222 : f32 to vector<8x1024xf32>
    %gt3A_3224 = arith.cmpf ogt, %slice3A_3145, %gt3A_3223 : vector<8x1024xf32>
    %jit3A_3225 = arith.constant 1.000000e+00 : f32
    %jit3A_3226 = arith.constant 0.000000e+00 : f32
    %broadcast_in_dim3A_3227 = vector.broadcast %jit3A_3225 : f32 to vector<8x1024xf32>
    %broadcast_in_dim3A_3228 = vector.broadcast %jit3A_3226 : f32 to vector<8x1024xf32>
    %select_n3A_3229 = arith.select %gt3A_3224, %broadcast_in_dim3A_3227, %broadcast_in_dim3A_3228 : vector<8x1024xi1>, vector<8x1024xf32>
    %add3A_3230 = arith.addf %add3A_3221, %select_n3A_3229 : vector<8x1024xf32>
    %gt3A_3231 = arith.constant 0.34906584 : f32
    %gt3A_3232 = vector.broadcast %gt3A_3231 : f32 to vector<8x1024xf32>
    %gt3A_3233 = arith.cmpf ogt, %slice3A_3145, %gt3A_3232 : vector<8x1024xf32>
    %jit3A_3234 = arith.constant 1.000000e+00 : f32
    %jit3A_3235 = arith.constant 0.000000e+00 : f32
    %broadcast_in_dim3A_3236 = vector.broadcast %jit3A_3234 : f32 to vector<8x1024xf32>
    %broadcast_in_dim3A_3237 = vector.broadcast %jit3A_3235 : f32 to vector<8x1024xf32>
    %select_n3A_3238 = arith.select %gt3A_3233, %broadcast_in_dim3A_3236, %broadcast_in_dim3A_3237 : vector<8x1024xi1>, vector<8x1024xf32>
    %add3A_3239 = arith.addf %add3A_3230, %select_n3A_3238 : vector<8x1024xf32>
    %gt3A_3240 = arith.constant 0.69813168 : f32
    %gt3A_3241 = vector.broadcast %gt3A_3240 : f32 to vector<8x1024xf32>
    %gt3A_3242 = arith.cmpf ogt, %slice3A_3145, %gt3A_3241 : vector<8x1024xf32>
    %jit3A_3243 = arith.constant 1.000000e+00 : f32
    %jit3A_3244 = arith.constant 0.000000e+00 : f32
    %broadcast_in_dim3A_3245 = vector.broadcast %jit3A_3243 : f32 to vector<8x1024xf32>
    %broadcast_in_dim3A_3246 = vector.broadcast %jit3A_3244 : f32 to vector<8x1024xf32>
    %select_n3A_3247 = arith.select %gt3A_3242, %broadcast_in_dim3A_3245, %broadcast_in_dim3A_3246 : vector<8x1024xi1>, vector<8x1024xf32>
    %add3A_3248 = arith.addf %add3A_3239, %select_n3A_3247 : vector<8x1024xf32>
    %gt3A_3249 = arith.constant 1.04719758 : f32
    %gt3A_3250 = vector.broadcast %gt3A_3249 : f32 to vector<8x1024xf32>
    %gt3A_3251 = arith.cmpf ogt, %slice3A_3145, %gt3A_3250 : vector<8x1024xf32>
    %jit3A_3252 = arith.constant 1.000000e+00 : f32
    %jit3A_3253 = arith.constant 0.000000e+00 : f32
    %broadcast_in_dim3A_3254 = vector.broadcast %jit3A_3252 : f32 to vector<8x1024xf32>
    %broadcast_in_dim3A_3255 = vector.broadcast %jit3A_3253 : f32 to vector<8x1024xf32>
    %select_n3A_3256 = arith.select %gt3A_3251, %broadcast_in_dim3A_3254, %broadcast_in_dim3A_3255 : vector<8x1024xi1>, vector<8x1024xf32>
    %add3A_3257 = arith.addf %add3A_3248, %select_n3A_3256 : vector<8x1024xf32>
    %gt3A_3258 = arith.constant 1.39626336 : f32
    %gt3A_3259 = vector.broadcast %gt3A_3258 : f32 to vector<8x1024xf32>
    %gt3A_3260 = arith.cmpf ogt, %slice3A_3145, %gt3A_3259 : vector<8x1024xf32>
    %jit3A_3261 = arith.constant 1.000000e+00 : f32
    %jit3A_3262 = arith.constant 0.000000e+00 : f32
    %broadcast_in_dim3A_3263 = vector.broadcast %jit3A_3261 : f32 to vector<8x1024xf32>
    %broadcast_in_dim3A_3264 = vector.broadcast %jit3A_3262 : f32 to vector<8x1024xf32>
    %select_n3A_3265 = arith.select %gt3A_3260, %broadcast_in_dim3A_3263, %broadcast_in_dim3A_3264 : vector<8x1024xi1>, vector<8x1024xf32>
    %add3A_3266 = arith.addf %add3A_3257, %select_n3A_3265 : vector<8x1024xf32>
    %gt3A_3267 = arith.constant 1.74532926 : f32
    %gt3A_3268 = vector.broadcast %gt3A_3267 : f32 to vector<8x1024xf32>
    %gt3A_3269 = arith.cmpf ogt, %slice3A_3145, %gt3A_3268 : vector<8x1024xf32>
    %jit3A_3270 = arith.constant 1.000000e+00 : f32
    %jit3A_3271 = arith.constant 0.000000e+00 : f32
    %broadcast_in_dim3A_3272 = vector.broadcast %jit3A_3270 : f32 to vector<8x1024xf32>
    %broadcast_in_dim3A_3273 = vector.broadcast %jit3A_3271 : f32 to vector<8x1024xf32>
    %select_n3A_3274 = arith.select %gt3A_3269, %broadcast_in_dim3A_3272, %broadcast_in_dim3A_3273 : vector<8x1024xi1>, vector<8x1024xf32>
    %add3A_3275 = arith.addf %add3A_3266, %select_n3A_3274 : vector<8x1024xf32>
    %gt3A_3276 = arith.constant 2.09439516 : f32
    %gt3A_3277 = vector.broadcast %gt3A_3276 : f32 to vector<8x1024xf32>
    %gt3A_3278 = arith.cmpf ogt, %slice3A_3145, %gt3A_3277 : vector<8x1024xf32>
    %jit3A_3279 = arith.constant 1.000000e+00 : f32
    %jit3A_3280 = arith.constant 0.000000e+00 : f32
    %broadcast_in_dim3A_3281 = vector.broadcast %jit3A_3279 : f32 to vector<8x1024xf32>
    %broadcast_in_dim3A_3282 = vector.broadcast %jit3A_3280 : f32 to vector<8x1024xf32>
    %select_n3A_3283 = arith.select %gt3A_3278, %broadcast_in_dim3A_3281, %broadcast_in_dim3A_3282 : vector<8x1024xi1>, vector<8x1024xf32>
    %add3A_3284 = arith.addf %add3A_3275, %select_n3A_3283 : vector<8x1024xf32>
    %gt3A_3285 = arith.constant 2.44346094 : f32
    %gt3A_3286 = vector.broadcast %gt3A_3285 : f32 to vector<8x1024xf32>
    %gt3A_3287 = arith.cmpf ogt, %slice3A_3145, %gt3A_3286 : vector<8x1024xf32>
    %jit3A_3288 = arith.constant 1.000000e+00 : f32
    %jit3A_3289 = arith.constant 0.000000e+00 : f32
    %broadcast_in_dim3A_3290 = vector.broadcast %jit3A_3288 : f32 to vector<8x1024xf32>
    %broadcast_in_dim3A_3291 = vector.broadcast %jit3A_3289 : f32 to vector<8x1024xf32>
    %select_n3A_3292 = arith.select %gt3A_3287, %broadcast_in_dim3A_3290, %broadcast_in_dim3A_3291 : vector<8x1024xi1>, vector<8x1024xf32>
    %add3A_3293 = arith.addf %add3A_3284, %select_n3A_3292 : vector<8x1024xf32>
    %gt3A_3294 = arith.constant 2.79252672 : f32
    %gt3A_3295 = vector.broadcast %gt3A_3294 : f32 to vector<8x1024xf32>
    %gt3A_3296 = arith.cmpf ogt, %slice3A_3145, %gt3A_3295 : vector<8x1024xf32>
    %jit3A_3297 = arith.constant 1.000000e+00 : f32
    %jit3A_3298 = arith.constant 0.000000e+00 : f32
    %broadcast_in_dim3A_3299 = vector.broadcast %jit3A_3297 : f32 to vector<8x1024xf32>
    %broadcast_in_dim3A_3300 = vector.broadcast %jit3A_3298 : f32 to vector<8x1024xf32>
    %select_n3A_3301 = arith.select %gt3A_3296, %broadcast_in_dim3A_3299, %broadcast_in_dim3A_3300 : vector<8x1024xi1>, vector<8x1024xf32>
    %add3A_3302 = arith.addf %add3A_3293, %select_n3A_3301 : vector<8x1024xf32>
    %slice3A_3303 = vector.extract_strided_slice %add3A_3302 {offsets = [0, 0], sizes = [1, 1024], strides = [1, 1]} : vector<8x1024xf32> to vector<1x1024xf32>
    %broadcast_in_dim3A_3304 = vector.shape_cast %slice3A_3303 : vector<1x1024xf32> to vector<1x1024xf32>
    %broadcast_in_dim3A_3305 = vector.broadcast %broadcast_in_dim3A_3304 : vector<1x1024xf32> to vector<18x1024xf32>
    %eq3A_3306 = arith.cmpf oeq, %broadcast_in_dim3A_3305, %convert_element_type3A : vector<18x1024xf32>
    %jit3A_3307 = arith.constant 1.000000e+00 : f32
    %jit3A_3308 = arith.constant 0.000000e+00 : f32
    %broadcast_in_dim3A_3309 = vector.broadcast %jit3A_3307 : f32 to vector<18x1024xf32>
    %broadcast_in_dim3A_3310 = vector.broadcast %jit3A_3308 : f32 to vector<18x1024xf32>
    %select_n3A_3311 = arith.select %eq3A_3306, %broadcast_in_dim3A_3309, %broadcast_in_dim3A_3310 : vector<18x1024xi1>, vector<18x1024xf32>
    %dot_general3A_3312 = arith.constant dense<0.000000e+00> : vector<9x18xf32>
    %dot_general3A_3313 = tpu.matmul %concatenate3A_3147, %select_n3A_3311, %dot_general3A_3312 {dimension_numbers = #tpu.dot_dimension_numbers<[1], [1], [0], [0], [0, 0, 1, 0], [], []>, precision = #tpu.contract_precision<fp32>, transpose_lhs_hint = false} : vector<9x1024xf32>, vector<18x1024xf32>, vector<9x18xf32> -> vector<9x18xf32>
    %slice3A_3314 = vector.extract_strided_slice %dot_general3A_3313 {offsets = [0, 0], sizes = [8, 18], strides = [1, 1]} : vector<9x18xf32> to vector<8x18xf32>
    %slice3A_3315 = vector.extract_strided_slice %dot_general3A_3313 {offsets = [8, 0], sizes = [1, 18], strides = [1, 1]} : vector<9x18xf32> to vector<1x18xf32>
    %add3A_3316 = arith.constant 9.99999971E-10 : f32
    %add3A_3317 = vector.broadcast %add3A_3316 : f32 to vector<1x18xf32>
    %add3A_3318 = arith.addf %slice3A_3315, %add3A_3317 : vector<1x18xf32>
    %div3A_3319 = vector.broadcast %add3A_3318 : vector<1x18xf32> to vector<8x18xf32>
    %div3A_3320 = arith.divf %slice3A_3314, %div3A_3319 : vector<8x18xf32>
    %reduce_sum3A_3321 = arith.constant dense<0.000000e+00> : vector<8xf32>
    %reduce_sum3A_3322 = vector.multi_reduction <add>, %div3A_3320, %reduce_sum3A_3321 [1] : vector<8x18xf32> to vector<8xf32>
    %broadcast_in_dim3A_3323 = vector.shape_cast %reduce_sum3A_3322 : vector<8xf32> to vector<8x1xf32>
    %add3A_3324 = arith.constant 9.99999971E-10 : f32
    %add3A_3325 = vector.broadcast %add3A_3324 : f32 to vector<8x1xf32>
    %add3A_3326 = arith.addf %broadcast_in_dim3A_3323, %add3A_3325 : vector<8x1xf32>
    %div3A_3327 = vector.broadcast %add3A_3326 : vector<8x1xf32> to vector<8x18xf32>
    %div3A_3328 = arith.divf %div3A_3320, %div3A_3327 : vector<8x18xf32>
    %add3A_3329 = arith.constant 9.99999971E-10 : f32
    %add3A_3330 = vector.broadcast %add3A_3329 : f32 to vector<8x18xf32>
    %add3A_3331 = arith.addf %div3A_3328, %add3A_3330 : vector<8x18xf32>
    %log3A_3332 = math.log %add3A_3331 : vector<8x18xf32>
    %mul3A_3333 = arith.mulf %div3A_3328, %log3A_3332 : vector<8x18xf32>
    %reduce_sum3A_3334 = arith.constant dense<0.000000e+00> : vector<8xf32>
    %reduce_sum3A_3335 = vector.multi_reduction <add>, %mul3A_3333, %reduce_sum3A_3334 [1] : vector<8x18xf32> to vector<8xf32>
    %broadcast_in_dim3A_3336 = vector.shape_cast %reduce_sum3A_3335 : vector<8xf32> to vector<8x1xf32>
    %add3A_3337 = arith.constant 2.8903718 : f32
    %add3A_3338 = vector.broadcast %add3A_3337 : f32 to vector<8x1xf32>
    %add3A_3339 = arith.addf %add3A_3338, %broadcast_in_dim3A_3336 : vector<8x1xf32>
    %div3A_3340 = arith.constant 2.8903718 : f32
    %div3A_3341 = vector.broadcast %div3A_3340 : f32 to vector<8x1xf32>
    %div3A_3342 = arith.divf %add3A_3339, %div3A_3341 : vector<8x1xf32>
    %squeeze3A_3343 = vector.shape_cast %div3A_3342 : vector<8x1xf32> to vector<8xf32>
    %swap3A_3344 = arith.constant 48 : index
    %swap3A_3345 = arith.constant 0 : index
    %swap3A_3346 = vector.load %arg2[%swap3A_3344, %swap3A_3345] : memref<64x8xf32, #tpu.memory_space<vmem>>, vector<1x8xf32>
    %swap3A_3347 = vector.shape_cast %swap3A_3346 : vector<1x8xf32> to vector<8xf32>
    %swap3A_3348 = vector.shape_cast %squeeze3A_3343 : vector<8xf32> to vector<1x8xf32>
    tpu.vector_store %arg2[%swap3A_3344, %swap3A_3345], %swap3A_3348 {strides = array<i32>} : memref<64x8xf32, #tpu.memory_space<vmem>>, vector<1x8xf32>,
    %slice3A_3349 = vector.extract_strided_slice %add3A_3302 {offsets = [1, 0], sizes = [1, 1024], strides = [1, 1]} : vector<8x1024xf32> to vector<1x1024xf32>
    %broadcast_in_dim3A_3350 = vector.shape_cast %slice3A_3349 : vector<1x1024xf32> to vector<1x1024xf32>
    %broadcast_in_dim3A_3351 = vector.broadcast %broadcast_in_dim3A_3350 : vector<1x1024xf32> to vector<18x1024xf32>
    %eq3A_3352 = arith.cmpf oeq, %broadcast_in_dim3A_3351, %convert_element_type3A : vector<18x1024xf32>
    %jit3A_3353 = arith.constant 1.000000e+00 : f32
    %jit3A_3354 = arith.constant 0.000000e+00 : f32
    %broadcast_in_dim3A_3355 = vector.broadcast %jit3A_3353 : f32 to vector<18x1024xf32>
    %broadcast_in_dim3A_3356 = vector.broadcast %jit3A_3354 : f32 to vector<18x1024xf32>
    %select_n3A_3357 = arith.select %eq3A_3352, %broadcast_in_dim3A_3355, %broadcast_in_dim3A_3356 : vector<18x1024xi1>, vector<18x1024xf32>
    %dot_general3A_3358 = arith.constant dense<0.000000e+00> : vector<9x18xf32>
    %dot_general3A_3359 = tpu.matmul %concatenate3A_3147, %select_n3A_3357, %dot_general3A_3358 {dimension_numbers = #tpu.dot_dimension_numbers<[1], [1], [0], [0], [0, 0, 1, 0], [], []>, precision = #tpu.contract_precision<fp32>, transpose_lhs_hint = false} : vector<9x1024xf32>, vector<18x1024xf32>, vector<9x18xf32> -> vector<9x18xf32>
    %slice3A_3360 = vector.extract_strided_slice %dot_general3A_3359 {offsets = [0, 0], sizes = [8, 18], strides = [1, 1]} : vector<9x18xf32> to vector<8x18xf32>
    %slice3A_3361 = vector.extract_strided_slice %dot_general3A_3359 {offsets = [8, 0], sizes = [1, 18], strides = [1, 1]} : vector<9x18xf32> to vector<1x18xf32>
    %add3A_3362 = arith.constant 9.99999971E-10 : f32
    %add3A_3363 = vector.broadcast %add3A_3362 : f32 to vector<1x18xf32>
    %add3A_3364 = arith.addf %slice3A_3361, %add3A_3363 : vector<1x18xf32>
    %div3A_3365 = vector.broadcast %add3A_3364 : vector<1x18xf32> to vector<8x18xf32>
    %div3A_3366 = arith.divf %slice3A_3360, %div3A_3365 : vector<8x18xf32>
    %reduce_sum3A_3367 = arith.constant dense<0.000000e+00> : vector<8xf32>
    %reduce_sum3A_3368 = vector.multi_reduction <add>, %div3A_3366, %reduce_sum3A_3367 [1] : vector<8x18xf32> to vector<8xf32>
    %broadcast_in_dim3A_3369 = vector.shape_cast %reduce_sum3A_3368 : vector<8xf32> to vector<8x1xf32>
    %add3A_3370 = arith.constant 9.99999971E-10 : f32
    %add3A_3371 = vector.broadcast %add3A_3370 : f32 to vector<8x1xf32>
    %add3A_3372 = arith.addf %broadcast_in_dim3A_3369, %add3A_3371 : vector<8x1xf32>
    %div3A_3373 = vector.broadcast %add3A_3372 : vector<8x1xf32> to vector<8x18xf32>
    %div3A_3374 = arith.divf %div3A_3366, %div3A_3373 : vector<8x18xf32>
    %add3A_3375 = arith.constant 9.99999971E-10 : f32
    %add3A_3376 = vector.broadcast %add3A_3375 : f32 to vector<8x18xf32>
    %add3A_3377 = arith.addf %div3A_3374, %add3A_3376 : vector<8x18xf32>
    %log3A_3378 = math.log %add3A_3377 : vector<8x18xf32>
    %mul3A_3379 = arith.mulf %div3A_3374, %log3A_3378 : vector<8x18xf32>
    %reduce_sum3A_3380 = arith.constant dense<0.000000e+00> : vector<8xf32>
    %reduce_sum3A_3381 = vector.multi_reduction <add>, %mul3A_3379, %reduce_sum3A_3380 [1] : vector<8x18xf32> to vector<8xf32>
    %broadcast_in_dim3A_3382 = vector.shape_cast %reduce_sum3A_3381 : vector<8xf32> to vector<8x1xf32>
    %add3A_3383 = arith.constant 2.8903718 : f32
    %add3A_3384 = vector.broadcast %add3A_3383 : f32 to vector<8x1xf32>
    %add3A_3385 = arith.addf %add3A_3384, %broadcast_in_dim3A_3382 : vector<8x1xf32>
    %div3A_3386 = arith.constant 2.8903718 : f32
    %div3A_3387 = vector.broadcast %div3A_3386 : f32 to vector<8x1xf32>
    %div3A_3388 = arith.divf %add3A_3385, %div3A_3387 : vector<8x1xf32>
    %squeeze3A_3389 = vector.shape_cast %div3A_3388 : vector<8x1xf32> to vector<8xf32>
    %swap3A_3390 = arith.constant 49 : index
    %swap3A_3391 = arith.constant 0 : index
    %swap3A_3392 = vector.load %arg2[%swap3A_3390, %swap3A_3391] : memref<64x8xf32, #tpu.memory_space<vmem>>, vector<1x8xf32>
    %swap3A_3393 = vector.shape_cast %swap3A_3392 : vector<1x8xf32> to vector<8xf32>
    %swap3A_3394 = vector.shape_cast %squeeze3A_3389 : vector<8xf32> to vector<1x8xf32>
    tpu.vector_store %arg2[%swap3A_3390, %swap3A_3391], %swap3A_3394 {strides = array<i32>} : memref<64x8xf32, #tpu.memory_space<vmem>>, vector<1x8xf32>,
    %slice3A_3395 = vector.extract_strided_slice %add3A_3302 {offsets = [2, 0], sizes = [1, 1024], strides = [1, 1]} : vector<8x1024xf32> to vector<1x1024xf32>
    %broadcast_in_dim3A_3396 = vector.shape_cast %slice3A_3395 : vector<1x1024xf32> to vector<1x1024xf32>
    %broadcast_in_dim3A_3397 = vector.broadcast %broadcast_in_dim3A_3396 : vector<1x1024xf32> to vector<18x1024xf32>
    %eq3A_3398 = arith.cmpf oeq, %broadcast_in_dim3A_3397, %convert_element_type3A : vector<18x1024xf32>
    %jit3A_3399 = arith.constant 1.000000e+00 : f32
    %jit3A_3400 = arith.constant 0.000000e+00 : f32
    %broadcast_in_dim3A_3401 = vector.broadcast %jit3A_3399 : f32 to vector<18x1024xf32>
    %broadcast_in_dim3A_3402 = vector.broadcast %jit3A_3400 : f32 to vector<18x1024xf32>
    %select_n3A_3403 = arith.select %eq3A_3398, %broadcast_in_dim3A_3401, %broadcast_in_dim3A_3402 : vector<18x1024xi1>, vector<18x1024xf32>
    %dot_general3A_3404 = arith.constant dense<0.000000e+00> : vector<9x18xf32>
    %dot_general3A_3405 = tpu.matmul %concatenate3A_3147, %select_n3A_3403, %dot_general3A_3404 {dimension_numbers = #tpu.dot_dimension_numbers<[1], [1], [0], [0], [0, 0, 1, 0], [], []>, precision = #tpu.contract_precision<fp32>, transpose_lhs_hint = false} : vector<9x1024xf32>, vector<18x1024xf32>, vector<9x18xf32> -> vector<9x18xf32>
    %slice3A_3406 = vector.extract_strided_slice %dot_general3A_3405 {offsets = [0, 0], sizes = [8, 18], strides = [1, 1]} : vector<9x18xf32> to vector<8x18xf32>
    %slice3A_3407 = vector.extract_strided_slice %dot_general3A_3405 {offsets = [8, 0], sizes = [1, 18], strides = [1, 1]} : vector<9x18xf32> to vector<1x18xf32>
    %add3A_3408 = arith.constant 9.99999971E-10 : f32
    %add3A_3409 = vector.broadcast %add3A_3408 : f32 to vector<1x18xf32>
    %add3A_3410 = arith.addf %slice3A_3407, %add3A_3409 : vector<1x18xf32>
    %div3A_3411 = vector.broadcast %add3A_3410 : vector<1x18xf32> to vector<8x18xf32>
    %div3A_3412 = arith.divf %slice3A_3406, %div3A_3411 : vector<8x18xf32>
    %reduce_sum3A_3413 = arith.constant dense<0.000000e+00> : vector<8xf32>
    %reduce_sum3A_3414 = vector.multi_reduction <add>, %div3A_3412, %reduce_sum3A_3413 [1] : vector<8x18xf32> to vector<8xf32>
    %broadcast_in_dim3A_3415 = vector.shape_cast %reduce_sum3A_3414 : vector<8xf32> to vector<8x1xf32>
    %add3A_3416 = arith.constant 9.99999971E-10 : f32
    %add3A_3417 = vector.broadcast %add3A_3416 : f32 to vector<8x1xf32>
    %add3A_3418 = arith.addf %broadcast_in_dim3A_3415, %add3A_3417 : vector<8x1xf32>
    %div3A_3419 = vector.broadcast %add3A_3418 : vector<8x1xf32> to vector<8x18xf32>
    %div3A_3420 = arith.divf %div3A_3412, %div3A_3419 : vector<8x18xf32>
    %add3A_3421 = arith.constant 9.99999971E-10 : f32
    %add3A_3422 = vector.broadcast %add3A_3421 : f32 to vector<8x18xf32>
    %add3A_3423 = arith.addf %div3A_3420, %add3A_3422 : vector<8x18xf32>
    %log3A_3424 = math.log %add3A_3423 : vector<8x18xf32>
    %mul3A_3425 = arith.mulf %div3A_3420, %log3A_3424 : vector<8x18xf32>
    %reduce_sum3A_3426 = arith.constant dense<0.000000e+00> : vector<8xf32>
    %reduce_sum3A_3427 = vector.multi_reduction <add>, %mul3A_3425, %reduce_sum3A_3426 [1] : vector<8x18xf32> to vector<8xf32>
    %broadcast_in_dim3A_3428 = vector.shape_cast %reduce_sum3A_3427 : vector<8xf32> to vector<8x1xf32>
    %add3A_3429 = arith.constant 2.8903718 : f32
    %add3A_3430 = vector.broadcast %add3A_3429 : f32 to vector<8x1xf32>
    %add3A_3431 = arith.addf %add3A_3430, %broadcast_in_dim3A_3428 : vector<8x1xf32>
    %div3A_3432 = arith.constant 2.8903718 : f32
    %div3A_3433 = vector.broadcast %div3A_3432 : f32 to vector<8x1xf32>
    %div3A_3434 = arith.divf %add3A_3431, %div3A_3433 : vector<8x1xf32>
    %squeeze3A_3435 = vector.shape_cast %div3A_3434 : vector<8x1xf32> to vector<8xf32>
    %swap3A_3436 = arith.constant 50 : index
    %swap3A_3437 = arith.constant 0 : index
    %swap3A_3438 = vector.load %arg2[%swap3A_3436, %swap3A_3437] : memref<64x8xf32, #tpu.memory_space<vmem>>, vector<1x8xf32>
    %swap3A_3439 = vector.shape_cast %swap3A_3438 : vector<1x8xf32> to vector<8xf32>
    %swap3A_3440 = vector.shape_cast %squeeze3A_3435 : vector<8xf32> to vector<1x8xf32>
    tpu.vector_store %arg2[%swap3A_3436, %swap3A_3437], %swap3A_3440 {strides = array<i32>} : memref<64x8xf32, #tpu.memory_space<vmem>>, vector<1x8xf32>,
    %slice3A_3441 = vector.extract_strided_slice %add3A_3302 {offsets = [3, 0], sizes = [1, 1024], strides = [1, 1]} : vector<8x1024xf32> to vector<1x1024xf32>
    %broadcast_in_dim3A_3442 = vector.shape_cast %slice3A_3441 : vector<1x1024xf32> to vector<1x1024xf32>
    %broadcast_in_dim3A_3443 = vector.broadcast %broadcast_in_dim3A_3442 : vector<1x1024xf32> to vector<18x1024xf32>
    %eq3A_3444 = arith.cmpf oeq, %broadcast_in_dim3A_3443, %convert_element_type3A : vector<18x1024xf32>
    %jit3A_3445 = arith.constant 1.000000e+00 : f32
    %jit3A_3446 = arith.constant 0.000000e+00 : f32
    %broadcast_in_dim3A_3447 = vector.broadcast %jit3A_3445 : f32 to vector<18x1024xf32>
    %broadcast_in_dim3A_3448 = vector.broadcast %jit3A_3446 : f32 to vector<18x1024xf32>
    %select_n3A_3449 = arith.select %eq3A_3444, %broadcast_in_dim3A_3447, %broadcast_in_dim3A_3448 : vector<18x1024xi1>, vector<18x1024xf32>
    %dot_general3A_3450 = arith.constant dense<0.000000e+00> : vector<9x18xf32>
    %dot_general3A_3451 = tpu.matmul %concatenate3A_3147, %select_n3A_3449, %dot_general3A_3450 {dimension_numbers = #tpu.dot_dimension_numbers<[1], [1], [0], [0], [0, 0, 1, 0], [], []>, precision = #tpu.contract_precision<fp32>, transpose_lhs_hint = false} : vector<9x1024xf32>, vector<18x1024xf32>, vector<9x18xf32> -> vector<9x18xf32>
    %slice3A_3452 = vector.extract_strided_slice %dot_general3A_3451 {offsets = [0, 0], sizes = [8, 18], strides = [1, 1]} : vector<9x18xf32> to vector<8x18xf32>
    %slice3A_3453 = vector.extract_strided_slice %dot_general3A_3451 {offsets = [8, 0], sizes = [1, 18], strides = [1, 1]} : vector<9x18xf32> to vector<1x18xf32>
    %add3A_3454 = arith.constant 9.99999971E-10 : f32
    %add3A_3455 = vector.broadcast %add3A_3454 : f32 to vector<1x18xf32>
    %add3A_3456 = arith.addf %slice3A_3453, %add3A_3455 : vector<1x18xf32>
    %div3A_3457 = vector.broadcast %add3A_3456 : vector<1x18xf32> to vector<8x18xf32>
    %div3A_3458 = arith.divf %slice3A_3452, %div3A_3457 : vector<8x18xf32>
    %reduce_sum3A_3459 = arith.constant dense<0.000000e+00> : vector<8xf32>
    %reduce_sum3A_3460 = vector.multi_reduction <add>, %div3A_3458, %reduce_sum3A_3459 [1] : vector<8x18xf32> to vector<8xf32>
    %broadcast_in_dim3A_3461 = vector.shape_cast %reduce_sum3A_3460 : vector<8xf32> to vector<8x1xf32>
    %add3A_3462 = arith.constant 9.99999971E-10 : f32
    %add3A_3463 = vector.broadcast %add3A_3462 : f32 to vector<8x1xf32>
    %add3A_3464 = arith.addf %broadcast_in_dim3A_3461, %add3A_3463 : vector<8x1xf32>
    %div3A_3465 = vector.broadcast %add3A_3464 : vector<8x1xf32> to vector<8x18xf32>
    %div3A_3466 = arith.divf %div3A_3458, %div3A_3465 : vector<8x18xf32>
    %add3A_3467 = arith.constant 9.99999971E-10 : f32
    %add3A_3468 = vector.broadcast %add3A_3467 : f32 to vector<8x18xf32>
    %add3A_3469 = arith.addf %div3A_3466, %add3A_3468 : vector<8x18xf32>
    %log3A_3470 = math.log %add3A_3469 : vector<8x18xf32>
    %mul3A_3471 = arith.mulf %div3A_3466, %log3A_3470 : vector<8x18xf32>
    %reduce_sum3A_3472 = arith.constant dense<0.000000e+00> : vector<8xf32>
    %reduce_sum3A_3473 = vector.multi_reduction <add>, %mul3A_3471, %reduce_sum3A_3472 [1] : vector<8x18xf32> to vector<8xf32>
    %broadcast_in_dim3A_3474 = vector.shape_cast %reduce_sum3A_3473 : vector<8xf32> to vector<8x1xf32>
    %add3A_3475 = arith.constant 2.8903718 : f32
    %add3A_3476 = vector.broadcast %add3A_3475 : f32 to vector<8x1xf32>
    %add3A_3477 = arith.addf %add3A_3476, %broadcast_in_dim3A_3474 : vector<8x1xf32>
    %div3A_3478 = arith.constant 2.8903718 : f32
    %div3A_3479 = vector.broadcast %div3A_3478 : f32 to vector<8x1xf32>
    %div3A_3480 = arith.divf %add3A_3477, %div3A_3479 : vector<8x1xf32>
    %squeeze3A_3481 = vector.shape_cast %div3A_3480 : vector<8x1xf32> to vector<8xf32>
    %swap3A_3482 = arith.constant 51 : index
    %swap3A_3483 = arith.constant 0 : index
    %swap3A_3484 = vector.load %arg2[%swap3A_3482, %swap3A_3483] : memref<64x8xf32, #tpu.memory_space<vmem>>, vector<1x8xf32>
    %swap3A_3485 = vector.shape_cast %swap3A_3484 : vector<1x8xf32> to vector<8xf32>
    %swap3A_3486 = vector.shape_cast %squeeze3A_3481 : vector<8xf32> to vector<1x8xf32>
    tpu.vector_store %arg2[%swap3A_3482, %swap3A_3483], %swap3A_3486 {strides = array<i32>} : memref<64x8xf32, #tpu.memory_space<vmem>>, vector<1x8xf32>,
    %slice3A_3487 = vector.extract_strided_slice %add3A_3302 {offsets = [4, 0], sizes = [1, 1024], strides = [1, 1]} : vector<8x1024xf32> to vector<1x1024xf32>
    %broadcast_in_dim3A_3488 = vector.shape_cast %slice3A_3487 : vector<1x1024xf32> to vector<1x1024xf32>
    %broadcast_in_dim3A_3489 = vector.broadcast %broadcast_in_dim3A_3488 : vector<1x1024xf32> to vector<18x1024xf32>
    %eq3A_3490 = arith.cmpf oeq, %broadcast_in_dim3A_3489, %convert_element_type3A : vector<18x1024xf32>
    %jit3A_3491 = arith.constant 1.000000e+00 : f32
    %jit3A_3492 = arith.constant 0.000000e+00 : f32
    %broadcast_in_dim3A_3493 = vector.broadcast %jit3A_3491 : f32 to vector<18x1024xf32>
    %broadcast_in_dim3A_3494 = vector.broadcast %jit3A_3492 : f32 to vector<18x1024xf32>
    %select_n3A_3495 = arith.select %eq3A_3490, %broadcast_in_dim3A_3493, %broadcast_in_dim3A_3494 : vector<18x1024xi1>, vector<18x1024xf32>
    %dot_general3A_3496 = arith.constant dense<0.000000e+00> : vector<9x18xf32>
    %dot_general3A_3497 = tpu.matmul %concatenate3A_3147, %select_n3A_3495, %dot_general3A_3496 {dimension_numbers = #tpu.dot_dimension_numbers<[1], [1], [0], [0], [0, 0, 1, 0], [], []>, precision = #tpu.contract_precision<fp32>, transpose_lhs_hint = false} : vector<9x1024xf32>, vector<18x1024xf32>, vector<9x18xf32> -> vector<9x18xf32>
    %slice3A_3498 = vector.extract_strided_slice %dot_general3A_3497 {offsets = [0, 0], sizes = [8, 18], strides = [1, 1]} : vector<9x18xf32> to vector<8x18xf32>
    %slice3A_3499 = vector.extract_strided_slice %dot_general3A_3497 {offsets = [8, 0], sizes = [1, 18], strides = [1, 1]} : vector<9x18xf32> to vector<1x18xf32>
    %add3A_3500 = arith.constant 9.99999971E-10 : f32
    %add3A_3501 = vector.broadcast %add3A_3500 : f32 to vector<1x18xf32>
    %add3A_3502 = arith.addf %slice3A_3499, %add3A_3501 : vector<1x18xf32>
    %div3A_3503 = vector.broadcast %add3A_3502 : vector<1x18xf32> to vector<8x18xf32>
    %div3A_3504 = arith.divf %slice3A_3498, %div3A_3503 : vector<8x18xf32>
    %reduce_sum3A_3505 = arith.constant dense<0.000000e+00> : vector<8xf32>
    %reduce_sum3A_3506 = vector.multi_reduction <add>, %div3A_3504, %reduce_sum3A_3505 [1] : vector<8x18xf32> to vector<8xf32>
    %broadcast_in_dim3A_3507 = vector.shape_cast %reduce_sum3A_3506 : vector<8xf32> to vector<8x1xf32>
    %add3A_3508 = arith.constant 9.99999971E-10 : f32
    %add3A_3509 = vector.broadcast %add3A_3508 : f32 to vector<8x1xf32>
    %add3A_3510 = arith.addf %broadcast_in_dim3A_3507, %add3A_3509 : vector<8x1xf32>
    %div3A_3511 = vector.broadcast %add3A_3510 : vector<8x1xf32> to vector<8x18xf32>
    %div3A_3512 = arith.divf %div3A_3504, %div3A_3511 : vector<8x18xf32>
    %add3A_3513 = arith.constant 9.99999971E-10 : f32
    %add3A_3514 = vector.broadcast %add3A_3513 : f32 to vector<8x18xf32>
    %add3A_3515 = arith.addf %div3A_3512, %add3A_3514 : vector<8x18xf32>
    %log3A_3516 = math.log %add3A_3515 : vector<8x18xf32>
    %mul3A_3517 = arith.mulf %div3A_3512, %log3A_3516 : vector<8x18xf32>
    %reduce_sum3A_3518 = arith.constant dense<0.000000e+00> : vector<8xf32>
    %reduce_sum3A_3519 = vector.multi_reduction <add>, %mul3A_3517, %reduce_sum3A_3518 [1] : vector<8x18xf32> to vector<8xf32>
    %broadcast_in_dim3A_3520 = vector.shape_cast %reduce_sum3A_3519 : vector<8xf32> to vector<8x1xf32>
    %add3A_3521 = arith.constant 2.8903718 : f32
    %add3A_3522 = vector.broadcast %add3A_3521 : f32 to vector<8x1xf32>
    %add3A_3523 = arith.addf %add3A_3522, %broadcast_in_dim3A_3520 : vector<8x1xf32>
    %div3A_3524 = arith.constant 2.8903718 : f32
    %div3A_3525 = vector.broadcast %div3A_3524 : f32 to vector<8x1xf32>
    %div3A_3526 = arith.divf %add3A_3523, %div3A_3525 : vector<8x1xf32>
    %squeeze3A_3527 = vector.shape_cast %div3A_3526 : vector<8x1xf32> to vector<8xf32>
    %swap3A_3528 = arith.constant 52 : index
    %swap3A_3529 = arith.constant 0 : index
    %swap3A_3530 = vector.load %arg2[%swap3A_3528, %swap3A_3529] : memref<64x8xf32, #tpu.memory_space<vmem>>, vector<1x8xf32>
    %swap3A_3531 = vector.shape_cast %swap3A_3530 : vector<1x8xf32> to vector<8xf32>
    %swap3A_3532 = vector.shape_cast %squeeze3A_3527 : vector<8xf32> to vector<1x8xf32>
    tpu.vector_store %arg2[%swap3A_3528, %swap3A_3529], %swap3A_3532 {strides = array<i32>} : memref<64x8xf32, #tpu.memory_space<vmem>>, vector<1x8xf32>,
    %slice3A_3533 = vector.extract_strided_slice %add3A_3302 {offsets = [5, 0], sizes = [1, 1024], strides = [1, 1]} : vector<8x1024xf32> to vector<1x1024xf32>
    %broadcast_in_dim3A_3534 = vector.shape_cast %slice3A_3533 : vector<1x1024xf32> to vector<1x1024xf32>
    %broadcast_in_dim3A_3535 = vector.broadcast %broadcast_in_dim3A_3534 : vector<1x1024xf32> to vector<18x1024xf32>
    %eq3A_3536 = arith.cmpf oeq, %broadcast_in_dim3A_3535, %convert_element_type3A : vector<18x1024xf32>
    %jit3A_3537 = arith.constant 1.000000e+00 : f32
    %jit3A_3538 = arith.constant 0.000000e+00 : f32
    %broadcast_in_dim3A_3539 = vector.broadcast %jit3A_3537 : f32 to vector<18x1024xf32>
    %broadcast_in_dim3A_3540 = vector.broadcast %jit3A_3538 : f32 to vector<18x1024xf32>
    %select_n3A_3541 = arith.select %eq3A_3536, %broadcast_in_dim3A_3539, %broadcast_in_dim3A_3540 : vector<18x1024xi1>, vector<18x1024xf32>
    %dot_general3A_3542 = arith.constant dense<0.000000e+00> : vector<9x18xf32>
    %dot_general3A_3543 = tpu.matmul %concatenate3A_3147, %select_n3A_3541, %dot_general3A_3542 {dimension_numbers = #tpu.dot_dimension_numbers<[1], [1], [0], [0], [0, 0, 1, 0], [], []>, precision = #tpu.contract_precision<fp32>, transpose_lhs_hint = false} : vector<9x1024xf32>, vector<18x1024xf32>, vector<9x18xf32> -> vector<9x18xf32>
    %slice3A_3544 = vector.extract_strided_slice %dot_general3A_3543 {offsets = [0, 0], sizes = [8, 18], strides = [1, 1]} : vector<9x18xf32> to vector<8x18xf32>
    %slice3A_3545 = vector.extract_strided_slice %dot_general3A_3543 {offsets = [8, 0], sizes = [1, 18], strides = [1, 1]} : vector<9x18xf32> to vector<1x18xf32>
    %add3A_3546 = arith.constant 9.99999971E-10 : f32
    %add3A_3547 = vector.broadcast %add3A_3546 : f32 to vector<1x18xf32>
    %add3A_3548 = arith.addf %slice3A_3545, %add3A_3547 : vector<1x18xf32>
    %div3A_3549 = vector.broadcast %add3A_3548 : vector<1x18xf32> to vector<8x18xf32>
    %div3A_3550 = arith.divf %slice3A_3544, %div3A_3549 : vector<8x18xf32>
    %reduce_sum3A_3551 = arith.constant dense<0.000000e+00> : vector<8xf32>
    %reduce_sum3A_3552 = vector.multi_reduction <add>, %div3A_3550, %reduce_sum3A_3551 [1] : vector<8x18xf32> to vector<8xf32>
    %broadcast_in_dim3A_3553 = vector.shape_cast %reduce_sum3A_3552 : vector<8xf32> to vector<8x1xf32>
    %add3A_3554 = arith.constant 9.99999971E-10 : f32
    %add3A_3555 = vector.broadcast %add3A_3554 : f32 to vector<8x1xf32>
    %add3A_3556 = arith.addf %broadcast_in_dim3A_3553, %add3A_3555 : vector<8x1xf32>
    %div3A_3557 = vector.broadcast %add3A_3556 : vector<8x1xf32> to vector<8x18xf32>
    %div3A_3558 = arith.divf %div3A_3550, %div3A_3557 : vector<8x18xf32>
    %add3A_3559 = arith.constant 9.99999971E-10 : f32
    %add3A_3560 = vector.broadcast %add3A_3559 : f32 to vector<8x18xf32>
    %add3A_3561 = arith.addf %div3A_3558, %add3A_3560 : vector<8x18xf32>
    %log3A_3562 = math.log %add3A_3561 : vector<8x18xf32>
    %mul3A_3563 = arith.mulf %div3A_3558, %log3A_3562 : vector<8x18xf32>
    %reduce_sum3A_3564 = arith.constant dense<0.000000e+00> : vector<8xf32>
    %reduce_sum3A_3565 = vector.multi_reduction <add>, %mul3A_3563, %reduce_sum3A_3564 [1] : vector<8x18xf32> to vector<8xf32>
    %broadcast_in_dim3A_3566 = vector.shape_cast %reduce_sum3A_3565 : vector<8xf32> to vector<8x1xf32>
    %add3A_3567 = arith.constant 2.8903718 : f32
    %add3A_3568 = vector.broadcast %add3A_3567 : f32 to vector<8x1xf32>
    %add3A_3569 = arith.addf %add3A_3568, %broadcast_in_dim3A_3566 : vector<8x1xf32>
    %div3A_3570 = arith.constant 2.8903718 : f32
    %div3A_3571 = vector.broadcast %div3A_3570 : f32 to vector<8x1xf32>
    %div3A_3572 = arith.divf %add3A_3569, %div3A_3571 : vector<8x1xf32>
    %squeeze3A_3573 = vector.shape_cast %div3A_3572 : vector<8x1xf32> to vector<8xf32>
    %swap3A_3574 = arith.constant 53 : index
    %swap3A_3575 = arith.constant 0 : index
    %swap3A_3576 = vector.load %arg2[%swap3A_3574, %swap3A_3575] : memref<64x8xf32, #tpu.memory_space<vmem>>, vector<1x8xf32>
    %swap3A_3577 = vector.shape_cast %swap3A_3576 : vector<1x8xf32> to vector<8xf32>
    %swap3A_3578 = vector.shape_cast %squeeze3A_3573 : vector<8xf32> to vector<1x8xf32>
    tpu.vector_store %arg2[%swap3A_3574, %swap3A_3575], %swap3A_3578 {strides = array<i32>} : memref<64x8xf32, #tpu.memory_space<vmem>>, vector<1x8xf32>,
    %slice3A_3579 = vector.extract_strided_slice %add3A_3302 {offsets = [6, 0], sizes = [1, 1024], strides = [1, 1]} : vector<8x1024xf32> to vector<1x1024xf32>
    %broadcast_in_dim3A_3580 = vector.shape_cast %slice3A_3579 : vector<1x1024xf32> to vector<1x1024xf32>
    %broadcast_in_dim3A_3581 = vector.broadcast %broadcast_in_dim3A_3580 : vector<1x1024xf32> to vector<18x1024xf32>
    %eq3A_3582 = arith.cmpf oeq, %broadcast_in_dim3A_3581, %convert_element_type3A : vector<18x1024xf32>
    %jit3A_3583 = arith.constant 1.000000e+00 : f32
    %jit3A_3584 = arith.constant 0.000000e+00 : f32
    %broadcast_in_dim3A_3585 = vector.broadcast %jit3A_3583 : f32 to vector<18x1024xf32>
    %broadcast_in_dim3A_3586 = vector.broadcast %jit3A_3584 : f32 to vector<18x1024xf32>
    %select_n3A_3587 = arith.select %eq3A_3582, %broadcast_in_dim3A_3585, %broadcast_in_dim3A_3586 : vector<18x1024xi1>, vector<18x1024xf32>
    %dot_general3A_3588 = arith.constant dense<0.000000e+00> : vector<9x18xf32>
    %dot_general3A_3589 = tpu.matmul %concatenate3A_3147, %select_n3A_3587, %dot_general3A_3588 {dimension_numbers = #tpu.dot_dimension_numbers<[1], [1], [0], [0], [0, 0, 1, 0], [], []>, precision = #tpu.contract_precision<fp32>, transpose_lhs_hint = false} : vector<9x1024xf32>, vector<18x1024xf32>, vector<9x18xf32> -> vector<9x18xf32>
    %slice3A_3590 = vector.extract_strided_slice %dot_general3A_3589 {offsets = [0, 0], sizes = [8, 18], strides = [1, 1]} : vector<9x18xf32> to vector<8x18xf32>
    %slice3A_3591 = vector.extract_strided_slice %dot_general3A_3589 {offsets = [8, 0], sizes = [1, 18], strides = [1, 1]} : vector<9x18xf32> to vector<1x18xf32>
    %add3A_3592 = arith.constant 9.99999971E-10 : f32
    %add3A_3593 = vector.broadcast %add3A_3592 : f32 to vector<1x18xf32>
    %add3A_3594 = arith.addf %slice3A_3591, %add3A_3593 : vector<1x18xf32>
    %div3A_3595 = vector.broadcast %add3A_3594 : vector<1x18xf32> to vector<8x18xf32>
    %div3A_3596 = arith.divf %slice3A_3590, %div3A_3595 : vector<8x18xf32>
    %reduce_sum3A_3597 = arith.constant dense<0.000000e+00> : vector<8xf32>
    %reduce_sum3A_3598 = vector.multi_reduction <add>, %div3A_3596, %reduce_sum3A_3597 [1] : vector<8x18xf32> to vector<8xf32>
    %broadcast_in_dim3A_3599 = vector.shape_cast %reduce_sum3A_3598 : vector<8xf32> to vector<8x1xf32>
    %add3A_3600 = arith.constant 9.99999971E-10 : f32
    %add3A_3601 = vector.broadcast %add3A_3600 : f32 to vector<8x1xf32>
    %add3A_3602 = arith.addf %broadcast_in_dim3A_3599, %add3A_3601 : vector<8x1xf32>
    %div3A_3603 = vector.broadcast %add3A_3602 : vector<8x1xf32> to vector<8x18xf32>
    %div3A_3604 = arith.divf %div3A_3596, %div3A_3603 : vector<8x18xf32>
    %add3A_3605 = arith.constant 9.99999971E-10 : f32
    %add3A_3606 = vector.broadcast %add3A_3605 : f32 to vector<8x18xf32>
    %add3A_3607 = arith.addf %div3A_3604, %add3A_3606 : vector<8x18xf32>
    %log3A_3608 = math.log %add3A_3607 : vector<8x18xf32>
    %mul3A_3609 = arith.mulf %div3A_3604, %log3A_3608 : vector<8x18xf32>
    %reduce_sum3A_3610 = arith.constant dense<0.000000e+00> : vector<8xf32>
    %reduce_sum3A_3611 = vector.multi_reduction <add>, %mul3A_3609, %reduce_sum3A_3610 [1] : vector<8x18xf32> to vector<8xf32>
    %broadcast_in_dim3A_3612 = vector.shape_cast %reduce_sum3A_3611 : vector<8xf32> to vector<8x1xf32>
    %add3A_3613 = arith.constant 2.8903718 : f32
    %add3A_3614 = vector.broadcast %add3A_3613 : f32 to vector<8x1xf32>
    %add3A_3615 = arith.addf %add3A_3614, %broadcast_in_dim3A_3612 : vector<8x1xf32>
    %div3A_3616 = arith.constant 2.8903718 : f32
    %div3A_3617 = vector.broadcast %div3A_3616 : f32 to vector<8x1xf32>
    %div3A_3618 = arith.divf %add3A_3615, %div3A_3617 : vector<8x1xf32>
    %squeeze3A_3619 = vector.shape_cast %div3A_3618 : vector<8x1xf32> to vector<8xf32>
    %swap3A_3620 = arith.constant 54 : index
    %swap3A_3621 = arith.constant 0 : index
    %swap3A_3622 = vector.load %arg2[%swap3A_3620, %swap3A_3621] : memref<64x8xf32, #tpu.memory_space<vmem>>, vector<1x8xf32>
    %swap3A_3623 = vector.shape_cast %swap3A_3622 : vector<1x8xf32> to vector<8xf32>
    %swap3A_3624 = vector.shape_cast %squeeze3A_3619 : vector<8xf32> to vector<1x8xf32>
    tpu.vector_store %arg2[%swap3A_3620, %swap3A_3621], %swap3A_3624 {strides = array<i32>} : memref<64x8xf32, #tpu.memory_space<vmem>>, vector<1x8xf32>,
    %slice3A_3625 = vector.extract_strided_slice %add3A_3302 {offsets = [7, 0], sizes = [1, 1024], strides = [1, 1]} : vector<8x1024xf32> to vector<1x1024xf32>
    %broadcast_in_dim3A_3626 = vector.shape_cast %slice3A_3625 : vector<1x1024xf32> to vector<1x1024xf32>
    %broadcast_in_dim3A_3627 = vector.broadcast %broadcast_in_dim3A_3626 : vector<1x1024xf32> to vector<18x1024xf32>
    %eq3A_3628 = arith.cmpf oeq, %broadcast_in_dim3A_3627, %convert_element_type3A : vector<18x1024xf32>
    %jit3A_3629 = arith.constant 1.000000e+00 : f32
    %jit3A_3630 = arith.constant 0.000000e+00 : f32
    %broadcast_in_dim3A_3631 = vector.broadcast %jit3A_3629 : f32 to vector<18x1024xf32>
    %broadcast_in_dim3A_3632 = vector.broadcast %jit3A_3630 : f32 to vector<18x1024xf32>
    %select_n3A_3633 = arith.select %eq3A_3628, %broadcast_in_dim3A_3631, %broadcast_in_dim3A_3632 : vector<18x1024xi1>, vector<18x1024xf32>
    %dot_general3A_3634 = arith.constant dense<0.000000e+00> : vector<9x18xf32>
    %dot_general3A_3635 = tpu.matmul %concatenate3A_3147, %select_n3A_3633, %dot_general3A_3634 {dimension_numbers = #tpu.dot_dimension_numbers<[1], [1], [0], [0], [0, 0, 1, 0], [], []>, precision = #tpu.contract_precision<fp32>, transpose_lhs_hint = false} : vector<9x1024xf32>, vector<18x1024xf32>, vector<9x18xf32> -> vector<9x18xf32>
    %slice3A_3636 = vector.extract_strided_slice %dot_general3A_3635 {offsets = [0, 0], sizes = [8, 18], strides = [1, 1]} : vector<9x18xf32> to vector<8x18xf32>
    %slice3A_3637 = vector.extract_strided_slice %dot_general3A_3635 {offsets = [8, 0], sizes = [1, 18], strides = [1, 1]} : vector<9x18xf32> to vector<1x18xf32>
    %add3A_3638 = arith.constant 9.99999971E-10 : f32
    %add3A_3639 = vector.broadcast %add3A_3638 : f32 to vector<1x18xf32>
    %add3A_3640 = arith.addf %slice3A_3637, %add3A_3639 : vector<1x18xf32>
    %div3A_3641 = vector.broadcast %add3A_3640 : vector<1x18xf32> to vector<8x18xf32>
    %div3A_3642 = arith.divf %slice3A_3636, %div3A_3641 : vector<8x18xf32>
    %reduce_sum3A_3643 = arith.constant dense<0.000000e+00> : vector<8xf32>
    %reduce_sum3A_3644 = vector.multi_reduction <add>, %div3A_3642, %reduce_sum3A_3643 [1] : vector<8x18xf32> to vector<8xf32>
    %broadcast_in_dim3A_3645 = vector.shape_cast %reduce_sum3A_3644 : vector<8xf32> to vector<8x1xf32>
    %add3A_3646 = arith.constant 9.99999971E-10 : f32
    %add3A_3647 = vector.broadcast %add3A_3646 : f32 to vector<8x1xf32>
    %add3A_3648 = arith.addf %broadcast_in_dim3A_3645, %add3A_3647 : vector<8x1xf32>
    %div3A_3649 = vector.broadcast %add3A_3648 : vector<8x1xf32> to vector<8x18xf32>
    %div3A_3650 = arith.divf %div3A_3642, %div3A_3649 : vector<8x18xf32>
    %add3A_3651 = arith.constant 9.99999971E-10 : f32
    %add3A_3652 = vector.broadcast %add3A_3651 : f32 to vector<8x18xf32>
    %add3A_3653 = arith.addf %div3A_3650, %add3A_3652 : vector<8x18xf32>
    %log3A_3654 = math.log %add3A_3653 : vector<8x18xf32>
    %mul3A_3655 = arith.mulf %div3A_3650, %log3A_3654 : vector<8x18xf32>
    %reduce_sum3A_3656 = arith.constant dense<0.000000e+00> : vector<8xf32>
    %reduce_sum3A_3657 = vector.multi_reduction <add>, %mul3A_3655, %reduce_sum3A_3656 [1] : vector<8x18xf32> to vector<8xf32>
    %broadcast_in_dim3A_3658 = vector.shape_cast %reduce_sum3A_3657 : vector<8xf32> to vector<8x1xf32>
    %add3A_3659 = arith.constant 2.8903718 : f32
    %add3A_3660 = vector.broadcast %add3A_3659 : f32 to vector<8x1xf32>
    %add3A_3661 = arith.addf %add3A_3660, %broadcast_in_dim3A_3658 : vector<8x1xf32>
    %div3A_3662 = arith.constant 2.8903718 : f32
    %div3A_3663 = vector.broadcast %div3A_3662 : f32 to vector<8x1xf32>
    %div3A_3664 = arith.divf %add3A_3661, %div3A_3663 : vector<8x1xf32>
    %squeeze3A_3665 = vector.shape_cast %div3A_3664 : vector<8x1xf32> to vector<8xf32>
    %swap3A_3666 = arith.constant 55 : index
    %swap3A_3667 = arith.constant 0 : index
    %swap3A_3668 = vector.load %arg2[%swap3A_3666, %swap3A_3667] : memref<64x8xf32, #tpu.memory_space<vmem>>, vector<1x8xf32>
    %swap3A_3669 = vector.shape_cast %swap3A_3668 : vector<1x8xf32> to vector<8xf32>
    %swap3A_3670 = vector.shape_cast %squeeze3A_3665 : vector<8xf32> to vector<1x8xf32>
    tpu.vector_store %arg2[%swap3A_3666, %swap3A_3667], %swap3A_3670 {strides = array<i32>} : memref<64x8xf32, #tpu.memory_space<vmem>>, vector<1x8xf32>,
    %slice3A_3671 = vector.extract_strided_slice %get3A_1 {offsets = [112, 0], sizes = [8, 1024], strides = [1, 1]} : vector<128x1024xf32> to vector<8x1024xf32>
    %slice3A_3672 = vector.extract_strided_slice %get3A_1 {offsets = [120, 0], sizes = [8, 1024], strides = [1, 1]} : vector<128x1024xf32> to vector<8x1024xf32>
    %concatenate3A_3673 = tpu.concatenate %slice3A_3672, %broadcast_in_dim3A_2 in 0 : vector<8x1024xf32>, vector<1x1024xf32> -> vector<9x1024xf32>
    %broadcast_in_dim3A_3674 = arith.constant 0.000000e+00 : f32
    %broadcast_in_dim3A_3675 = vector.broadcast %broadcast_in_dim3A_3674 : f32 to vector<8x1024xf32>
    %gt3A_3676 = arith.constant -2.79252672 : f32
    %gt3A_3677 = vector.broadcast %gt3A_3676 : f32 to vector<8x1024xf32>
    %gt3A_3678 = arith.cmpf ogt, %slice3A_3671, %gt3A_3677 : vector<8x1024xf32>
    %jit3A_3679 = arith.constant 1.000000e+00 : f32
    %jit3A_3680 = arith.constant 0.000000e+00 : f32
    %broadcast_in_dim3A_3681 = vector.broadcast %jit3A_3679 : f32 to vector<8x1024xf32>
    %broadcast_in_dim3A_3682 = vector.broadcast %jit3A_3680 : f32 to vector<8x1024xf32>
    %select_n3A_3683 = arith.select %gt3A_3678, %broadcast_in_dim3A_3681, %broadcast_in_dim3A_3682 : vector<8x1024xi1>, vector<8x1024xf32>
    %add3A_3684 = arith.addf %broadcast_in_dim3A_3675, %select_n3A_3683 : vector<8x1024xf32>
    %gt3A_3685 = arith.constant -2.44346094 : f32
    %gt3A_3686 = vector.broadcast %gt3A_3685 : f32 to vector<8x1024xf32>
    %gt3A_3687 = arith.cmpf ogt, %slice3A_3671, %gt3A_3686 : vector<8x1024xf32>
    %jit3A_3688 = arith.constant 1.000000e+00 : f32
    %jit3A_3689 = arith.constant 0.000000e+00 : f32
    %broadcast_in_dim3A_3690 = vector.broadcast %jit3A_3688 : f32 to vector<8x1024xf32>
    %broadcast_in_dim3A_3691 = vector.broadcast %jit3A_3689 : f32 to vector<8x1024xf32>
    %select_n3A_3692 = arith.select %gt3A_3687, %broadcast_in_dim3A_3690, %broadcast_in_dim3A_3691 : vector<8x1024xi1>, vector<8x1024xf32>
    %add3A_3693 = arith.addf %add3A_3684, %select_n3A_3692 : vector<8x1024xf32>
    %gt3A_3694 = arith.constant -2.09439516 : f32
    %gt3A_3695 = vector.broadcast %gt3A_3694 : f32 to vector<8x1024xf32>
    %gt3A_3696 = arith.cmpf ogt, %slice3A_3671, %gt3A_3695 : vector<8x1024xf32>
    %jit3A_3697 = arith.constant 1.000000e+00 : f32
    %jit3A_3698 = arith.constant 0.000000e+00 : f32
    %broadcast_in_dim3A_3699 = vector.broadcast %jit3A_3697 : f32 to vector<8x1024xf32>
    %broadcast_in_dim3A_3700 = vector.broadcast %jit3A_3698 : f32 to vector<8x1024xf32>
    %select_n3A_3701 = arith.select %gt3A_3696, %broadcast_in_dim3A_3699, %broadcast_in_dim3A_3700 : vector<8x1024xi1>, vector<8x1024xf32>
    %add3A_3702 = arith.addf %add3A_3693, %select_n3A_3701 : vector<8x1024xf32>
    %gt3A_3703 = arith.constant -1.74532926 : f32
    %gt3A_3704 = vector.broadcast %gt3A_3703 : f32 to vector<8x1024xf32>
    %gt3A_3705 = arith.cmpf ogt, %slice3A_3671, %gt3A_3704 : vector<8x1024xf32>
    %jit3A_3706 = arith.constant 1.000000e+00 : f32
    %jit3A_3707 = arith.constant 0.000000e+00 : f32
    %broadcast_in_dim3A_3708 = vector.broadcast %jit3A_3706 : f32 to vector<8x1024xf32>
    %broadcast_in_dim3A_3709 = vector.broadcast %jit3A_3707 : f32 to vector<8x1024xf32>
    %select_n3A_3710 = arith.select %gt3A_3705, %broadcast_in_dim3A_3708, %broadcast_in_dim3A_3709 : vector<8x1024xi1>, vector<8x1024xf32>
    %add3A_3711 = arith.addf %add3A_3702, %select_n3A_3710 : vector<8x1024xf32>
    %gt3A_3712 = arith.constant -1.39626336 : f32
    %gt3A_3713 = vector.broadcast %gt3A_3712 : f32 to vector<8x1024xf32>
    %gt3A_3714 = arith.cmpf ogt, %slice3A_3671, %gt3A_3713 : vector<8x1024xf32>
    %jit3A_3715 = arith.constant 1.000000e+00 : f32
    %jit3A_3716 = arith.constant 0.000000e+00 : f32
    %broadcast_in_dim3A_3717 = vector.broadcast %jit3A_3715 : f32 to vector<8x1024xf32>
    %broadcast_in_dim3A_3718 = vector.broadcast %jit3A_3716 : f32 to vector<8x1024xf32>
    %select_n3A_3719 = arith.select %gt3A_3714, %broadcast_in_dim3A_3717, %broadcast_in_dim3A_3718 : vector<8x1024xi1>, vector<8x1024xf32>
    %add3A_3720 = arith.addf %add3A_3711, %select_n3A_3719 : vector<8x1024xf32>
    %gt3A_3721 = arith.constant -1.04719758 : f32
    %gt3A_3722 = vector.broadcast %gt3A_3721 : f32 to vector<8x1024xf32>
    %gt3A_3723 = arith.cmpf ogt, %slice3A_3671, %gt3A_3722 : vector<8x1024xf32>
    %jit3A_3724 = arith.constant 1.000000e+00 : f32
    %jit3A_3725 = arith.constant 0.000000e+00 : f32
    %broadcast_in_dim3A_3726 = vector.broadcast %jit3A_3724 : f32 to vector<8x1024xf32>
    %broadcast_in_dim3A_3727 = vector.broadcast %jit3A_3725 : f32 to vector<8x1024xf32>
    %select_n3A_3728 = arith.select %gt3A_3723, %broadcast_in_dim3A_3726, %broadcast_in_dim3A_3727 : vector<8x1024xi1>, vector<8x1024xf32>
    %add3A_3729 = arith.addf %add3A_3720, %select_n3A_3728 : vector<8x1024xf32>
    %gt3A_3730 = arith.constant -0.69813168 : f32
    %gt3A_3731 = vector.broadcast %gt3A_3730 : f32 to vector<8x1024xf32>
    %gt3A_3732 = arith.cmpf ogt, %slice3A_3671, %gt3A_3731 : vector<8x1024xf32>
    %jit3A_3733 = arith.constant 1.000000e+00 : f32
    %jit3A_3734 = arith.constant 0.000000e+00 : f32
    %broadcast_in_dim3A_3735 = vector.broadcast %jit3A_3733 : f32 to vector<8x1024xf32>
    %broadcast_in_dim3A_3736 = vector.broadcast %jit3A_3734 : f32 to vector<8x1024xf32>
    %select_n3A_3737 = arith.select %gt3A_3732, %broadcast_in_dim3A_3735, %broadcast_in_dim3A_3736 : vector<8x1024xi1>, vector<8x1024xf32>
    %add3A_3738 = arith.addf %add3A_3729, %select_n3A_3737 : vector<8x1024xf32>
    %gt3A_3739 = arith.constant -0.34906584 : f32
    %gt3A_3740 = vector.broadcast %gt3A_3739 : f32 to vector<8x1024xf32>
    %gt3A_3741 = arith.cmpf ogt, %slice3A_3671, %gt3A_3740 : vector<8x1024xf32>
    %jit3A_3742 = arith.constant 1.000000e+00 : f32
    %jit3A_3743 = arith.constant 0.000000e+00 : f32
    %broadcast_in_dim3A_3744 = vector.broadcast %jit3A_3742 : f32 to vector<8x1024xf32>
    %broadcast_in_dim3A_3745 = vector.broadcast %jit3A_3743 : f32 to vector<8x1024xf32>
    %select_n3A_3746 = arith.select %gt3A_3741, %broadcast_in_dim3A_3744, %broadcast_in_dim3A_3745 : vector<8x1024xi1>, vector<8x1024xf32>
    %add3A_3747 = arith.addf %add3A_3738, %select_n3A_3746 : vector<8x1024xf32>
    %gt3A_3748 = arith.constant 0.000000e+00 : f32
    %gt3A_3749 = vector.broadcast %gt3A_3748 : f32 to vector<8x1024xf32>
    %gt3A_3750 = arith.cmpf ogt, %slice3A_3671, %gt3A_3749 : vector<8x1024xf32>
    %jit3A_3751 = arith.constant 1.000000e+00 : f32
    %jit3A_3752 = arith.constant 0.000000e+00 : f32
    %broadcast_in_dim3A_3753 = vector.broadcast %jit3A_3751 : f32 to vector<8x1024xf32>
    %broadcast_in_dim3A_3754 = vector.broadcast %jit3A_3752 : f32 to vector<8x1024xf32>
    %select_n3A_3755 = arith.select %gt3A_3750, %broadcast_in_dim3A_3753, %broadcast_in_dim3A_3754 : vector<8x1024xi1>, vector<8x1024xf32>
    %add3A_3756 = arith.addf %add3A_3747, %select_n3A_3755 : vector<8x1024xf32>
    %gt3A_3757 = arith.constant 0.34906584 : f32
    %gt3A_3758 = vector.broadcast %gt3A_3757 : f32 to vector<8x1024xf32>
    %gt3A_3759 = arith.cmpf ogt, %slice3A_3671, %gt3A_3758 : vector<8x1024xf32>
    %jit3A_3760 = arith.constant 1.000000e+00 : f32
    %jit3A_3761 = arith.constant 0.000000e+00 : f32
    %broadcast_in_dim3A_3762 = vector.broadcast %jit3A_3760 : f32 to vector<8x1024xf32>
    %broadcast_in_dim3A_3763 = vector.broadcast %jit3A_3761 : f32 to vector<8x1024xf32>
    %select_n3A_3764 = arith.select %gt3A_3759, %broadcast_in_dim3A_3762, %broadcast_in_dim3A_3763 : vector<8x1024xi1>, vector<8x1024xf32>
    %add3A_3765 = arith.addf %add3A_3756, %select_n3A_3764 : vector<8x1024xf32>
    %gt3A_3766 = arith.constant 0.69813168 : f32
    %gt3A_3767 = vector.broadcast %gt3A_3766 : f32 to vector<8x1024xf32>
    %gt3A_3768 = arith.cmpf ogt, %slice3A_3671, %gt3A_3767 : vector<8x1024xf32>
    %jit3A_3769 = arith.constant 1.000000e+00 : f32
    %jit3A_3770 = arith.constant 0.000000e+00 : f32
    %broadcast_in_dim3A_3771 = vector.broadcast %jit3A_3769 : f32 to vector<8x1024xf32>
    %broadcast_in_dim3A_3772 = vector.broadcast %jit3A_3770 : f32 to vector<8x1024xf32>
    %select_n3A_3773 = arith.select %gt3A_3768, %broadcast_in_dim3A_3771, %broadcast_in_dim3A_3772 : vector<8x1024xi1>, vector<8x1024xf32>
    %add3A_3774 = arith.addf %add3A_3765, %select_n3A_3773 : vector<8x1024xf32>
    %gt3A_3775 = arith.constant 1.04719758 : f32
    %gt3A_3776 = vector.broadcast %gt3A_3775 : f32 to vector<8x1024xf32>
    %gt3A_3777 = arith.cmpf ogt, %slice3A_3671, %gt3A_3776 : vector<8x1024xf32>
    %jit3A_3778 = arith.constant 1.000000e+00 : f32
    %jit3A_3779 = arith.constant 0.000000e+00 : f32
    %broadcast_in_dim3A_3780 = vector.broadcast %jit3A_3778 : f32 to vector<8x1024xf32>
    %broadcast_in_dim3A_3781 = vector.broadcast %jit3A_3779 : f32 to vector<8x1024xf32>
    %select_n3A_3782 = arith.select %gt3A_3777, %broadcast_in_dim3A_3780, %broadcast_in_dim3A_3781 : vector<8x1024xi1>, vector<8x1024xf32>
    %add3A_3783 = arith.addf %add3A_3774, %select_n3A_3782 : vector<8x1024xf32>
    %gt3A_3784 = arith.constant 1.39626336 : f32
    %gt3A_3785 = vector.broadcast %gt3A_3784 : f32 to vector<8x1024xf32>
    %gt3A_3786 = arith.cmpf ogt, %slice3A_3671, %gt3A_3785 : vector<8x1024xf32>
    %jit3A_3787 = arith.constant 1.000000e+00 : f32
    %jit3A_3788 = arith.constant 0.000000e+00 : f32
    %broadcast_in_dim3A_3789 = vector.broadcast %jit3A_3787 : f32 to vector<8x1024xf32>
    %broadcast_in_dim3A_3790 = vector.broadcast %jit3A_3788 : f32 to vector<8x1024xf32>
    %select_n3A_3791 = arith.select %gt3A_3786, %broadcast_in_dim3A_3789, %broadcast_in_dim3A_3790 : vector<8x1024xi1>, vector<8x1024xf32>
    %add3A_3792 = arith.addf %add3A_3783, %select_n3A_3791 : vector<8x1024xf32>
    %gt3A_3793 = arith.constant 1.74532926 : f32
    %gt3A_3794 = vector.broadcast %gt3A_3793 : f32 to vector<8x1024xf32>
    %gt3A_3795 = arith.cmpf ogt, %slice3A_3671, %gt3A_3794 : vector<8x1024xf32>
    %jit3A_3796 = arith.constant 1.000000e+00 : f32
    %jit3A_3797 = arith.constant 0.000000e+00 : f32
    %broadcast_in_dim3A_3798 = vector.broadcast %jit3A_3796 : f32 to vector<8x1024xf32>
    %broadcast_in_dim3A_3799 = vector.broadcast %jit3A_3797 : f32 to vector<8x1024xf32>
    %select_n3A_3800 = arith.select %gt3A_3795, %broadcast_in_dim3A_3798, %broadcast_in_dim3A_3799 : vector<8x1024xi1>, vector<8x1024xf32>
    %add3A_3801 = arith.addf %add3A_3792, %select_n3A_3800 : vector<8x1024xf32>
    %gt3A_3802 = arith.constant 2.09439516 : f32
    %gt3A_3803 = vector.broadcast %gt3A_3802 : f32 to vector<8x1024xf32>
    %gt3A_3804 = arith.cmpf ogt, %slice3A_3671, %gt3A_3803 : vector<8x1024xf32>
    %jit3A_3805 = arith.constant 1.000000e+00 : f32
    %jit3A_3806 = arith.constant 0.000000e+00 : f32
    %broadcast_in_dim3A_3807 = vector.broadcast %jit3A_3805 : f32 to vector<8x1024xf32>
    %broadcast_in_dim3A_3808 = vector.broadcast %jit3A_3806 : f32 to vector<8x1024xf32>
    %select_n3A_3809 = arith.select %gt3A_3804, %broadcast_in_dim3A_3807, %broadcast_in_dim3A_3808 : vector<8x1024xi1>, vector<8x1024xf32>
    %add3A_3810 = arith.addf %add3A_3801, %select_n3A_3809 : vector<8x1024xf32>
    %gt3A_3811 = arith.constant 2.44346094 : f32
    %gt3A_3812 = vector.broadcast %gt3A_3811 : f32 to vector<8x1024xf32>
    %gt3A_3813 = arith.cmpf ogt, %slice3A_3671, %gt3A_3812 : vector<8x1024xf32>
    %jit3A_3814 = arith.constant 1.000000e+00 : f32
    %jit3A_3815 = arith.constant 0.000000e+00 : f32
    %broadcast_in_dim3A_3816 = vector.broadcast %jit3A_3814 : f32 to vector<8x1024xf32>
    %broadcast_in_dim3A_3817 = vector.broadcast %jit3A_3815 : f32 to vector<8x1024xf32>
    %select_n3A_3818 = arith.select %gt3A_3813, %broadcast_in_dim3A_3816, %broadcast_in_dim3A_3817 : vector<8x1024xi1>, vector<8x1024xf32>
    %add3A_3819 = arith.addf %add3A_3810, %select_n3A_3818 : vector<8x1024xf32>
    %gt3A_3820 = arith.constant 2.79252672 : f32
    %gt3A_3821 = vector.broadcast %gt3A_3820 : f32 to vector<8x1024xf32>
    %gt3A_3822 = arith.cmpf ogt, %slice3A_3671, %gt3A_3821 : vector<8x1024xf32>
    %jit3A_3823 = arith.constant 1.000000e+00 : f32
    %jit3A_3824 = arith.constant 0.000000e+00 : f32
    %broadcast_in_dim3A_3825 = vector.broadcast %jit3A_3823 : f32 to vector<8x1024xf32>
    %broadcast_in_dim3A_3826 = vector.broadcast %jit3A_3824 : f32 to vector<8x1024xf32>
    %select_n3A_3827 = arith.select %gt3A_3822, %broadcast_in_dim3A_3825, %broadcast_in_dim3A_3826 : vector<8x1024xi1>, vector<8x1024xf32>
    %add3A_3828 = arith.addf %add3A_3819, %select_n3A_3827 : vector<8x1024xf32>
    %slice3A_3829 = vector.extract_strided_slice %add3A_3828 {offsets = [0, 0], sizes = [1, 1024], strides = [1, 1]} : vector<8x1024xf32> to vector<1x1024xf32>
    %broadcast_in_dim3A_3830 = vector.shape_cast %slice3A_3829 : vector<1x1024xf32> to vector<1x1024xf32>
    %broadcast_in_dim3A_3831 = vector.broadcast %broadcast_in_dim3A_3830 : vector<1x1024xf32> to vector<18x1024xf32>
    %eq3A_3832 = arith.cmpf oeq, %broadcast_in_dim3A_3831, %convert_element_type3A : vector<18x1024xf32>
    %jit3A_3833 = arith.constant 1.000000e+00 : f32
    %jit3A_3834 = arith.constant 0.000000e+00 : f32
    %broadcast_in_dim3A_3835 = vector.broadcast %jit3A_3833 : f32 to vector<18x1024xf32>
    %broadcast_in_dim3A_3836 = vector.broadcast %jit3A_3834 : f32 to vector<18x1024xf32>
    %select_n3A_3837 = arith.select %eq3A_3832, %broadcast_in_dim3A_3835, %broadcast_in_dim3A_3836 : vector<18x1024xi1>, vector<18x1024xf32>
    %dot_general3A_3838 = arith.constant dense<0.000000e+00> : vector<9x18xf32>
    %dot_general3A_3839 = tpu.matmul %concatenate3A_3673, %select_n3A_3837, %dot_general3A_3838 {dimension_numbers = #tpu.dot_dimension_numbers<[1], [1], [0], [0], [0, 0, 1, 0], [], []>, precision = #tpu.contract_precision<fp32>, transpose_lhs_hint = false} : vector<9x1024xf32>, vector<18x1024xf32>, vector<9x18xf32> -> vector<9x18xf32>
    %slice3A_3840 = vector.extract_strided_slice %dot_general3A_3839 {offsets = [0, 0], sizes = [8, 18], strides = [1, 1]} : vector<9x18xf32> to vector<8x18xf32>
    %slice3A_3841 = vector.extract_strided_slice %dot_general3A_3839 {offsets = [8, 0], sizes = [1, 18], strides = [1, 1]} : vector<9x18xf32> to vector<1x18xf32>
    %add3A_3842 = arith.constant 9.99999971E-10 : f32
    %add3A_3843 = vector.broadcast %add3A_3842 : f32 to vector<1x18xf32>
    %add3A_3844 = arith.addf %slice3A_3841, %add3A_3843 : vector<1x18xf32>
    %div3A_3845 = vector.broadcast %add3A_3844 : vector<1x18xf32> to vector<8x18xf32>
    %div3A_3846 = arith.divf %slice3A_3840, %div3A_3845 : vector<8x18xf32>
    %reduce_sum3A_3847 = arith.constant dense<0.000000e+00> : vector<8xf32>
    %reduce_sum3A_3848 = vector.multi_reduction <add>, %div3A_3846, %reduce_sum3A_3847 [1] : vector<8x18xf32> to vector<8xf32>
    %broadcast_in_dim3A_3849 = vector.shape_cast %reduce_sum3A_3848 : vector<8xf32> to vector<8x1xf32>
    %add3A_3850 = arith.constant 9.99999971E-10 : f32
    %add3A_3851 = vector.broadcast %add3A_3850 : f32 to vector<8x1xf32>
    %add3A_3852 = arith.addf %broadcast_in_dim3A_3849, %add3A_3851 : vector<8x1xf32>
    %div3A_3853 = vector.broadcast %add3A_3852 : vector<8x1xf32> to vector<8x18xf32>
    %div3A_3854 = arith.divf %div3A_3846, %div3A_3853 : vector<8x18xf32>
    %add3A_3855 = arith.constant 9.99999971E-10 : f32
    %add3A_3856 = vector.broadcast %add3A_3855 : f32 to vector<8x18xf32>
    %add3A_3857 = arith.addf %div3A_3854, %add3A_3856 : vector<8x18xf32>
    %log3A_3858 = math.log %add3A_3857 : vector<8x18xf32>
    %mul3A_3859 = arith.mulf %div3A_3854, %log3A_3858 : vector<8x18xf32>
    %reduce_sum3A_3860 = arith.constant dense<0.000000e+00> : vector<8xf32>
    %reduce_sum3A_3861 = vector.multi_reduction <add>, %mul3A_3859, %reduce_sum3A_3860 [1] : vector<8x18xf32> to vector<8xf32>
    %broadcast_in_dim3A_3862 = vector.shape_cast %reduce_sum3A_3861 : vector<8xf32> to vector<8x1xf32>
    %add3A_3863 = arith.constant 2.8903718 : f32
    %add3A_3864 = vector.broadcast %add3A_3863 : f32 to vector<8x1xf32>
    %add3A_3865 = arith.addf %add3A_3864, %broadcast_in_dim3A_3862 : vector<8x1xf32>
    %div3A_3866 = arith.constant 2.8903718 : f32
    %div3A_3867 = vector.broadcast %div3A_3866 : f32 to vector<8x1xf32>
    %div3A_3868 = arith.divf %add3A_3865, %div3A_3867 : vector<8x1xf32>
    %squeeze3A_3869 = vector.shape_cast %div3A_3868 : vector<8x1xf32> to vector<8xf32>
    %swap3A_3870 = arith.constant 56 : index
    %swap3A_3871 = arith.constant 0 : index
    %swap3A_3872 = vector.load %arg2[%swap3A_3870, %swap3A_3871] : memref<64x8xf32, #tpu.memory_space<vmem>>, vector<1x8xf32>
    %swap3A_3873 = vector.shape_cast %swap3A_3872 : vector<1x8xf32> to vector<8xf32>
    %swap3A_3874 = vector.shape_cast %squeeze3A_3869 : vector<8xf32> to vector<1x8xf32>
    tpu.vector_store %arg2[%swap3A_3870, %swap3A_3871], %swap3A_3874 {strides = array<i32>} : memref<64x8xf32, #tpu.memory_space<vmem>>, vector<1x8xf32>,
    %slice3A_3875 = vector.extract_strided_slice %add3A_3828 {offsets = [1, 0], sizes = [1, 1024], strides = [1, 1]} : vector<8x1024xf32> to vector<1x1024xf32>
    %broadcast_in_dim3A_3876 = vector.shape_cast %slice3A_3875 : vector<1x1024xf32> to vector<1x1024xf32>
    %broadcast_in_dim3A_3877 = vector.broadcast %broadcast_in_dim3A_3876 : vector<1x1024xf32> to vector<18x1024xf32>
    %eq3A_3878 = arith.cmpf oeq, %broadcast_in_dim3A_3877, %convert_element_type3A : vector<18x1024xf32>
    %jit3A_3879 = arith.constant 1.000000e+00 : f32
    %jit3A_3880 = arith.constant 0.000000e+00 : f32
    %broadcast_in_dim3A_3881 = vector.broadcast %jit3A_3879 : f32 to vector<18x1024xf32>
    %broadcast_in_dim3A_3882 = vector.broadcast %jit3A_3880 : f32 to vector<18x1024xf32>
    %select_n3A_3883 = arith.select %eq3A_3878, %broadcast_in_dim3A_3881, %broadcast_in_dim3A_3882 : vector<18x1024xi1>, vector<18x1024xf32>
    %dot_general3A_3884 = arith.constant dense<0.000000e+00> : vector<9x18xf32>
    %dot_general3A_3885 = tpu.matmul %concatenate3A_3673, %select_n3A_3883, %dot_general3A_3884 {dimension_numbers = #tpu.dot_dimension_numbers<[1], [1], [0], [0], [0, 0, 1, 0], [], []>, precision = #tpu.contract_precision<fp32>, transpose_lhs_hint = false} : vector<9x1024xf32>, vector<18x1024xf32>, vector<9x18xf32> -> vector<9x18xf32>
    %slice3A_3886 = vector.extract_strided_slice %dot_general3A_3885 {offsets = [0, 0], sizes = [8, 18], strides = [1, 1]} : vector<9x18xf32> to vector<8x18xf32>
    %slice3A_3887 = vector.extract_strided_slice %dot_general3A_3885 {offsets = [8, 0], sizes = [1, 18], strides = [1, 1]} : vector<9x18xf32> to vector<1x18xf32>
    %add3A_3888 = arith.constant 9.99999971E-10 : f32
    %add3A_3889 = vector.broadcast %add3A_3888 : f32 to vector<1x18xf32>
    %add3A_3890 = arith.addf %slice3A_3887, %add3A_3889 : vector<1x18xf32>
    %div3A_3891 = vector.broadcast %add3A_3890 : vector<1x18xf32> to vector<8x18xf32>
    %div3A_3892 = arith.divf %slice3A_3886, %div3A_3891 : vector<8x18xf32>
    %reduce_sum3A_3893 = arith.constant dense<0.000000e+00> : vector<8xf32>
    %reduce_sum3A_3894 = vector.multi_reduction <add>, %div3A_3892, %reduce_sum3A_3893 [1] : vector<8x18xf32> to vector<8xf32>
    %broadcast_in_dim3A_3895 = vector.shape_cast %reduce_sum3A_3894 : vector<8xf32> to vector<8x1xf32>
    %add3A_3896 = arith.constant 9.99999971E-10 : f32
    %add3A_3897 = vector.broadcast %add3A_3896 : f32 to vector<8x1xf32>
    %add3A_3898 = arith.addf %broadcast_in_dim3A_3895, %add3A_3897 : vector<8x1xf32>
    %div3A_3899 = vector.broadcast %add3A_3898 : vector<8x1xf32> to vector<8x18xf32>
    %div3A_3900 = arith.divf %div3A_3892, %div3A_3899 : vector<8x18xf32>
    %add3A_3901 = arith.constant 9.99999971E-10 : f32
    %add3A_3902 = vector.broadcast %add3A_3901 : f32 to vector<8x18xf32>
    %add3A_3903 = arith.addf %div3A_3900, %add3A_3902 : vector<8x18xf32>
    %log3A_3904 = math.log %add3A_3903 : vector<8x18xf32>
    %mul3A_3905 = arith.mulf %div3A_3900, %log3A_3904 : vector<8x18xf32>
    %reduce_sum3A_3906 = arith.constant dense<0.000000e+00> : vector<8xf32>
    %reduce_sum3A_3907 = vector.multi_reduction <add>, %mul3A_3905, %reduce_sum3A_3906 [1] : vector<8x18xf32> to vector<8xf32>
    %broadcast_in_dim3A_3908 = vector.shape_cast %reduce_sum3A_3907 : vector<8xf32> to vector<8x1xf32>
    %add3A_3909 = arith.constant 2.8903718 : f32
    %add3A_3910 = vector.broadcast %add3A_3909 : f32 to vector<8x1xf32>
    %add3A_3911 = arith.addf %add3A_3910, %broadcast_in_dim3A_3908 : vector<8x1xf32>
    %div3A_3912 = arith.constant 2.8903718 : f32
    %div3A_3913 = vector.broadcast %div3A_3912 : f32 to vector<8x1xf32>
    %div3A_3914 = arith.divf %add3A_3911, %div3A_3913 : vector<8x1xf32>
    %squeeze3A_3915 = vector.shape_cast %div3A_3914 : vector<8x1xf32> to vector<8xf32>
    %swap3A_3916 = arith.constant 57 : index
    %swap3A_3917 = arith.constant 0 : index
    %swap3A_3918 = vector.load %arg2[%swap3A_3916, %swap3A_3917] : memref<64x8xf32, #tpu.memory_space<vmem>>, vector<1x8xf32>
    %swap3A_3919 = vector.shape_cast %swap3A_3918 : vector<1x8xf32> to vector<8xf32>
    %swap3A_3920 = vector.shape_cast %squeeze3A_3915 : vector<8xf32> to vector<1x8xf32>
    tpu.vector_store %arg2[%swap3A_3916, %swap3A_3917], %swap3A_3920 {strides = array<i32>} : memref<64x8xf32, #tpu.memory_space<vmem>>, vector<1x8xf32>,
    %slice3A_3921 = vector.extract_strided_slice %add3A_3828 {offsets = [2, 0], sizes = [1, 1024], strides = [1, 1]} : vector<8x1024xf32> to vector<1x1024xf32>
    %broadcast_in_dim3A_3922 = vector.shape_cast %slice3A_3921 : vector<1x1024xf32> to vector<1x1024xf32>
    %broadcast_in_dim3A_3923 = vector.broadcast %broadcast_in_dim3A_3922 : vector<1x1024xf32> to vector<18x1024xf32>
    %eq3A_3924 = arith.cmpf oeq, %broadcast_in_dim3A_3923, %convert_element_type3A : vector<18x1024xf32>
    %jit3A_3925 = arith.constant 1.000000e+00 : f32
    %jit3A_3926 = arith.constant 0.000000e+00 : f32
    %broadcast_in_dim3A_3927 = vector.broadcast %jit3A_3925 : f32 to vector<18x1024xf32>
    %broadcast_in_dim3A_3928 = vector.broadcast %jit3A_3926 : f32 to vector<18x1024xf32>
    %select_n3A_3929 = arith.select %eq3A_3924, %broadcast_in_dim3A_3927, %broadcast_in_dim3A_3928 : vector<18x1024xi1>, vector<18x1024xf32>
    %dot_general3A_3930 = arith.constant dense<0.000000e+00> : vector<9x18xf32>
    %dot_general3A_3931 = tpu.matmul %concatenate3A_3673, %select_n3A_3929, %dot_general3A_3930 {dimension_numbers = #tpu.dot_dimension_numbers<[1], [1], [0], [0], [0, 0, 1, 0], [], []>, precision = #tpu.contract_precision<fp32>, transpose_lhs_hint = false} : vector<9x1024xf32>, vector<18x1024xf32>, vector<9x18xf32> -> vector<9x18xf32>
    %slice3A_3932 = vector.extract_strided_slice %dot_general3A_3931 {offsets = [0, 0], sizes = [8, 18], strides = [1, 1]} : vector<9x18xf32> to vector<8x18xf32>
    %slice3A_3933 = vector.extract_strided_slice %dot_general3A_3931 {offsets = [8, 0], sizes = [1, 18], strides = [1, 1]} : vector<9x18xf32> to vector<1x18xf32>
    %add3A_3934 = arith.constant 9.99999971E-10 : f32
    %add3A_3935 = vector.broadcast %add3A_3934 : f32 to vector<1x18xf32>
    %add3A_3936 = arith.addf %slice3A_3933, %add3A_3935 : vector<1x18xf32>
    %div3A_3937 = vector.broadcast %add3A_3936 : vector<1x18xf32> to vector<8x18xf32>
    %div3A_3938 = arith.divf %slice3A_3932, %div3A_3937 : vector<8x18xf32>
    %reduce_sum3A_3939 = arith.constant dense<0.000000e+00> : vector<8xf32>
    %reduce_sum3A_3940 = vector.multi_reduction <add>, %div3A_3938, %reduce_sum3A_3939 [1] : vector<8x18xf32> to vector<8xf32>
    %broadcast_in_dim3A_3941 = vector.shape_cast %reduce_sum3A_3940 : vector<8xf32> to vector<8x1xf32>
    %add3A_3942 = arith.constant 9.99999971E-10 : f32
    %add3A_3943 = vector.broadcast %add3A_3942 : f32 to vector<8x1xf32>
    %add3A_3944 = arith.addf %broadcast_in_dim3A_3941, %add3A_3943 : vector<8x1xf32>
    %div3A_3945 = vector.broadcast %add3A_3944 : vector<8x1xf32> to vector<8x18xf32>
    %div3A_3946 = arith.divf %div3A_3938, %div3A_3945 : vector<8x18xf32>
    %add3A_3947 = arith.constant 9.99999971E-10 : f32
    %add3A_3948 = vector.broadcast %add3A_3947 : f32 to vector<8x18xf32>
    %add3A_3949 = arith.addf %div3A_3946, %add3A_3948 : vector<8x18xf32>
    %log3A_3950 = math.log %add3A_3949 : vector<8x18xf32>
    %mul3A_3951 = arith.mulf %div3A_3946, %log3A_3950 : vector<8x18xf32>
    %reduce_sum3A_3952 = arith.constant dense<0.000000e+00> : vector<8xf32>
    %reduce_sum3A_3953 = vector.multi_reduction <add>, %mul3A_3951, %reduce_sum3A_3952 [1] : vector<8x18xf32> to vector<8xf32>
    %broadcast_in_dim3A_3954 = vector.shape_cast %reduce_sum3A_3953 : vector<8xf32> to vector<8x1xf32>
    %add3A_3955 = arith.constant 2.8903718 : f32
    %add3A_3956 = vector.broadcast %add3A_3955 : f32 to vector<8x1xf32>
    %add3A_3957 = arith.addf %add3A_3956, %broadcast_in_dim3A_3954 : vector<8x1xf32>
    %div3A_3958 = arith.constant 2.8903718 : f32
    %div3A_3959 = vector.broadcast %div3A_3958 : f32 to vector<8x1xf32>
    %div3A_3960 = arith.divf %add3A_3957, %div3A_3959 : vector<8x1xf32>
    %squeeze3A_3961 = vector.shape_cast %div3A_3960 : vector<8x1xf32> to vector<8xf32>
    %swap3A_3962 = arith.constant 58 : index
    %swap3A_3963 = arith.constant 0 : index
    %swap3A_3964 = vector.load %arg2[%swap3A_3962, %swap3A_3963] : memref<64x8xf32, #tpu.memory_space<vmem>>, vector<1x8xf32>
    %swap3A_3965 = vector.shape_cast %swap3A_3964 : vector<1x8xf32> to vector<8xf32>
    %swap3A_3966 = vector.shape_cast %squeeze3A_3961 : vector<8xf32> to vector<1x8xf32>
    tpu.vector_store %arg2[%swap3A_3962, %swap3A_3963], %swap3A_3966 {strides = array<i32>} : memref<64x8xf32, #tpu.memory_space<vmem>>, vector<1x8xf32>,
    %slice3A_3967 = vector.extract_strided_slice %add3A_3828 {offsets = [3, 0], sizes = [1, 1024], strides = [1, 1]} : vector<8x1024xf32> to vector<1x1024xf32>
    %broadcast_in_dim3A_3968 = vector.shape_cast %slice3A_3967 : vector<1x1024xf32> to vector<1x1024xf32>
    %broadcast_in_dim3A_3969 = vector.broadcast %broadcast_in_dim3A_3968 : vector<1x1024xf32> to vector<18x1024xf32>
    %eq3A_3970 = arith.cmpf oeq, %broadcast_in_dim3A_3969, %convert_element_type3A : vector<18x1024xf32>
    %jit3A_3971 = arith.constant 1.000000e+00 : f32
    %jit3A_3972 = arith.constant 0.000000e+00 : f32
    %broadcast_in_dim3A_3973 = vector.broadcast %jit3A_3971 : f32 to vector<18x1024xf32>
    %broadcast_in_dim3A_3974 = vector.broadcast %jit3A_3972 : f32 to vector<18x1024xf32>
    %select_n3A_3975 = arith.select %eq3A_3970, %broadcast_in_dim3A_3973, %broadcast_in_dim3A_3974 : vector<18x1024xi1>, vector<18x1024xf32>
    %dot_general3A_3976 = arith.constant dense<0.000000e+00> : vector<9x18xf32>
    %dot_general3A_3977 = tpu.matmul %concatenate3A_3673, %select_n3A_3975, %dot_general3A_3976 {dimension_numbers = #tpu.dot_dimension_numbers<[1], [1], [0], [0], [0, 0, 1, 0], [], []>, precision = #tpu.contract_precision<fp32>, transpose_lhs_hint = false} : vector<9x1024xf32>, vector<18x1024xf32>, vector<9x18xf32> -> vector<9x18xf32>
    %slice3A_3978 = vector.extract_strided_slice %dot_general3A_3977 {offsets = [0, 0], sizes = [8, 18], strides = [1, 1]} : vector<9x18xf32> to vector<8x18xf32>
    %slice3A_3979 = vector.extract_strided_slice %dot_general3A_3977 {offsets = [8, 0], sizes = [1, 18], strides = [1, 1]} : vector<9x18xf32> to vector<1x18xf32>
    %add3A_3980 = arith.constant 9.99999971E-10 : f32
    %add3A_3981 = vector.broadcast %add3A_3980 : f32 to vector<1x18xf32>
    %add3A_3982 = arith.addf %slice3A_3979, %add3A_3981 : vector<1x18xf32>
    %div3A_3983 = vector.broadcast %add3A_3982 : vector<1x18xf32> to vector<8x18xf32>
    %div3A_3984 = arith.divf %slice3A_3978, %div3A_3983 : vector<8x18xf32>
    %reduce_sum3A_3985 = arith.constant dense<0.000000e+00> : vector<8xf32>
    %reduce_sum3A_3986 = vector.multi_reduction <add>, %div3A_3984, %reduce_sum3A_3985 [1] : vector<8x18xf32> to vector<8xf32>
    %broadcast_in_dim3A_3987 = vector.shape_cast %reduce_sum3A_3986 : vector<8xf32> to vector<8x1xf32>
    %add3A_3988 = arith.constant 9.99999971E-10 : f32
    %add3A_3989 = vector.broadcast %add3A_3988 : f32 to vector<8x1xf32>
    %add3A_3990 = arith.addf %broadcast_in_dim3A_3987, %add3A_3989 : vector<8x1xf32>
    %div3A_3991 = vector.broadcast %add3A_3990 : vector<8x1xf32> to vector<8x18xf32>
    %div3A_3992 = arith.divf %div3A_3984, %div3A_3991 : vector<8x18xf32>
    %add3A_3993 = arith.constant 9.99999971E-10 : f32
    %add3A_3994 = vector.broadcast %add3A_3993 : f32 to vector<8x18xf32>
    %add3A_3995 = arith.addf %div3A_3992, %add3A_3994 : vector<8x18xf32>
    %log3A_3996 = math.log %add3A_3995 : vector<8x18xf32>
    %mul3A_3997 = arith.mulf %div3A_3992, %log3A_3996 : vector<8x18xf32>
    %reduce_sum3A_3998 = arith.constant dense<0.000000e+00> : vector<8xf32>
    %reduce_sum3A_3999 = vector.multi_reduction <add>, %mul3A_3997, %reduce_sum3A_3998 [1] : vector<8x18xf32> to vector<8xf32>
    %broadcast_in_dim3A_4000 = vector.shape_cast %reduce_sum3A_3999 : vector<8xf32> to vector<8x1xf32>
    %add3A_4001 = arith.constant 2.8903718 : f32
    %add3A_4002 = vector.broadcast %add3A_4001 : f32 to vector<8x1xf32>
    %add3A_4003 = arith.addf %add3A_4002, %broadcast_in_dim3A_4000 : vector<8x1xf32>
    %div3A_4004 = arith.constant 2.8903718 : f32
    %div3A_4005 = vector.broadcast %div3A_4004 : f32 to vector<8x1xf32>
    %div3A_4006 = arith.divf %add3A_4003, %div3A_4005 : vector<8x1xf32>
    %squeeze3A_4007 = vector.shape_cast %div3A_4006 : vector<8x1xf32> to vector<8xf32>
    %swap3A_4008 = arith.constant 59 : index
    %swap3A_4009 = arith.constant 0 : index
    %swap3A_4010 = vector.load %arg2[%swap3A_4008, %swap3A_4009] : memref<64x8xf32, #tpu.memory_space<vmem>>, vector<1x8xf32>
    %swap3A_4011 = vector.shape_cast %swap3A_4010 : vector<1x8xf32> to vector<8xf32>
    %swap3A_4012 = vector.shape_cast %squeeze3A_4007 : vector<8xf32> to vector<1x8xf32>
    tpu.vector_store %arg2[%swap3A_4008, %swap3A_4009], %swap3A_4012 {strides = array<i32>} : memref<64x8xf32, #tpu.memory_space<vmem>>, vector<1x8xf32>,
    %slice3A_4013 = vector.extract_strided_slice %add3A_3828 {offsets = [4, 0], sizes = [1, 1024], strides = [1, 1]} : vector<8x1024xf32> to vector<1x1024xf32>
    %broadcast_in_dim3A_4014 = vector.shape_cast %slice3A_4013 : vector<1x1024xf32> to vector<1x1024xf32>
    %broadcast_in_dim3A_4015 = vector.broadcast %broadcast_in_dim3A_4014 : vector<1x1024xf32> to vector<18x1024xf32>
    %eq3A_4016 = arith.cmpf oeq, %broadcast_in_dim3A_4015, %convert_element_type3A : vector<18x1024xf32>
    %jit3A_4017 = arith.constant 1.000000e+00 : f32
    %jit3A_4018 = arith.constant 0.000000e+00 : f32
    %broadcast_in_dim3A_4019 = vector.broadcast %jit3A_4017 : f32 to vector<18x1024xf32>
    %broadcast_in_dim3A_4020 = vector.broadcast %jit3A_4018 : f32 to vector<18x1024xf32>
    %select_n3A_4021 = arith.select %eq3A_4016, %broadcast_in_dim3A_4019, %broadcast_in_dim3A_4020 : vector<18x1024xi1>, vector<18x1024xf32>
    %dot_general3A_4022 = arith.constant dense<0.000000e+00> : vector<9x18xf32>
    %dot_general3A_4023 = tpu.matmul %concatenate3A_3673, %select_n3A_4021, %dot_general3A_4022 {dimension_numbers = #tpu.dot_dimension_numbers<[1], [1], [0], [0], [0, 0, 1, 0], [], []>, precision = #tpu.contract_precision<fp32>, transpose_lhs_hint = false} : vector<9x1024xf32>, vector<18x1024xf32>, vector<9x18xf32> -> vector<9x18xf32>
    %slice3A_4024 = vector.extract_strided_slice %dot_general3A_4023 {offsets = [0, 0], sizes = [8, 18], strides = [1, 1]} : vector<9x18xf32> to vector<8x18xf32>
    %slice3A_4025 = vector.extract_strided_slice %dot_general3A_4023 {offsets = [8, 0], sizes = [1, 18], strides = [1, 1]} : vector<9x18xf32> to vector<1x18xf32>
    %add3A_4026 = arith.constant 9.99999971E-10 : f32
    %add3A_4027 = vector.broadcast %add3A_4026 : f32 to vector<1x18xf32>
    %add3A_4028 = arith.addf %slice3A_4025, %add3A_4027 : vector<1x18xf32>
    %div3A_4029 = vector.broadcast %add3A_4028 : vector<1x18xf32> to vector<8x18xf32>
    %div3A_4030 = arith.divf %slice3A_4024, %div3A_4029 : vector<8x18xf32>
    %reduce_sum3A_4031 = arith.constant dense<0.000000e+00> : vector<8xf32>
    %reduce_sum3A_4032 = vector.multi_reduction <add>, %div3A_4030, %reduce_sum3A_4031 [1] : vector<8x18xf32> to vector<8xf32>
    %broadcast_in_dim3A_4033 = vector.shape_cast %reduce_sum3A_4032 : vector<8xf32> to vector<8x1xf32>
    %add3A_4034 = arith.constant 9.99999971E-10 : f32
    %add3A_4035 = vector.broadcast %add3A_4034 : f32 to vector<8x1xf32>
    %add3A_4036 = arith.addf %broadcast_in_dim3A_4033, %add3A_4035 : vector<8x1xf32>
    %div3A_4037 = vector.broadcast %add3A_4036 : vector<8x1xf32> to vector<8x18xf32>
    %div3A_4038 = arith.divf %div3A_4030, %div3A_4037 : vector<8x18xf32>
    %add3A_4039 = arith.constant 9.99999971E-10 : f32
    %add3A_4040 = vector.broadcast %add3A_4039 : f32 to vector<8x18xf32>
    %add3A_4041 = arith.addf %div3A_4038, %add3A_4040 : vector<8x18xf32>
    %log3A_4042 = math.log %add3A_4041 : vector<8x18xf32>
    %mul3A_4043 = arith.mulf %div3A_4038, %log3A_4042 : vector<8x18xf32>
    %reduce_sum3A_4044 = arith.constant dense<0.000000e+00> : vector<8xf32>
    %reduce_sum3A_4045 = vector.multi_reduction <add>, %mul3A_4043, %reduce_sum3A_4044 [1] : vector<8x18xf32> to vector<8xf32>
    %broadcast_in_dim3A_4046 = vector.shape_cast %reduce_sum3A_4045 : vector<8xf32> to vector<8x1xf32>
    %add3A_4047 = arith.constant 2.8903718 : f32
    %add3A_4048 = vector.broadcast %add3A_4047 : f32 to vector<8x1xf32>
    %add3A_4049 = arith.addf %add3A_4048, %broadcast_in_dim3A_4046 : vector<8x1xf32>
    %div3A_4050 = arith.constant 2.8903718 : f32
    %div3A_4051 = vector.broadcast %div3A_4050 : f32 to vector<8x1xf32>
    %div3A_4052 = arith.divf %add3A_4049, %div3A_4051 : vector<8x1xf32>
    %squeeze3A_4053 = vector.shape_cast %div3A_4052 : vector<8x1xf32> to vector<8xf32>
    %swap3A_4054 = arith.constant 60 : index
    %swap3A_4055 = arith.constant 0 : index
    %swap3A_4056 = vector.load %arg2[%swap3A_4054, %swap3A_4055] : memref<64x8xf32, #tpu.memory_space<vmem>>, vector<1x8xf32>
    %swap3A_4057 = vector.shape_cast %swap3A_4056 : vector<1x8xf32> to vector<8xf32>
    %swap3A_4058 = vector.shape_cast %squeeze3A_4053 : vector<8xf32> to vector<1x8xf32>
    tpu.vector_store %arg2[%swap3A_4054, %swap3A_4055], %swap3A_4058 {strides = array<i32>} : memref<64x8xf32, #tpu.memory_space<vmem>>, vector<1x8xf32>,
    %slice3A_4059 = vector.extract_strided_slice %add3A_3828 {offsets = [5, 0], sizes = [1, 1024], strides = [1, 1]} : vector<8x1024xf32> to vector<1x1024xf32>
    %broadcast_in_dim3A_4060 = vector.shape_cast %slice3A_4059 : vector<1x1024xf32> to vector<1x1024xf32>
    %broadcast_in_dim3A_4061 = vector.broadcast %broadcast_in_dim3A_4060 : vector<1x1024xf32> to vector<18x1024xf32>
    %eq3A_4062 = arith.cmpf oeq, %broadcast_in_dim3A_4061, %convert_element_type3A : vector<18x1024xf32>
    %jit3A_4063 = arith.constant 1.000000e+00 : f32
    %jit3A_4064 = arith.constant 0.000000e+00 : f32
    %broadcast_in_dim3A_4065 = vector.broadcast %jit3A_4063 : f32 to vector<18x1024xf32>
    %broadcast_in_dim3A_4066 = vector.broadcast %jit3A_4064 : f32 to vector<18x1024xf32>
    %select_n3A_4067 = arith.select %eq3A_4062, %broadcast_in_dim3A_4065, %broadcast_in_dim3A_4066 : vector<18x1024xi1>, vector<18x1024xf32>
    %dot_general3A_4068 = arith.constant dense<0.000000e+00> : vector<9x18xf32>
    %dot_general3A_4069 = tpu.matmul %concatenate3A_3673, %select_n3A_4067, %dot_general3A_4068 {dimension_numbers = #tpu.dot_dimension_numbers<[1], [1], [0], [0], [0, 0, 1, 0], [], []>, precision = #tpu.contract_precision<fp32>, transpose_lhs_hint = false} : vector<9x1024xf32>, vector<18x1024xf32>, vector<9x18xf32> -> vector<9x18xf32>
    %slice3A_4070 = vector.extract_strided_slice %dot_general3A_4069 {offsets = [0, 0], sizes = [8, 18], strides = [1, 1]} : vector<9x18xf32> to vector<8x18xf32>
    %slice3A_4071 = vector.extract_strided_slice %dot_general3A_4069 {offsets = [8, 0], sizes = [1, 18], strides = [1, 1]} : vector<9x18xf32> to vector<1x18xf32>
    %add3A_4072 = arith.constant 9.99999971E-10 : f32
    %add3A_4073 = vector.broadcast %add3A_4072 : f32 to vector<1x18xf32>
    %add3A_4074 = arith.addf %slice3A_4071, %add3A_4073 : vector<1x18xf32>
    %div3A_4075 = vector.broadcast %add3A_4074 : vector<1x18xf32> to vector<8x18xf32>
    %div3A_4076 = arith.divf %slice3A_4070, %div3A_4075 : vector<8x18xf32>
    %reduce_sum3A_4077 = arith.constant dense<0.000000e+00> : vector<8xf32>
    %reduce_sum3A_4078 = vector.multi_reduction <add>, %div3A_4076, %reduce_sum3A_4077 [1] : vector<8x18xf32> to vector<8xf32>
    %broadcast_in_dim3A_4079 = vector.shape_cast %reduce_sum3A_4078 : vector<8xf32> to vector<8x1xf32>
    %add3A_4080 = arith.constant 9.99999971E-10 : f32
    %add3A_4081 = vector.broadcast %add3A_4080 : f32 to vector<8x1xf32>
    %add3A_4082 = arith.addf %broadcast_in_dim3A_4079, %add3A_4081 : vector<8x1xf32>
    %div3A_4083 = vector.broadcast %add3A_4082 : vector<8x1xf32> to vector<8x18xf32>
    %div3A_4084 = arith.divf %div3A_4076, %div3A_4083 : vector<8x18xf32>
    %add3A_4085 = arith.constant 9.99999971E-10 : f32
    %add3A_4086 = vector.broadcast %add3A_4085 : f32 to vector<8x18xf32>
    %add3A_4087 = arith.addf %div3A_4084, %add3A_4086 : vector<8x18xf32>
    %log3A_4088 = math.log %add3A_4087 : vector<8x18xf32>
    %mul3A_4089 = arith.mulf %div3A_4084, %log3A_4088 : vector<8x18xf32>
    %reduce_sum3A_4090 = arith.constant dense<0.000000e+00> : vector<8xf32>
    %reduce_sum3A_4091 = vector.multi_reduction <add>, %mul3A_4089, %reduce_sum3A_4090 [1] : vector<8x18xf32> to vector<8xf32>
    %broadcast_in_dim3A_4092 = vector.shape_cast %reduce_sum3A_4091 : vector<8xf32> to vector<8x1xf32>
    %add3A_4093 = arith.constant 2.8903718 : f32
    %add3A_4094 = vector.broadcast %add3A_4093 : f32 to vector<8x1xf32>
    %add3A_4095 = arith.addf %add3A_4094, %broadcast_in_dim3A_4092 : vector<8x1xf32>
    %div3A_4096 = arith.constant 2.8903718 : f32
    %div3A_4097 = vector.broadcast %div3A_4096 : f32 to vector<8x1xf32>
    %div3A_4098 = arith.divf %add3A_4095, %div3A_4097 : vector<8x1xf32>
    %squeeze3A_4099 = vector.shape_cast %div3A_4098 : vector<8x1xf32> to vector<8xf32>
    %swap3A_4100 = arith.constant 61 : index
    %swap3A_4101 = arith.constant 0 : index
    %swap3A_4102 = vector.load %arg2[%swap3A_4100, %swap3A_4101] : memref<64x8xf32, #tpu.memory_space<vmem>>, vector<1x8xf32>
    %swap3A_4103 = vector.shape_cast %swap3A_4102 : vector<1x8xf32> to vector<8xf32>
    %swap3A_4104 = vector.shape_cast %squeeze3A_4099 : vector<8xf32> to vector<1x8xf32>
    tpu.vector_store %arg2[%swap3A_4100, %swap3A_4101], %swap3A_4104 {strides = array<i32>} : memref<64x8xf32, #tpu.memory_space<vmem>>, vector<1x8xf32>,
    %slice3A_4105 = vector.extract_strided_slice %add3A_3828 {offsets = [6, 0], sizes = [1, 1024], strides = [1, 1]} : vector<8x1024xf32> to vector<1x1024xf32>
    %broadcast_in_dim3A_4106 = vector.shape_cast %slice3A_4105 : vector<1x1024xf32> to vector<1x1024xf32>
    %broadcast_in_dim3A_4107 = vector.broadcast %broadcast_in_dim3A_4106 : vector<1x1024xf32> to vector<18x1024xf32>
    %eq3A_4108 = arith.cmpf oeq, %broadcast_in_dim3A_4107, %convert_element_type3A : vector<18x1024xf32>
    %jit3A_4109 = arith.constant 1.000000e+00 : f32
    %jit3A_4110 = arith.constant 0.000000e+00 : f32
    %broadcast_in_dim3A_4111 = vector.broadcast %jit3A_4109 : f32 to vector<18x1024xf32>
    %broadcast_in_dim3A_4112 = vector.broadcast %jit3A_4110 : f32 to vector<18x1024xf32>
    %select_n3A_4113 = arith.select %eq3A_4108, %broadcast_in_dim3A_4111, %broadcast_in_dim3A_4112 : vector<18x1024xi1>, vector<18x1024xf32>
    %dot_general3A_4114 = arith.constant dense<0.000000e+00> : vector<9x18xf32>
    %dot_general3A_4115 = tpu.matmul %concatenate3A_3673, %select_n3A_4113, %dot_general3A_4114 {dimension_numbers = #tpu.dot_dimension_numbers<[1], [1], [0], [0], [0, 0, 1, 0], [], []>, precision = #tpu.contract_precision<fp32>, transpose_lhs_hint = false} : vector<9x1024xf32>, vector<18x1024xf32>, vector<9x18xf32> -> vector<9x18xf32>
    %slice3A_4116 = vector.extract_strided_slice %dot_general3A_4115 {offsets = [0, 0], sizes = [8, 18], strides = [1, 1]} : vector<9x18xf32> to vector<8x18xf32>
    %slice3A_4117 = vector.extract_strided_slice %dot_general3A_4115 {offsets = [8, 0], sizes = [1, 18], strides = [1, 1]} : vector<9x18xf32> to vector<1x18xf32>
    %add3A_4118 = arith.constant 9.99999971E-10 : f32
    %add3A_4119 = vector.broadcast %add3A_4118 : f32 to vector<1x18xf32>
    %add3A_4120 = arith.addf %slice3A_4117, %add3A_4119 : vector<1x18xf32>
    %div3A_4121 = vector.broadcast %add3A_4120 : vector<1x18xf32> to vector<8x18xf32>
    %div3A_4122 = arith.divf %slice3A_4116, %div3A_4121 : vector<8x18xf32>
    %reduce_sum3A_4123 = arith.constant dense<0.000000e+00> : vector<8xf32>
    %reduce_sum3A_4124 = vector.multi_reduction <add>, %div3A_4122, %reduce_sum3A_4123 [1] : vector<8x18xf32> to vector<8xf32>
    %broadcast_in_dim3A_4125 = vector.shape_cast %reduce_sum3A_4124 : vector<8xf32> to vector<8x1xf32>
    %add3A_4126 = arith.constant 9.99999971E-10 : f32
    %add3A_4127 = vector.broadcast %add3A_4126 : f32 to vector<8x1xf32>
    %add3A_4128 = arith.addf %broadcast_in_dim3A_4125, %add3A_4127 : vector<8x1xf32>
    %div3A_4129 = vector.broadcast %add3A_4128 : vector<8x1xf32> to vector<8x18xf32>
    %div3A_4130 = arith.divf %div3A_4122, %div3A_4129 : vector<8x18xf32>
    %add3A_4131 = arith.constant 9.99999971E-10 : f32
    %add3A_4132 = vector.broadcast %add3A_4131 : f32 to vector<8x18xf32>
    %add3A_4133 = arith.addf %div3A_4130, %add3A_4132 : vector<8x18xf32>
    %log3A_4134 = math.log %add3A_4133 : vector<8x18xf32>
    %mul3A_4135 = arith.mulf %div3A_4130, %log3A_4134 : vector<8x18xf32>
    %reduce_sum3A_4136 = arith.constant dense<0.000000e+00> : vector<8xf32>
    %reduce_sum3A_4137 = vector.multi_reduction <add>, %mul3A_4135, %reduce_sum3A_4136 [1] : vector<8x18xf32> to vector<8xf32>
    %broadcast_in_dim3A_4138 = vector.shape_cast %reduce_sum3A_4137 : vector<8xf32> to vector<8x1xf32>
    %add3A_4139 = arith.constant 2.8903718 : f32
    %add3A_4140 = vector.broadcast %add3A_4139 : f32 to vector<8x1xf32>
    %add3A_4141 = arith.addf %add3A_4140, %broadcast_in_dim3A_4138 : vector<8x1xf32>
    %div3A_4142 = arith.constant 2.8903718 : f32
    %div3A_4143 = vector.broadcast %div3A_4142 : f32 to vector<8x1xf32>
    %div3A_4144 = arith.divf %add3A_4141, %div3A_4143 : vector<8x1xf32>
    %squeeze3A_4145 = vector.shape_cast %div3A_4144 : vector<8x1xf32> to vector<8xf32>
    %swap3A_4146 = arith.constant 62 : index
    %swap3A_4147 = arith.constant 0 : index
    %swap3A_4148 = vector.load %arg2[%swap3A_4146, %swap3A_4147] : memref<64x8xf32, #tpu.memory_space<vmem>>, vector<1x8xf32>
    %swap3A_4149 = vector.shape_cast %swap3A_4148 : vector<1x8xf32> to vector<8xf32>
    %swap3A_4150 = vector.shape_cast %squeeze3A_4145 : vector<8xf32> to vector<1x8xf32>
    tpu.vector_store %arg2[%swap3A_4146, %swap3A_4147], %swap3A_4150 {strides = array<i32>} : memref<64x8xf32, #tpu.memory_space<vmem>>, vector<1x8xf32>,
    %slice3A_4151 = vector.extract_strided_slice %add3A_3828 {offsets = [7, 0], sizes = [1, 1024], strides = [1, 1]} : vector<8x1024xf32> to vector<1x1024xf32>
    %broadcast_in_dim3A_4152 = vector.shape_cast %slice3A_4151 : vector<1x1024xf32> to vector<1x1024xf32>
    %broadcast_in_dim3A_4153 = vector.broadcast %broadcast_in_dim3A_4152 : vector<1x1024xf32> to vector<18x1024xf32>
    %eq3A_4154 = arith.cmpf oeq, %broadcast_in_dim3A_4153, %convert_element_type3A : vector<18x1024xf32>
    %jit3A_4155 = arith.constant 1.000000e+00 : f32
    %jit3A_4156 = arith.constant 0.000000e+00 : f32
    %broadcast_in_dim3A_4157 = vector.broadcast %jit3A_4155 : f32 to vector<18x1024xf32>
    %broadcast_in_dim3A_4158 = vector.broadcast %jit3A_4156 : f32 to vector<18x1024xf32>
    %select_n3A_4159 = arith.select %eq3A_4154, %broadcast_in_dim3A_4157, %broadcast_in_dim3A_4158 : vector<18x1024xi1>, vector<18x1024xf32>
    %dot_general3A_4160 = arith.constant dense<0.000000e+00> : vector<9x18xf32>
    %dot_general3A_4161 = tpu.matmul %concatenate3A_3673, %select_n3A_4159, %dot_general3A_4160 {dimension_numbers = #tpu.dot_dimension_numbers<[1], [1], [0], [0], [0, 0, 1, 0], [], []>, precision = #tpu.contract_precision<fp32>, transpose_lhs_hint = false} : vector<9x1024xf32>, vector<18x1024xf32>, vector<9x18xf32> -> vector<9x18xf32>
    %slice3A_4162 = vector.extract_strided_slice %dot_general3A_4161 {offsets = [0, 0], sizes = [8, 18], strides = [1, 1]} : vector<9x18xf32> to vector<8x18xf32>
    %slice3A_4163 = vector.extract_strided_slice %dot_general3A_4161 {offsets = [8, 0], sizes = [1, 18], strides = [1, 1]} : vector<9x18xf32> to vector<1x18xf32>
    %add3A_4164 = arith.constant 9.99999971E-10 : f32
    %add3A_4165 = vector.broadcast %add3A_4164 : f32 to vector<1x18xf32>
    %add3A_4166 = arith.addf %slice3A_4163, %add3A_4165 : vector<1x18xf32>
    %div3A_4167 = vector.broadcast %add3A_4166 : vector<1x18xf32> to vector<8x18xf32>
    %div3A_4168 = arith.divf %slice3A_4162, %div3A_4167 : vector<8x18xf32>
    %reduce_sum3A_4169 = arith.constant dense<0.000000e+00> : vector<8xf32>
    %reduce_sum3A_4170 = vector.multi_reduction <add>, %div3A_4168, %reduce_sum3A_4169 [1] : vector<8x18xf32> to vector<8xf32>
    %broadcast_in_dim3A_4171 = vector.shape_cast %reduce_sum3A_4170 : vector<8xf32> to vector<8x1xf32>
    %add3A_4172 = arith.constant 9.99999971E-10 : f32
    %add3A_4173 = vector.broadcast %add3A_4172 : f32 to vector<8x1xf32>
    %add3A_4174 = arith.addf %broadcast_in_dim3A_4171, %add3A_4173 : vector<8x1xf32>
    %div3A_4175 = vector.broadcast %add3A_4174 : vector<8x1xf32> to vector<8x18xf32>
    %div3A_4176 = arith.divf %div3A_4168, %div3A_4175 : vector<8x18xf32>
    %add3A_4177 = arith.constant 9.99999971E-10 : f32
    %add3A_4178 = vector.broadcast %add3A_4177 : f32 to vector<8x18xf32>
    %add3A_4179 = arith.addf %div3A_4176, %add3A_4178 : vector<8x18xf32>
    %log3A_4180 = math.log %add3A_4179 : vector<8x18xf32>
    %mul3A_4181 = arith.mulf %div3A_4176, %log3A_4180 : vector<8x18xf32>
    %reduce_sum3A_4182 = arith.constant dense<0.000000e+00> : vector<8xf32>
    %reduce_sum3A_4183 = vector.multi_reduction <add>, %mul3A_4181, %reduce_sum3A_4182 [1] : vector<8x18xf32> to vector<8xf32>
    %broadcast_in_dim3A_4184 = vector.shape_cast %reduce_sum3A_4183 : vector<8xf32> to vector<8x1xf32>
    %add3A_4185 = arith.constant 2.8903718 : f32
    %add3A_4186 = vector.broadcast %add3A_4185 : f32 to vector<8x1xf32>
    %add3A_4187 = arith.addf %add3A_4186, %broadcast_in_dim3A_4184 : vector<8x1xf32>
    %div3A_4188 = arith.constant 2.8903718 : f32
    %div3A_4189 = vector.broadcast %div3A_4188 : f32 to vector<8x1xf32>
    %div3A_4190 = arith.divf %add3A_4187, %div3A_4189 : vector<8x1xf32>
    %squeeze3A_4191 = vector.shape_cast %div3A_4190 : vector<8x1xf32> to vector<8xf32>
    %swap3A_4192 = arith.constant 63 : index
    %swap3A_4193 = arith.constant 0 : index
    %swap3A_4194 = vector.load %arg2[%swap3A_4192, %swap3A_4193] : memref<64x8xf32, #tpu.memory_space<vmem>>, vector<1x8xf32>
    %swap3A_4195 = vector.shape_cast %swap3A_4194 : vector<1x8xf32> to vector<8xf32>
    %swap3A_4196 = vector.shape_cast %squeeze3A_4191 : vector<8xf32> to vector<1x8xf32>
    tpu.vector_store %arg2[%swap3A_4192, %swap3A_4193], %swap3A_4196 {strides = array<i32>} : memref<64x8xf32, #tpu.memory_space<vmem>>, vector<1x8xf32>,
    return
  }
  func.func @transform_0(%arg0: i32) -> (i32, i32) {
    %c1_i32 = arith.constant 1 : i32
    %c0_i32 = arith.constant 0 : i32
    %c0_i32_0 = arith.constant 0 : i32
    return %c1_i32, %c0_i32 : i32, i32
  }
  func.func @transform_1(%arg0: i32) -> (i32, i32) {
    %c0_i32 = arith.constant 0 : i32
    %c0_i32_0 = arith.constant 0 : i32
    %c0_i32_1 = arith.constant 0 : i32
    return %c0_i32, %c0_i32_0 : i32, i32
  }
}

</mosaic_0001>

<sc_bundles>
// kernel: kernel.5.cloned.1.call-start
scs
__scs_entry_jumppad:
0x0: {  	(pc) =	sbr.rel $0x88, $3  }
0x1: {  	(tag) =	ssettag $0x0;
	lr =	simm.s32 $0x1  }
0x2: {  	[smem:$0x3F9F] =	sst lr;
	_ =	strace $0xD0000000  }
0x3: {  	_ = 	snop  }
0x4: {  	_ = 	snop  }
0x5: {  	_ = 	snop  }
0x6: {  	_ = 	snop  }
0x7: {  	_ = 	snop  }
__scs_overlays_trampoline_lowered:
0x8: {  	[smem:$0x3FAE] =	sst s0  }
0x9: {  	[smem:$0x3FAF] =	sst s1  }
0xa: {  	[smem:$0x3FB0] =	sst s2  }
0xb: {  	[smem:$0x3FB1] =	sst s3  }
0xc: {  	[smem:$0x3FB2] =	sst s4  }
0xd: {  	[smem:$0x3FB3] =	sst s5  }
0xe: {  	[smem:$0x3FB4] =	sst s6  }
0xf: {  	[smem:$0x3FB5] =	sst s7  }
0x10: {  	[smem:$0x3FB6] =	sst s8  }
0x11: {  	[smem:$0x3FB7] =	sst s9;
	s0 =	simm.s32 @!p0 $0x0  }
0x12: {  	s1 =	sld [smem:$0x3F9D];
	s0 =	simm.s32 @p0 $0x1  }
0x13: {  	[smem:$0x3FB8] =	sst s0;
	s0 =	simm.s32 @!p1 $0x0  }
0x14: {  	s2 =	sld [smem:$0x3F9C];
	s0 =	simm.s32 @p1 $0x1  }
0x15: {  	[smem:$0x3FB9] =	sst s0;
	s0 =	simm.s32 @!p2 $0x0  }
0x16: {  	s3 =	sld [smem:$0x3FDB];
	s0 =	simm.s32 @p2 $0x1  }
0x17: {  	s4 =	simm.s32 $0x1BF5;
	[smem:$0x3FBB] =	sst s0  }
0x18: {  	s0 =	sld [smem:$0x3F9E];
	_ =	swait.ge [sflag:s4], $0x0  }
0x19: {  	s7 =	sld [smem:$0x3F9F]  }
0x1a: {  	s8 =	sadd.s32 $0xFFFFE003, lr  }
0x1b: {  	s9 =	sadd.s32 $0xFFFFFEF7, lr;
	s5 =	simm.s32 $0xFFFFFFFF;
	p2 =	slt.u32 s8, $0xFFFFF086  }
0x1c: {  	p1 =	slt.u32 s9, $0xF7A;
	s5 =	simm.s32 @!p2 $0x0  }
0x1d: {  	s5 =	simm.s32 @p1 $0x1;
	p0 =	seq.s32 s7, s2  }
0x1e: {  	s7 =	smul.u32 @!p0 $0xF7A, s2;
	p2 =	seq.s32 @!p0 s5, $0x0  }
0x1f: {  	s9 =	smul.u32 $0xF7A, s1;
	s8 =	simm.s32 @!p0 $0x1BF5;
	p2 =	por !p2, p0  }
0x20: {  	[sflag:s8] =	ssyncset.s32 @!p0 $0xFFFFF086;
	s6 =	sadd.s32 @!p0 s3, s7;
	s7 =	simm.s32 @!p0 $0x108  }
0x21: {  	s3 =	sadd.s32 s3, s9;
	s6 =	sadd.s32 @!p0 $0x88, s6;
	s7 =	simm.s32 @p2 $0x1082  }
0x22: {  	[simem:s7], [sflag:s8] =	dma.local @!p0 [hbm:s6], $0xF7A  }
0x23: {  	s9 =	sor.u32 $0xD0000000, s2;
	s6 =	simm.s32 $0x108;
	_ =	swait.ge @!p0 [sflag:s8], $0x0  }
0x24: {  	s3 =	sadd.s32 $0x88, s3;
	s6 =	simm.s32 @!p1 $0x1082;
	[sflag:s4] =	ssyncset.s32 $0xFFFFF086  }
0x25: {  	[simem:s6], [sflag:s4] =	dma.local [hbm:s3], $0xF7A  }
0x26: {  	[smem:$0x3F9F] =	sst s1;
	(tag) =	ssettag s2;
	_ =	strace s9  }
0x27: {  	s1 =	sld [smem:$0x3FAF]  }
0x28: {  	s2 =	sld [smem:$0x3FB0]  }
0x29: {  	s4 =	sld [smem:$0x3FB2]  }
0x2a: {  	p0 =	seq.s32 s5, $0x0;
	s5 =	sld [smem:$0x3FB3]  }
0x2b: {  	s6 =	sld [smem:$0x3FB4]  }
0x2c: {  	s7 =	sld [smem:$0x3FB5]  }
0x2d: {  	s3 =	simm.s32 $0x108;
	s8 =	sld [smem:$0x3FB6]  }
0x2e: {  	s3 =	simm.s32 @!p0 $0x1082;
	s9 =	sld [smem:$0x3FB7]  }
0x2f: {  	lr =	sadd.s32 s0, s3;
	s0 =	sld [smem:$0x3FAE]  }
0x30: {  	s3 =	sld [smem:$0x3FB1]  }
0x31: {  	[smem:$0x3FBA] =	sst s10  }
0x32: {  	s10 =	sld [smem:$0x3FB8];
	_ =	sdelay $0x3  }
0x33: {  	p0 =	seq.s32 s10, $0x1;
	s10 =	sld [smem:$0x3FBA];
	_ =	sdelay $0x3  }
0x34: {  	[smem:$0x3FBA] =	sst s10  }
0x35: {  	s10 =	sld [smem:$0x3FB9];
	_ =	sdelay $0x3  }
0x36: {  	p1 =	seq.s32 s10, $0x1;
	s10 =	sld [smem:$0x3FBA];
	_ =	sdelay $0x3  }
0x37: {  	[smem:$0x3FBA] =	sst s10  }
0x38: {  	s10 =	sld [smem:$0x3FBB]  }
0x39: {  	_ = 	snop;
	(pc) =	sbr.ind lr, $3  }
0x3a: {  	_ = 	snop  }
0x3b: {  	_ = 	snop  }
0x3c: {  	p2 =	seq.s32 s10, $0x1;
	s10 =	sld [smem:$0x3FBA]  }
0x3d: {  	_ =	shalt  }
0x3e: {  	_ =	shalt  }
0x3f: {  	_ =	shalt  }
0x40: {  	_ =	shalt  }
0x41: {  	_ =	shalt  }
0x42: {  	_ =	shalt  }
0x43: {  	_ =	shalt  }
0x44: {  	_ =	shalt  }
0x45: {  	_ =	shalt  }
0x46: {  	_ =	shalt  }
0x47: {  	_ =	shalt  }
0x48: {  	_ =	shalt  }
0x49: {  	_ =	shalt  }
0x4a: {  	_ =	shalt  }
0x4b: {  	_ =	shalt  }
0x4c: {  	_ =	shalt  }
0x4d: {  	_ =	shalt  }
0x4e: {  	_ =	shalt  }
0x4f: {  	_ =	shalt  }
0x50: {  	_ =	shalt  }
0x51: {  	_ =	shalt  }
0x52: {  	_ =	shalt  }
0x53: {  	_ =	shalt  }
0x54: {  	_ =	shalt  }
0x55: {  	_ =	shalt  }
0x56: {  	_ =	shalt  }
0x57: {  	_ =	shalt  }
0x58: {  	_ =	shalt  }
0x59: {  	_ =	shalt  }
0x5a: {  	_ =	shalt  }
0x5b: {  	_ =	shalt  }
0x5c: {  	_ =	shalt  }
0x5d: {  	_ =	shalt  }
0x5e: {  	_ =	shalt  }
0x5f: {  	_ =	shalt  }
0x60: {  	_ =	shalt  }
0x61: {  	_ =	shalt  }
0x62: {  	_ =	shalt  }
0x63: {  	_ =	shalt  }
0x64: {  	_ =	shalt  }
0x65: {  	_ =	shalt  }
0x66: {  	_ =	shalt  }
0x67: {  	_ =	shalt  }
0x68: {  	_ =	shalt  }
0x69: {  	_ =	shalt  }
0x6a: {  	_ =	shalt  }
0x6b: {  	_ =	shalt  }
0x6c: {  	_ =	shalt  }
0x6d: {  	_ =	shalt  }
0x6e: {  	_ =	shalt  }
0x6f: {  	_ =	shalt  }
0x70: {  	_ =	shalt  }
0x71: {  	_ =	shalt  }
0x72: {  	_ =	shalt  }
0x73: {  	_ =	shalt  }
0x74: {  	_ =	shalt  }
0x75: {  	_ =	shalt  }
0x76: {  	_ =	shalt  }
0x77: {  	_ =	shalt  }
0x78: {  	_ =	shalt  }
0x79: {  	_ =	shalt  }
0x7a: {  	_ =	shalt  }
0x7b: {  	_ =	shalt  }
0x7c: {  	_ =	shalt  }
0x7d: {  	_ =	shalt  }
0x7e: {  	_ =	shalt  }
0x7f: {  	_ =	shalt  }
0x80: {  	_ =	shalt  }
0x81: {  	_ =	shalt  }
0x82: {  	_ =	shalt  }
0x83: {  	_ =	shalt  }
0x84: {  	_ =	shalt  }
0x85: {  	_ =	shalt  }
0x86: {  	_ =	shalt  }
0x87: {  	_ =	shalt  }
.Lfunc_end0:
.L_simem_size_0:
called_computation_lowered:
.L_overlay_start_0:
0x88: {  	s2 =	sld [smem:$0x3FD9]  }
0x89: {  	s3 =	sld [smem:$0x3FFE];
	_ =	sdelay $0x1  }
0x8a: {  	s1 =	srdreg.scid  }
0x8b: {  	s0 =	sand.u32 $0x1, s1  }
0x8c: {  	s17 =	sshll.u32 s0, $0xA;
	s2 =	sadd.s32 s3, s2  }
0x8d: {  	s2 =	sadd.s32 s2, s17  }
0x8e: {  	[smem:$0x3FC6] =	sst s2  }
0x8f: {  	_ = 	snop  }
0x90: {  	s2 =	sld [smem:$0x3FD0];
	(tm) =	ssettm $0x1  }
0x91: {  	s18 =	sld [smem:$0x3FFB];
	_ =	sdelay $0x3  }
0x92: {  	_ =	strace s18  }
0x93: {  	s3 =	sld [smem:$0x3FFC];
	_ =	sdelay $0x3  }
0x94: {  	_ =	strace s3  }
0x95: {  	s3 =	sld [smem:$0x3FFD];
	_ =	sdelay $0x3  }
0x96: {  	_ =	strace s3  }
0x97: {  	_ =	strace $0x8FFFFFFF  }
0x98: {  	s19 =	sld [smem:$0x3FDB];
	_ =	sdelay $0x1  }
0x99: {  	s4 =	simm.s32 $_scs_section_size  }
0x9a: {  	s5 =	simm.s32 $_size__tile_overlayer_lowered;
	s6 =	simm.s32 $_tile_overlayer_lowered  }
0x9b: {  	s22 =	simm.s32 $0x1BFF;
	s21 =	sshll.u32 s6, $0x1;
	s3 =	sadd.s32 s4, s19  }
0x9c: {  	s7 =	simm.s32 $0x0;
	s20 =	sshll.u32 s5, $0x1;
	s5 =	sadd.s32 s21, s3  }
0x9d: {  	[timem:s7], [sflag:s22] =	dma.local [hbm:s5], s20  }
0x9e: {  	_ =	swait.ge [sflag:s22], s20  }
0x9f: {  	s4 =	ssub.s32 $0x0, s20;
	[sflag:s22] =	ssyncset.done $0x0  }
0xa0: {  	[sflag:s22] =	ssyncadd.s32 s4;
	_ =	sdelay $0x1  }
0xa1: {  	s23 =	simm.s32 $0x1B8B  }
0xa2: {  	_ =	swait.ge [sflag:s23], $0x1  }
0xa3: {  	[sflag:s23] =	ssyncset.done $0x0  }
0xa4: {  	s25 =	simm.s32 $0x1B8E;
	s24 =	sld [smem:$0x3FFE];
	[sflag:s23] =	ssyncadd.s32 $0xFFFFFFFF  }
0xa5: {  	s26 =	simm.s32 $execute0_lowered;
	[smem:$0x3FD2] =	sst s25  }
0xa6: {  	s5 =	sshll.u32 s26, $0x1;
	_ =	strace $0x80000046;
	[dreg:$0x1] =	wrdreg $0xFFFFFFFF  }
0xa7: {  	s28 =	simm.s32 $_size_execute0_lowered;
	s3 =	sadd.s32 s3, s5;
	[dreg:$0x0] =	wrdreg $0x0  }
0xa8: {  	s5 =	sshll.u32 s28, $0x1;
	[dreg:$0x2] =	wrdreg s3  }
0xa9: {  	[dreg:$0x3] =	wrdreg s5  }
0xaa: {  	[dreg:$0x4] =	wrdreg $0xC0  }
0xab: {  	_ =	task [dreg:s7], $0x5FFFF  }
0xac: {  	[dreg:$0x1] =	wrdreg $0xFFFFFFFF  }
0xad: {  	[dreg:$0x0] =	wrdreg $0x60  }
0xae: {  	[dreg:$0x2] =	wrdreg s24  }
0xaf: {  	[dreg:$0x3] =	wrdreg s2  }
0xb0: {  	[dreg:$0x4] =	wrdreg $0x9  }
0xb1: {  	_ =	task.clear_ibuf [dreg:s7], $0x5FFFF;
	_ =	strace $0x90000046  }
0xb2: {  	s29 =	simm.s32 $0x9;
	_ =	strace $0x80000048  }
0xb3: {  	_ =	swait.ge [sflag:s29], $0x1  }
0xb4: {  	[sflag:s29] =	ssyncadd.s32 $0xFFFFFFFF  }
0xb5: {  	_ =	strace $0x90000048  }
0xb6: {  	_ =	sfence  }
0xb7: {  	s30 =	sld [smem:$0x0];
	_ =	sdelay $0x2  }
0xb8: {  	s31 =	sshll.u32 s1, $0xD;
	s1 =	sshrl.u32 s1, $0x2  }
0xb9: {  	s3 =	sand.u32 $0x4000, s31;
	s1 =	sadd.s32 s1, s30  }
0xba: {  	s0 =	sor.u32 s3, s0;
	s1 =	sshll.u32 s1, $0x11  }
0xbb: {  	s0 =	sor.u32 s1, s0  }
0xbc: {  	s0 =	sadd.s32 $0x8F2B, s0  }
0xbd: {  	[sflag:s0] =	ssyncadd.remote.s32 $0x1  }
0xbe: {  	_ =	sfence.sel $0xFFFF  }
0xbf: {  	[dreg:$0x0] =	wrdreg $0xFFFFFFFF;
	(pc) =	sbr.abs _section_cstart, $3  }
0xc0: {  	[dreg:$0x1] =	wrdreg $0xFFFFFFFF  }
0xc1: {  	_ =	task.clear_ibuf [dreg:s7], $0x2FFFF;
	_ =	strace $0x9FFFFFFF  }
0xc2: {  	(tm) =	ssettm $0x7FFFFFFF  }
0xc3: {  	_ =	shalt  }
tec
execute0_lowered:
.L_overlay_start_1:
0x0: {  	(tag) =	ssettag $0x1  }
0x1: {  	s0 =	srdreg.scid  }
0x2: {  	s1 =	rddreg [dreg:$0x0];
	s2 =	stileid.u32  }
0x3: {  	s10 =	rddreg [dreg:$0x1];
	s3 =	simm.s32 $0x0;
	s11 =	simm.s32 $0x2  }
0x4: {  	s12 =	simm.s32 $0x4880;
	s15 =	simm.s32 $0x400;
	s16 =	simm.s32 $0x2800  }
0x5: {  	s17 =	simm.s32 $0x80;
	s19 =	simm.s32 $0x1;
	s20 =	simm.s32 $0x0  }
0x6: {  	s0 =	sand.u32 $0x1, s0;
	s4 =	sshll.u32 s2, $0x2;
	[smem:$0x7FF] =	sst s3  }
0x7: {  	s6 =	sshll.u32 s2, $0xE;
	s7 =	sadd.s32 $0xA00, s1;
	s8 =	sshrl.u32 s2, $0x1  }
0x8: {  	v0 =	vlaneseq.u32;
	s31 =	sadd.s32 $0x3, s10;
	s10 =	simm.s32 $0x4800;
	s5 =	sshll.u32 s0, $0x1  }
0x9: {  	v0 =	vmul.u32 $0x100, v0;
	_ =	strace $0x80000047;
	s9 =	sshll.u32 s8, $0xD;
	s0 =	ssub.s32 $0x2, s0  }
0xa: {  	v1 =	vimm.f32 $0.0e+00;
	v2 =	vimm.s32 $0x0;
	s8 =	sshll.u32 s8, $0xB;
	[dreg:$0x3] =	wrdreg s31;
	s4 =	sor.u32 s5, s4  }
0xb: {  	v11 =	vimm.f32 $1.000000000e+00;
	s28 =	sshrl.u32 s0, $0x1;
	v3 =	vor.u32 $0x12, v0;
	v4 =	vor.u32 $0x24, v0;
	s5 =	sshll.u32 s4, $0x7;
	s4 =	sshll.u32 s4, $0xA  }
0xc: {  	s29 =	sadd.s32 s8, s7;
	v5 =	vor.u32 $0x36, v0;
	v6 =	vor.u32 $0x48, v0;
	v7 =	vor.u32 $0x5A, v0;
	s6 =	sor.u32 s6, s5;
	s4 =	sadd.s32 s4, s9  }
0xd: {  	v8 =	vor.u32 $0x6C, v0;
	v9 =	vor.u32 $0x7E, v0;
	v10 =	vor.u32 $0x90, v0;
	s0 =	ssub.s32 s0, s28;
	s6 =	sand.u32 $0x38300, s6;
	s4 =	sor.u32 s5, s4  }
0xe: {  	v12 =	vor.u32 $0x1000, v0;
	v13 =	vor.u32 $0x1012, v0;
	v14 =	vor.u32 $0x1024, v0;
	s9 =	smax.u32 s0, $0x1;
	s6 =	sshrl.u32 s6, $0x3;
	s30 =	sand.u32 $0x1E300, s4  }
0xf: {  	v15 =	vor.u32 $0x1036, v0;
	v16 =	vor.u32 $0x1048, v0;
	v17 =	vor.u32 $0x105A, v0;
	s5 =	sadd.s32 $0x400, s29;
	s1 =	sadd.s32 s6, s1;
	s6 =	sshrl.u32 s30, $0x3  }
0x10: {  	v18 =	vor.u32 $0x106C, v0;
	v19 =	vor.u32 $0x107E, v0;
	v20 =	vor.u32 $0x1090, v0;
	s6 =	sadd.s32 s7, s6;
	s7 =	sadd.s32 $0x8A00, s1;
	s8 =	sadd.s32 $0x8A10, s1  }
.LBB2_1:
0x11: {  	s0 =	rddreg [dreg:$0x1]  }
0x12: {  	[tilespmem:s10], [sflag:$0x2] =	stream.linear.gather [hbm4b:s0+s3], $0x18, $0x38;
	[tilespmem:$0x4900] =	vst v63  }
0x13: {  	_ =	swait.ge [sflag:s11], $0x18  }
0x14: {  	[sflag:s11] =	ssyncset.done $0x0  }
0x15: {  	s29 =	rddreg [dreg:$0x3];
	[sflag:s11] =	ssyncadd.s32 $0xFFFFFFE8  }
0x16: {  	[tilespmem:s12], [sflag:$0x2] =	stream.linear.gather [hbm4b:s29+s3], $0x18, $0x38;
	[tilespmem:$0x4900] =	vst v63  }
0x17: {  	_ =	swait.ge [sflag:s11], $0x18  }
0x18: {  	[sflag:s11] =	ssyncset.done $0x0  }
0x19: {  	s30 =	simm.s32 $0x800;
	[sflag:s11] =	ssyncadd.s32 $0xFFFFFFE8  }
0x1a: {  	[tilespmem:s30], [sflag:$0x2] =	stream.linear.gather [hbm4b:s5+s3], $0x2000, $0x38;
	[tilespmem:$0x4900] =	vst v63  }
0x1b: {  	_ =	swait.ge [sflag:s11], $0x2000  }
0x1c: {  	[sflag:s11] =	ssyncset.done $0x0  }
0x1d: {  	s31 =	simm.s32 $0x100;
	[sflag:s11] =	ssyncadd.s32 $0xFFFFE000  }
0x1e: {  	[tilespmem:s3], [sflag:$0x2] =	stream.strided.gather [hbm4b:s6+s31], $0x800, s15, s31, $0x38;
	[tilespmem:$0x4900] =	vst v63  }
0x1f: {  	_ =	swait.ge [sflag:s11], $0x800  }
0x20: {  	[sflag:s11] =	ssyncset.done $0x0  }
0x21: {  	s1 =	simm.s32 $0x2900;
	[sflag:s11] =	ssyncadd.s32 $0xFFFFF800  }
0x22: {  	[tilespmem:s1+$0xFFFFFF00] =	vst v1  }
0x23: {  	[tilespmem:s1+$0xA0] =	vst v1  }
0x24: {  	[tilespmem:s1+$0x90] =	vst v1  }
0x25: {  	[tilespmem:s1+$0x80] =	vst v1  }
0x26: {  	[tilespmem:s1+$0x70] =	vst v1  }
0x27: {  	[tilespmem:s1+$0x60] =	vst v1  }
0x28: {  	[tilespmem:s1+$0x50] =	vst v1  }
0x29: {  	[tilespmem:s1+$0x40] =	vst v1  }
0x2a: {  	[tilespmem:s1+$0x30] =	vst v1  }
0x2b: {  	[tilespmem:s1+$0x20] =	vst v1  }
0x2c: {  	[tilespmem:s1+$0x10] =	vst v1  }
0x2d: {  	[tilespmem:s1+$0x0] =	vst v1  }
0x2e: {  	[tilespmem:s1+$0xFFFFFFA0] =	vst v1  }
0x2f: {  	[tilespmem:s1+$0xFFFFFF90] =	vst v1  }
0x30: {  	[tilespmem:s1+$0xFFFFFF80] =	vst v1  }
0x31: {  	[tilespmem:s1+$0xFFFFFF70] =	vst v1  }
0x32: {  	[tilespmem:s1+$0xFFFFFF60] =	vst v1  }
0x33: {  	[tilespmem:s1+$0xFFFFFF50] =	vst v1  }
0x34: {  	[tilespmem:s1+$0xFFFFFF40] =	vst v1  }
0x35: {  	[tilespmem:s1+$0xFFFFFF30] =	vst v1  }
0x36: {  	s0 =	simm.s32 $0x0;
	[tilespmem:s1+$0xFFFFFF20] =	vst v1  }
.LBB2_2:
0x37: {  	s0 =	sadd.s32 $0x2, s0;
	[tilespmem:s1+$0xFFFFFF10] =	vst v1;
	s1 =	sadd.s32 $0x200, s1  }
0x38: {  	[tilespmem:s1+$0xFFFFFF00] =	vst v1;
	p0 =	slt.u32 s0, $0xE  }
0x39: {  	[tilespmem:s1+$0xA0] =	vst v1  }
0x3a: {  	[tilespmem:s1+$0x90] =	vst v1  }
0x3b: {  	[tilespmem:s1+$0x80] =	vst v1  }
0x3c: {  	[tilespmem:s1+$0x70] =	vst v1  }
0x3d: {  	[tilespmem:s1+$0x60] =	vst v1  }
0x3e: {  	[tilespmem:s1+$0x50] =	vst v1  }
0x3f: {  	[tilespmem:s1+$0x40] =	vst v1  }
0x40: {  	[tilespmem:s1+$0x30] =	vst v1  }
0x41: {  	[tilespmem:s1+$0x20] =	vst v1  }
0x42: {  	[tilespmem:s1+$0x10] =	vst v1  }
0x43: {  	[tilespmem:s1+$0x0] =	vst v1  }
0x44: {  	[tilespmem:s1+$0xFFFFFFA0] =	vst v1  }
0x45: {  	[tilespmem:s1+$0xFFFFFF90] =	vst v1  }
0x46: {  	[tilespmem:s1+$0xFFFFFF80] =	vst v1  }
0x47: {  	[tilespmem:s1+$0xFFFFFF70] =	vst v1  }
.Ltmp0:
0x48: {  	[tilespmem:s1+$0xFFFFFF60] =	vst v1;
	(pc) =	sbr.rel @p0 .LBB2_2-.Ltmp0, $4  }
0x49: {  	[tilespmem:s1+$0xFFFFFF50] =	vst v1  }
0x4a: {  	[tilespmem:s1+$0xFFFFFF40] =	vst v1  }
0x4b: {  	[tilespmem:s1+$0xFFFFFF30] =	vst v1  }
0x4c: {  	s21 =	simm.s32 $0x0;
	[tilespmem:s1+$0xFFFFFF20] =	vst v1  }
0x4d: {  	s0 =	sand.u32 $0x40, s21;
	s18 =	sand.u32 $0x1C00, s21  }
0x4e: {  	s22 =	sshrl.u32 s18, $0x2;
	s23 =	sor.u32 $0x20, s0  }
0x4f: {  	[tilespmem:s1+$0xFFFFFF10] =	vst v1;
	s25 =	sor.u32 s23, s22  }
0x50: {  	s24 =	sor.u32 $0x30, s0;
	v21 =	vld [tilespmem:s25+$0x0]  }
0x51: {  	s26 =	sor.u32 s24, s22  }
0x52: {  	v22 =	vld [tilespmem:s26+$0x0]  }
0x53: {  	s25 =	sor.u32 $0x10, s0  }
0x54: {  	s29 =	sor.u32 s25, s22  }
0x55: {  	v23 =	vld [tilespmem:s29+$0x0];
	v24 =	vadd.f32 $3.141592740e+00, v21;
	_ =	sdelay $0x1  }
0x56: {  	v25 =	vadd.f32 $3.141592740e+00, v22;
	v24 =	vmul.f32 $2.864789010e+00, v24;
	_ =	sdelay $0x1  }
0x57: {  	v25 =	vmul.f32 $2.864789010e+00, v25;
	v24 =	vmax.f32 v24, $0.0e+00  }
0x58: {  	v26 =	vadd.f32 $3.141592740e+00, v23;
	v24 =	vmin.f32 v24, $1.700000000e+01  }
0x59: {  	v25 =	vmax.f32 v25, $0.0e+00;
	v24 =	vtrunc.f32 v24  }
0x5a: {  	s30 =	sor.u32 s0, s22;
	v26 =	vmul.f32 $2.864789010e+00, v26;
	v25 =	vmin.f32 v25, $1.700000000e+01;
	v24 =	vcvt.f32.s32 v24  }
0x5b: {  	v27 =	vld [tilespmem:s30+$0x0];
	v25 =	vtrunc.f32 v25  }
0x5c: {  	v26 =	vmax.f32 v26, $0.0e+00;
	v25 =	vcvt.f32.s32 v25  }
0x5d: {  	v26 =	vmin.f32 v26, $1.700000000e+01  }
0x5e: {  	v26 =	vtrunc.f32 v26  }
0x5f: {  	v26 =	vcvt.f32.s32 v26  }
0x60: {  	v28 =	vadd.f32 $3.141592740e+00, v27;
	v29 =	vld.idx.msk [tilespmem:v24+s10+$0x0], $0xffff  }
0x61: {  	v30 =	vld.idx.msk [tilespmem:v24+s12+$0x0], $0xffff  }
0x62: {  	v28 =	vmul.f32 $2.864789010e+00, v28;
	v31 =	vld.idx.msk [tilespmem:v25+s12+$0x0], $0xffff  }
0x63: {  	v32 =	vld.idx.msk [tilespmem:v25+s10+$0x0], $0xffff  }
0x64: {  	v28 =	vmax.f32 v28, $0.0e+00  }
0x65: {  	v28 =	vmin.f32 v28, $1.700000000e+01;
	v33 =	vld.idx.msk [tilespmem:v26+s12+$0x0], $0xffff  }
0x66: {  	v28 =	vtrunc.f32 v28;
	v34 =	vld.idx.msk [tilespmem:v26+s10+$0x0], $0xffff  }
0x67: {  	v28 =	vcvt.f32.s32 v28;
	vm0 =	vle.f32 v21, v29  }
0x68: {  	vm1 =	vgt.f32 v21, v30;
	vm10 =	vle.f32 v22, v32;
	vm11 =	vgt.f32 v22, v31  }
0x69: {  	v21 =	vsel vm0, $0xFFFFFFFF, v2;
	v29 =	vsel vm1, $0x1, v2;
	v22 =	vsel vm10, $0xFFFFFFFF, v2  }
0x6a: {  	s31 =	sadd.s32 $0x800, s18;
	v21 =	vadd.s32 v21, v29;
	v29 =	vsel vm11, $0x1, v2;
	vm12 =	vgt.f32 v23, v33  }
0x6b: {  	s22 =	sor.u32 s23, s31;
	vm13 =	vle.f32 v23, v34;
	v21 =	vadd.s32 v24, v21;
	v22 =	vadd.s32 v22, v29  }
0x6c: {  	v23 =	vld [tilespmem:s22+$0x0];
	v24 =	vsel vm12, $0x1, v2;
	v30 =	vsel vm13, $0xFFFFFFFF, v2;
	v29 =	vadd.s32 v0, v21  }
0x6d: {  	s21 =	sor.u32 s24, s31;
	v62 =	vld.idx.msk [tilespmem:v28+s12+$0x0], $0xffff;
	v22 =	vadd.s32 v25, v22;
	v24 =	vadd.s32 v30, v24  }
0x6e: {  	s23 =	sor.u32 s25, s31;
	v31 =	vld [tilespmem:s21+$0x0];
	v30 =	vadd.s32 v0, v22;
	v24 =	vadd.s32 v26, v24  }
0x6f: {  	v25 =	vld [tilespmem:s23+$0x0];
	v61 =	vadd.s32 v0, v24  }
0x70: {  	v26 =	vld.idx.msk [tilespmem:v28+s10+$0x0], $0xffff  }
0x71: {  	[tilespmem:v29+s16+$0x0] =	vst.idx.add.f32.msk $0xffff, v23  }
0x72: {  	v29 =	vadd.s32 v3, v21;
	v23 =	vld [tilespmem:s22+$0x80]  }
0x73: {  	[tilespmem:v30+s16+$0x0] =	vst.idx.add.f32.msk $0xffff, v31  }
0x74: {  	[tilespmem:v61+s16+$0x0] =	vst.idx.add.f32.msk $0xffff, v25  }
0x75: {  	vm14 =	vgt.f32 v27, v62;
	vm15 =	vle.f32 v27, v26;
	v26 =	vadd.s32 v3, v22;
	v25 =	vld [tilespmem:s21+$0x80]  }
0x76: {  	v30 =	vsel vm14, $0x1, v2;
	v27 =	vsel vm15, $0xFFFFFFFF, v2;
	v31 =	vld [tilespmem:s23+$0x80]  }
0x77: {  	s28 =	sor.u32 s0, s31;
	v27 =	vadd.s32 v27, v30;
	v30 =	vadd.s32 v3, v24;
	[tilespmem:v29+s16+$0x0] =	vst.idx.add.f32.msk $0xffff, v23  }
0x78: {  	v23 =	vadd.s32 v28, v27;
	v29 =	vld [tilespmem:s28+$0x0]  }
0x79: {  	v27 =	vld [tilespmem:s22+$0x100];
	v28 =	vadd.s32 v0, v23  }
0x7a: {  	v63 =	vadd.s32 v4, v21;
	[tilespmem:v26+s16+$0x0] =	vst.idx.add.f32.msk $0xffff, v25  }
0x7b: {  	v25 =	vld [tilespmem:s21+$0x100]  }
0x7c: {  	[tilespmem:v30+s16+$0x0] =	vst.idx.add.f32.msk $0xffff, v31  }
0x7d: {  	v30 =	vadd.s32 v4, v24;
	v26 =	vld [tilespmem:s23+$0x100]  }
0x7e: {  	[tilespmem:v28+s16+$0x0] =	vst.idx.add.f32.msk $0xffff, v29  }
0x7f: {  	v28 =	vadd.s32 v4, v22;
	[tilespmem:v63+s16+$0x0] =	vst.idx.add.f32.msk $0xffff, v27  }
0x80: {  	v31 =	vld [tilespmem:s28+$0x80]  }
0x81: {  	v27 =	vadd.s32 v3, v23;
	v29 =	vld [tilespmem:s22+$0x180]  }
0x82: {  	[tilespmem:v30+s16+$0x0] =	vst.idx.add.f32.msk $0xffff, v26  }
0x83: {  	v32 =	vadd.s32 v5, v21;
	v26 =	vld [tilespmem:s23+$0x180]  }
0x84: {  	[tilespmem:v28+s16+$0x0] =	vst.idx.add.f32.msk $0xffff, v25  }
0x85: {  	v30 =	vadd.s32 v5, v22;
	v25 =	vld [tilespmem:s21+$0x180]  }
0x86: {  	[tilespmem:v27+s16+$0x0] =	vst.idx.add.f32.msk $0xffff, v31  }
0x87: {  	s24 =	simm.s32 $0x0;
	s26 =	simm.s32 $0x200;
	s25 =	simm.s32 $0x40;
	v27 =	vadd.s32 v4, v23;
	v31 =	vadd.s32 v5, v24;
	v28 =	vld [tilespmem:s28+$0x100]  }
.LBB2_4:
0x88: {  	s29 =	sand.u32 $0x40, s25;
	s30 =	sand.u32 $0x1C00, s26;
	s24 =	sadd.s32 $0x4, s24;
	[tilespmem:v32+s16+$0x0] =	vst.idx.add.f32.msk $0xffff, v29  }
0x89: {  	s31 =	sshrl.u32 s30, $0x2;
	s1 =	sor.u32 $0x10, s29;
	s0 =	sor.u32 $0x20, s29;
	v29 =	vld [tilespmem:s22+$0x200]  }
0x8a: {  	s2 =	sor.u32 s29, s31;
	s13 =	sor.u32 s1, s31;
	s14 =	sor.u32 s0, s31;
	[tilespmem:v30+s16+$0x0] =	vst.idx.add.f32.msk $0xffff, v25  }
0x8b: {  	s30 =	sadd.s32 $0x800, s30;
	s18 =	sor.u32 $0x30, s29;
	p0 =	slt.u32 s24, $0x3C;
	v30 =	vadd.s32 v5, v23;
	v32 =	vld [tilespmem:s21+$0x200]  }
0x8c: {  	s4 =	sor.u32 s18, s31;
	s31 =	sor.u32 s18, s30;
	[tilespmem:v31+s16+$0x0] =	vst.idx.add.f32.msk $0xffff, v26  }
0x8d: {  	v31 =	vld [tilespmem:s23+$0x200]  }
0x8e: {  	v33 =	vadd.s32 v6, v24;
	v26 =	vld [tilespmem:s31+$0x0]  }
0x8f: {  	v25 =	vld [tilespmem:s2+$0x0]  }
0x90: {  	[tilespmem:v27+s16+$0x0] =	vst.idx.add.f32.msk $0xffff, v28  }
0x91: {  	v28 =	vadd.s32 v6, v21;
	v27 =	vld [tilespmem:s28+$0x180]  }
0x92: {  	v34 =	vld [tilespmem:s14+$0x0]  }
0x93: {  	[tilespmem:v33+s16+$0x0] =	vst.idx.add.f32.msk $0xffff, v31  }
0x94: {  	v31 =	vld [tilespmem:s4+$0x0]  }
0x95: {  	v35 =	vadd.s32 v6, v22;
	v33 =	vld [tilespmem:s23+$0x280]  }
0x96: {  	v36 =	vadd.s32 v7, v24;
	[tilespmem:v28+s16+$0x0] =	vst.idx.add.f32.msk $0xffff, v29  }
0x97: {  	v28 =	vadd.f32 $3.141592740e+00, v34;
	[tilespmem:v30+s16+$0x0] =	vst.idx.add.f32.msk $0xffff, v27  }
0x98: {  	v29 =	vadd.s32 v6, v23;
	v27 =	vld [tilespmem:s28+$0x200]  }
0x99: {  	v30 =	vadd.f32 $3.141592740e+00, v25;
	v28 =	vmul.f32 $2.864789010e+00, v28;
	v37 =	vadd.f32 $3.141592740e+00, v31;
	v38 =	vld [tilespmem:s22+$0x280]  }
0x9a: {  	v39 =	vadd.s32 v7, v21;
	[tilespmem:v35+s16+$0x0] =	vst.idx.add.f32.msk $0xffff, v32  }
0x9b: {  	v30 =	vmul.f32 $2.864789010e+00, v30;
	v28 =	vmax.f32 v28, $0.0e+00;
	v32 =	vmul.f32 $2.864789010e+00, v37;
	[tilespmem:v36+s16+$0x0] =	vst.idx.add.f32.msk $0xffff, v33  }
0x9c: {  	v35 =	vadd.s32 v8, v24;
	v28 =	vmin.f32 v28, $1.700000000e+01;
	v33 =	vld [tilespmem:s23+$0x300]  }
0x9d: {  	v30 =	vmax.f32 v30, $0.0e+00;
	v36 =	vld [tilespmem:s13+$0x0];
	v28 =	vtrunc.f32 v28;
	v32 =	vmax.f32 v32, $0.0e+00  }
0x9e: {  	v30 =	vmin.f32 v30, $1.700000000e+01;
	v32 =	vmin.f32 v32, $1.700000000e+01;
	[tilespmem:v29+s16+$0x0] =	vst.idx.add.f32.msk $0xffff, v27  }
0x9f: {  	v27 =	vtrunc.f32 v30;
	v29 =	vtrunc.f32 v32;
	v30 =	vld [tilespmem:s28+$0x280];
	v32 =	vadd.s32 v7, v23  }
0xa0: {  	v27 =	vcvt.f32.s32 v27;
	v29 =	vcvt.f32.s32 v29;
	[tilespmem:v39+s16+$0x0] =	vst.idx.add.f32.msk $0xffff, v38  }
0xa1: {  	[tilespmem:v35+s16+$0x0] =	vst.idx.add.f32.msk $0xffff, v33  }
0xa2: {  	v28 =	vcvt.f32.s32 v28;
	v33 =	vadd.f32 $3.141592740e+00, v36;
	v35 =	vld [tilespmem:s23+$0x380]  }
0xa3: {  	v37 =	vadd.s32 v9, v24;
	v38 =	vld [tilespmem:s22+$0x300]  }
0xa4: {  	v24 =	vadd.s32 v10, v24;
	v33 =	vmul.f32 $2.864789010e+00, v33;
	[tilespmem:v32+s16+$0x0] =	vst.idx.add.f32.msk $0xffff, v30  }
0xa5: {  	v32 =	vadd.s32 v8, v23;
	v30 =	vld [tilespmem:s28+$0x300]  }
0xa6: {  	v33 =	vmax.f32 v33, $0.0e+00;
	v39 =	vld [tilespmem:s21+$0x280]  }
0xa7: {  	v33 =	vmin.f32 v33, $1.700000000e+01;
	v40 =	vld.idx.msk [tilespmem:v29+s12+$0x0], $0xffff  }
0xa8: {  	[tilespmem:v37+s16+$0x0] =	vst.idx.add.f32.msk $0xffff, v35  }
0xa9: {  	[tilespmem:v24+s16+$0x0] =	vst.idx.add.f32.msk $0xffff, v11;
	v24 =	vadd.s32 v8, v21  }
0xaa: {  	v33 =	vtrunc.f32 v33;
	[tilespmem:v32+s16+$0x0] =	vst.idx.add.f32.msk $0xffff, v30  }
0xab: {  	v30 =	vcvt.f32.s32 v33;
	v32 =	vld.idx.msk [tilespmem:v29+s10+$0x0], $0xffff  }
0xac: {  	v35 =	vadd.s32 v9, v23;
	v33 =	vld [tilespmem:s28+$0x380]  }
0xad: {  	v41 =	vadd.s32 v7, v22;
	v37 =	vld.idx.msk [tilespmem:v28+s10+$0x0], $0xffff  }
0xae: {  	[tilespmem:v24+s16+$0x0] =	vst.idx.add.f32.msk $0xffff, v38  }
0xaf: {  	v24 =	vld.idx.msk [tilespmem:v28+s12+$0x0], $0xffff  }
0xb0: {  	v23 =	vadd.s32 v10, v23;
	v38 =	vld [tilespmem:s22+$0x380]  }
0xb1: {  	vm0 =	vle.f32 v31, v32;
	[tilespmem:v35+s16+$0x0] =	vst.idx.add.f32.msk $0xffff, v33  }
0xb2: {  	v32 =	vsel vm0, $0xFFFFFFFF, v2;
	v33 =	vadd.s32 v9, v21;
	[tilespmem:v41+s16+$0x0] =	vst.idx.add.f32.msk $0xffff, v39  }
0xb3: {  	vm0 =	vle.f32 v34, v37;
	v35 =	vld.idx.msk [tilespmem:v30+s12+$0x0], $0xffff  }
0xb4: {  	v39 =	vsel vm0, $0xFFFFFFFF, v2;
	v37 =	vld.idx.msk [tilespmem:v30+s10+$0x0], $0xffff  }
0xb5: {  	vm0 =	vgt.f32 v34, v24;
	[tilespmem:v23+s16+$0x0] =	vst.idx.add.f32.msk $0xffff, v11  }
0xb6: {  	v23 =	vsel vm0, $0x1, v2;
	vm0 =	vgt.f32 v31, v40;
	v31 =	vadd.s32 v8, v22;
	v24 =	vld [tilespmem:s21+$0x300]  }
0xb7: {  	s22 =	sor.u32 s0, s30;
	v23 =	vadd.s32 v39, v23;
	v34 =	vsel vm0, $0x1, v2;
	[tilespmem:v33+s16+$0x0] =	vst.idx.add.f32.msk $0xffff, v38  }
0xb8: {  	s23 =	sor.u32 s1, s30;
	v23 =	vadd.s32 v28, v23;
	v32 =	vadd.s32 v32, v34;
	v28 =	vld [tilespmem:s22+$0x0]  }
0xb9: {  	vm0 =	vgt.f32 v36, v35;
	v34 =	vadd.s32 v0, v23;
	v29 =	vadd.s32 v29, v32;
	v33 =	vld [tilespmem:s23+$0x0]  }
0xba: {  	vm1 =	vle.f32 v36, v37;
	v35 =	vsel vm0, $0x1, v2;
	v32 =	vld.idx.msk [tilespmem:v27+s10+$0x0], $0xffff  }
0xbb: {  	v39 =	vadd.s32 v10, v21;
	v21 =	vmovc v23;
	v38 =	vadd.s32 v0, v29;
	v37 =	vsel vm1, $0xFFFFFFFF, v2;
	v36 =	vld.idx.msk [tilespmem:v27+s12+$0x0], $0xffff  }
0xbc: {  	v23 =	vadd.s32 v37, v35;
	[tilespmem:v31+s16+$0x0] =	vst.idx.add.f32.msk $0xffff, v24;
	v31 =	vadd.s32 v9, v22  }
0xbd: {  	v24 =	vadd.s32 v30, v23;
	v30 =	vadd.s32 v10, v22;
	v22 =	vmov v29;
	v23 =	vld [tilespmem:s21+$0x380];
	s21 =	smov.u32 s31  }
0xbe: {  	[tilespmem:v34+s16+$0x0] =	vst.idx.add.f32.msk $0xffff, v28  }
0xbf: {  	v28 =	vadd.s32 v0, v24;
	v29 =	vld [tilespmem:s22+$0x80]  }
0xc0: {  	[tilespmem:v38+s16+$0x0] =	vst.idx.add.f32.msk $0xffff, v26  }
0xc1: {  	vm0 =	vgt.f32 v25, v36;
	[tilespmem:v39+s16+$0x0] =	vst.idx.add.f32.msk $0xffff, v11  }
0xc2: {  	vm1 =	vle.f32 v25, v32;
	v25 =	vadd.s32 v3, v21;
	[tilespmem:v31+s16+$0x0] =	vst.idx.add.f32.msk $0xffff, v23  }
0xc3: {  	v26 =	vsel vm0, $0x1, v2;
	v23 =	vsel vm1, $0xFFFFFFFF, v2;
	[tilespmem:v30+s16+$0x0] =	vst.idx.add.f32.msk $0xffff, v11  }
0xc4: {  	v23 =	vadd.s32 v23, v26;
	[tilespmem:v28+s16+$0x0] =	vst.idx.add.f32.msk $0xffff, v33  }
0xc5: {  	v23 =	vadd.s32 v27, v23;
	v27 =	vadd.s32 v3, v22;
	v26 =	vld [tilespmem:s21+$0x80]  }
0xc6: {  	v28 =	vld [tilespmem:s23+$0x80]  }
0xc7: {  	v31 =	vadd.s32 v3, v24;
	v30 =	vadd.s32 v0, v23;
	[tilespmem:v25+s16+$0x0] =	vst.idx.add.f32.msk $0xffff, v29  }
0xc8: {  	s28 =	sor.u32 s29, s30;
	v25 =	vld [tilespmem:s22+$0x100]  }
0xc9: {  	v29 =	vld [tilespmem:s28+$0x0]  }
0xca: {  	v32 =	vadd.s32 v4, v21;
	[tilespmem:v27+s16+$0x0] =	vst.idx.add.f32.msk $0xffff, v26  }
0xcb: {  	v26 =	vld [tilespmem:s21+$0x100]  }
0xcc: {  	[tilespmem:v31+s16+$0x0] =	vst.idx.add.f32.msk $0xffff, v28  }
0xcd: {  	v28 =	vadd.s32 v3, v23;
	v31 =	vadd.s32 v4, v24;
	v27 =	vld [tilespmem:s23+$0x100]  }
0xce: {  	[tilespmem:v30+s16+$0x0] =	vst.idx.add.f32.msk $0xffff, v29;
	v30 =	vadd.s32 v4, v22  }
0xcf: {  	[tilespmem:v32+s16+$0x0] =	vst.idx.add.f32.msk $0xffff, v25  }
0xd0: {  	v33 =	vld [tilespmem:s28+$0x80]  }
0xd1: {  	v29 =	vld [tilespmem:s22+$0x180]  }
0xd2: {  	[tilespmem:v31+s16+$0x0] =	vst.idx.add.f32.msk $0xffff, v27  }
.Ltmp1:
0xd3: {  	v32 =	vadd.s32 v5, v21;
	v27 =	vadd.s32 v4, v23;
	[tilespmem:v30+s16+$0x0] =	vst.idx.add.f32.msk $0xffff, v26;
	(pc) =	sbr.rel @p0 .LBB2_4-.Ltmp1, $4  }
0xd4: {  	v25 =	vld [tilespmem:s21+$0x180]  }
0xd5: {  	v30 =	vadd.s32 v5, v22;
	[tilespmem:v28+s16+$0x0] =	vst.idx.add.f32.msk $0xffff, v33  }
0xd6: {  	v26 =	vld [tilespmem:s23+$0x180]  }
0xd7: {  	s25 =	sadd.s32 $0x40, s25;
	s26 =	sadd.s32 $0x200, s26;
	v31 =	vadd.s32 v5, v24;
	v28 =	vld [tilespmem:s28+$0x100]  }
0xd8: {  	_ =	sdelay $0x3  }
0xd9: {  	[tilespmem:v32+s16+$0x0] =	vst.idx.add.f32.msk $0xffff, v29  }
0xda: {  	v29 =	vld [tilespmem:s22+$0x200]  }
0xdb: {  	[tilespmem:v30+s16+$0x0] =	vst.idx.add.f32.msk $0xffff, v25  }
0xdc: {  	v45 =	vadd.s32 v6, v21;
	v30 =	vld [tilespmem:s21+$0x200]  }
0xdd: {  	[tilespmem:v31+s16+$0x0] =	vst.idx.add.f32.msk $0xffff, v26  }
0xde: {  	v48 =	vadd.s32 v6, v22;
	v26 =	vld [tilespmem:s23+$0x200]  }
0xdf: {  	[tilespmem:v27+s16+$0x0] =	vst.idx.add.f32.msk $0xffff, v28  }
0xe0: {  	v44 =	vadd.s32 v6, v24;
	v28 =	vld [tilespmem:s28+$0x180]  }
0xe1: {  	[tilespmem:v45+s16+$0x0] =	vst.idx.add.f32.msk $0xffff, v29  }
0xe2: {  	v46 =	vadd.s32 v5, v23;
	v29 =	vld [tilespmem:s22+$0x280]  }
0xe3: {  	[tilespmem:v48+s16+$0x0] =	vst.idx.add.f32.msk $0xffff, v30  }
0xe4: {  	v50 =	vadd.s32 v7, v21;
	v30 =	vld [tilespmem:s21+$0x280]  }
0xe5: {  	[tilespmem:v44+s16+$0x0] =	vst.idx.add.f32.msk $0xffff, v26  }
0xe6: {  	v56 =	vadd.s32 v7, v22;
	v26 =	vld [tilespmem:s23+$0x280]  }
0xe7: {  	[tilespmem:v46+s16+$0x0] =	vst.idx.add.f32.msk $0xffff, v28  }
0xe8: {  	v47 =	vadd.s32 v7, v24;
	v27 =	vld [tilespmem:s28+$0x200]  }
0xe9: {  	[tilespmem:v50+s16+$0x0] =	vst.idx.add.f32.msk $0xffff, v29  }
0xea: {  	v49 =	vadd.s32 v6, v23;
	v29 =	vld [tilespmem:s22+$0x300]  }
0xeb: {  	[tilespmem:v56+s16+$0x0] =	vst.idx.add.f32.msk $0xffff, v30  }
0xec: {  	v58 =	vadd.s32 v8, v21;
	v59 =	vld [tilespmem:s21+$0x300]  }
0xed: {  	[tilespmem:v47+s16+$0x0] =	vst.idx.add.f32.msk $0xffff, v26  }
0xee: {  	v60 =	vadd.s32 v8, v22;
	v26 =	vld [tilespmem:s23+$0x300]  }
0xef: {  	[tilespmem:v49+s16+$0x0] =	vst.idx.add.f32.msk $0xffff, v27  }
0xf0: {  	v53 =	vadd.s32 v7, v23;
	v52 =	vld [tilespmem:s28+$0x280]  }
0xf1: {  	[tilespmem:v58+s16+$0x0] =	vst.idx.add.f32.msk $0xffff, v29  }
0xf2: {  	v51 =	vadd.s32 v8, v24;
	v54 =	vadd.s32 v9, v24;
	v55 =	vadd.s32 v10, v24;
	v24 =	vld [tilespmem:s22+$0x380]  }
0xf3: {  	[tilespmem:v60+s16+$0x0] =	vst.idx.add.f32.msk $0xffff, v59  }
0xf4: {  	v62 =	vadd.s32 v9, v21;
	v28 =	vld [tilespmem:s21+$0x380]  }
0xf5: {  	v21 =	vadd.s32 v10, v21;
	[tilespmem:v53+s16+$0x0] =	vst.idx.add.f32.msk $0xffff, v52  }
0xf6: {  	v57 =	vadd.s32 v8, v23;
	v25 =	vld [tilespmem:s28+$0x300]  }
0xf7: {  	[tilespmem:v51+s16+$0x0] =	vst.idx.add.f32.msk $0xffff, v26  }
0xf8: {  	v63 =	vadd.s32 v9, v22;
	v26 =	vld [tilespmem:s23+$0x380]  }
0xf9: {  	v22 =	vadd.s32 v10, v22;
	[tilespmem:v62+s16+$0x0] =	vst.idx.add.f32.msk $0xffff, v24  }
0xfa: {  	[tilespmem:v21+s16+$0x0] =	vst.idx.add.f32.msk $0xffff, v11  }
0xfb: {  	[tilespmem:v57+s16+$0x0] =	vst.idx.add.f32.msk $0xffff, v25  }
0xfc: {  	v61 =	vadd.s32 v9, v23;
	v25 =	vld [tilespmem:s28+$0x380]  }
0xfd: {  	v23 =	vadd.s32 v10, v23;
	[tilespmem:v63+s16+$0x0] =	vst.idx.add.f32.msk $0xffff, v28  }
0xfe: {  	[tilespmem:v22+s16+$0x0] =	vst.idx.add.f32.msk $0xffff, v11  }
0xff: {  	[tilespmem:v54+s16+$0x0] =	vst.idx.add.f32.msk $0xffff, v26  }
0x100: {  	[tilespmem:v55+s16+$0x0] =	vst.idx.add.f32.msk $0xffff, v11  }
0x101: {  	[tilespmem:v61+s16+$0x0] =	vst.idx.add.f32.msk $0xffff, v25  }
0x102: {  	s1 =	simm.s32 $0x39A0;
	[tilespmem:v23+s16+$0x0] =	vst.idx.add.f32.msk $0xffff, v11  }
0x103: {  	[hbm4b:s7+s17] =	stream.strided.scatter [tilespmem:s16], [sflag:$0x1], $0x1000, s15, s17, $0x38;
	[tilespmem:$0x4900] =	vst v63  }
0x104: {  	[tilespmem:s1+$0xFFFFFE60] =	vst v1  }
0x105: {  	[tilespmem:s1+$0x0] =	vst v1  }
0x106: {  	[tilespmem:s1+$0xFFFFFFF0] =	vst v1  }
0x107: {  	[tilespmem:s1+$0xFFFFFFE0] =	vst v1  }
0x108: {  	[tilespmem:s1+$0xFFFFFFD0] =	vst v1  }
0x109: {  	[tilespmem:s1+$0xFFFFFFC0] =	vst v1  }
0x10a: {  	[tilespmem:s1+$0xFFFFFFB0] =	vst v1  }
0x10b: {  	[tilespmem:s1+$0xFFFFFFA0] =	vst v1  }
0x10c: {  	[tilespmem:s1+$0xFFFFFF90] =	vst v1  }
0x10d: {  	[tilespmem:s1+$0xFFFFFF80] =	vst v1  }
0x10e: {  	[tilespmem:s1+$0xFFFFFF70] =	vst v1  }
0x10f: {  	[tilespmem:s1+$0xFFFFFF60] =	vst v1  }
0x110: {  	[tilespmem:s1+$0xFFFFFF00] =	vst v1  }
0x111: {  	[tilespmem:s1+$0xFFFFFEF0] =	vst v1  }
0x112: {  	[tilespmem:s1+$0xFFFFFEE0] =	vst v1  }
0x113: {  	[tilespmem:s1+$0xFFFFFED0] =	vst v1  }
0x114: {  	[tilespmem:s1+$0xFFFFFEC0] =	vst v1  }
0x115: {  	[tilespmem:s1+$0xFFFFFEB0] =	vst v1  }
0x116: {  	[tilespmem:s1+$0xFFFFFEA0] =	vst v1  }
0x117: {  	[tilespmem:s1+$0xFFFFFE90] =	vst v1  }
0x118: {  	s0 =	simm.s32 $0x0;
	[tilespmem:s1+$0xFFFFFE80] =	vst v1  }
.LBB2_6:
0x119: {  	s0 =	sadd.s32 $0x2, s0;
	[tilespmem:s1+$0xFFFFFE70] =	vst v1;
	s1 =	sadd.s32 $0x200, s1  }
0x11a: {  	[tilespmem:s1+$0xFFFFFE60] =	vst v1;
	p0 =	slt.u32 s0, $0xE  }
0x11b: {  	[tilespmem:s1+$0x0] =	vst v1  }
0x11c: {  	[tilespmem:s1+$0xFFFFFFF0] =	vst v1  }
0x11d: {  	[tilespmem:s1+$0xFFFFFFE0] =	vst v1  }
0x11e: {  	[tilespmem:s1+$0xFFFFFFD0] =	vst v1  }
0x11f: {  	[tilespmem:s1+$0xFFFFFFC0] =	vst v1  }
0x120: {  	[tilespmem:s1+$0xFFFFFFB0] =	vst v1  }
0x121: {  	[tilespmem:s1+$0xFFFFFFA0] =	vst v1  }
0x122: {  	[tilespmem:s1+$0xFFFFFF90] =	vst v1  }
0x123: {  	[tilespmem:s1+$0xFFFFFF80] =	vst v1  }
0x124: {  	[tilespmem:s1+$0xFFFFFF70] =	vst v1  }
0x125: {  	[tilespmem:s1+$0xFFFFFF60] =	vst v1  }
0x126: {  	[tilespmem:s1+$0xFFFFFF00] =	vst v1  }
0x127: {  	[tilespmem:s1+$0xFFFFFEF0] =	vst v1  }
0x128: {  	[tilespmem:s1+$0xFFFFFEE0] =	vst v1  }
0x129: {  	[tilespmem:s1+$0xFFFFFED0] =	vst v1  }
.Ltmp2:
0x12a: {  	[tilespmem:s1+$0xFFFFFEC0] =	vst v1;
	(pc) =	sbr.rel @p0 .LBB2_6-.Ltmp2, $4  }
0x12b: {  	[tilespmem:s1+$0xFFFFFEB0] =	vst v1  }
0x12c: {  	[tilespmem:s1+$0xFFFFFEA0] =	vst v1  }
0x12d: {  	[tilespmem:s1+$0xFFFFFE90] =	vst v1  }
0x12e: {  	s21 =	simm.s32 $0x0;
	[tilespmem:s1+$0xFFFFFE80] =	vst v1  }
0x12f: {  	s0 =	sand.u32 $0x40, s21;
	s2 =	sand.u32 $0x1C00, s21  }
0x130: {  	s4 =	sshrl.u32 s2, $0x2;
	s13 =	sor.u32 $0x20, s0  }
0x131: {  	[tilespmem:s1+$0xFFFFFE70] =	vst v1;
	s25 =	sor.u32 s13, s4  }
0x132: {  	s14 =	sor.u32 $0x30, s0;
	v21 =	vld [tilespmem:s25+$0x80]  }
0x133: {  	s26 =	sor.u32 s14, s4  }
0x134: {  	s18 =	sor.u32 $0x10, s0;
	v22 =	vld [tilespmem:s26+$0x80]  }
0x135: {  	s29 =	sor.u32 s18, s4  }
0x136: {  	v23 =	vld [tilespmem:s29+$0x80]  }
0x137: {  	v24 =	vadd.f32 $3.141592740e+00, v21;
	_ =	sdelay $0x1  }
0x138: {  	v25 =	vadd.f32 $3.141592740e+00, v22;
	v24 =	vmul.f32 $2.864789010e+00, v24;
	_ =	sdelay $0x1  }
0x139: {  	v26 =	vadd.f32 $3.141592740e+00, v23;
	v25 =	vmul.f32 $2.864789010e+00, v25;
	v24 =	vmax.f32 v24, $0.0e+00  }
0x13a: {  	v24 =	vmin.f32 v24, $1.700000000e+01  }
0x13b: {  	v26 =	vmul.f32 $2.864789010e+00, v26;
	v25 =	vmax.f32 v25, $0.0e+00;
	v24 =	vtrunc.f32 v24  }
0x13c: {  	s30 =	sor.u32 s0, s4;
	v25 =	vmin.f32 v25, $1.700000000e+01;
	v24 =	vcvt.f32.s32 v24  }
0x13d: {  	v27 =	vld [tilespmem:s30+$0x80];
	v26 =	vmax.f32 v26, $0.0e+00;
	v25 =	vtrunc.f32 v25  }
0x13e: {  	v26 =	vmin.f32 v26, $1.700000000e+01;
	v25 =	vcvt.f32.s32 v25  }
0x13f: {  	v26 =	vtrunc.f32 v26  }
0x140: {  	v26 =	vcvt.f32.s32 v26;
	_ =	sdelay $0x1  }
0x141: {  	v28 =	vadd.f32 $3.141592740e+00, v27;
	v29 =	vld.idx.msk [tilespmem:v24+s10+$0x0], $0xffff  }
0x142: {  	v30 =	vld.idx.msk [tilespmem:v24+s12+$0x0], $0xffff  }
0x143: {  	v28 =	vmul.f32 $2.864789010e+00, v28;
	v31 =	vld.idx.msk [tilespmem:v25+s12+$0x0], $0xffff  }
0x144: {  	v32 =	vld.idx.msk [tilespmem:v25+s10+$0x0], $0xffff  }
0x145: {  	v28 =	vmax.f32 v28, $0.0e+00;
	v33 =	vld.idx.msk [tilespmem:v26+s12+$0x0], $0xffff  }
0x146: {  	v28 =	vmin.f32 v28, $1.700000000e+01;
	v34 =	vld.idx.msk [tilespmem:v26+s10+$0x0], $0xffff  }
0x147: {  	v28 =	vtrunc.f32 v28  }
0x148: {  	v28 =	vcvt.f32.s32 v28;
	vm0 =	vle.f32 v21, v29  }
0x149: {  	vm1 =	vgt.f32 v21, v30;
	vm10 =	vle.f32 v22, v32;
	vm11 =	vgt.f32 v22, v31  }
0x14a: {  	vm12 =	vgt.f32 v23, v33;
	v21 =	vsel vm0, $0xFFFFFFFF, v2;
	v29 =	vsel vm1, $0x1, v2  }
0x14b: {  	s31 =	sadd.s32 $0x800, s2;
	vm13 =	vle.f32 v23, v34;
	v22 =	vsel vm10, $0xFFFFFFFF, v2;
	v21 =	vadd.s32 v21, v29  }
0x14c: {  	s22 =	sor.u32 s13, s31;
	v30 =	vsel vm13, $0xFFFFFFFF, v2;
	v29 =	vsel vm11, $0x1, v2;
	v21 =	vadd.s32 v24, v21  }
0x14d: {  	v23 =	vld [tilespmem:s22+$0x0];
	v22 =	vadd.s32 v22, v29;
	v24 =	vsel vm12, $0x1, v2;
	v29 =	vadd.s32 v12, v21  }
0x14e: {  	s21 =	sor.u32 s14, s31;
	v62 =	vld.idx.msk [tilespmem:v28+s12+$0x0], $0xffff;
	v22 =	vadd.s32 v25, v22;
	v24 =	vadd.s32 v30, v24  }
0x14f: {  	s23 =	sor.u32 s18, s31;
	v31 =	vld [tilespmem:s21+$0x0];
	v30 =	vadd.s32 v12, v22;
	v24 =	vadd.s32 v26, v24  }
0x150: {  	v25 =	vld [tilespmem:s23+$0x0];
	v61 =	vadd.s32 v12, v24  }
0x151: {  	v26 =	vld.idx.msk [tilespmem:v28+s10+$0x0], $0xffff  }
0x152: {  	[tilespmem:v29+s16+$0x0] =	vst.idx.add.f32.msk $0xffff, v23  }
0x153: {  	v29 =	vadd.s32 v13, v21;
	v23 =	vld [tilespmem:s22+$0x80]  }
0x154: {  	[tilespmem:v30+s16+$0x0] =	vst.idx.add.f32.msk $0xffff, v31  }
0x155: {  	[tilespmem:v61+s16+$0x0] =	vst.idx.add.f32.msk $0xffff, v25  }
0x156: {  	vm14 =	vgt.f32 v27, v62;
	vm15 =	vle.f32 v27, v26;
	v26 =	vadd.s32 v13, v22;
	v25 =	vld [tilespmem:s21+$0x80]  }
0x157: {  	v30 =	vsel vm14, $0x1, v2;
	v27 =	vsel vm15, $0xFFFFFFFF, v2;
	v31 =	vld [tilespmem:s23+$0x80]  }
0x158: {  	s28 =	sor.u32 s0, s31;
	v27 =	vadd.s32 v27, v30;
	v30 =	vadd.s32 v13, v24;
	[tilespmem:v29+s16+$0x0] =	vst.idx.add.f32.msk $0xffff, v23  }
0x159: {  	v23 =	vadd.s32 v28, v27;
	v29 =	vld [tilespmem:s28+$0x0]  }
0x15a: {  	v27 =	vld [tilespmem:s22+$0x100];
	v28 =	vadd.s32 v12, v23  }
0x15b: {  	v63 =	vadd.s32 v14, v21;
	[tilespmem:v26+s16+$0x0] =	vst.idx.add.f32.msk $0xffff, v25  }
0x15c: {  	v25 =	vld [tilespmem:s21+$0x100]  }
0x15d: {  	[tilespmem:v30+s16+$0x0] =	vst.idx.add.f32.msk $0xffff, v31  }
0x15e: {  	v30 =	vadd.s32 v14, v24;
	v26 =	vld [tilespmem:s23+$0x100]  }
0x15f: {  	[tilespmem:v28+s16+$0x0] =	vst.idx.add.f32.msk $0xffff, v29  }
0x160: {  	v28 =	vadd.s32 v14, v22;
	[tilespmem:v63+s16+$0x0] =	vst.idx.add.f32.msk $0xffff, v27  }
0x161: {  	v31 =	vld [tilespmem:s28+$0x80]  }
0x162: {  	v27 =	vadd.s32 v13, v23;
	v29 =	vld [tilespmem:s22+$0x180]  }
0x163: {  	[tilespmem:v30+s16+$0x0] =	vst.idx.add.f32.msk $0xffff, v26  }
0x164: {  	v32 =	vadd.s32 v15, v21;
	v26 =	vld [tilespmem:s23+$0x180]  }
0x165: {  	[tilespmem:v28+s16+$0x0] =	vst.idx.add.f32.msk $0xffff, v25  }
0x166: {  	v30 =	vadd.s32 v15, v22;
	v25 =	vld [tilespmem:s21+$0x180]  }
0x167: {  	[tilespmem:v27+s16+$0x0] =	vst.idx.add.f32.msk $0xffff, v31  }
0x168: {  	s24 =	simm.s32 $0x0;
	s25 =	simm.s32 $0x40;
	s26 =	simm.s32 $0x200;
	v27 =	vadd.s32 v14, v23;
	v31 =	vadd.s32 v15, v24;
	v28 =	vld [tilespmem:s28+$0x100]  }
.LBB2_8:
0x169: {  	s29 =	sand.u32 $0x40, s25;
	s2 =	sand.u32 $0x1C00, s26;
	s24 =	sadd.s32 $0x4, s24;
	[tilespmem:v32+s16+$0x0] =	vst.idx.add.f32.msk $0xffff, v29  }
0x16a: {  	s4 =	sshrl.u32 s2, $0x2;
	s1 =	sor.u32 $0x10, s29;
	s0 =	sor.u32 $0x20, s29;
	v29 =	vld [tilespmem:s22+$0x200]  }
0x16b: {  	s13 =	sor.u32 s29, s4;
	s14 =	sor.u32 s1, s4;
	s18 =	sor.u32 s0, s4;
	[tilespmem:v30+s16+$0x0] =	vst.idx.add.f32.msk $0xffff, v25  }
0x16c: {  	s30 =	sadd.s32 $0x800, s2;
	s2 =	sor.u32 $0x30, s29;
	p0 =	slt.u32 s24, $0x3C;
	v30 =	vadd.s32 v15, v23;
	v32 =	vld [tilespmem:s21+$0x200]  }
0x16d: {  	s4 =	sor.u32 s2, s4;
	s31 =	sor.u32 s2, s30;
	[tilespmem:v31+s16+$0x0] =	vst.idx.add.f32.msk $0xffff, v26  }
0x16e: {  	v31 =	vld [tilespmem:s23+$0x200]  }
0x16f: {  	v33 =	vadd.s32 v16, v24;
	v26 =	vld [tilespmem:s31+$0x0]  }
0x170: {  	v25 =	vld [tilespmem:s13+$0x80]  }
0x171: {  	[tilespmem:v27+s16+$0x0] =	vst.idx.add.f32.msk $0xffff, v28  }
0x172: {  	v28 =	vadd.s32 v16, v21;
	v27 =	vld [tilespmem:s28+$0x180]  }
0x173: {  	v34 =	vld [tilespmem:s18+$0x80]  }
0x174: {  	[tilespmem:v33+s16+$0x0] =	vst.idx.add.f32.msk $0xffff, v31  }
0x175: {  	v31 =	vld [tilespmem:s4+$0x80]  }
0x176: {  	v35 =	vadd.s32 v16, v22;
	v33 =	vld [tilespmem:s23+$0x280]  }
0x177: {  	v36 =	vadd.s32 v17, v24;
	[tilespmem:v28+s16+$0x0] =	vst.idx.add.f32.msk $0xffff, v29  }
0x178: {  	v28 =	vadd.f32 $3.141592740e+00, v34;
	[tilespmem:v30+s16+$0x0] =	vst.idx.add.f32.msk $0xffff, v27  }
0x179: {  	v29 =	vadd.s32 v16, v23;
	v27 =	vld [tilespmem:s28+$0x200]  }
0x17a: {  	v30 =	vadd.f32 $3.141592740e+00, v25;
	v28 =	vmul.f32 $2.864789010e+00, v28;
	v37 =	vadd.f32 $3.141592740e+00, v31;
	v38 =	vld [tilespmem:s22+$0x280]  }
0x17b: {  	v39 =	vadd.s32 v17, v21;
	[tilespmem:v35+s16+$0x0] =	vst.idx.add.f32.msk $0xffff, v32  }
0x17c: {  	v30 =	vmul.f32 $2.864789010e+00, v30;
	v28 =	vmax.f32 v28, $0.0e+00;
	v32 =	vmul.f32 $2.864789010e+00, v37;
	[tilespmem:v36+s16+$0x0] =	vst.idx.add.f32.msk $0xffff, v33  }
0x17d: {  	v35 =	vadd.s32 v18, v24;
	v28 =	vmin.f32 v28, $1.700000000e+01;
	v33 =	vld [tilespmem:s23+$0x300]  }
0x17e: {  	v30 =	vmax.f32 v30, $0.0e+00;
	v36 =	vld [tilespmem:s14+$0x80];
	v28 =	vtrunc.f32 v28;
	v32 =	vmax.f32 v32, $0.0e+00  }
0x17f: {  	v30 =	vmin.f32 v30, $1.700000000e+01;
	v32 =	vmin.f32 v32, $1.700000000e+01;
	[tilespmem:v29+s16+$0x0] =	vst.idx.add.f32.msk $0xffff, v27  }
0x180: {  	v27 =	vtrunc.f32 v30;
	v29 =	vtrunc.f32 v32;
	v30 =	vld [tilespmem:s28+$0x280];
	v32 =	vadd.s32 v17, v23  }
0x181: {  	v27 =	vcvt.f32.s32 v27;
	v29 =	vcvt.f32.s32 v29;
	[tilespmem:v39+s16+$0x0] =	vst.idx.add.f32.msk $0xffff, v38  }
0x182: {  	[tilespmem:v35+s16+$0x0] =	vst.idx.add.f32.msk $0xffff, v33  }
0x183: {  	v28 =	vcvt.f32.s32 v28;
	v33 =	vadd.f32 $3.141592740e+00, v36;
	v35 =	vld [tilespmem:s23+$0x380]  }
0x184: {  	v37 =	vadd.s32 v19, v24;
	v38 =	vld [tilespmem:s22+$0x300]  }
0x185: {  	v24 =	vadd.s32 v20, v24;
	v33 =	vmul.f32 $2.864789010e+00, v33;
	[tilespmem:v32+s16+$0x0] =	vst.idx.add.f32.msk $0xffff, v30  }
0x186: {  	v32 =	vadd.s32 v18, v23;
	v30 =	vld [tilespmem:s28+$0x300]  }
0x187: {  	v33 =	vmax.f32 v33, $0.0e+00;
	v39 =	vld [tilespmem:s21+$0x280]  }
0x188: {  	v33 =	vmin.f32 v33, $1.700000000e+01;
	v40 =	vld.idx.msk [tilespmem:v29+s12+$0x0], $0xffff  }
0x189: {  	[tilespmem:v37+s16+$0x0] =	vst.idx.add.f32.msk $0xffff, v35  }
0x18a: {  	[tilespmem:v24+s16+$0x0] =	vst.idx.add.f32.msk $0xffff, v11;
	v24 =	vadd.s32 v18, v21  }
0x18b: {  	v33 =	vtrunc.f32 v33;
	[tilespmem:v32+s16+$0x0] =	vst.idx.add.f32.msk $0xffff, v30  }
0x18c: {  	v30 =	vcvt.f32.s32 v33;
	v32 =	vld.idx.msk [tilespmem:v29+s10+$0x0], $0xffff  }
0x18d: {  	v35 =	vadd.s32 v19, v23;
	v33 =	vld [tilespmem:s28+$0x380]  }
0x18e: {  	v41 =	vadd.s32 v17, v22;
	v37 =	vld.idx.msk [tilespmem:v28+s10+$0x0], $0xffff  }
0x18f: {  	[tilespmem:v24+s16+$0x0] =	vst.idx.add.f32.msk $0xffff, v38  }
0x190: {  	v24 =	vld.idx.msk [tilespmem:v28+s12+$0x0], $0xffff  }
0x191: {  	v23 =	vadd.s32 v20, v23;
	v38 =	vld [tilespmem:s22+$0x380]  }
0x192: {  	vm0 =	vle.f32 v31, v32;
	[tilespmem:v35+s16+$0x0] =	vst.idx.add.f32.msk $0xffff, v33  }
0x193: {  	v32 =	vsel vm0, $0xFFFFFFFF, v2;
	v33 =	vadd.s32 v19, v21;
	[tilespmem:v41+s16+$0x0] =	vst.idx.add.f32.msk $0xffff, v39  }
0x194: {  	vm0 =	vle.f32 v34, v37;
	v35 =	vld.idx.msk [tilespmem:v30+s12+$0x0], $0xffff  }
0x195: {  	v39 =	vsel vm0, $0xFFFFFFFF, v2;
	v37 =	vld.idx.msk [tilespmem:v30+s10+$0x0], $0xffff  }
0x196: {  	vm0 =	vgt.f32 v34, v24;
	[tilespmem:v23+s16+$0x0] =	vst.idx.add.f32.msk $0xffff, v11  }
0x197: {  	v23 =	vsel vm0, $0x1, v2;
	vm0 =	vgt.f32 v31, v40;
	v31 =	vadd.s32 v18, v22;
	v24 =	vld [tilespmem:s21+$0x300]  }
0x198: {  	s22 =	sor.u32 s0, s30;
	v23 =	vadd.s32 v39, v23;
	v34 =	vsel vm0, $0x1, v2;
	[tilespmem:v33+s16+$0x0] =	vst.idx.add.f32.msk $0xffff, v38  }
0x199: {  	s23 =	sor.u32 s1, s30;
	v23 =	vadd.s32 v28, v23;
	v32 =	vadd.s32 v32, v34;
	v28 =	vld [tilespmem:s22+$0x0]  }
0x19a: {  	vm0 =	vgt.f32 v36, v35;
	v34 =	vadd.s32 v12, v23;
	v29 =	vadd.s32 v29, v32;
	v33 =	vld [tilespmem:s23+$0x0]  }
0x19b: {  	vm1 =	vle.f32 v36, v37;
	v35 =	vsel vm0, $0x1, v2;
	v32 =	vld.idx.msk [tilespmem:v27+s10+$0x0], $0xffff  }
0x19c: {  	v39 =	vadd.s32 v20, v21;
	v21 =	vmovc v23;
	v38 =	vadd.s32 v12, v29;
	v37 =	vsel vm1, $0xFFFFFFFF, v2;
	v36 =	vld.idx.msk [tilespmem:v27+s12+$0x0], $0xffff  }
0x19d: {  	v23 =	vadd.s32 v37, v35;
	[tilespmem:v31+s16+$0x0] =	vst.idx.add.f32.msk $0xffff, v24;
	v31 =	vadd.s32 v19, v22  }
0x19e: {  	v24 =	vadd.s32 v30, v23;
	v30 =	vadd.s32 v20, v22;
	v22 =	vmov v29;
	v23 =	vld [tilespmem:s21+$0x380];
	s21 =	smov.u32 s31  }
0x19f: {  	[tilespmem:v34+s16+$0x0] =	vst.idx.add.f32.msk $0xffff, v28  }
0x1a0: {  	v28 =	vadd.s32 v12, v24;
	v29 =	vld [tilespmem:s22+$0x80]  }
0x1a1: {  	[tilespmem:v38+s16+$0x0] =	vst.idx.add.f32.msk $0xffff, v26  }
0x1a2: {  	vm0 =	vgt.f32 v25, v36;
	[tilespmem:v39+s16+$0x0] =	vst.idx.add.f32.msk $0xffff, v11  }
0x1a3: {  	vm1 =	vle.f32 v25, v32;
	v25 =	vadd.s32 v13, v21;
	[tilespmem:v31+s16+$0x0] =	vst.idx.add.f32.msk $0xffff, v23  }
0x1a4: {  	v26 =	vsel vm0, $0x1, v2;
	v23 =	vsel vm1, $0xFFFFFFFF, v2;
	[tilespmem:v30+s16+$0x0] =	vst.idx.add.f32.msk $0xffff, v11  }
0x1a5: {  	v23 =	vadd.s32 v23, v26;
	[tilespmem:v28+s16+$0x0] =	vst.idx.add.f32.msk $0xffff, v33  }
0x1a6: {  	v23 =	vadd.s32 v27, v23;
	v27 =	vadd.s32 v13, v22;
	v26 =	vld [tilespmem:s21+$0x80]  }
0x1a7: {  	v28 =	vld [tilespmem:s23+$0x80]  }
0x1a8: {  	v31 =	vadd.s32 v13, v24;
	v30 =	vadd.s32 v12, v23;
	[tilespmem:v25+s16+$0x0] =	vst.idx.add.f32.msk $0xffff, v29  }
0x1a9: {  	s28 =	sor.u32 s29, s30;
	v25 =	vld [tilespmem:s22+$0x100]  }
0x1aa: {  	v29 =	vld [tilespmem:s28+$0x0]  }
0x1ab: {  	v32 =	vadd.s32 v14, v21;
	[tilespmem:v27+s16+$0x0] =	vst.idx.add.f32.msk $0xffff, v26  }
0x1ac: {  	v26 =	vld [tilespmem:s21+$0x100]  }
0x1ad: {  	[tilespmem:v31+s16+$0x0] =	vst.idx.add.f32.msk $0xffff, v28  }
0x1ae: {  	v28 =	vadd.s32 v13, v23;
	v31 =	vadd.s32 v14, v24;
	v27 =	vld [tilespmem:s23+$0x100]  }
0x1af: {  	[tilespmem:v30+s16+$0x0] =	vst.idx.add.f32.msk $0xffff, v29;
	v30 =	vadd.s32 v14, v22  }
0x1b0: {  	[tilespmem:v32+s16+$0x0] =	vst.idx.add.f32.msk $0xffff, v25  }
0x1b1: {  	v33 =	vld [tilespmem:s28+$0x80]  }
0x1b2: {  	v29 =	vld [tilespmem:s22+$0x180]  }
0x1b3: {  	[tilespmem:v31+s16+$0x0] =	vst.idx.add.f32.msk $0xffff, v27  }
.Ltmp3:
0x1b4: {  	v32 =	vadd.s32 v15, v21;
	v27 =	vadd.s32 v14, v23;
	[tilespmem:v30+s16+$0x0] =	vst.idx.add.f32.msk $0xffff, v26;
	(pc) =	sbr.rel @p0 .LBB2_8-.Ltmp3, $4  }
0x1b5: {  	v25 =	vld [tilespmem:s21+$0x180]  }
0x1b6: {  	v30 =	vadd.s32 v15, v22;
	[tilespmem:v28+s16+$0x0] =	vst.idx.add.f32.msk $0xffff, v33  }
0x1b7: {  	v26 =	vld [tilespmem:s23+$0x180]  }
0x1b8: {  	s25 =	sadd.s32 $0x40, s25;
	s26 =	sadd.s32 $0x200, s26;
	v31 =	vadd.s32 v15, v24;
	v28 =	vld [tilespmem:s28+$0x100]  }
0x1b9: {  	_ =	sdelay $0x3  }
0x1ba: {  	[tilespmem:v32+s16+$0x0] =	vst.idx.add.f32.msk $0xffff, v29  }
0x1bb: {  	v29 =	vld [tilespmem:s22+$0x200]  }
0x1bc: {  	[tilespmem:v30+s16+$0x0] =	vst.idx.add.f32.msk $0xffff, v25  }
0x1bd: {  	v45 =	vadd.s32 v16, v21;
	v30 =	vld [tilespmem:s21+$0x200]  }
0x1be: {  	[tilespmem:v31+s16+$0x0] =	vst.idx.add.f32.msk $0xffff, v26  }
0x1bf: {  	v48 =	vadd.s32 v16, v22;
	v26 =	vld [tilespmem:s23+$0x200]  }
0x1c0: {  	[tilespmem:v27+s16+$0x0] =	vst.idx.add.f32.msk $0xffff, v28  }
0x1c1: {  	v44 =	vadd.s32 v16, v24;
	v28 =	vld [tilespmem:s28+$0x180]  }
0x1c2: {  	[tilespmem:v45+s16+$0x0] =	vst.idx.add.f32.msk $0xffff, v29  }
0x1c3: {  	v46 =	vadd.s32 v15, v23;
	v29 =	vld [tilespmem:s22+$0x280]  }
0x1c4: {  	[tilespmem:v48+s16+$0x0] =	vst.idx.add.f32.msk $0xffff, v30  }
0x1c5: {  	v50 =	vadd.s32 v17, v21;
	v30 =	vld [tilespmem:s21+$0x280]  }
0x1c6: {  	[tilespmem:v44+s16+$0x0] =	vst.idx.add.f32.msk $0xffff, v26  }
0x1c7: {  	v56 =	vadd.s32 v17, v22;
	v26 =	vld [tilespmem:s23+$0x280]  }
0x1c8: {  	[tilespmem:v46+s16+$0x0] =	vst.idx.add.f32.msk $0xffff, v28  }
0x1c9: {  	v47 =	vadd.s32 v17, v24;
	v27 =	vld [tilespmem:s28+$0x200]  }
0x1ca: {  	[tilespmem:v50+s16+$0x0] =	vst.idx.add.f32.msk $0xffff, v29  }
0x1cb: {  	v49 =	vadd.s32 v16, v23;
	v29 =	vld [tilespmem:s22+$0x300]  }
0x1cc: {  	[tilespmem:v56+s16+$0x0] =	vst.idx.add.f32.msk $0xffff, v30  }
0x1cd: {  	v58 =	vadd.s32 v18, v21;
	v59 =	vld [tilespmem:s21+$0x300]  }
0x1ce: {  	[tilespmem:v47+s16+$0x0] =	vst.idx.add.f32.msk $0xffff, v26  }
0x1cf: {  	v60 =	vadd.s32 v18, v22;
	v26 =	vld [tilespmem:s23+$0x300]  }
0x1d0: {  	[tilespmem:v49+s16+$0x0] =	vst.idx.add.f32.msk $0xffff, v27  }
0x1d1: {  	v53 =	vadd.s32 v17, v23;
	v52 =	vld [tilespmem:s28+$0x280]  }
0x1d2: {  	[tilespmem:v58+s16+$0x0] =	vst.idx.add.f32.msk $0xffff, v29  }
0x1d3: {  	v51 =	vadd.s32 v18, v24;
	v54 =	vadd.s32 v19, v24;
	v55 =	vadd.s32 v20, v24;
	v24 =	vld [tilespmem:s22+$0x380]  }
0x1d4: {  	[tilespmem:v60+s16+$0x0] =	vst.idx.add.f32.msk $0xffff, v59  }
0x1d5: {  	v62 =	vadd.s32 v19, v21;
	v28 =	vld [tilespmem:s21+$0x380]  }
0x1d6: {  	v21 =	vadd.s32 v20, v21;
	[tilespmem:v53+s16+$0x0] =	vst.idx.add.f32.msk $0xffff, v52  }
0x1d7: {  	v57 =	vadd.s32 v18, v23;
	v25 =	vld [tilespmem:s28+$0x300]  }
0x1d8: {  	[tilespmem:v51+s16+$0x0] =	vst.idx.add.f32.msk $0xffff, v26  }
0x1d9: {  	v63 =	vadd.s32 v19, v22;
	v26 =	vld [tilespmem:s23+$0x380]  }
0x1da: {  	v22 =	vadd.s32 v20, v22;
	[tilespmem:v62+s16+$0x0] =	vst.idx.add.f32.msk $0xffff, v24  }
0x1db: {  	[tilespmem:v21+s16+$0x0] =	vst.idx.add.f32.msk $0xffff, v11  }
0x1dc: {  	[tilespmem:v57+s16+$0x0] =	vst.idx.add.f32.msk $0xffff, v25  }
0x1dd: {  	v61 =	vadd.s32 v19, v23;
	v25 =	vld [tilespmem:s28+$0x380]  }
0x1de: {  	v23 =	vadd.s32 v20, v23;
	[tilespmem:v63+s16+$0x0] =	vst.idx.add.f32.msk $0xffff, v28  }
0x1df: {  	[tilespmem:v22+s16+$0x0] =	vst.idx.add.f32.msk $0xffff, v11  }
0x1e0: {  	[tilespmem:v54+s16+$0x0] =	vst.idx.add.f32.msk $0xffff, v26  }
0x1e1: {  	[tilespmem:v55+s16+$0x0] =	vst.idx.add.f32.msk $0xffff, v11  }
0x1e2: {  	[tilespmem:v61+s16+$0x0] =	vst.idx.add.f32.msk $0xffff, v25  }
0x1e3: {  	s0 =	simm.s32 $0x3800;
	s20 =	sadd.s32 $0x1, s20;
	[tilespmem:v23+s16+$0x0] =	vst.idx.add.f32.msk $0xffff, v11  }
0x1e4: {  	[hbm4b:s8+s17] =	stream.strided.scatter [tilespmem:s0], [sflag:$0x1], $0x1000, s15, s17, $0x38;
	[tilespmem:$0x4900] =	vst v63  }
0x1e5: {  	p0 =	sne.s32 s20, s9;
	_ =	swait.ge [sflag:s19], $0x1000  }
.Ltmp4:
0x1e6: {  	[sflag:s19] =	ssyncset.done $0x0;
	(pc) =	sbr.rel @p0 .LBB2_1-.Ltmp4, $4  }
0x1e7: {  	[sflag:s19] =	ssyncadd.s32 $0xFFFFF000  }
0x1e8: {  	_ =	swait.ge [sflag:s19], $0x1000  }
0x1e9: {  	[sflag:s19] =	ssyncset.done $0x0  }
0x1ea: {  	[sflag:s19] =	ssyncadd.s32 $0xFFFFF000  }
0x1eb: {  	_ =	sfence.sel $0x180000  }
0x1ec: {  	[bflag:$0x0] =	sbarrier.arrive $0xFFFF  }
0x1ed: {  	_ =	strace $0x90000047  }
0x1ee: {  	s0 =	stileid.u32;
	[bflag:$0x2] =	sbarrier.arrive $0xFFFF  }
0x1ef: {  	p0 =	sne.s32 s0, $0x0;
	s0 =	rddreg [dreg:$0x2]  }
0x1f0: {  	s0 =	sadd.s32 @!p0 $0x100000, s0  }
0x1f1: {  	[sflag:s0] =	ssyncadd.tile.s32 @!p0 $0x1;
	_ =	shalt  }
.Lfunc_end2:
_tile_overlayer_lowered:
.L_overlay_start_2:
0x1f2: {  	(tag) =	ssettag $0x2  }
0x1f3: {  	s0 =	rddreg [dreg:$0x0];
	s2 =	stileid.u32  }
0x1f4: {  	s1 =	rddreg [dreg:$0x1];
	p0 =	sne.s32 s2, $0x0  }
0x1f5: {  	s3 =	rddreg [dreg:$0x2];
	[bflag:$0x3] =	sbarrier.arrive $0xFFFF;
	s2 =	simm.s32 @!p0 $0x1C02  }
0x1f6: {  	[timem:s3], [sflag:s2] =	dma.local @!p0 [hbm:s0], s1  }
0x1f7: {  	s0 =	simm.s32 @!p0 $0x2  }
0x1f8: {  	_ =	swait.ge @!p0 [sflag:s0], s1  }
0x1f9: {  	s1 =	ssub.s32 @!p0 $0x0, s1;
	[sflag:s0] =	ssyncset.done @!p0 $0x0  }
0x1fa: {  	[sflag:s0] =	ssyncadd.s32 @!p0 s1  }
0x1fb: {  	[bflag:$0x3] =	sbarrier.arrive $0xFFFF  }
0x1fc: {  	_ =	shalt  }

</sc_bundles>
